<compile_context>
chip_gen: v7x
topology: tpu7x:2x2x1
jax: 0.10.2.dev20260603
libtpu: 0.0.44.dev20260713+nightly
codegen_flags: <defaults>
</compile_context>

<pallas_src>
import functools

import jax
import jax.numpy as jnp
from jax.experimental import pallas as pl
from jax.experimental.pallas import tpu as pltpu
from jax.experimental.pallas import tpu_sc as plsc

_NCORES = 2
_NSUB = 16
_NW = _NCORES * _NSUB


def _sc_mesh():
    return plsc.VectorSubcoreMesh(core_axis_name="c", subcore_axis_name="s",
                                  num_cores=_NCORES, num_subcores=_NSUB)




def _gating_body(x_ref, gw_ref, gb_ref, pos_ref, s_ref, cnt_ref):
    x = x_ref[...].astype(jnp.bfloat16)
    gw = gw_ref[...].astype(jnp.bfloat16)
    e = gw.shape[1]
    n = x.shape[0]
    logits = jax.lax.dot_general(
        x, gw, (((1,), (0,)), ((), ())),
        preferred_element_type=jnp.float32,
    ) + gb_ref[...]
    m = jnp.max(logits, axis=1, keepdims=True)
    ex = jnp.exp(logits - m)
    s = ex / jnp.sum(ex, axis=1, keepdims=True)
    cols = jax.lax.broadcasted_iota(jnp.int32, s.shape, 1)
    m1 = jnp.max(s, axis=1, keepdims=True)
    i1 = jnp.min(jnp.where(s == m1, cols, e), axis=1, keepdims=True)
    is1 = cols == i1
    rest = jnp.where(is1, -1.0, s)
    m2 = jnp.max(rest, axis=1, keepdims=True)
    i2 = jnp.min(jnp.where(rest == m2, cols, e), axis=1, keepdims=True)
    is2 = cols == i2
    s_ref[...] = jnp.concatenate([m1, m2], axis=1)

    oh = is1.astype(jnp.float32) + is2.astype(jnp.float32)
    blk = 512
    rr = jax.lax.broadcasted_iota(jnp.int32, (blk, blk), 0)
    cc = jax.lax.broadcasted_iota(jnp.int32, (blk, blk), 1)
    lt = (cc < rr).astype(jnp.float32)
    run = jnp.zeros((1, e), jnp.float32)
    ex_parts = []
    for b in range(n // blk):
        ob = jax.lax.slice(oh, (b * blk, 0), ((b + 1) * blk, e))
        exb = jax.lax.dot_general(
            lt, ob, (((1,), (0,)), ((), ())),
            preferred_element_type=jnp.float32,
        ) + run
        run = run + jnp.sum(ob, axis=0, keepdims=True)
        ex_parts.append(exb)
    excl = jnp.concatenate(ex_parts, axis=0)
    cnt_ref[...] = run.astype(jnp.int32)
    ecols = jax.lax.broadcasted_iota(jnp.int32, (1, e), 1)
    erows = jax.lax.broadcasted_iota(jnp.int32, (1, e), 0)
    lte = (jax.lax.broadcasted_iota(jnp.int32, (e, e), 0)
           < jax.lax.broadcasted_iota(jnp.int32, (e, e), 1)).astype(
               jnp.float32)
    del ecols, erows
    offs = jax.lax.dot_general(
        run, lte, (((1,), (0,)), ((), ())),
        preferred_element_type=jnp.float32,
    )
    base = excl + offs
    p1 = jnp.sum(jnp.where(is1, base, 0.0), axis=1, keepdims=True)
    p2 = jnp.sum(jnp.where(is2, base, 0.0), axis=1, keepdims=True)
    pos_ref[...] = jnp.concatenate([p1, p2], axis=1).astype(jnp.int32)




def _gmm_body(tile_r, eid_r, first_r, offs_r, x_ref, w1_ref, b1_ref,
              w2_ref, b2_ref, out_ref, *, tt):
    step = pl.program_id(0)
    eid = eid_r[step]
    lo = offs_r[eid]
    hi = offs_r[eid + 1]
    row0 = tile_r[step] * tt
    rows = jax.lax.broadcasted_iota(jnp.int32, (tt, 1), 0) + row0
    mask = jnp.logical_and(rows >= lo, rows < hi)

    xt = x_ref[...].astype(jnp.bfloat16)
    h1 = jax.lax.dot_general(
        xt, w1_ref[...], (((1,), (0,)), ((), ())),
        preferred_element_type=jnp.float32,
    ) + b1_ref[...]
    h1 = jax.nn.gelu(h1, approximate=True)
    y = jax.lax.dot_general(
        h1.astype(jnp.bfloat16), w2_ref[...], (((1,), (0,)), ((), ())),
        preferred_element_type=jnp.float32,
    ) + b2_ref[...]
    y = jnp.where(mask, y, 0.0)

    @pl.when(first_r[step] == 1)
    def _():
        out_ref[...] = y

    @pl.when(first_r[step] == 0)
    def _():
        out_ref[...] += y




def _make_sc_dispatch(n, d, k, chunk=64):
    per_w = n // _NW
    nch = per_w // chunk

    @functools.partial(
        pl.kernel,
        out_type=jax.ShapeDtypeStruct((n * k, d), jnp.float32),
        mesh=_sc_mesh(),
        scratch_types=[
            [pltpu.VMEM((nch, chunk), jnp.int32) for _ in range(k)],
            pltpu.VMEM((chunk, d), jnp.float32),
            pltpu.VMEM((chunk, d), jnp.float32),
            pltpu.SemaphoreType.DMA,
            pltpu.SemaphoreType.DMA,
        ],
    )
    def dispatch_k(x_hbm, pos_hbm, out_hbm, pos_v, buf0, buf1, sem0, sem1):
        wid = jax.lax.axis_index("s") * _NCORES + jax.lax.axis_index("c")
        base = wid * per_w
        for sl in range(k):
            pltpu.sync_copy(pos_hbm.at[sl, wid], pos_v[sl])
        bufs = (buf0, buf1)
        sems = (sem0, sem1)
        prev = [[], []]
        for c in range(nch):
            b = c % 2
            for h in prev[b]:
                h.wait()
            pltpu.sync_copy(x_hbm.at[pl.ds(base + c * chunk, chunk)], bufs[b])
            prev[b] = [
                pltpu.async_copy(bufs[b], out_hbm.at[pos_v[sl].at[c]],
                                 sems[b])
                for sl in range(k)
            ]
        for hs in prev:
            for h in hs:
                h.wait()

    return dispatch_k


def _make_sc_combine(n, d, k, chunk=64):
    per_w = n // _NW
    nch = per_w // chunk
    nvec = d // 16

    @functools.partial(
        pl.kernel,
        out_type=jax.ShapeDtypeStruct((n, d), jnp.float32),
        mesh=_sc_mesh(),
        scratch_types=[
            [pltpu.VMEM((nch, chunk), jnp.int32) for _ in range(k)],
            pltpu.VMEM((nch, chunk, 16 * k), jnp.float32),
            [pltpu.VMEM((chunk, d), jnp.float32) for _ in range(k)],
            [pltpu.SemaphoreType.DMA for _ in range(k)],
        ],
    )
    def combine_k(y_hbm, pos_hbm, s_hbm, out_hbm, pos_v, s_v, bufs, sems):
        wid = jax.lax.axis_index("s") * _NCORES + jax.lax.axis_index("c")
        base = wid * per_w
        for sl in range(k):
            pltpu.sync_copy(pos_hbm.at[sl, wid], pos_v[sl])
        pltpu.sync_copy(s_hbm.at[wid], s_v)
        for c in range(nch):
            hs = [
                pltpu.async_copy(y_hbm.at[pos_v[sl].at[c]], bufs[sl],
                                 sems[sl])
                for sl in range(k)
            ]
            for h in hs:
                h.wait()

            def rbody(r, carry):
                scale = [
                    s_v[c, r, pl.ds(sl * 16, 16)] for sl in range(k)
                ]
                for j in range(nvec):
                    dsl = pl.ds(j * 16, 16)
                    acc = bufs[0][r, dsl] * scale[0]
                    for sl in range(1, k):
                        acc = acc + bufs[sl][r, dsl] * scale[sl]
                    bufs[0][r, dsl] = acc
                return carry

            jax.lax.fori_loop(0, chunk, rbody, 0)
            pltpu.sync_copy(bufs[0],
                            out_hbm.at[pl.ds(base + c * chunk, chunk)])

    return combine_k




def kernel(x, gate_W, gate_b, W1, b1, W2, b2):
    orig_shape = x.shape
    d = x.shape[-1]
    x2 = x.reshape(-1, d)
    n = x2.shape[0]
    e, _, hdim = W1.shape
    k = 2
    nk = n * k

    pos, sel_s, counts = pl.pallas_call(
        _gating_body,
        out_shape=(
            jax.ShapeDtypeStruct((n, k), jnp.int32),
            jax.ShapeDtypeStruct((n, k), jnp.float32),
            jax.ShapeDtypeStruct((1, e), jnp.int32),
        ),
        in_specs=[
            pl.BlockSpec((n, d), lambda: (0, 0)),
            pl.BlockSpec((d, e), lambda: (0, 0)),
            pl.BlockSpec((1, e), lambda: (0, 0)),
        ],
        out_specs=(
            pl.BlockSpec((n, k), lambda: (0, 0)),
            pl.BlockSpec((n, k), lambda: (0, 0)),
            pl.BlockSpec((1, e), lambda: (0, 0)),
        ),
    )(x2, gate_W, gate_b.reshape(1, e))

    offs = jnp.concatenate(
        [jnp.zeros((1,), jnp.int32), jnp.cumsum(counts[0])]).astype(jnp.int32)
    pos_sl = jnp.transpose(pos, (1, 0)).reshape(k, _NW, -1, 64)

    tt = 256
    nt = nk // tt
    nstep = nt + e - 1
    lo_t = jnp.arange(nt, dtype=jnp.int32) * tt
    ob = offs[1:][None, :]
    e_lo = jnp.sum((ob <= lo_t[:, None]).astype(jnp.int32), axis=1)
    e_hi = jnp.sum((ob <= (lo_t + tt - 1)[:, None]).astype(jnp.int32), axis=1)
    sb = jnp.concatenate(
        [jnp.zeros((1,), jnp.int32), jnp.cumsum(1 + e_hi - e_lo)]).astype(
            jnp.int32)
    total = sb[nt]
    s_ar = jnp.arange(nstep, dtype=jnp.int32)
    tile_id = jnp.minimum(
        jnp.sum((sb[1:][None, :] <= s_ar[:, None]).astype(jnp.int32), axis=1),
        nt - 1).astype(jnp.int32)
    valid_step = s_ar < total
    eid = jnp.where(valid_step, e_lo[tile_id] + s_ar - sb[tile_id],
                    e).astype(jnp.int32)
    first = jnp.logical_and(valid_step, s_ar == sb[tile_id]).astype(jnp.int32)
    offs_pad = jnp.concatenate([offs, jnp.full((1,), nk, jnp.int32)])

    dispatch_k = _make_sc_dispatch(n, d, k)
    x_sorted = dispatch_k(x2, pos_sl)

    w1b = W1.astype(jnp.bfloat16)
    w2b = W2.astype(jnp.bfloat16)
    ec = e - 1
    grid_spec = pltpu.PrefetchScalarGridSpec(
        num_scalar_prefetch=4,
        grid=(nstep,),
        in_specs=[
            pl.BlockSpec((tt, d), lambda s, tr, er, fr, orf: (tr[s], 0)),
            pl.BlockSpec((None, d, hdim),
                         lambda s, tr, er, fr, orf:
                         (jnp.minimum(er[s], ec), 0, 0)),
            pl.BlockSpec((None, 1, hdim),
                         lambda s, tr, er, fr, orf:
                         (jnp.minimum(er[s], ec), 0, 0)),
            pl.BlockSpec((None, hdim, d),
                         lambda s, tr, er, fr, orf:
                         (jnp.minimum(er[s], ec), 0, 0)),
            pl.BlockSpec((None, 1, d),
                         lambda s, tr, er, fr, orf:
                         (jnp.minimum(er[s], ec), 0, 0)),
        ],
        out_specs=pl.BlockSpec((tt, d), lambda s, tr, er, fr, orf: (tr[s], 0)),
    )
    y_sorted = pl.pallas_call(
        functools.partial(_gmm_body, tt=tt),
        grid_spec=grid_spec,
        out_shape=jax.ShapeDtypeStruct((nk, d), jnp.float32),
    )(tile_id, eid, first, offs_pad, x_sorted,
      w1b, b1.reshape(e, 1, hdim), w2b, b2.reshape(e, 1, d))

    combine_k = _make_sc_combine(n, d, k)
    s16 = jnp.broadcast_to(sel_s[:, :, None], (n, k, 16)).reshape(
        _NW, -1, 64, 16 * k)
    out = combine_k(y_sorted, pos_sl, s16)

    return out.reshape(orig_shape)

# --- scband reference (transcript-rebuilt; emitter-appended) ---
"""Pipeline reference for scband-mo-esparse-layer-63926293233905 (READ-ONLY COPY).

The authoritative reference and input builder live on the scoring server;
editing this copy changes nothing except your own understanding.
"""

import jax, jax.numpy as jnp
import numpy as np

B, S, D = 2, 2048, 768
E, TOPK, H = 8, 2, 3072


def setup_inputs(seed: int = 0) -> dict:
    key = jax.random.key(seed)
    ks = jax.random.split(key, 6)
    x = jax.random.normal(ks[0], (B, S, D), dtype=jnp.float32)
    gate_W = jax.random.normal(ks[1], (D, E), dtype=jnp.float32) * 0.02
    gate_b = jnp.zeros((E,), dtype=jnp.float32)
    W1 = jax.random.normal(ks[2], (E, D, H), dtype=jnp.float32) * 0.02
    b1 = jnp.zeros((E, H), dtype=jnp.float32)
    W2 = jax.random.normal(ks[3], (E, H, D), dtype=jnp.float32) * 0.02
    b2 = jnp.zeros((E, D), dtype=jnp.float32)
    return {"x": x, "gate_W": gate_W, "gate_b": gate_b, "W1": W1, "b1": b1, "W2": W2, "b2": b2}


def reference(x, gate_W, gate_b, W1, b1, W2, b2):
    # flatten to (N, D) tokens, matching x.view(B,-1,D).reshape(-1,D)
    orig_shape = x.shape
    d = x.shape[-1]
    x2 = x.reshape(-1, d)
    # gating
    gating_logits = x2 @ gate_W + gate_b
    gate_scores = jax.nn.softmax(gating_logits, axis=-1)
    topk_scores, topk_indices = jax.lax.top_k(gate_scores, TOPK)
    # dense evaluation of ALL experts (faithful to torch.stack over ModuleList)
    h = jax.nn.gelu(jnp.einsum('nd,edh->neh', x2, W1) + b1[None, :, :], approximate=False)
    expert_outputs = jnp.einsum('neh,ehd->ned', h, W2) + b2[None, :, :]  # (N, E, D)
    # gather top-k expert outputs per token
    sel = jnp.take_along_axis(expert_outputs, topk_indices[:, :, None], axis=1)  # (N, k, D)
    out = (sel * topk_scores[:, :, None]).sum(axis=1)  # (N, D)
    return out.reshape(orig_shape)

if __name__ == "__main__":
    import jax
    _d = setup_inputs()
    print(jax.jit(kernel)(*tuple(_d.values())))

</pallas_src>

<mosaic_0001>
#map = affine_map<(d0, d1) -> (0, 0)>
#map1 = affine_map<(d0, d1) -> (0, 0, 0, 0)>
module attributes {stable_mosaic.version = 14 : i64} {
  func.func @dispatch_k(%arg0: i32, %arg1: i32, %arg2: memref<4096x768xf32, #tpu.memory_space<hbm>>, %arg3: memref<2x32x2x64xi32, #tpu.memory_space<hbm>>, %arg4: memref<8192x768xf32, #tpu.memory_space<hbm>>, %arg5: memref<2x64xi32, #tpu.memory_space<vmem>>, %arg6: memref<2x64xi32, #tpu.memory_space<vmem>>, %arg7: memref<64x768xf32, #tpu.memory_space<vmem>>, %arg8: memref<64x768xf32, #tpu.memory_space<vmem>>, %arg9: memref<!tpu.dma_semaphore, #tpu.memory_space<semaphore_mem>>, %arg10: memref<!tpu.dma_semaphore, #tpu.memory_space<semaphore_mem>>) attributes {dimension_semantics = [#tpu.dimension_semantics<core_parallel>, #tpu.dimension_semantics<subcore_parallel>], iteration_bounds = array<i64: 2, 16>, scalar_prefetch = 0 : i64, scratch_operands = 6 : i64, tpu.core_type = #tpu.core_type<sc_vector_subcore>, window_params = [{transform_indices = #map}, {transform_indices = #map1}, {transform_indices = #map}]} {
    %mul3A = arith.constant 2 : i32
    %mul3A_0 = arith.muli %arg1, %mul3A : i32
    %add3A = arith.addi %mul3A_0, %arg0 : i32
    %mul3A_1 = arith.constant 128 : i32
    %mul3A_2 = arith.muli %add3A, %mul3A_1 : i32
    %run_scoped3A = arith.constant 0 : i32
    "tpu.region"() ({
      %run_scoped3A_62 = tpu.sem_alloc : memref<!tpu.dma_semaphore, #tpu.memory_space<semaphore_mem>>
      %dma_start3A_63 = arith.constant 0 : i32
      %dma_start3A_64 = arith.constant 0 : i32
      %dma_start3A_65 = tpu.memref_slice %arg3[%run_scoped3A, %add3A, %dma_start3A_63, %dma_start3A_64] : memref<2x32x2x64xi32, #tpu.memory_space<hbm>> -> memref<1x1x2x64xi32, #tpu.memory_space<hbm>>
      %dma_start3A_66 = tpu.memref_squeeze %dma_start3A_65 : memref<1x1x2x64xi32, #tpu.memory_space<hbm>> -> memref<2x64xi32, #tpu.memory_space<hbm>>
      %dma_start3A_67 = arith.constant 0 : i32
      %dma_start3A_68 = arith.constant 0 : i32
      %dma_start3A_69 = tpu.memref_slice %arg3[%run_scoped3A, %add3A, %dma_start3A_67, %dma_start3A_68] : memref<2x32x2x64xi32, #tpu.memory_space<hbm>> -> memref<1x1x2x64xi32, #tpu.memory_space<hbm>>
      %dma_start3A_70 = tpu.memref_squeeze %dma_start3A_69 : memref<1x1x2x64xi32, #tpu.memory_space<hbm>> -> memref<2x64xi32, #tpu.memory_space<hbm>>
      tpu.enqueue_dma source(%dma_start3A_70 : memref<2x64xi32, #tpu.memory_space<hbm>>) target(%arg5 : memref<2x64xi32, #tpu.memory_space<vmem>>) target_semaphore(%run_scoped3A_62 : memref<!tpu.dma_semaphore, #tpu.memory_space<semaphore_mem>>)
      %dma_wait3A_71 = arith.constant 0 : i32
      %dma_wait3A_72 = arith.constant 0 : i32
      %dma_wait3A_73 = tpu.memref_slice %arg3[%run_scoped3A, %add3A, %dma_wait3A_71, %dma_wait3A_72] : memref<2x32x2x64xi32, #tpu.memory_space<hbm>> -> memref<1x1x2x64xi32, #tpu.memory_space<hbm>>
      %dma_wait3A_74 = tpu.memref_squeeze %dma_wait3A_73 : memref<1x1x2x64xi32, #tpu.memory_space<hbm>> -> memref<2x64xi32, #tpu.memory_space<hbm>>
      %dma_wait3A_75 = arith.constant 0 : i32
      %dma_wait3A_76 = arith.constant 0 : i32
      %dma_wait3A_77 = tpu.memref_slice %arg3[%run_scoped3A, %add3A, %dma_wait3A_75, %dma_wait3A_76] : memref<2x32x2x64xi32, #tpu.memory_space<hbm>> -> memref<1x1x2x64xi32, #tpu.memory_space<hbm>>
      %dma_wait3A_78 = tpu.memref_squeeze %dma_wait3A_77 : memref<1x1x2x64xi32, #tpu.memory_space<hbm>> -> memref<2x64xi32, #tpu.memory_space<hbm>>
      tpu.wait_dma2 semaphore(%run_scoped3A_62 : memref<!tpu.dma_semaphore, #tpu.memory_space<semaphore_mem>>) src(%dma_wait3A_78 : memref<2x64xi32, #tpu.memory_space<hbm>>) dst(%arg5 : memref<2x64xi32, #tpu.memory_space<vmem>>)
      tpu.yield
    }) : () -> ()
    %run_scoped3A_3 = arith.constant 1 : i32
    "tpu.region"() ({
      %run_scoped3A_62 = tpu.sem_alloc : memref<!tpu.dma_semaphore, #tpu.memory_space<semaphore_mem>>
      %dma_start3A_63 = arith.constant 0 : i32
      %dma_start3A_64 = arith.constant 0 : i32
      %dma_start3A_65 = tpu.memref_slice %arg3[%run_scoped3A_3, %add3A, %dma_start3A_63, %dma_start3A_64] : memref<2x32x2x64xi32, #tpu.memory_space<hbm>> -> memref<1x1x2x64xi32, #tpu.memory_space<hbm>>
      %dma_start3A_66 = tpu.memref_squeeze %dma_start3A_65 : memref<1x1x2x64xi32, #tpu.memory_space<hbm>> -> memref<2x64xi32, #tpu.memory_space<hbm>>
      %dma_start3A_67 = arith.constant 0 : i32
      %dma_start3A_68 = arith.constant 0 : i32
      %dma_start3A_69 = tpu.memref_slice %arg3[%run_scoped3A_3, %add3A, %dma_start3A_67, %dma_start3A_68] : memref<2x32x2x64xi32, #tpu.memory_space<hbm>> -> memref<1x1x2x64xi32, #tpu.memory_space<hbm>>
      %dma_start3A_70 = tpu.memref_squeeze %dma_start3A_69 : memref<1x1x2x64xi32, #tpu.memory_space<hbm>> -> memref<2x64xi32, #tpu.memory_space<hbm>>
      tpu.enqueue_dma source(%dma_start3A_70 : memref<2x64xi32, #tpu.memory_space<hbm>>) target(%arg6 : memref<2x64xi32, #tpu.memory_space<vmem>>) target_semaphore(%run_scoped3A_62 : memref<!tpu.dma_semaphore, #tpu.memory_space<semaphore_mem>>)
      %dma_wait3A_71 = arith.constant 0 : i32
      %dma_wait3A_72 = arith.constant 0 : i32
      %dma_wait3A_73 = tpu.memref_slice %arg3[%run_scoped3A_3, %add3A, %dma_wait3A_71, %dma_wait3A_72] : memref<2x32x2x64xi32, #tpu.memory_space<hbm>> -> memref<1x1x2x64xi32, #tpu.memory_space<hbm>>
      %dma_wait3A_74 = tpu.memref_squeeze %dma_wait3A_73 : memref<1x1x2x64xi32, #tpu.memory_space<hbm>> -> memref<2x64xi32, #tpu.memory_space<hbm>>
      %dma_wait3A_75 = arith.constant 0 : i32
      %dma_wait3A_76 = arith.constant 0 : i32
      %dma_wait3A_77 = tpu.memref_slice %arg3[%run_scoped3A_3, %add3A, %dma_wait3A_75, %dma_wait3A_76] : memref<2x32x2x64xi32, #tpu.memory_space<hbm>> -> memref<1x1x2x64xi32, #tpu.memory_space<hbm>>
      %dma_wait3A_78 = tpu.memref_squeeze %dma_wait3A_77 : memref<1x1x2x64xi32, #tpu.memory_space<hbm>> -> memref<2x64xi32, #tpu.memory_space<hbm>>
      tpu.wait_dma2 semaphore(%run_scoped3A_62 : memref<!tpu.dma_semaphore, #tpu.memory_space<semaphore_mem>>) src(%dma_wait3A_78 : memref<2x64xi32, #tpu.memory_space<hbm>>) dst(%arg6 : memref<2x64xi32, #tpu.memory_space<vmem>>)
      tpu.yield
    }) : () -> ()
    %add3A_4 = arith.constant 0 : i32
    %add3A_5 = arith.addi %mul3A_2, %add3A_4 : i32
    "tpu.region"() ({
      %run_scoped3A_62 = tpu.sem_alloc : memref<!tpu.dma_semaphore, #tpu.memory_space<semaphore_mem>>
      %dma_start3A_63 = arith.constant 0 : i32
      %dma_start3A_64 = tpu.memref_slice %arg2[%add3A_5, %dma_start3A_63] : memref<4096x768xf32, #tpu.memory_space<hbm>> -> memref<64x768xf32, #tpu.memory_space<hbm>>
      %dma_start3A_65 = arith.constant 0 : i32
      %dma_start3A_66 = tpu.memref_slice %arg2[%add3A_5, %dma_start3A_65] : memref<4096x768xf32, #tpu.memory_space<hbm>> -> memref<64x768xf32, #tpu.memory_space<hbm>>
      tpu.enqueue_dma source(%dma_start3A_66 : memref<64x768xf32, #tpu.memory_space<hbm>>) target(%arg7 : memref<64x768xf32, #tpu.memory_space<vmem>>) target_semaphore(%run_scoped3A_62 : memref<!tpu.dma_semaphore, #tpu.memory_space<semaphore_mem>>)
      %dma_wait3A_67 = arith.constant 0 : i32
      %dma_wait3A_68 = tpu.memref_slice %arg2[%add3A_5, %dma_wait3A_67] : memref<4096x768xf32, #tpu.memory_space<hbm>> -> memref<64x768xf32, #tpu.memory_space<hbm>>
      %dma_wait3A_69 = arith.constant 0 : i32
      %dma_wait3A_70 = tpu.memref_slice %arg2[%add3A_5, %dma_wait3A_69] : memref<4096x768xf32, #tpu.memory_space<hbm>> -> memref<64x768xf32, #tpu.memory_space<hbm>>
      tpu.wait_dma2 semaphore(%run_scoped3A_62 : memref<!tpu.dma_semaphore, #tpu.memory_space<semaphore_mem>>) src(%dma_wait3A_70 : memref<64x768xf32, #tpu.memory_space<hbm>>) dst(%arg7 : memref<64x768xf32, #tpu.memory_space<vmem>>)
      tpu.yield
    }) : () -> ()
    %dma_start3A = arith.constant 0 : i32
    %dma_start3A_6 = arith.constant 0 : i32
    %dma_start3A_7 = tpu.memref_slice %arg5[%dma_start3A, %dma_start3A_6] : memref<2x64xi32, #tpu.memory_space<vmem>> -> memref<1x64xi32, #tpu.memory_space<vmem>>
    %dma_start3A_8 = tpu.memref_squeeze %dma_start3A_7 : memref<1x64xi32, #tpu.memory_space<vmem>> -> memref<64xi32, #tpu.memory_space<vmem>>
    %dma_start3A_9 = arith.constant 0 : i32
    %dma_start3A_10 = arith.constant 0 : i32
    %dma_start3A_11 = tpu.memref_slice %arg4[%dma_start3A_9, %dma_start3A_10] : memref<8192x768xf32, #tpu.memory_space<hbm>> -> memref<8192x768xf32, #tpu.memory_space<hbm>>
    tpu.enqueue_indirect_dma source(%arg7 : memref<64x768xf32, #tpu.memory_space<vmem>>) target(%dma_start3A_11 : memref<8192x768xf32, #tpu.memory_space<hbm>>) offsets(%dma_start3A_8 : memref<64xi32, #tpu.memory_space<vmem>>) semaphore(%arg9 : memref<!tpu.dma_semaphore, #tpu.memory_space<semaphore_mem>>)
    %dma_start3A_12 = arith.constant 0 : i32
    %dma_start3A_13 = arith.constant 0 : i32
    %dma_start3A_14 = tpu.memref_slice %arg6[%dma_start3A_12, %dma_start3A_13] : memref<2x64xi32, #tpu.memory_space<vmem>> -> memref<1x64xi32, #tpu.memory_space<vmem>>
    %dma_start3A_15 = tpu.memref_squeeze %dma_start3A_14 : memref<1x64xi32, #tpu.memory_space<vmem>> -> memref<64xi32, #tpu.memory_space<vmem>>
    %dma_start3A_16 = arith.constant 0 : i32
    %dma_start3A_17 = arith.constant 0 : i32
    %dma_start3A_18 = tpu.memref_slice %arg4[%dma_start3A_16, %dma_start3A_17] : memref<8192x768xf32, #tpu.memory_space<hbm>> -> memref<8192x768xf32, #tpu.memory_space<hbm>>
    tpu.enqueue_indirect_dma source(%arg7 : memref<64x768xf32, #tpu.memory_space<vmem>>) target(%dma_start3A_18 : memref<8192x768xf32, #tpu.memory_space<hbm>>) offsets(%dma_start3A_15 : memref<64xi32, #tpu.memory_space<vmem>>) semaphore(%arg9 : memref<!tpu.dma_semaphore, #tpu.memory_space<semaphore_mem>>)
    %add3A_19 = arith.constant 64 : i32
    %add3A_20 = arith.addi %mul3A_2, %add3A_19 : i32
    "tpu.region"() ({
      %run_scoped3A_62 = tpu.sem_alloc : memref<!tpu.dma_semaphore, #tpu.memory_space<semaphore_mem>>
      %dma_start3A_63 = arith.constant 0 : i32
      %dma_start3A_64 = tpu.memref_slice %arg2[%add3A_20, %dma_start3A_63] : memref<4096x768xf32, #tpu.memory_space<hbm>> -> memref<64x768xf32, #tpu.memory_space<hbm>>
      %dma_start3A_65 = arith.constant 0 : i32
      %dma_start3A_66 = tpu.memref_slice %arg2[%add3A_20, %dma_start3A_65] : memref<4096x768xf32, #tpu.memory_space<hbm>> -> memref<64x768xf32, #tpu.memory_space<hbm>>
      tpu.enqueue_dma source(%dma_start3A_66 : memref<64x768xf32, #tpu.memory_space<hbm>>) target(%arg8 : memref<64x768xf32, #tpu.memory_space<vmem>>) target_semaphore(%run_scoped3A_62 : memref<!tpu.dma_semaphore, #tpu.memory_space<semaphore_mem>>)
      %dma_wait3A_67 = arith.constant 0 : i32
      %dma_wait3A_68 = tpu.memref_slice %arg2[%add3A_20, %dma_wait3A_67] : memref<4096x768xf32, #tpu.memory_space<hbm>> -> memref<64x768xf32, #tpu.memory_space<hbm>>
      %dma_wait3A_69 = arith.constant 0 : i32
      %dma_wait3A_70 = tpu.memref_slice %arg2[%add3A_20, %dma_wait3A_69] : memref<4096x768xf32, #tpu.memory_space<hbm>> -> memref<64x768xf32, #tpu.memory_space<hbm>>
      tpu.wait_dma2 semaphore(%run_scoped3A_62 : memref<!tpu.dma_semaphore, #tpu.memory_space<semaphore_mem>>) src(%dma_wait3A_70 : memref<64x768xf32, #tpu.memory_space<hbm>>) dst(%arg8 : memref<64x768xf32, #tpu.memory_space<vmem>>)
      tpu.yield
    }) : () -> ()
    %dma_start3A_21 = arith.constant 1 : i32
    %dma_start3A_22 = arith.constant 0 : i32
    %dma_start3A_23 = tpu.memref_slice %arg5[%dma_start3A_21, %dma_start3A_22] : memref<2x64xi32, #tpu.memory_space<vmem>> -> memref<1x64xi32, #tpu.memory_space<vmem>>
    %dma_start3A_24 = tpu.memref_squeeze %dma_start3A_23 : memref<1x64xi32, #tpu.memory_space<vmem>> -> memref<64xi32, #tpu.memory_space<vmem>>
    %dma_start3A_25 = arith.constant 0 : i32
    %dma_start3A_26 = arith.constant 0 : i32
    %dma_start3A_27 = tpu.memref_slice %arg4[%dma_start3A_25, %dma_start3A_26] : memref<8192x768xf32, #tpu.memory_space<hbm>> -> memref<8192x768xf32, #tpu.memory_space<hbm>>
    tpu.enqueue_indirect_dma source(%arg8 : memref<64x768xf32, #tpu.memory_space<vmem>>) target(%dma_start3A_27 : memref<8192x768xf32, #tpu.memory_space<hbm>>) offsets(%dma_start3A_24 : memref<64xi32, #tpu.memory_space<vmem>>) semaphore(%arg10 : memref<!tpu.dma_semaphore, #tpu.memory_space<semaphore_mem>>)
    %dma_start3A_28 = arith.constant 1 : i32
    %dma_start3A_29 = arith.constant 0 : i32
    %dma_start3A_30 = tpu.memref_slice %arg6[%dma_start3A_28, %dma_start3A_29] : memref<2x64xi32, #tpu.memory_space<vmem>> -> memref<1x64xi32, #tpu.memory_space<vmem>>
    %dma_start3A_31 = tpu.memref_squeeze %dma_start3A_30 : memref<1x64xi32, #tpu.memory_space<vmem>> -> memref<64xi32, #tpu.memory_space<vmem>>
    %dma_start3A_32 = arith.constant 0 : i32
    %dma_start3A_33 = arith.constant 0 : i32
    %dma_start3A_34 = tpu.memref_slice %arg4[%dma_start3A_32, %dma_start3A_33] : memref<8192x768xf32, #tpu.memory_space<hbm>> -> memref<8192x768xf32, #tpu.memory_space<hbm>>
    tpu.enqueue_indirect_dma source(%arg8 : memref<64x768xf32, #tpu.memory_space<vmem>>) target(%dma_start3A_34 : memref<8192x768xf32, #tpu.memory_space<hbm>>) offsets(%dma_start3A_31 : memref<64xi32, #tpu.memory_space<vmem>>) semaphore(%arg10 : memref<!tpu.dma_semaphore, #tpu.memory_space<semaphore_mem>>)
    %dma_wait3A = arith.constant 0 : i32
    %dma_wait3A_35 = arith.constant 0 : i32
    %dma_wait3A_36 = tpu.memref_slice %arg5[%dma_wait3A, %dma_wait3A_35] : memref<2x64xi32, #tpu.memory_space<vmem>> -> memref<1x64xi32, #tpu.memory_space<vmem>>
    %dma_wait3A_37 = tpu.memref_squeeze %dma_wait3A_36 : memref<1x64xi32, #tpu.memory_space<vmem>> -> memref<64xi32, #tpu.memory_space<vmem>>
    %dma_wait3A_38 = arith.constant 0 : i32
    %dma_wait3A_39 = arith.constant 0 : i32
    %dma_wait3A_40 = tpu.memref_slice %arg4[%dma_wait3A_38, %dma_wait3A_39] : memref<8192x768xf32, #tpu.memory_space<hbm>> -> memref<8192x768xf32, #tpu.memory_space<hbm>>
    tpu.wait_indirect_dma semaphore(%arg9 : memref<!tpu.dma_semaphore, #tpu.memory_space<semaphore_mem>>) src(%arg7 : memref<64x768xf32, #tpu.memory_space<vmem>>) dst(%dma_wait3A_40 : memref<8192x768xf32, #tpu.memory_space<hbm>>)
    %dma_wait3A_41 = arith.constant 0 : i32
    %dma_wait3A_42 = arith.constant 0 : i32
    %dma_wait3A_43 = tpu.memref_slice %arg6[%dma_wait3A_41, %dma_wait3A_42] : memref<2x64xi32, #tpu.memory_space<vmem>> -> memref<1x64xi32, #tpu.memory_space<vmem>>
    %dma_wait3A_44 = tpu.memref_squeeze %dma_wait3A_43 : memref<1x64xi32, #tpu.memory_space<vmem>> -> memref<64xi32, #tpu.memory_space<vmem>>
    %dma_wait3A_45 = arith.constant 0 : i32
    %dma_wait3A_46 = arith.constant 0 : i32
    %dma_wait3A_47 = tpu.memref_slice %arg4[%dma_wait3A_45, %dma_wait3A_46] : memref<8192x768xf32, #tpu.memory_space<hbm>> -> memref<8192x768xf32, #tpu.memory_space<hbm>>
    tpu.wait_indirect_dma semaphore(%arg9 : memref<!tpu.dma_semaphore, #tpu.memory_space<semaphore_mem>>) src(%arg7 : memref<64x768xf32, #tpu.memory_space<vmem>>) dst(%dma_wait3A_47 : memref<8192x768xf32, #tpu.memory_space<hbm>>)
    %dma_wait3A_48 = arith.constant 1 : i32
    %dma_wait3A_49 = arith.constant 0 : i32
    %dma_wait3A_50 = tpu.memref_slice %arg5[%dma_wait3A_48, %dma_wait3A_49] : memref<2x64xi32, #tpu.memory_space<vmem>> -> memref<1x64xi32, #tpu.memory_space<vmem>>
    %dma_wait3A_51 = tpu.memref_squeeze %dma_wait3A_50 : memref<1x64xi32, #tpu.memory_space<vmem>> -> memref<64xi32, #tpu.memory_space<vmem>>
    %dma_wait3A_52 = arith.constant 0 : i32
    %dma_wait3A_53 = arith.constant 0 : i32
    %dma_wait3A_54 = tpu.memref_slice %arg4[%dma_wait3A_52, %dma_wait3A_53] : memref<8192x768xf32, #tpu.memory_space<hbm>> -> memref<8192x768xf32, #tpu.memory_space<hbm>>
    tpu.wait_indirect_dma semaphore(%arg10 : memref<!tpu.dma_semaphore, #tpu.memory_space<semaphore_mem>>) src(%arg8 : memref<64x768xf32, #tpu.memory_space<vmem>>) dst(%dma_wait3A_54 : memref<8192x768xf32, #tpu.memory_space<hbm>>)
    %dma_wait3A_55 = arith.constant 1 : i32
    %dma_wait3A_56 = arith.constant 0 : i32
    %dma_wait3A_57 = tpu.memref_slice %arg6[%dma_wait3A_55, %dma_wait3A_56] : memref<2x64xi32, #tpu.memory_space<vmem>> -> memref<1x64xi32, #tpu.memory_space<vmem>>
    %dma_wait3A_58 = tpu.memref_squeeze %dma_wait3A_57 : memref<1x64xi32, #tpu.memory_space<vmem>> -> memref<64xi32, #tpu.memory_space<vmem>>
    %dma_wait3A_59 = arith.constant 0 : i32
    %dma_wait3A_60 = arith.constant 0 : i32
    %dma_wait3A_61 = tpu.memref_slice %arg4[%dma_wait3A_59, %dma_wait3A_60] : memref<8192x768xf32, #tpu.memory_space<hbm>> -> memref<8192x768xf32, #tpu.memory_space<hbm>>
    tpu.wait_indirect_dma semaphore(%arg10 : memref<!tpu.dma_semaphore, #tpu.memory_space<semaphore_mem>>) src(%arg8 : memref<64x768xf32, #tpu.memory_space<vmem>>) dst(%dma_wait3A_61 : memref<8192x768xf32, #tpu.memory_space<hbm>>)
    return
  }
}

#map = affine_map<(d0, d1) -> (0, 0)>
#map1 = affine_map<(d0, d1) -> (0, 0, 0, 0)>
module attributes {stable_mosaic.version = 14 : i64} {
  func.func @combine_k(%arg0: i32, %arg1: i32, %arg2: memref<8192x768xf32, #tpu.memory_space<hbm>>, %arg3: memref<2x32x2x64xi32, #tpu.memory_space<hbm>>, %arg4: memref<32x2x64x32xf32, #tpu.memory_space<hbm>>, %arg5: memref<4096x768xf32, #tpu.memory_space<hbm>>, %arg6: memref<2x64xi32, #tpu.memory_space<vmem>>, %arg7: memref<2x64xi32, #tpu.memory_space<vmem>>, %arg8: memref<2x64x32xf32, #tpu.memory_space<vmem>>, %arg9: memref<64x768xf32, #tpu.memory_space<vmem>>, %arg10: memref<64x768xf32, #tpu.memory_space<vmem>>, %arg11: memref<!tpu.dma_semaphore, #tpu.memory_space<semaphore_mem>>, %arg12: memref<!tpu.dma_semaphore, #tpu.memory_space<semaphore_mem>>) attributes {dimension_semantics = [#tpu.dimension_semantics<core_parallel>, #tpu.dimension_semantics<subcore_parallel>], iteration_bounds = array<i64: 2, 16>, scalar_prefetch = 0 : i64, scratch_operands = 7 : i64, tpu.core_type = #tpu.core_type<sc_vector_subcore>, window_params = [{transform_indices = #map}, {transform_indices = #map1}, {transform_indices = #map1}, {transform_indices = #map}]} {
    %mul3A = arith.constant 2 : i32
    %mul3A_0 = arith.muli %arg1, %mul3A : i32
    %add3A = arith.addi %mul3A_0, %arg0 : i32
    %mul3A_1 = arith.constant 128 : i32
    %mul3A_2 = arith.muli %add3A, %mul3A_1 : i32
    %run_scoped3A = arith.constant 0 : i32
    "tpu.region"() ({
      %run_scoped3A_73 = tpu.sem_alloc : memref<!tpu.dma_semaphore, #tpu.memory_space<semaphore_mem>>
      %dma_start3A_74 = arith.constant 0 : i32
      %dma_start3A_75 = arith.constant 0 : i32
      %dma_start3A_76 = tpu.memref_slice %arg3[%run_scoped3A, %add3A, %dma_start3A_74, %dma_start3A_75] : memref<2x32x2x64xi32, #tpu.memory_space<hbm>> -> memref<1x1x2x64xi32, #tpu.memory_space<hbm>>
      %dma_start3A_77 = tpu.memref_squeeze %dma_start3A_76 : memref<1x1x2x64xi32, #tpu.memory_space<hbm>> -> memref<2x64xi32, #tpu.memory_space<hbm>>
      %dma_start3A_78 = arith.constant 0 : i32
      %dma_start3A_79 = arith.constant 0 : i32
      %dma_start3A_80 = tpu.memref_slice %arg3[%run_scoped3A, %add3A, %dma_start3A_78, %dma_start3A_79] : memref<2x32x2x64xi32, #tpu.memory_space<hbm>> -> memref<1x1x2x64xi32, #tpu.memory_space<hbm>>
      %dma_start3A_81 = tpu.memref_squeeze %dma_start3A_80 : memref<1x1x2x64xi32, #tpu.memory_space<hbm>> -> memref<2x64xi32, #tpu.memory_space<hbm>>
      tpu.enqueue_dma source(%dma_start3A_81 : memref<2x64xi32, #tpu.memory_space<hbm>>) target(%arg6 : memref<2x64xi32, #tpu.memory_space<vmem>>) target_semaphore(%run_scoped3A_73 : memref<!tpu.dma_semaphore, #tpu.memory_space<semaphore_mem>>)
      %dma_wait3A_82 = arith.constant 0 : i32
      %dma_wait3A_83 = arith.constant 0 : i32
      %dma_wait3A_84 = tpu.memref_slice %arg3[%run_scoped3A, %add3A, %dma_wait3A_82, %dma_wait3A_83] : memref<2x32x2x64xi32, #tpu.memory_space<hbm>> -> memref<1x1x2x64xi32, #tpu.memory_space<hbm>>
      %dma_wait3A_85 = tpu.memref_squeeze %dma_wait3A_84 : memref<1x1x2x64xi32, #tpu.memory_space<hbm>> -> memref<2x64xi32, #tpu.memory_space<hbm>>
      %dma_wait3A_86 = arith.constant 0 : i32
      %dma_wait3A_87 = arith.constant 0 : i32
      %dma_wait3A_88 = tpu.memref_slice %arg3[%run_scoped3A, %add3A, %dma_wait3A_86, %dma_wait3A_87] : memref<2x32x2x64xi32, #tpu.memory_space<hbm>> -> memref<1x1x2x64xi32, #tpu.memory_space<hbm>>
      %dma_wait3A_89 = tpu.memref_squeeze %dma_wait3A_88 : memref<1x1x2x64xi32, #tpu.memory_space<hbm>> -> memref<2x64xi32, #tpu.memory_space<hbm>>
      tpu.wait_dma2 semaphore(%run_scoped3A_73 : memref<!tpu.dma_semaphore, #tpu.memory_space<semaphore_mem>>) src(%dma_wait3A_89 : memref<2x64xi32, #tpu.memory_space<hbm>>) dst(%arg6 : memref<2x64xi32, #tpu.memory_space<vmem>>)
      tpu.yield
    }) : () -> ()
    %run_scoped3A_3 = arith.constant 1 : i32
    "tpu.region"() ({
      %run_scoped3A_73 = tpu.sem_alloc : memref<!tpu.dma_semaphore, #tpu.memory_space<semaphore_mem>>
      %dma_start3A_74 = arith.constant 0 : i32
      %dma_start3A_75 = arith.constant 0 : i32
      %dma_start3A_76 = tpu.memref_slice %arg3[%run_scoped3A_3, %add3A, %dma_start3A_74, %dma_start3A_75] : memref<2x32x2x64xi32, #tpu.memory_space<hbm>> -> memref<1x1x2x64xi32, #tpu.memory_space<hbm>>
      %dma_start3A_77 = tpu.memref_squeeze %dma_start3A_76 : memref<1x1x2x64xi32, #tpu.memory_space<hbm>> -> memref<2x64xi32, #tpu.memory_space<hbm>>
      %dma_start3A_78 = arith.constant 0 : i32
      %dma_start3A_79 = arith.constant 0 : i32
      %dma_start3A_80 = tpu.memref_slice %arg3[%run_scoped3A_3, %add3A, %dma_start3A_78, %dma_start3A_79] : memref<2x32x2x64xi32, #tpu.memory_space<hbm>> -> memref<1x1x2x64xi32, #tpu.memory_space<hbm>>
      %dma_start3A_81 = tpu.memref_squeeze %dma_start3A_80 : memref<1x1x2x64xi32, #tpu.memory_space<hbm>> -> memref<2x64xi32, #tpu.memory_space<hbm>>
      tpu.enqueue_dma source(%dma_start3A_81 : memref<2x64xi32, #tpu.memory_space<hbm>>) target(%arg7 : memref<2x64xi32, #tpu.memory_space<vmem>>) target_semaphore(%run_scoped3A_73 : memref<!tpu.dma_semaphore, #tpu.memory_space<semaphore_mem>>)
      %dma_wait3A_82 = arith.constant 0 : i32
      %dma_wait3A_83 = arith.constant 0 : i32
      %dma_wait3A_84 = tpu.memref_slice %arg3[%run_scoped3A_3, %add3A, %dma_wait3A_82, %dma_wait3A_83] : memref<2x32x2x64xi32, #tpu.memory_space<hbm>> -> memref<1x1x2x64xi32, #tpu.memory_space<hbm>>
      %dma_wait3A_85 = tpu.memref_squeeze %dma_wait3A_84 : memref<1x1x2x64xi32, #tpu.memory_space<hbm>> -> memref<2x64xi32, #tpu.memory_space<hbm>>
      %dma_wait3A_86 = arith.constant 0 : i32
      %dma_wait3A_87 = arith.constant 0 : i32
      %dma_wait3A_88 = tpu.memref_slice %arg3[%run_scoped3A_3, %add3A, %dma_wait3A_86, %dma_wait3A_87] : memref<2x32x2x64xi32, #tpu.memory_space<hbm>> -> memref<1x1x2x64xi32, #tpu.memory_space<hbm>>
      %dma_wait3A_89 = tpu.memref_squeeze %dma_wait3A_88 : memref<1x1x2x64xi32, #tpu.memory_space<hbm>> -> memref<2x64xi32, #tpu.memory_space<hbm>>
      tpu.wait_dma2 semaphore(%run_scoped3A_73 : memref<!tpu.dma_semaphore, #tpu.memory_space<semaphore_mem>>) src(%dma_wait3A_89 : memref<2x64xi32, #tpu.memory_space<hbm>>) dst(%arg7 : memref<2x64xi32, #tpu.memory_space<vmem>>)
      tpu.yield
    }) : () -> ()
    "tpu.region"() ({
      %run_scoped3A_73 = tpu.sem_alloc : memref<!tpu.dma_semaphore, #tpu.memory_space<semaphore_mem>>
      %dma_start3A_74 = arith.constant 0 : i32
      %dma_start3A_75 = arith.constant 0 : i32
      %dma_start3A_76 = arith.constant 0 : i32
      %dma_start3A_77 = tpu.memref_slice %arg4[%add3A, %dma_start3A_74, %dma_start3A_75, %dma_start3A_76] : memref<32x2x64x32xf32, #tpu.memory_space<hbm>> -> memref<1x2x64x32xf32, #tpu.memory_space<hbm>>
      %dma_start3A_78 = tpu.memref_squeeze %dma_start3A_77 : memref<1x2x64x32xf32, #tpu.memory_space<hbm>> -> memref<2x64x32xf32, #tpu.memory_space<hbm>>
      %dma_start3A_79 = arith.constant 0 : i32
      %dma_start3A_80 = arith.constant 0 : i32
      %dma_start3A_81 = arith.constant 0 : i32
      %dma_start3A_82 = tpu.memref_slice %arg4[%add3A, %dma_start3A_79, %dma_start3A_80, %dma_start3A_81] : memref<32x2x64x32xf32, #tpu.memory_space<hbm>> -> memref<1x2x64x32xf32, #tpu.memory_space<hbm>>
      %dma_start3A_83 = tpu.memref_squeeze %dma_start3A_82 : memref<1x2x64x32xf32, #tpu.memory_space<hbm>> -> memref<2x64x32xf32, #tpu.memory_space<hbm>>
      tpu.enqueue_dma source(%dma_start3A_83 : memref<2x64x32xf32, #tpu.memory_space<hbm>>) target(%arg8 : memref<2x64x32xf32, #tpu.memory_space<vmem>>) target_semaphore(%run_scoped3A_73 : memref<!tpu.dma_semaphore, #tpu.memory_space<semaphore_mem>>)
      %dma_wait3A_84 = arith.constant 0 : i32
      %dma_wait3A_85 = arith.constant 0 : i32
      %dma_wait3A_86 = arith.constant 0 : i32
      %dma_wait3A_87 = tpu.memref_slice %arg4[%add3A, %dma_wait3A_84, %dma_wait3A_85, %dma_wait3A_86] : memref<32x2x64x32xf32, #tpu.memory_space<hbm>> -> memref<1x2x64x32xf32, #tpu.memory_space<hbm>>
      %dma_wait3A_88 = tpu.memref_squeeze %dma_wait3A_87 : memref<1x2x64x32xf32, #tpu.memory_space<hbm>> -> memref<2x64x32xf32, #tpu.memory_space<hbm>>
      %dma_wait3A_89 = arith.constant 0 : i32
      %dma_wait3A_90 = arith.constant 0 : i32
      %dma_wait3A_91 = arith.constant 0 : i32
      %dma_wait3A_92 = tpu.memref_slice %arg4[%add3A, %dma_wait3A_89, %dma_wait3A_90, %dma_wait3A_91] : memref<32x2x64x32xf32, #tpu.memory_space<hbm>> -> memref<1x2x64x32xf32, #tpu.memory_space<hbm>>
      %dma_wait3A_93 = tpu.memref_squeeze %dma_wait3A_92 : memref<1x2x64x32xf32, #tpu.memory_space<hbm>> -> memref<2x64x32xf32, #tpu.memory_space<hbm>>
      tpu.wait_dma2 semaphore(%run_scoped3A_73 : memref<!tpu.dma_semaphore, #tpu.memory_space<semaphore_mem>>) src(%dma_wait3A_93 : memref<2x64x32xf32, #tpu.memory_space<hbm>>) dst(%arg8 : memref<2x64x32xf32, #tpu.memory_space<vmem>>)
      tpu.yield
    }) : () -> ()
    %dma_start3A = arith.constant 0 : i32
    %dma_start3A_4 = arith.constant 0 : i32
    %dma_start3A_5 = tpu.memref_slice %arg6[%dma_start3A, %dma_start3A_4] : memref<2x64xi32, #tpu.memory_space<vmem>> -> memref<1x64xi32, #tpu.memory_space<vmem>>
    %dma_start3A_6 = tpu.memref_squeeze %dma_start3A_5 : memref<1x64xi32, #tpu.memory_space<vmem>> -> memref<64xi32, #tpu.memory_space<vmem>>
    %dma_start3A_7 = arith.constant 0 : i32
    %dma_start3A_8 = arith.constant 0 : i32
    %dma_start3A_9 = tpu.memref_slice %arg2[%dma_start3A_7, %dma_start3A_8] : memref<8192x768xf32, #tpu.memory_space<hbm>> -> memref<8192x768xf32, #tpu.memory_space<hbm>>
    tpu.enqueue_indirect_dma source(%dma_start3A_9 : memref<8192x768xf32, #tpu.memory_space<hbm>>) target(%arg9 : memref<64x768xf32, #tpu.memory_space<vmem>>) offsets(%dma_start3A_6 : memref<64xi32, #tpu.memory_space<vmem>>) semaphore(%arg11 : memref<!tpu.dma_semaphore, #tpu.memory_space<semaphore_mem>>)
    %dma_start3A_10 = arith.constant 0 : i32
    %dma_start3A_11 = arith.constant 0 : i32
    %dma_start3A_12 = tpu.memref_slice %arg7[%dma_start3A_10, %dma_start3A_11] : memref<2x64xi32, #tpu.memory_space<vmem>> -> memref<1x64xi32, #tpu.memory_space<vmem>>
    %dma_start3A_13 = tpu.memref_squeeze %dma_start3A_12 : memref<1x64xi32, #tpu.memory_space<vmem>> -> memref<64xi32, #tpu.memory_space<vmem>>
    %dma_start3A_14 = arith.constant 0 : i32
    %dma_start3A_15 = arith.constant 0 : i32
    %dma_start3A_16 = tpu.memref_slice %arg2[%dma_start3A_14, %dma_start3A_15] : memref<8192x768xf32, #tpu.memory_space<hbm>> -> memref<8192x768xf32, #tpu.memory_space<hbm>>
    tpu.enqueue_indirect_dma source(%dma_start3A_16 : memref<8192x768xf32, #tpu.memory_space<hbm>>) target(%arg10 : memref<64x768xf32, #tpu.memory_space<vmem>>) offsets(%dma_start3A_13 : memref<64xi32, #tpu.memory_space<vmem>>) semaphore(%arg12 : memref<!tpu.dma_semaphore, #tpu.memory_space<semaphore_mem>>)
    %dma_wait3A = arith.constant 0 : i32
    %dma_wait3A_17 = arith.constant 0 : i32
    %dma_wait3A_18 = tpu.memref_slice %arg6[%dma_wait3A, %dma_wait3A_17] : memref<2x64xi32, #tpu.memory_space<vmem>> -> memref<1x64xi32, #tpu.memory_space<vmem>>
    %dma_wait3A_19 = tpu.memref_squeeze %dma_wait3A_18 : memref<1x64xi32, #tpu.memory_space<vmem>> -> memref<64xi32, #tpu.memory_space<vmem>>
    %dma_wait3A_20 = arith.constant 0 : i32
    %dma_wait3A_21 = arith.constant 0 : i32
    %dma_wait3A_22 = tpu.memref_slice %arg2[%dma_wait3A_20, %dma_wait3A_21] : memref<8192x768xf32, #tpu.memory_space<hbm>> -> memref<8192x768xf32, #tpu.memory_space<hbm>>
    tpu.wait_indirect_dma semaphore(%arg11 : memref<!tpu.dma_semaphore, #tpu.memory_space<semaphore_mem>>) src(%dma_wait3A_22 : memref<8192x768xf32, #tpu.memory_space<hbm>>) dst(%arg9 : memref<64x768xf32, #tpu.memory_space<vmem>>)
    %dma_wait3A_23 = arith.constant 0 : i32
    %dma_wait3A_24 = arith.constant 0 : i32
    %dma_wait3A_25 = tpu.memref_slice %arg7[%dma_wait3A_23, %dma_wait3A_24] : memref<2x64xi32, #tpu.memory_space<vmem>> -> memref<1x64xi32, #tpu.memory_space<vmem>>
    %dma_wait3A_26 = tpu.memref_squeeze %dma_wait3A_25 : memref<1x64xi32, #tpu.memory_space<vmem>> -> memref<64xi32, #tpu.memory_space<vmem>>
    %dma_wait3A_27 = arith.constant 0 : i32
    %dma_wait3A_28 = arith.constant 0 : i32
    %dma_wait3A_29 = tpu.memref_slice %arg2[%dma_wait3A_27, %dma_wait3A_28] : memref<8192x768xf32, #tpu.memory_space<hbm>> -> memref<8192x768xf32, #tpu.memory_space<hbm>>
    tpu.wait_indirect_dma semaphore(%arg12 : memref<!tpu.dma_semaphore, #tpu.memory_space<semaphore_mem>>) src(%dma_wait3A_29 : memref<8192x768xf32, #tpu.memory_space<hbm>>) dst(%arg10 : memref<64x768xf32, #tpu.memory_space<vmem>>)
    %scan3A = arith.constant 0 : i32
    %scan3A_30 = arith.constant 0 : i32
    %scan3A_31 = arith.constant 64 : i32
    %scan3A_32 = arith.addi %scan3A_30, %scan3A_31 : i32
    %scan3A_33 = arith.constant 1 : i32
    scf.for %scan3A_73 = %scan3A_30 to %scan3A_32 step %scan3A_33  : i32 {
      %get3A = arith.constant 0 : i32
      %get3A_74 = arith.index_cast %get3A : i32 to index
      %get3A_75 = arith.index_cast %scan3A_73 : i32 to index
      %get3A_76 = arith.constant 0 : index
      %get3A_77 = tpu.vector_load %arg8[%get3A_74, %get3A_75, %get3A_76] {strides = array<i32>} : memref<2x64x32xf32, #tpu.memory_space<vmem>>, vector<1x1x16xf32>,
      %get3A_78 = vector.shape_cast %get3A_77 : vector<1x1x16xf32> to vector<16xf32>
      %get3A_79 = arith.constant 0 : i32
      %get3A_80 = arith.index_cast %get3A_79 : i32 to index
      %get3A_81 = arith.index_cast %scan3A_73 : i32 to index
      %get3A_82 = arith.constant 16 : index
      %get3A_83 = tpu.vector_load %arg8[%get3A_80, %get3A_81, %get3A_82] {strides = array<i32>} : memref<2x64x32xf32, #tpu.memory_space<vmem>>, vector<1x1x16xf32>,
      %get3A_84 = vector.shape_cast %get3A_83 : vector<1x1x16xf32> to vector<16xf32>
      %get3A_85 = arith.index_cast %scan3A_73 : i32 to index
      %get3A_86 = arith.constant 0 : index
      %get3A_87 = tpu.vector_load %arg9[%get3A_85, %get3A_86] {strides = array<i32>} : memref<64x768xf32, #tpu.memory_space<vmem>>, vector<1x16xf32>,
      %get3A_88 = vector.shape_cast %get3A_87 : vector<1x16xf32> to vector<16xf32>
      %mul3A_89 = arith.mulf %get3A_88, %get3A_78 : vector<16xf32>
      %get3A_90 = arith.index_cast %scan3A_73 : i32 to index
      %get3A_91 = arith.constant 0 : index
      %get3A_92 = tpu.vector_load %arg10[%get3A_90, %get3A_91] {strides = array<i32>} : memref<64x768xf32, #tpu.memory_space<vmem>>, vector<1x16xf32>,
      %get3A_93 = vector.shape_cast %get3A_92 : vector<1x16xf32> to vector<16xf32>
      %mul3A_94 = arith.mulf %get3A_93, %get3A_84 : vector<16xf32>
      %add3A_95 = arith.addf %mul3A_89, %mul3A_94 : vector<16xf32>
      %swap3A = arith.index_cast %scan3A_73 : i32 to index
      %swap3A_96 = arith.constant 0 : index
      %swap3A_97 = tpu.vector_load %arg9[%swap3A, %swap3A_96] {strides = array<i32>} : memref<64x768xf32, #tpu.memory_space<vmem>>, vector<1x16xf32>,
      %swap3A_98 = vector.shape_cast %swap3A_97 : vector<1x16xf32> to vector<16xf32>
      %swap3A_99 = vector.shape_cast %add3A_95 : vector<16xf32> to vector<1x16xf32>
      tpu.vector_store %arg9[%swap3A, %swap3A_96], %swap3A_99 {strides = array<i32>} : memref<64x768xf32, #tpu.memory_space<vmem>>, vector<1x16xf32>,
      %get3A_100 = arith.index_cast %scan3A_73 : i32 to index
      %get3A_101 = arith.constant 16 : index
      %get3A_102 = tpu.vector_load %arg9[%get3A_100, %get3A_101] {strides = array<i32>} : memref<64x768xf32, #tpu.memory_space<vmem>>, vector<1x16xf32>,
      %get3A_103 = vector.shape_cast %get3A_102 : vector<1x16xf32> to vector<16xf32>
      %mul3A_104 = arith.mulf %get3A_103, %get3A_78 : vector<16xf32>
      %get3A_105 = arith.index_cast %scan3A_73 : i32 to index
      %get3A_106 = arith.constant 16 : index
      %get3A_107 = tpu.vector_load %arg10[%get3A_105, %get3A_106] {strides = array<i32>} : memref<64x768xf32, #tpu.memory_space<vmem>>, vector<1x16xf32>,
      %get3A_108 = vector.shape_cast %get3A_107 : vector<1x16xf32> to vector<16xf32>
      %mul3A_109 = arith.mulf %get3A_108, %get3A_84 : vector<16xf32>
      %add3A_110 = arith.addf %mul3A_104, %mul3A_109 : vector<16xf32>
      %swap3A_111 = arith.index_cast %scan3A_73 : i32 to index
      %swap3A_112 = arith.constant 16 : index
      %swap3A_113 = tpu.vector_load %arg9[%swap3A_111, %swap3A_112] {strides = array<i32>} : memref<64x768xf32, #tpu.memory_space<vmem>>, vector<1x16xf32>,
      %swap3A_114 = vector.shape_cast %swap3A_113 : vector<1x16xf32> to vector<16xf32>
      %swap3A_115 = vector.shape_cast %add3A_110 : vector<16xf32> to vector<1x16xf32>
      tpu.vector_store %arg9[%swap3A_111, %swap3A_112], %swap3A_115 {strides = array<i32>} : memref<64x768xf32, #tpu.memory_space<vmem>>, vector<1x16xf32>,
      %get3A_116 = arith.index_cast %scan3A_73 : i32 to index
      %get3A_117 = arith.constant 32 : index
      %get3A_118 = tpu.vector_load %arg9[%get3A_116, %get3A_117] {strides = array<i32>} : memref<64x768xf32, #tpu.memory_space<vmem>>, vector<1x16xf32>,
      %get3A_119 = vector.shape_cast %get3A_118 : vector<1x16xf32> to vector<16xf32>
      %mul3A_120 = arith.mulf %get3A_119, %get3A_78 : vector<16xf32>
      %get3A_121 = arith.index_cast %scan3A_73 : i32 to index
      %get3A_122 = arith.constant 32 : index
      %get3A_123 = tpu.vector_load %arg10[%get3A_121, %get3A_122] {strides = array<i32>} : memref<64x768xf32, #tpu.memory_space<vmem>>, vector<1x16xf32>,
      %get3A_124 = vector.shape_cast %get3A_123 : vector<1x16xf32> to vector<16xf32>
      %mul3A_125 = arith.mulf %get3A_124, %get3A_84 : vector<16xf32>
      %add3A_126 = arith.addf %mul3A_120, %mul3A_125 : vector<16xf32>
      %swap3A_127 = arith.index_cast %scan3A_73 : i32 to index
      %swap3A_128 = arith.constant 32 : index
      %swap3A_129 = tpu.vector_load %arg9[%swap3A_127, %swap3A_128] {strides = array<i32>} : memref<64x768xf32, #tpu.memory_space<vmem>>, vector<1x16xf32>,
      %swap3A_130 = vector.shape_cast %swap3A_129 : vector<1x16xf32> to vector<16xf32>
      %swap3A_131 = vector.shape_cast %add3A_126 : vector<16xf32> to vector<1x16xf32>
      tpu.vector_store %arg9[%swap3A_127, %swap3A_128], %swap3A_131 {strides = array<i32>} : memref<64x768xf32, #tpu.memory_space<vmem>>, vector<1x16xf32>,
      %get3A_132 = arith.index_cast %scan3A_73 : i32 to index
      %get3A_133 = arith.constant 48 : index
      %get3A_134 = tpu.vector_load %arg9[%get3A_132, %get3A_133] {strides = array<i32>} : memref<64x768xf32, #tpu.memory_space<vmem>>, vector<1x16xf32>,
      %get3A_135 = vector.shape_cast %get3A_134 : vector<1x16xf32> to vector<16xf32>
      %mul3A_136 = arith.mulf %get3A_135, %get3A_78 : vector<16xf32>
      %get3A_137 = arith.index_cast %scan3A_73 : i32 to index
      %get3A_138 = arith.constant 48 : index
      %get3A_139 = tpu.vector_load %arg10[%get3A_137, %get3A_138] {strides = array<i32>} : memref<64x768xf32, #tpu.memory_space<vmem>>, vector<1x16xf32>,
      %get3A_140 = vector.shape_cast %get3A_139 : vector<1x16xf32> to vector<16xf32>
      %mul3A_141 = arith.mulf %get3A_140, %get3A_84 : vector<16xf32>
      %add3A_142 = arith.addf %mul3A_136, %mul3A_141 : vector<16xf32>
      %swap3A_143 = arith.index_cast %scan3A_73 : i32 to index
      %swap3A_144 = arith.constant 48 : index
      %swap3A_145 = tpu.vector_load %arg9[%swap3A_143, %swap3A_144] {strides = array<i32>} : memref<64x768xf32, #tpu.memory_space<vmem>>, vector<1x16xf32>,
      %swap3A_146 = vector.shape_cast %swap3A_145 : vector<1x16xf32> to vector<16xf32>
      %swap3A_147 = vector.shape_cast %add3A_142 : vector<16xf32> to vector<1x16xf32>
      tpu.vector_store %arg9[%swap3A_143, %swap3A_144], %swap3A_147 {strides = array<i32>} : memref<64x768xf32, #tpu.memory_space<vmem>>, vector<1x16xf32>,
      %get3A_148 = arith.index_cast %scan3A_73 : i32 to index
      %get3A_149 = arith.constant 64 : index
      %get3A_150 = tpu.vector_load %arg9[%get3A_148, %get3A_149] {strides = array<i32>} : memref<64x768xf32, #tpu.memory_space<vmem>>, vector<1x16xf32>,
      %get3A_151 = vector.shape_cast %get3A_150 : vector<1x16xf32> to vector<16xf32>
      %mul3A_152 = arith.mulf %get3A_151, %get3A_78 : vector<16xf32>
      %get3A_153 = arith.index_cast %scan3A_73 : i32 to index
      %get3A_154 = arith.constant 64 : index
      %get3A_155 = tpu.vector_load %arg10[%get3A_153, %get3A_154] {strides = array<i32>} : memref<64x768xf32, #tpu.memory_space<vmem>>, vector<1x16xf32>,
      %get3A_156 = vector.shape_cast %get3A_155 : vector<1x16xf32> to vector<16xf32>
      %mul3A_157 = arith.mulf %get3A_156, %get3A_84 : vector<16xf32>
      %add3A_158 = arith.addf %mul3A_152, %mul3A_157 : vector<16xf32>
      %swap3A_159 = arith.index_cast %scan3A_73 : i32 to index
      %swap3A_160 = arith.constant 64 : index
      %swap3A_161 = tpu.vector_load %arg9[%swap3A_159, %swap3A_160] {strides = array<i32>} : memref<64x768xf32, #tpu.memory_space<vmem>>, vector<1x16xf32>,
      %swap3A_162 = vector.shape_cast %swap3A_161 : vector<1x16xf32> to vector<16xf32>
      %swap3A_163 = vector.shape_cast %add3A_158 : vector<16xf32> to vector<1x16xf32>
      tpu.vector_store %arg9[%swap3A_159, %swap3A_160], %swap3A_163 {strides = array<i32>} : memref<64x768xf32, #tpu.memory_space<vmem>>, vector<1x16xf32>,
      %get3A_164 = arith.index_cast %scan3A_73 : i32 to index
      %get3A_165 = arith.constant 80 : index
      %get3A_166 = tpu.vector_load %arg9[%get3A_164, %get3A_165] {strides = array<i32>} : memref<64x768xf32, #tpu.memory_space<vmem>>, vector<1x16xf32>,
      %get3A_167 = vector.shape_cast %get3A_166 : vector<1x16xf32> to vector<16xf32>
      %mul3A_168 = arith.mulf %get3A_167, %get3A_78 : vector<16xf32>
      %get3A_169 = arith.index_cast %scan3A_73 : i32 to index
      %get3A_170 = arith.constant 80 : index
      %get3A_171 = tpu.vector_load %arg10[%get3A_169, %get3A_170] {strides = array<i32>} : memref<64x768xf32, #tpu.memory_space<vmem>>, vector<1x16xf32>,
      %get3A_172 = vector.shape_cast %get3A_171 : vector<1x16xf32> to vector<16xf32>
      %mul3A_173 = arith.mulf %get3A_172, %get3A_84 : vector<16xf32>
      %add3A_174 = arith.addf %mul3A_168, %mul3A_173 : vector<16xf32>
      %swap3A_175 = arith.index_cast %scan3A_73 : i32 to index
      %swap3A_176 = arith.constant 80 : index
      %swap3A_177 = tpu.vector_load %arg9[%swap3A_175, %swap3A_176] {strides = array<i32>} : memref<64x768xf32, #tpu.memory_space<vmem>>, vector<1x16xf32>,
      %swap3A_178 = vector.shape_cast %swap3A_177 : vector<1x16xf32> to vector<16xf32>
      %swap3A_179 = vector.shape_cast %add3A_174 : vector<16xf32> to vector<1x16xf32>
      tpu.vector_store %arg9[%swap3A_175, %swap3A_176], %swap3A_179 {strides = array<i32>} : memref<64x768xf32, #tpu.memory_space<vmem>>, vector<1x16xf32>,
      %get3A_180 = arith.index_cast %scan3A_73 : i32 to index
      %get3A_181 = arith.constant 96 : index
      %get3A_182 = tpu.vector_load %arg9[%get3A_180, %get3A_181] {strides = array<i32>} : memref<64x768xf32, #tpu.memory_space<vmem>>, vector<1x16xf32>,
      %get3A_183 = vector.shape_cast %get3A_182 : vector<1x16xf32> to vector<16xf32>
      %mul3A_184 = arith.mulf %get3A_183, %get3A_78 : vector<16xf32>
      %get3A_185 = arith.index_cast %scan3A_73 : i32 to index
      %get3A_186 = arith.constant 96 : index
      %get3A_187 = tpu.vector_load %arg10[%get3A_185, %get3A_186] {strides = array<i32>} : memref<64x768xf32, #tpu.memory_space<vmem>>, vector<1x16xf32>,
      %get3A_188 = vector.shape_cast %get3A_187 : vector<1x16xf32> to vector<16xf32>
      %mul3A_189 = arith.mulf %get3A_188, %get3A_84 : vector<16xf32>
      %add3A_190 = arith.addf %mul3A_184, %mul3A_189 : vector<16xf32>
      %swap3A_191 = arith.index_cast %scan3A_73 : i32 to index
      %swap3A_192 = arith.constant 96 : index
      %swap3A_193 = tpu.vector_load %arg9[%swap3A_191, %swap3A_192] {strides = array<i32>} : memref<64x768xf32, #tpu.memory_space<vmem>>, vector<1x16xf32>,
      %swap3A_194 = vector.shape_cast %swap3A_193 : vector<1x16xf32> to vector<16xf32>
      %swap3A_195 = vector.shape_cast %add3A_190 : vector<16xf32> to vector<1x16xf32>
      tpu.vector_store %arg9[%swap3A_191, %swap3A_192], %swap3A_195 {strides = array<i32>} : memref<64x768xf32, #tpu.memory_space<vmem>>, vector<1x16xf32>,
      %get3A_196 = arith.index_cast %scan3A_73 : i32 to index
      %get3A_197 = arith.constant 112 : index
      %get3A_198 = tpu.vector_load %arg9[%get3A_196, %get3A_197] {strides = array<i32>} : memref<64x768xf32, #tpu.memory_space<vmem>>, vector<1x16xf32>,
      %get3A_199 = vector.shape_cast %get3A_198 : vector<1x16xf32> to vector<16xf32>
      %mul3A_200 = arith.mulf %get3A_199, %get3A_78 : vector<16xf32>
      %get3A_201 = arith.index_cast %scan3A_73 : i32 to index
      %get3A_202 = arith.constant 112 : index
      %get3A_203 = tpu.vector_load %arg10[%get3A_201, %get3A_202] {strides = array<i32>} : memref<64x768xf32, #tpu.memory_space<vmem>>, vector<1x16xf32>,
      %get3A_204 = vector.shape_cast %get3A_203 : vector<1x16xf32> to vector<16xf32>
      %mul3A_205 = arith.mulf %get3A_204, %get3A_84 : vector<16xf32>
      %add3A_206 = arith.addf %mul3A_200, %mul3A_205 : vector<16xf32>
      %swap3A_207 = arith.index_cast %scan3A_73 : i32 to index
      %swap3A_208 = arith.constant 112 : index
      %swap3A_209 = tpu.vector_load %arg9[%swap3A_207, %swap3A_208] {strides = array<i32>} : memref<64x768xf32, #tpu.memory_space<vmem>>, vector<1x16xf32>,
      %swap3A_210 = vector.shape_cast %swap3A_209 : vector<1x16xf32> to vector<16xf32>
      %swap3A_211 = vector.shape_cast %add3A_206 : vector<16xf32> to vector<1x16xf32>
      tpu.vector_store %arg9[%swap3A_207, %swap3A_208], %swap3A_211 {strides = array<i32>} : memref<64x768xf32, #tpu.memory_space<vmem>>, vector<1x16xf32>,
      %get3A_212 = arith.index_cast %scan3A_73 : i32 to index
      %get3A_213 = arith.constant 128 : index
      %get3A_214 = tpu.vector_load %arg9[%get3A_212, %get3A_213] {strides = array<i32>} : memref<64x768xf32, #tpu.memory_space<vmem>>, vector<1x16xf32>,
      %get3A_215 = vector.shape_cast %get3A_214 : vector<1x16xf32> to vector<16xf32>
      %mul3A_216 = arith.mulf %get3A_215, %get3A_78 : vector<16xf32>
      %get3A_217 = arith.index_cast %scan3A_73 : i32 to index
      %get3A_218 = arith.constant 128 : index
      %get3A_219 = tpu.vector_load %arg10[%get3A_217, %get3A_218] {strides = array<i32>} : memref<64x768xf32, #tpu.memory_space<vmem>>, vector<1x16xf32>,
      %get3A_220 = vector.shape_cast %get3A_219 : vector<1x16xf32> to vector<16xf32>
      %mul3A_221 = arith.mulf %get3A_220, %get3A_84 : vector<16xf32>
      %add3A_222 = arith.addf %mul3A_216, %mul3A_221 : vector<16xf32>
      %swap3A_223 = arith.index_cast %scan3A_73 : i32 to index
      %swap3A_224 = arith.constant 128 : index
      %swap3A_225 = tpu.vector_load %arg9[%swap3A_223, %swap3A_224] {strides = array<i32>} : memref<64x768xf32, #tpu.memory_space<vmem>>, vector<1x16xf32>,
      %swap3A_226 = vector.shape_cast %swap3A_225 : vector<1x16xf32> to vector<16xf32>
      %swap3A_227 = vector.shape_cast %add3A_222 : vector<16xf32> to vector<1x16xf32>
      tpu.vector_store %arg9[%swap3A_223, %swap3A_224], %swap3A_227 {strides = array<i32>} : memref<64x768xf32, #tpu.memory_space<vmem>>, vector<1x16xf32>,
      %get3A_228 = arith.index_cast %scan3A_73 : i32 to index
      %get3A_229 = arith.constant 144 : index
      %get3A_230 = tpu.vector_load %arg9[%get3A_228, %get3A_229] {strides = array<i32>} : memref<64x768xf32, #tpu.memory_space<vmem>>, vector<1x16xf32>,
      %get3A_231 = vector.shape_cast %get3A_230 : vector<1x16xf32> to vector<16xf32>
      %mul3A_232 = arith.mulf %get3A_231, %get3A_78 : vector<16xf32>
      %get3A_233 = arith.index_cast %scan3A_73 : i32 to index
      %get3A_234 = arith.constant 144 : index
      %get3A_235 = tpu.vector_load %arg10[%get3A_233, %get3A_234] {strides = array<i32>} : memref<64x768xf32, #tpu.memory_space<vmem>>, vector<1x16xf32>,
      %get3A_236 = vector.shape_cast %get3A_235 : vector<1x16xf32> to vector<16xf32>
      %mul3A_237 = arith.mulf %get3A_236, %get3A_84 : vector<16xf32>
      %add3A_238 = arith.addf %mul3A_232, %mul3A_237 : vector<16xf32>
      %swap3A_239 = arith.index_cast %scan3A_73 : i32 to index
      %swap3A_240 = arith.constant 144 : index
      %swap3A_241 = tpu.vector_load %arg9[%swap3A_239, %swap3A_240] {strides = array<i32>} : memref<64x768xf32, #tpu.memory_space<vmem>>, vector<1x16xf32>,
      %swap3A_242 = vector.shape_cast %swap3A_241 : vector<1x16xf32> to vector<16xf32>
      %swap3A_243 = vector.shape_cast %add3A_238 : vector<16xf32> to vector<1x16xf32>
      tpu.vector_store %arg9[%swap3A_239, %swap3A_240], %swap3A_243 {strides = array<i32>} : memref<64x768xf32, #tpu.memory_space<vmem>>, vector<1x16xf32>,
      %get3A_244 = arith.index_cast %scan3A_73 : i32 to index
      %get3A_245 = arith.constant 160 : index
      %get3A_246 = tpu.vector_load %arg9[%get3A_244, %get3A_245] {strides = array<i32>} : memref<64x768xf32, #tpu.memory_space<vmem>>, vector<1x16xf32>,
      %get3A_247 = vector.shape_cast %get3A_246 : vector<1x16xf32> to vector<16xf32>
      %mul3A_248 = arith.mulf %get3A_247, %get3A_78 : vector<16xf32>
      %get3A_249 = arith.index_cast %scan3A_73 : i32 to index
      %get3A_250 = arith.constant 160 : index
      %get3A_251 = tpu.vector_load %arg10[%get3A_249, %get3A_250] {strides = array<i32>} : memref<64x768xf32, #tpu.memory_space<vmem>>, vector<1x16xf32>,
      %get3A_252 = vector.shape_cast %get3A_251 : vector<1x16xf32> to vector<16xf32>
      %mul3A_253 = arith.mulf %get3A_252, %get3A_84 : vector<16xf32>
      %add3A_254 = arith.addf %mul3A_248, %mul3A_253 : vector<16xf32>
      %swap3A_255 = arith.index_cast %scan3A_73 : i32 to index
      %swap3A_256 = arith.constant 160 : index
      %swap3A_257 = tpu.vector_load %arg9[%swap3A_255, %swap3A_256] {strides = array<i32>} : memref<64x768xf32, #tpu.memory_space<vmem>>, vector<1x16xf32>,
      %swap3A_258 = vector.shape_cast %swap3A_257 : vector<1x16xf32> to vector<16xf32>
      %swap3A_259 = vector.shape_cast %add3A_254 : vector<16xf32> to vector<1x16xf32>
      tpu.vector_store %arg9[%swap3A_255, %swap3A_256], %swap3A_259 {strides = array<i32>} : memref<64x768xf32, #tpu.memory_space<vmem>>, vector<1x16xf32>,
      %get3A_260 = arith.index_cast %scan3A_73 : i32 to index
      %get3A_261 = arith.constant 176 : index
      %get3A_262 = tpu.vector_load %arg9[%get3A_260, %get3A_261] {strides = array<i32>} : memref<64x768xf32, #tpu.memory_space<vmem>>, vector<1x16xf32>,
      %get3A_263 = vector.shape_cast %get3A_262 : vector<1x16xf32> to vector<16xf32>
      %mul3A_264 = arith.mulf %get3A_263, %get3A_78 : vector<16xf32>
      %get3A_265 = arith.index_cast %scan3A_73 : i32 to index
      %get3A_266 = arith.constant 176 : index
      %get3A_267 = tpu.vector_load %arg10[%get3A_265, %get3A_266] {strides = array<i32>} : memref<64x768xf32, #tpu.memory_space<vmem>>, vector<1x16xf32>,
      %get3A_268 = vector.shape_cast %get3A_267 : vector<1x16xf32> to vector<16xf32>
      %mul3A_269 = arith.mulf %get3A_268, %get3A_84 : vector<16xf32>
      %add3A_270 = arith.addf %mul3A_264, %mul3A_269 : vector<16xf32>
      %swap3A_271 = arith.index_cast %scan3A_73 : i32 to index
      %swap3A_272 = arith.constant 176 : index
      %swap3A_273 = tpu.vector_load %arg9[%swap3A_271, %swap3A_272] {strides = array<i32>} : memref<64x768xf32, #tpu.memory_space<vmem>>, vector<1x16xf32>,
      %swap3A_274 = vector.shape_cast %swap3A_273 : vector<1x16xf32> to vector<16xf32>
      %swap3A_275 = vector.shape_cast %add3A_270 : vector<16xf32> to vector<1x16xf32>
      tpu.vector_store %arg9[%swap3A_271, %swap3A_272], %swap3A_275 {strides = array<i32>} : memref<64x768xf32, #tpu.memory_space<vmem>>, vector<1x16xf32>,
      %get3A_276 = arith.index_cast %scan3A_73 : i32 to index
      %get3A_277 = arith.constant 192 : index
      %get3A_278 = tpu.vector_load %arg9[%get3A_276, %get3A_277] {strides = array<i32>} : memref<64x768xf32, #tpu.memory_space<vmem>>, vector<1x16xf32>,
      %get3A_279 = vector.shape_cast %get3A_278 : vector<1x16xf32> to vector<16xf32>
      %mul3A_280 = arith.mulf %get3A_279, %get3A_78 : vector<16xf32>
      %get3A_281 = arith.index_cast %scan3A_73 : i32 to index
      %get3A_282 = arith.constant 192 : index
      %get3A_283 = tpu.vector_load %arg10[%get3A_281, %get3A_282] {strides = array<i32>} : memref<64x768xf32, #tpu.memory_space<vmem>>, vector<1x16xf32>,
      %get3A_284 = vector.shape_cast %get3A_283 : vector<1x16xf32> to vector<16xf32>
      %mul3A_285 = arith.mulf %get3A_284, %get3A_84 : vector<16xf32>
      %add3A_286 = arith.addf %mul3A_280, %mul3A_285 : vector<16xf32>
      %swap3A_287 = arith.index_cast %scan3A_73 : i32 to index
      %swap3A_288 = arith.constant 192 : index
      %swap3A_289 = tpu.vector_load %arg9[%swap3A_287, %swap3A_288] {strides = array<i32>} : memref<64x768xf32, #tpu.memory_space<vmem>>, vector<1x16xf32>,
      %swap3A_290 = vector.shape_cast %swap3A_289 : vector<1x16xf32> to vector<16xf32>
      %swap3A_291 = vector.shape_cast %add3A_286 : vector<16xf32> to vector<1x16xf32>
      tpu.vector_store %arg9[%swap3A_287, %swap3A_288], %swap3A_291 {strides = array<i32>} : memref<64x768xf32, #tpu.memory_space<vmem>>, vector<1x16xf32>,
      %get3A_292 = arith.index_cast %scan3A_73 : i32 to index
      %get3A_293 = arith.constant 208 : index
      %get3A_294 = tpu.vector_load %arg9[%get3A_292, %get3A_293] {strides = array<i32>} : memref<64x768xf32, #tpu.memory_space<vmem>>, vector<1x16xf32>,
      %get3A_295 = vector.shape_cast %get3A_294 : vector<1x16xf32> to vector<16xf32>
      %mul3A_296 = arith.mulf %get3A_295, %get3A_78 : vector<16xf32>
      %get3A_297 = arith.index_cast %scan3A_73 : i32 to index
      %get3A_298 = arith.constant 208 : index
      %get3A_299 = tpu.vector_load %arg10[%get3A_297, %get3A_298] {strides = array<i32>} : memref<64x768xf32, #tpu.memory_space<vmem>>, vector<1x16xf32>,
      %get3A_300 = vector.shape_cast %get3A_299 : vector<1x16xf32> to vector<16xf32>
      %mul3A_301 = arith.mulf %get3A_300, %get3A_84 : vector<16xf32>
      %add3A_302 = arith.addf %mul3A_296, %mul3A_301 : vector<16xf32>
      %swap3A_303 = arith.index_cast %scan3A_73 : i32 to index
      %swap3A_304 = arith.constant 208 : index
      %swap3A_305 = tpu.vector_load %arg9[%swap3A_303, %swap3A_304] {strides = array<i32>} : memref<64x768xf32, #tpu.memory_space<vmem>>, vector<1x16xf32>,
      %swap3A_306 = vector.shape_cast %swap3A_305 : vector<1x16xf32> to vector<16xf32>
      %swap3A_307 = vector.shape_cast %add3A_302 : vector<16xf32> to vector<1x16xf32>
      tpu.vector_store %arg9[%swap3A_303, %swap3A_304], %swap3A_307 {strides = array<i32>} : memref<64x768xf32, #tpu.memory_space<vmem>>, vector<1x16xf32>,
      %get3A_308 = arith.index_cast %scan3A_73 : i32 to index
      %get3A_309 = arith.constant 224 : index
      %get3A_310 = tpu.vector_load %arg9[%get3A_308, %get3A_309] {strides = array<i32>} : memref<64x768xf32, #tpu.memory_space<vmem>>, vector<1x16xf32>,
      %get3A_311 = vector.shape_cast %get3A_310 : vector<1x16xf32> to vector<16xf32>
      %mul3A_312 = arith.mulf %get3A_311, %get3A_78 : vector<16xf32>
      %get3A_313 = arith.index_cast %scan3A_73 : i32 to index
      %get3A_314 = arith.constant 224 : index
      %get3A_315 = tpu.vector_load %arg10[%get3A_313, %get3A_314] {strides = array<i32>} : memref<64x768xf32, #tpu.memory_space<vmem>>, vector<1x16xf32>,
      %get3A_316 = vector.shape_cast %get3A_315 : vector<1x16xf32> to vector<16xf32>
      %mul3A_317 = arith.mulf %get3A_316, %get3A_84 : vector<16xf32>
      %add3A_318 = arith.addf %mul3A_312, %mul3A_317 : vector<16xf32>
      %swap3A_319 = arith.index_cast %scan3A_73 : i32 to index
      %swap3A_320 = arith.constant 224 : index
      %swap3A_321 = tpu.vector_load %arg9[%swap3A_319, %swap3A_320] {strides = array<i32>} : memref<64x768xf32, #tpu.memory_space<vmem>>, vector<1x16xf32>,
      %swap3A_322 = vector.shape_cast %swap3A_321 : vector<1x16xf32> to vector<16xf32>
      %swap3A_323 = vector.shape_cast %add3A_318 : vector<16xf32> to vector<1x16xf32>
      tpu.vector_store %arg9[%swap3A_319, %swap3A_320], %swap3A_323 {strides = array<i32>} : memref<64x768xf32, #tpu.memory_space<vmem>>, vector<1x16xf32>,
      %get3A_324 = arith.index_cast %scan3A_73 : i32 to index
      %get3A_325 = arith.constant 240 : index
      %get3A_326 = tpu.vector_load %arg9[%get3A_324, %get3A_325] {strides = array<i32>} : memref<64x768xf32, #tpu.memory_space<vmem>>, vector<1x16xf32>,
      %get3A_327 = vector.shape_cast %get3A_326 : vector<1x16xf32> to vector<16xf32>
      %mul3A_328 = arith.mulf %get3A_327, %get3A_78 : vector<16xf32>
      %get3A_329 = arith.index_cast %scan3A_73 : i32 to index
      %get3A_330 = arith.constant 240 : index
      %get3A_331 = tpu.vector_load %arg10[%get3A_329, %get3A_330] {strides = array<i32>} : memref<64x768xf32, #tpu.memory_space<vmem>>, vector<1x16xf32>,
      %get3A_332 = vector.shape_cast %get3A_331 : vector<1x16xf32> to vector<16xf32>
      %mul3A_333 = arith.mulf %get3A_332, %get3A_84 : vector<16xf32>
      %add3A_334 = arith.addf %mul3A_328, %mul3A_333 : vector<16xf32>
      %swap3A_335 = arith.index_cast %scan3A_73 : i32 to index
      %swap3A_336 = arith.constant 240 : index
      %swap3A_337 = tpu.vector_load %arg9[%swap3A_335, %swap3A_336] {strides = array<i32>} : memref<64x768xf32, #tpu.memory_space<vmem>>, vector<1x16xf32>,
      %swap3A_338 = vector.shape_cast %swap3A_337 : vector<1x16xf32> to vector<16xf32>
      %swap3A_339 = vector.shape_cast %add3A_334 : vector<16xf32> to vector<1x16xf32>
      tpu.vector_store %arg9[%swap3A_335, %swap3A_336], %swap3A_339 {strides = array<i32>} : memref<64x768xf32, #tpu.memory_space<vmem>>, vector<1x16xf32>,
      %get3A_340 = arith.index_cast %scan3A_73 : i32 to index
      %get3A_341 = arith.constant 256 : index
      %get3A_342 = tpu.vector_load %arg9[%get3A_340, %get3A_341] {strides = array<i32>} : memref<64x768xf32, #tpu.memory_space<vmem>>, vector<1x16xf32>,
      %get3A_343 = vector.shape_cast %get3A_342 : vector<1x16xf32> to vector<16xf32>
      %mul3A_344 = arith.mulf %get3A_343, %get3A_78 : vector<16xf32>
      %get3A_345 = arith.index_cast %scan3A_73 : i32 to index
      %get3A_346 = arith.constant 256 : index
      %get3A_347 = tpu.vector_load %arg10[%get3A_345, %get3A_346] {strides = array<i32>} : memref<64x768xf32, #tpu.memory_space<vmem>>, vector<1x16xf32>,
      %get3A_348 = vector.shape_cast %get3A_347 : vector<1x16xf32> to vector<16xf32>
      %mul3A_349 = arith.mulf %get3A_348, %get3A_84 : vector<16xf32>
      %add3A_350 = arith.addf %mul3A_344, %mul3A_349 : vector<16xf32>
      %swap3A_351 = arith.index_cast %scan3A_73 : i32 to index
      %swap3A_352 = arith.constant 256 : index
      %swap3A_353 = tpu.vector_load %arg9[%swap3A_351, %swap3A_352] {strides = array<i32>} : memref<64x768xf32, #tpu.memory_space<vmem>>, vector<1x16xf32>,
      %swap3A_354 = vector.shape_cast %swap3A_353 : vector<1x16xf32> to vector<16xf32>
      %swap3A_355 = vector.shape_cast %add3A_350 : vector<16xf32> to vector<1x16xf32>
      tpu.vector_store %arg9[%swap3A_351, %swap3A_352], %swap3A_355 {strides = array<i32>} : memref<64x768xf32, #tpu.memory_space<vmem>>, vector<1x16xf32>,
      %get3A_356 = arith.index_cast %scan3A_73 : i32 to index
      %get3A_357 = arith.constant 272 : index
      %get3A_358 = tpu.vector_load %arg9[%get3A_356, %get3A_357] {strides = array<i32>} : memref<64x768xf32, #tpu.memory_space<vmem>>, vector<1x16xf32>,
      %get3A_359 = vector.shape_cast %get3A_358 : vector<1x16xf32> to vector<16xf32>
      %mul3A_360 = arith.mulf %get3A_359, %get3A_78 : vector<16xf32>
      %get3A_361 = arith.index_cast %scan3A_73 : i32 to index
      %get3A_362 = arith.constant 272 : index
      %get3A_363 = tpu.vector_load %arg10[%get3A_361, %get3A_362] {strides = array<i32>} : memref<64x768xf32, #tpu.memory_space<vmem>>, vector<1x16xf32>,
      %get3A_364 = vector.shape_cast %get3A_363 : vector<1x16xf32> to vector<16xf32>
      %mul3A_365 = arith.mulf %get3A_364, %get3A_84 : vector<16xf32>
      %add3A_366 = arith.addf %mul3A_360, %mul3A_365 : vector<16xf32>
      %swap3A_367 = arith.index_cast %scan3A_73 : i32 to index
      %swap3A_368 = arith.constant 272 : index
      %swap3A_369 = tpu.vector_load %arg9[%swap3A_367, %swap3A_368] {strides = array<i32>} : memref<64x768xf32, #tpu.memory_space<vmem>>, vector<1x16xf32>,
      %swap3A_370 = vector.shape_cast %swap3A_369 : vector<1x16xf32> to vector<16xf32>
      %swap3A_371 = vector.shape_cast %add3A_366 : vector<16xf32> to vector<1x16xf32>
      tpu.vector_store %arg9[%swap3A_367, %swap3A_368], %swap3A_371 {strides = array<i32>} : memref<64x768xf32, #tpu.memory_space<vmem>>, vector<1x16xf32>,
      %get3A_372 = arith.index_cast %scan3A_73 : i32 to index
      %get3A_373 = arith.constant 288 : index
      %get3A_374 = tpu.vector_load %arg9[%get3A_372, %get3A_373] {strides = array<i32>} : memref<64x768xf32, #tpu.memory_space<vmem>>, vector<1x16xf32>,
      %get3A_375 = vector.shape_cast %get3A_374 : vector<1x16xf32> to vector<16xf32>
      %mul3A_376 = arith.mulf %get3A_375, %get3A_78 : vector<16xf32>
      %get3A_377 = arith.index_cast %scan3A_73 : i32 to index
      %get3A_378 = arith.constant 288 : index
      %get3A_379 = tpu.vector_load %arg10[%get3A_377, %get3A_378] {strides = array<i32>} : memref<64x768xf32, #tpu.memory_space<vmem>>, vector<1x16xf32>,
      %get3A_380 = vector.shape_cast %get3A_379 : vector<1x16xf32> to vector<16xf32>
      %mul3A_381 = arith.mulf %get3A_380, %get3A_84 : vector<16xf32>
      %add3A_382 = arith.addf %mul3A_376, %mul3A_381 : vector<16xf32>
      %swap3A_383 = arith.index_cast %scan3A_73 : i32 to index
      %swap3A_384 = arith.constant 288 : index
      %swap3A_385 = tpu.vector_load %arg9[%swap3A_383, %swap3A_384] {strides = array<i32>} : memref<64x768xf32, #tpu.memory_space<vmem>>, vector<1x16xf32>,
      %swap3A_386 = vector.shape_cast %swap3A_385 : vector<1x16xf32> to vector<16xf32>
      %swap3A_387 = vector.shape_cast %add3A_382 : vector<16xf32> to vector<1x16xf32>
      tpu.vector_store %arg9[%swap3A_383, %swap3A_384], %swap3A_387 {strides = array<i32>} : memref<64x768xf32, #tpu.memory_space<vmem>>, vector<1x16xf32>,
      %get3A_388 = arith.index_cast %scan3A_73 : i32 to index
      %get3A_389 = arith.constant 304 : index
      %get3A_390 = tpu.vector_load %arg9[%get3A_388, %get3A_389] {strides = array<i32>} : memref<64x768xf32, #tpu.memory_space<vmem>>, vector<1x16xf32>,
      %get3A_391 = vector.shape_cast %get3A_390 : vector<1x16xf32> to vector<16xf32>
      %mul3A_392 = arith.mulf %get3A_391, %get3A_78 : vector<16xf32>
      %get3A_393 = arith.index_cast %scan3A_73 : i32 to index
      %get3A_394 = arith.constant 304 : index
      %get3A_395 = tpu.vector_load %arg10[%get3A_393, %get3A_394] {strides = array<i32>} : memref<64x768xf32, #tpu.memory_space<vmem>>, vector<1x16xf32>,
      %get3A_396 = vector.shape_cast %get3A_395 : vector<1x16xf32> to vector<16xf32>
      %mul3A_397 = arith.mulf %get3A_396, %get3A_84 : vector<16xf32>
      %add3A_398 = arith.addf %mul3A_392, %mul3A_397 : vector<16xf32>
      %swap3A_399 = arith.index_cast %scan3A_73 : i32 to index
      %swap3A_400 = arith.constant 304 : index
      %swap3A_401 = tpu.vector_load %arg9[%swap3A_399, %swap3A_400] {strides = array<i32>} : memref<64x768xf32, #tpu.memory_space<vmem>>, vector<1x16xf32>,
      %swap3A_402 = vector.shape_cast %swap3A_401 : vector<1x16xf32> to vector<16xf32>
      %swap3A_403 = vector.shape_cast %add3A_398 : vector<16xf32> to vector<1x16xf32>
      tpu.vector_store %arg9[%swap3A_399, %swap3A_400], %swap3A_403 {strides = array<i32>} : memref<64x768xf32, #tpu.memory_space<vmem>>, vector<1x16xf32>,
      %get3A_404 = arith.index_cast %scan3A_73 : i32 to index
      %get3A_405 = arith.constant 320 : index
      %get3A_406 = tpu.vector_load %arg9[%get3A_404, %get3A_405] {strides = array<i32>} : memref<64x768xf32, #tpu.memory_space<vmem>>, vector<1x16xf32>,
      %get3A_407 = vector.shape_cast %get3A_406 : vector<1x16xf32> to vector<16xf32>
      %mul3A_408 = arith.mulf %get3A_407, %get3A_78 : vector<16xf32>
      %get3A_409 = arith.index_cast %scan3A_73 : i32 to index
      %get3A_410 = arith.constant 320 : index
      %get3A_411 = tpu.vector_load %arg10[%get3A_409, %get3A_410] {strides = array<i32>} : memref<64x768xf32, #tpu.memory_space<vmem>>, vector<1x16xf32>,
      %get3A_412 = vector.shape_cast %get3A_411 : vector<1x16xf32> to vector<16xf32>
      %mul3A_413 = arith.mulf %get3A_412, %get3A_84 : vector<16xf32>
      %add3A_414 = arith.addf %mul3A_408, %mul3A_413 : vector<16xf32>
      %swap3A_415 = arith.index_cast %scan3A_73 : i32 to index
      %swap3A_416 = arith.constant 320 : index
      %swap3A_417 = tpu.vector_load %arg9[%swap3A_415, %swap3A_416] {strides = array<i32>} : memref<64x768xf32, #tpu.memory_space<vmem>>, vector<1x16xf32>,
      %swap3A_418 = vector.shape_cast %swap3A_417 : vector<1x16xf32> to vector<16xf32>
      %swap3A_419 = vector.shape_cast %add3A_414 : vector<16xf32> to vector<1x16xf32>
      tpu.vector_store %arg9[%swap3A_415, %swap3A_416], %swap3A_419 {strides = array<i32>} : memref<64x768xf32, #tpu.memory_space<vmem>>, vector<1x16xf32>,
      %get3A_420 = arith.index_cast %scan3A_73 : i32 to index
      %get3A_421 = arith.constant 336 : index
      %get3A_422 = tpu.vector_load %arg9[%get3A_420, %get3A_421] {strides = array<i32>} : memref<64x768xf32, #tpu.memory_space<vmem>>, vector<1x16xf32>,
      %get3A_423 = vector.shape_cast %get3A_422 : vector<1x16xf32> to vector<16xf32>
      %mul3A_424 = arith.mulf %get3A_423, %get3A_78 : vector<16xf32>
      %get3A_425 = arith.index_cast %scan3A_73 : i32 to index
      %get3A_426 = arith.constant 336 : index
      %get3A_427 = tpu.vector_load %arg10[%get3A_425, %get3A_426] {strides = array<i32>} : memref<64x768xf32, #tpu.memory_space<vmem>>, vector<1x16xf32>,
      %get3A_428 = vector.shape_cast %get3A_427 : vector<1x16xf32> to vector<16xf32>
      %mul3A_429 = arith.mulf %get3A_428, %get3A_84 : vector<16xf32>
      %add3A_430 = arith.addf %mul3A_424, %mul3A_429 : vector<16xf32>
      %swap3A_431 = arith.index_cast %scan3A_73 : i32 to index
      %swap3A_432 = arith.constant 336 : index
      %swap3A_433 = tpu.vector_load %arg9[%swap3A_431, %swap3A_432] {strides = array<i32>} : memref<64x768xf32, #tpu.memory_space<vmem>>, vector<1x16xf32>,
      %swap3A_434 = vector.shape_cast %swap3A_433 : vector<1x16xf32> to vector<16xf32>
      %swap3A_435 = vector.shape_cast %add3A_430 : vector<16xf32> to vector<1x16xf32>
      tpu.vector_store %arg9[%swap3A_431, %swap3A_432], %swap3A_435 {strides = array<i32>} : memref<64x768xf32, #tpu.memory_space<vmem>>, vector<1x16xf32>,
      %get3A_436 = arith.index_cast %scan3A_73 : i32 to index
      %get3A_437 = arith.constant 352 : index
      %get3A_438 = tpu.vector_load %arg9[%get3A_436, %get3A_437] {strides = array<i32>} : memref<64x768xf32, #tpu.memory_space<vmem>>, vector<1x16xf32>,
      %get3A_439 = vector.shape_cast %get3A_438 : vector<1x16xf32> to vector<16xf32>
      %mul3A_440 = arith.mulf %get3A_439, %get3A_78 : vector<16xf32>
      %get3A_441 = arith.index_cast %scan3A_73 : i32 to index
      %get3A_442 = arith.constant 352 : index
      %get3A_443 = tpu.vector_load %arg10[%get3A_441, %get3A_442] {strides = array<i32>} : memref<64x768xf32, #tpu.memory_space<vmem>>, vector<1x16xf32>,
      %get3A_444 = vector.shape_cast %get3A_443 : vector<1x16xf32> to vector<16xf32>
      %mul3A_445 = arith.mulf %get3A_444, %get3A_84 : vector<16xf32>
      %add3A_446 = arith.addf %mul3A_440, %mul3A_445 : vector<16xf32>
      %swap3A_447 = arith.index_cast %scan3A_73 : i32 to index
      %swap3A_448 = arith.constant 352 : index
      %swap3A_449 = tpu.vector_load %arg9[%swap3A_447, %swap3A_448] {strides = array<i32>} : memref<64x768xf32, #tpu.memory_space<vmem>>, vector<1x16xf32>,
      %swap3A_450 = vector.shape_cast %swap3A_449 : vector<1x16xf32> to vector<16xf32>
      %swap3A_451 = vector.shape_cast %add3A_446 : vector<16xf32> to vector<1x16xf32>
      tpu.vector_store %arg9[%swap3A_447, %swap3A_448], %swap3A_451 {strides = array<i32>} : memref<64x768xf32, #tpu.memory_space<vmem>>, vector<1x16xf32>,
      %get3A_452 = arith.index_cast %scan3A_73 : i32 to index
      %get3A_453 = arith.constant 368 : index
      %get3A_454 = tpu.vector_load %arg9[%get3A_452, %get3A_453] {strides = array<i32>} : memref<64x768xf32, #tpu.memory_space<vmem>>, vector<1x16xf32>,
      %get3A_455 = vector.shape_cast %get3A_454 : vector<1x16xf32> to vector<16xf32>
      %mul3A_456 = arith.mulf %get3A_455, %get3A_78 : vector<16xf32>
      %get3A_457 = arith.index_cast %scan3A_73 : i32 to index
      %get3A_458 = arith.constant 368 : index
      %get3A_459 = tpu.vector_load %arg10[%get3A_457, %get3A_458] {strides = array<i32>} : memref<64x768xf32, #tpu.memory_space<vmem>>, vector<1x16xf32>,
      %get3A_460 = vector.shape_cast %get3A_459 : vector<1x16xf32> to vector<16xf32>
      %mul3A_461 = arith.mulf %get3A_460, %get3A_84 : vector<16xf32>
      %add3A_462 = arith.addf %mul3A_456, %mul3A_461 : vector<16xf32>
      %swap3A_463 = arith.index_cast %scan3A_73 : i32 to index
      %swap3A_464 = arith.constant 368 : index
      %swap3A_465 = tpu.vector_load %arg9[%swap3A_463, %swap3A_464] {strides = array<i32>} : memref<64x768xf32, #tpu.memory_space<vmem>>, vector<1x16xf32>,
      %swap3A_466 = vector.shape_cast %swap3A_465 : vector<1x16xf32> to vector<16xf32>
      %swap3A_467 = vector.shape_cast %add3A_462 : vector<16xf32> to vector<1x16xf32>
      tpu.vector_store %arg9[%swap3A_463, %swap3A_464], %swap3A_467 {strides = array<i32>} : memref<64x768xf32, #tpu.memory_space<vmem>>, vector<1x16xf32>,
      %get3A_468 = arith.index_cast %scan3A_73 : i32 to index
      %get3A_469 = arith.constant 384 : index
      %get3A_470 = tpu.vector_load %arg9[%get3A_468, %get3A_469] {strides = array<i32>} : memref<64x768xf32, #tpu.memory_space<vmem>>, vector<1x16xf32>,
      %get3A_471 = vector.shape_cast %get3A_470 : vector<1x16xf32> to vector<16xf32>
      %mul3A_472 = arith.mulf %get3A_471, %get3A_78 : vector<16xf32>
      %get3A_473 = arith.index_cast %scan3A_73 : i32 to index
      %get3A_474 = arith.constant 384 : index
      %get3A_475 = tpu.vector_load %arg10[%get3A_473, %get3A_474] {strides = array<i32>} : memref<64x768xf32, #tpu.memory_space<vmem>>, vector<1x16xf32>,
      %get3A_476 = vector.shape_cast %get3A_475 : vector<1x16xf32> to vector<16xf32>
      %mul3A_477 = arith.mulf %get3A_476, %get3A_84 : vector<16xf32>
      %add3A_478 = arith.addf %mul3A_472, %mul3A_477 : vector<16xf32>
      %swap3A_479 = arith.index_cast %scan3A_73 : i32 to index
      %swap3A_480 = arith.constant 384 : index
      %swap3A_481 = tpu.vector_load %arg9[%swap3A_479, %swap3A_480] {strides = array<i32>} : memref<64x768xf32, #tpu.memory_space<vmem>>, vector<1x16xf32>,
      %swap3A_482 = vector.shape_cast %swap3A_481 : vector<1x16xf32> to vector<16xf32>
      %swap3A_483 = vector.shape_cast %add3A_478 : vector<16xf32> to vector<1x16xf32>
      tpu.vector_store %arg9[%swap3A_479, %swap3A_480], %swap3A_483 {strides = array<i32>} : memref<64x768xf32, #tpu.memory_space<vmem>>, vector<1x16xf32>,
      %get3A_484 = arith.index_cast %scan3A_73 : i32 to index
      %get3A_485 = arith.constant 400 : index
      %get3A_486 = tpu.vector_load %arg9[%get3A_484, %get3A_485] {strides = array<i32>} : memref<64x768xf32, #tpu.memory_space<vmem>>, vector<1x16xf32>,
      %get3A_487 = vector.shape_cast %get3A_486 : vector<1x16xf32> to vector<16xf32>
      %mul3A_488 = arith.mulf %get3A_487, %get3A_78 : vector<16xf32>
      %get3A_489 = arith.index_cast %scan3A_73 : i32 to index
      %get3A_490 = arith.constant 400 : index
      %get3A_491 = tpu.vector_load %arg10[%get3A_489, %get3A_490] {strides = array<i32>} : memref<64x768xf32, #tpu.memory_space<vmem>>, vector<1x16xf32>,
      %get3A_492 = vector.shape_cast %get3A_491 : vector<1x16xf32> to vector<16xf32>
      %mul3A_493 = arith.mulf %get3A_492, %get3A_84 : vector<16xf32>
      %add3A_494 = arith.addf %mul3A_488, %mul3A_493 : vector<16xf32>
      %swap3A_495 = arith.index_cast %scan3A_73 : i32 to index
      %swap3A_496 = arith.constant 400 : index
      %swap3A_497 = tpu.vector_load %arg9[%swap3A_495, %swap3A_496] {strides = array<i32>} : memref<64x768xf32, #tpu.memory_space<vmem>>, vector<1x16xf32>,
      %swap3A_498 = vector.shape_cast %swap3A_497 : vector<1x16xf32> to vector<16xf32>
      %swap3A_499 = vector.shape_cast %add3A_494 : vector<16xf32> to vector<1x16xf32>
      tpu.vector_store %arg9[%swap3A_495, %swap3A_496], %swap3A_499 {strides = array<i32>} : memref<64x768xf32, #tpu.memory_space<vmem>>, vector<1x16xf32>,
      %get3A_500 = arith.index_cast %scan3A_73 : i32 to index
      %get3A_501 = arith.constant 416 : index
      %get3A_502 = tpu.vector_load %arg9[%get3A_500, %get3A_501] {strides = array<i32>} : memref<64x768xf32, #tpu.memory_space<vmem>>, vector<1x16xf32>,
      %get3A_503 = vector.shape_cast %get3A_502 : vector<1x16xf32> to vector<16xf32>
      %mul3A_504 = arith.mulf %get3A_503, %get3A_78 : vector<16xf32>
      %get3A_505 = arith.index_cast %scan3A_73 : i32 to index
      %get3A_506 = arith.constant 416 : index
      %get3A_507 = tpu.vector_load %arg10[%get3A_505, %get3A_506] {strides = array<i32>} : memref<64x768xf32, #tpu.memory_space<vmem>>, vector<1x16xf32>,
      %get3A_508 = vector.shape_cast %get3A_507 : vector<1x16xf32> to vector<16xf32>
      %mul3A_509 = arith.mulf %get3A_508, %get3A_84 : vector<16xf32>
      %add3A_510 = arith.addf %mul3A_504, %mul3A_509 : vector<16xf32>
      %swap3A_511 = arith.index_cast %scan3A_73 : i32 to index
      %swap3A_512 = arith.constant 416 : index
      %swap3A_513 = tpu.vector_load %arg9[%swap3A_511, %swap3A_512] {strides = array<i32>} : memref<64x768xf32, #tpu.memory_space<vmem>>, vector<1x16xf32>,
      %swap3A_514 = vector.shape_cast %swap3A_513 : vector<1x16xf32> to vector<16xf32>
      %swap3A_515 = vector.shape_cast %add3A_510 : vector<16xf32> to vector<1x16xf32>
      tpu.vector_store %arg9[%swap3A_511, %swap3A_512], %swap3A_515 {strides = array<i32>} : memref<64x768xf32, #tpu.memory_space<vmem>>, vector<1x16xf32>,
      %get3A_516 = arith.index_cast %scan3A_73 : i32 to index
      %get3A_517 = arith.constant 432 : index
      %get3A_518 = tpu.vector_load %arg9[%get3A_516, %get3A_517] {strides = array<i32>} : memref<64x768xf32, #tpu.memory_space<vmem>>, vector<1x16xf32>,
      %get3A_519 = vector.shape_cast %get3A_518 : vector<1x16xf32> to vector<16xf32>
      %mul3A_520 = arith.mulf %get3A_519, %get3A_78 : vector<16xf32>
      %get3A_521 = arith.index_cast %scan3A_73 : i32 to index
      %get3A_522 = arith.constant 432 : index
      %get3A_523 = tpu.vector_load %arg10[%get3A_521, %get3A_522] {strides = array<i32>} : memref<64x768xf32, #tpu.memory_space<vmem>>, vector<1x16xf32>,
      %get3A_524 = vector.shape_cast %get3A_523 : vector<1x16xf32> to vector<16xf32>
      %mul3A_525 = arith.mulf %get3A_524, %get3A_84 : vector<16xf32>
      %add3A_526 = arith.addf %mul3A_520, %mul3A_525 : vector<16xf32>
      %swap3A_527 = arith.index_cast %scan3A_73 : i32 to index
      %swap3A_528 = arith.constant 432 : index
      %swap3A_529 = tpu.vector_load %arg9[%swap3A_527, %swap3A_528] {strides = array<i32>} : memref<64x768xf32, #tpu.memory_space<vmem>>, vector<1x16xf32>,
      %swap3A_530 = vector.shape_cast %swap3A_529 : vector<1x16xf32> to vector<16xf32>
      %swap3A_531 = vector.shape_cast %add3A_526 : vector<16xf32> to vector<1x16xf32>
      tpu.vector_store %arg9[%swap3A_527, %swap3A_528], %swap3A_531 {strides = array<i32>} : memref<64x768xf32, #tpu.memory_space<vmem>>, vector<1x16xf32>,
      %get3A_532 = arith.index_cast %scan3A_73 : i32 to index
      %get3A_533 = arith.constant 448 : index
      %get3A_534 = tpu.vector_load %arg9[%get3A_532, %get3A_533] {strides = array<i32>} : memref<64x768xf32, #tpu.memory_space<vmem>>, vector<1x16xf32>,
      %get3A_535 = vector.shape_cast %get3A_534 : vector<1x16xf32> to vector<16xf32>
      %mul3A_536 = arith.mulf %get3A_535, %get3A_78 : vector<16xf32>
      %get3A_537 = arith.index_cast %scan3A_73 : i32 to index
      %get3A_538 = arith.constant 448 : index
      %get3A_539 = tpu.vector_load %arg10[%get3A_537, %get3A_538] {strides = array<i32>} : memref<64x768xf32, #tpu.memory_space<vmem>>, vector<1x16xf32>,
      %get3A_540 = vector.shape_cast %get3A_539 : vector<1x16xf32> to vector<16xf32>
      %mul3A_541 = arith.mulf %get3A_540, %get3A_84 : vector<16xf32>
      %add3A_542 = arith.addf %mul3A_536, %mul3A_541 : vector<16xf32>
      %swap3A_543 = arith.index_cast %scan3A_73 : i32 to index
      %swap3A_544 = arith.constant 448 : index
      %swap3A_545 = tpu.vector_load %arg9[%swap3A_543, %swap3A_544] {strides = array<i32>} : memref<64x768xf32, #tpu.memory_space<vmem>>, vector<1x16xf32>,
      %swap3A_546 = vector.shape_cast %swap3A_545 : vector<1x16xf32> to vector<16xf32>
      %swap3A_547 = vector.shape_cast %add3A_542 : vector<16xf32> to vector<1x16xf32>
      tpu.vector_store %arg9[%swap3A_543, %swap3A_544], %swap3A_547 {strides = array<i32>} : memref<64x768xf32, #tpu.memory_space<vmem>>, vector<1x16xf32>,
      %get3A_548 = arith.index_cast %scan3A_73 : i32 to index
      %get3A_549 = arith.constant 464 : index
      %get3A_550 = tpu.vector_load %arg9[%get3A_548, %get3A_549] {strides = array<i32>} : memref<64x768xf32, #tpu.memory_space<vmem>>, vector<1x16xf32>,
      %get3A_551 = vector.shape_cast %get3A_550 : vector<1x16xf32> to vector<16xf32>
      %mul3A_552 = arith.mulf %get3A_551, %get3A_78 : vector<16xf32>
      %get3A_553 = arith.index_cast %scan3A_73 : i32 to index
      %get3A_554 = arith.constant 464 : index
      %get3A_555 = tpu.vector_load %arg10[%get3A_553, %get3A_554] {strides = array<i32>} : memref<64x768xf32, #tpu.memory_space<vmem>>, vector<1x16xf32>,
      %get3A_556 = vector.shape_cast %get3A_555 : vector<1x16xf32> to vector<16xf32>
      %mul3A_557 = arith.mulf %get3A_556, %get3A_84 : vector<16xf32>
      %add3A_558 = arith.addf %mul3A_552, %mul3A_557 : vector<16xf32>
      %swap3A_559 = arith.index_cast %scan3A_73 : i32 to index
      %swap3A_560 = arith.constant 464 : index
      %swap3A_561 = tpu.vector_load %arg9[%swap3A_559, %swap3A_560] {strides = array<i32>} : memref<64x768xf32, #tpu.memory_space<vmem>>, vector<1x16xf32>,
      %swap3A_562 = vector.shape_cast %swap3A_561 : vector<1x16xf32> to vector<16xf32>
      %swap3A_563 = vector.shape_cast %add3A_558 : vector<16xf32> to vector<1x16xf32>
      tpu.vector_store %arg9[%swap3A_559, %swap3A_560], %swap3A_563 {strides = array<i32>} : memref<64x768xf32, #tpu.memory_space<vmem>>, vector<1x16xf32>,
      %get3A_564 = arith.index_cast %scan3A_73 : i32 to index
      %get3A_565 = arith.constant 480 : index
      %get3A_566 = tpu.vector_load %arg9[%get3A_564, %get3A_565] {strides = array<i32>} : memref<64x768xf32, #tpu.memory_space<vmem>>, vector<1x16xf32>,
      %get3A_567 = vector.shape_cast %get3A_566 : vector<1x16xf32> to vector<16xf32>
      %mul3A_568 = arith.mulf %get3A_567, %get3A_78 : vector<16xf32>
      %get3A_569 = arith.index_cast %scan3A_73 : i32 to index
      %get3A_570 = arith.constant 480 : index
      %get3A_571 = tpu.vector_load %arg10[%get3A_569, %get3A_570] {strides = array<i32>} : memref<64x768xf32, #tpu.memory_space<vmem>>, vector<1x16xf32>,
      %get3A_572 = vector.shape_cast %get3A_571 : vector<1x16xf32> to vector<16xf32>
      %mul3A_573 = arith.mulf %get3A_572, %get3A_84 : vector<16xf32>
      %add3A_574 = arith.addf %mul3A_568, %mul3A_573 : vector<16xf32>
      %swap3A_575 = arith.index_cast %scan3A_73 : i32 to index
      %swap3A_576 = arith.constant 480 : index
      %swap3A_577 = tpu.vector_load %arg9[%swap3A_575, %swap3A_576] {strides = array<i32>} : memref<64x768xf32, #tpu.memory_space<vmem>>, vector<1x16xf32>,
      %swap3A_578 = vector.shape_cast %swap3A_577 : vector<1x16xf32> to vector<16xf32>
      %swap3A_579 = vector.shape_cast %add3A_574 : vector<16xf32> to vector<1x16xf32>
      tpu.vector_store %arg9[%swap3A_575, %swap3A_576], %swap3A_579 {strides = array<i32>} : memref<64x768xf32, #tpu.memory_space<vmem>>, vector<1x16xf32>,
      %get3A_580 = arith.index_cast %scan3A_73 : i32 to index
      %get3A_581 = arith.constant 496 : index
      %get3A_582 = tpu.vector_load %arg9[%get3A_580, %get3A_581] {strides = array<i32>} : memref<64x768xf32, #tpu.memory_space<vmem>>, vector<1x16xf32>,
      %get3A_583 = vector.shape_cast %get3A_582 : vector<1x16xf32> to vector<16xf32>
      %mul3A_584 = arith.mulf %get3A_583, %get3A_78 : vector<16xf32>
      %get3A_585 = arith.index_cast %scan3A_73 : i32 to index
      %get3A_586 = arith.constant 496 : index
      %get3A_587 = tpu.vector_load %arg10[%get3A_585, %get3A_586] {strides = array<i32>} : memref<64x768xf32, #tpu.memory_space<vmem>>, vector<1x16xf32>,
      %get3A_588 = vector.shape_cast %get3A_587 : vector<1x16xf32> to vector<16xf32>
      %mul3A_589 = arith.mulf %get3A_588, %get3A_84 : vector<16xf32>
      %add3A_590 = arith.addf %mul3A_584, %mul3A_589 : vector<16xf32>
      %swap3A_591 = arith.index_cast %scan3A_73 : i32 to index
      %swap3A_592 = arith.constant 496 : index
      %swap3A_593 = tpu.vector_load %arg9[%swap3A_591, %swap3A_592] {strides = array<i32>} : memref<64x768xf32, #tpu.memory_space<vmem>>, vector<1x16xf32>,
      %swap3A_594 = vector.shape_cast %swap3A_593 : vector<1x16xf32> to vector<16xf32>
      %swap3A_595 = vector.shape_cast %add3A_590 : vector<16xf32> to vector<1x16xf32>
      tpu.vector_store %arg9[%swap3A_591, %swap3A_592], %swap3A_595 {strides = array<i32>} : memref<64x768xf32, #tpu.memory_space<vmem>>, vector<1x16xf32>,
      %get3A_596 = arith.index_cast %scan3A_73 : i32 to index
      %get3A_597 = arith.constant 512 : index
      %get3A_598 = tpu.vector_load %arg9[%get3A_596, %get3A_597] {strides = array<i32>} : memref<64x768xf32, #tpu.memory_space<vmem>>, vector<1x16xf32>,
      %get3A_599 = vector.shape_cast %get3A_598 : vector<1x16xf32> to vector<16xf32>
      %mul3A_600 = arith.mulf %get3A_599, %get3A_78 : vector<16xf32>
      %get3A_601 = arith.index_cast %scan3A_73 : i32 to index
      %get3A_602 = arith.constant 512 : index
      %get3A_603 = tpu.vector_load %arg10[%get3A_601, %get3A_602] {strides = array<i32>} : memref<64x768xf32, #tpu.memory_space<vmem>>, vector<1x16xf32>,
      %get3A_604 = vector.shape_cast %get3A_603 : vector<1x16xf32> to vector<16xf32>
      %mul3A_605 = arith.mulf %get3A_604, %get3A_84 : vector<16xf32>
      %add3A_606 = arith.addf %mul3A_600, %mul3A_605 : vector<16xf32>
      %swap3A_607 = arith.index_cast %scan3A_73 : i32 to index
      %swap3A_608 = arith.constant 512 : index
      %swap3A_609 = tpu.vector_load %arg9[%swap3A_607, %swap3A_608] {strides = array<i32>} : memref<64x768xf32, #tpu.memory_space<vmem>>, vector<1x16xf32>,
      %swap3A_610 = vector.shape_cast %swap3A_609 : vector<1x16xf32> to vector<16xf32>
      %swap3A_611 = vector.shape_cast %add3A_606 : vector<16xf32> to vector<1x16xf32>
      tpu.vector_store %arg9[%swap3A_607, %swap3A_608], %swap3A_611 {strides = array<i32>} : memref<64x768xf32, #tpu.memory_space<vmem>>, vector<1x16xf32>,
      %get3A_612 = arith.index_cast %scan3A_73 : i32 to index
      %get3A_613 = arith.constant 528 : index
      %get3A_614 = tpu.vector_load %arg9[%get3A_612, %get3A_613] {strides = array<i32>} : memref<64x768xf32, #tpu.memory_space<vmem>>, vector<1x16xf32>,
      %get3A_615 = vector.shape_cast %get3A_614 : vector<1x16xf32> to vector<16xf32>
      %mul3A_616 = arith.mulf %get3A_615, %get3A_78 : vector<16xf32>
      %get3A_617 = arith.index_cast %scan3A_73 : i32 to index
      %get3A_618 = arith.constant 528 : index
      %get3A_619 = tpu.vector_load %arg10[%get3A_617, %get3A_618] {strides = array<i32>} : memref<64x768xf32, #tpu.memory_space<vmem>>, vector<1x16xf32>,
      %get3A_620 = vector.shape_cast %get3A_619 : vector<1x16xf32> to vector<16xf32>
      %mul3A_621 = arith.mulf %get3A_620, %get3A_84 : vector<16xf32>
      %add3A_622 = arith.addf %mul3A_616, %mul3A_621 : vector<16xf32>
      %swap3A_623 = arith.index_cast %scan3A_73 : i32 to index
      %swap3A_624 = arith.constant 528 : index
      %swap3A_625 = tpu.vector_load %arg9[%swap3A_623, %swap3A_624] {strides = array<i32>} : memref<64x768xf32, #tpu.memory_space<vmem>>, vector<1x16xf32>,
      %swap3A_626 = vector.shape_cast %swap3A_625 : vector<1x16xf32> to vector<16xf32>
      %swap3A_627 = vector.shape_cast %add3A_622 : vector<16xf32> to vector<1x16xf32>
      tpu.vector_store %arg9[%swap3A_623, %swap3A_624], %swap3A_627 {strides = array<i32>} : memref<64x768xf32, #tpu.memory_space<vmem>>, vector<1x16xf32>,
      %get3A_628 = arith.index_cast %scan3A_73 : i32 to index
      %get3A_629 = arith.constant 544 : index
      %get3A_630 = tpu.vector_load %arg9[%get3A_628, %get3A_629] {strides = array<i32>} : memref<64x768xf32, #tpu.memory_space<vmem>>, vector<1x16xf32>,
      %get3A_631 = vector.shape_cast %get3A_630 : vector<1x16xf32> to vector<16xf32>
      %mul3A_632 = arith.mulf %get3A_631, %get3A_78 : vector<16xf32>
      %get3A_633 = arith.index_cast %scan3A_73 : i32 to index
      %get3A_634 = arith.constant 544 : index
      %get3A_635 = tpu.vector_load %arg10[%get3A_633, %get3A_634] {strides = array<i32>} : memref<64x768xf32, #tpu.memory_space<vmem>>, vector<1x16xf32>,
      %get3A_636 = vector.shape_cast %get3A_635 : vector<1x16xf32> to vector<16xf32>
      %mul3A_637 = arith.mulf %get3A_636, %get3A_84 : vector<16xf32>
      %add3A_638 = arith.addf %mul3A_632, %mul3A_637 : vector<16xf32>
      %swap3A_639 = arith.index_cast %scan3A_73 : i32 to index
      %swap3A_640 = arith.constant 544 : index
      %swap3A_641 = tpu.vector_load %arg9[%swap3A_639, %swap3A_640] {strides = array<i32>} : memref<64x768xf32, #tpu.memory_space<vmem>>, vector<1x16xf32>,
      %swap3A_642 = vector.shape_cast %swap3A_641 : vector<1x16xf32> to vector<16xf32>
      %swap3A_643 = vector.shape_cast %add3A_638 : vector<16xf32> to vector<1x16xf32>
      tpu.vector_store %arg9[%swap3A_639, %swap3A_640], %swap3A_643 {strides = array<i32>} : memref<64x768xf32, #tpu.memory_space<vmem>>, vector<1x16xf32>,
      %get3A_644 = arith.index_cast %scan3A_73 : i32 to index
      %get3A_645 = arith.constant 560 : index
      %get3A_646 = tpu.vector_load %arg9[%get3A_644, %get3A_645] {strides = array<i32>} : memref<64x768xf32, #tpu.memory_space<vmem>>, vector<1x16xf32>,
      %get3A_647 = vector.shape_cast %get3A_646 : vector<1x16xf32> to vector<16xf32>
      %mul3A_648 = arith.mulf %get3A_647, %get3A_78 : vector<16xf32>
      %get3A_649 = arith.index_cast %scan3A_73 : i32 to index
      %get3A_650 = arith.constant 560 : index
      %get3A_651 = tpu.vector_load %arg10[%get3A_649, %get3A_650] {strides = array<i32>} : memref<64x768xf32, #tpu.memory_space<vmem>>, vector<1x16xf32>,
      %get3A_652 = vector.shape_cast %get3A_651 : vector<1x16xf32> to vector<16xf32>
      %mul3A_653 = arith.mulf %get3A_652, %get3A_84 : vector<16xf32>
      %add3A_654 = arith.addf %mul3A_648, %mul3A_653 : vector<16xf32>
      %swap3A_655 = arith.index_cast %scan3A_73 : i32 to index
      %swap3A_656 = arith.constant 560 : index
      %swap3A_657 = tpu.vector_load %arg9[%swap3A_655, %swap3A_656] {strides = array<i32>} : memref<64x768xf32, #tpu.memory_space<vmem>>, vector<1x16xf32>,
      %swap3A_658 = vector.shape_cast %swap3A_657 : vector<1x16xf32> to vector<16xf32>
      %swap3A_659 = vector.shape_cast %add3A_654 : vector<16xf32> to vector<1x16xf32>
      tpu.vector_store %arg9[%swap3A_655, %swap3A_656], %swap3A_659 {strides = array<i32>} : memref<64x768xf32, #tpu.memory_space<vmem>>, vector<1x16xf32>,
      %get3A_660 = arith.index_cast %scan3A_73 : i32 to index
      %get3A_661 = arith.constant 576 : index
      %get3A_662 = tpu.vector_load %arg9[%get3A_660, %get3A_661] {strides = array<i32>} : memref<64x768xf32, #tpu.memory_space<vmem>>, vector<1x16xf32>,
      %get3A_663 = vector.shape_cast %get3A_662 : vector<1x16xf32> to vector<16xf32>
      %mul3A_664 = arith.mulf %get3A_663, %get3A_78 : vector<16xf32>
      %get3A_665 = arith.index_cast %scan3A_73 : i32 to index
      %get3A_666 = arith.constant 576 : index
      %get3A_667 = tpu.vector_load %arg10[%get3A_665, %get3A_666] {strides = array<i32>} : memref<64x768xf32, #tpu.memory_space<vmem>>, vector<1x16xf32>,
      %get3A_668 = vector.shape_cast %get3A_667 : vector<1x16xf32> to vector<16xf32>
      %mul3A_669 = arith.mulf %get3A_668, %get3A_84 : vector<16xf32>
      %add3A_670 = arith.addf %mul3A_664, %mul3A_669 : vector<16xf32>
      %swap3A_671 = arith.index_cast %scan3A_73 : i32 to index
      %swap3A_672 = arith.constant 576 : index
      %swap3A_673 = tpu.vector_load %arg9[%swap3A_671, %swap3A_672] {strides = array<i32>} : memref<64x768xf32, #tpu.memory_space<vmem>>, vector<1x16xf32>,
      %swap3A_674 = vector.shape_cast %swap3A_673 : vector<1x16xf32> to vector<16xf32>
      %swap3A_675 = vector.shape_cast %add3A_670 : vector<16xf32> to vector<1x16xf32>
      tpu.vector_store %arg9[%swap3A_671, %swap3A_672], %swap3A_675 {strides = array<i32>} : memref<64x768xf32, #tpu.memory_space<vmem>>, vector<1x16xf32>,
      %get3A_676 = arith.index_cast %scan3A_73 : i32 to index
      %get3A_677 = arith.constant 592 : index
      %get3A_678 = tpu.vector_load %arg9[%get3A_676, %get3A_677] {strides = array<i32>} : memref<64x768xf32, #tpu.memory_space<vmem>>, vector<1x16xf32>,
      %get3A_679 = vector.shape_cast %get3A_678 : vector<1x16xf32> to vector<16xf32>
      %mul3A_680 = arith.mulf %get3A_679, %get3A_78 : vector<16xf32>
      %get3A_681 = arith.index_cast %scan3A_73 : i32 to index
      %get3A_682 = arith.constant 592 : index
      %get3A_683 = tpu.vector_load %arg10[%get3A_681, %get3A_682] {strides = array<i32>} : memref<64x768xf32, #tpu.memory_space<vmem>>, vector<1x16xf32>,
      %get3A_684 = vector.shape_cast %get3A_683 : vector<1x16xf32> to vector<16xf32>
      %mul3A_685 = arith.mulf %get3A_684, %get3A_84 : vector<16xf32>
      %add3A_686 = arith.addf %mul3A_680, %mul3A_685 : vector<16xf32>
      %swap3A_687 = arith.index_cast %scan3A_73 : i32 to index
      %swap3A_688 = arith.constant 592 : index
      %swap3A_689 = tpu.vector_load %arg9[%swap3A_687, %swap3A_688] {strides = array<i32>} : memref<64x768xf32, #tpu.memory_space<vmem>>, vector<1x16xf32>,
      %swap3A_690 = vector.shape_cast %swap3A_689 : vector<1x16xf32> to vector<16xf32>
      %swap3A_691 = vector.shape_cast %add3A_686 : vector<16xf32> to vector<1x16xf32>
      tpu.vector_store %arg9[%swap3A_687, %swap3A_688], %swap3A_691 {strides = array<i32>} : memref<64x768xf32, #tpu.memory_space<vmem>>, vector<1x16xf32>,
      %get3A_692 = arith.index_cast %scan3A_73 : i32 to index
      %get3A_693 = arith.constant 608 : index
      %get3A_694 = tpu.vector_load %arg9[%get3A_692, %get3A_693] {strides = array<i32>} : memref<64x768xf32, #tpu.memory_space<vmem>>, vector<1x16xf32>,
      %get3A_695 = vector.shape_cast %get3A_694 : vector<1x16xf32> to vector<16xf32>
      %mul3A_696 = arith.mulf %get3A_695, %get3A_78 : vector<16xf32>
      %get3A_697 = arith.index_cast %scan3A_73 : i32 to index
      %get3A_698 = arith.constant 608 : index
      %get3A_699 = tpu.vector_load %arg10[%get3A_697, %get3A_698] {strides = array<i32>} : memref<64x768xf32, #tpu.memory_space<vmem>>, vector<1x16xf32>,
      %get3A_700 = vector.shape_cast %get3A_699 : vector<1x16xf32> to vector<16xf32>
      %mul3A_701 = arith.mulf %get3A_700, %get3A_84 : vector<16xf32>
      %add3A_702 = arith.addf %mul3A_696, %mul3A_701 : vector<16xf32>
      %swap3A_703 = arith.index_cast %scan3A_73 : i32 to index
      %swap3A_704 = arith.constant 608 : index
      %swap3A_705 = tpu.vector_load %arg9[%swap3A_703, %swap3A_704] {strides = array<i32>} : memref<64x768xf32, #tpu.memory_space<vmem>>, vector<1x16xf32>,
      %swap3A_706 = vector.shape_cast %swap3A_705 : vector<1x16xf32> to vector<16xf32>
      %swap3A_707 = vector.shape_cast %add3A_702 : vector<16xf32> to vector<1x16xf32>
      tpu.vector_store %arg9[%swap3A_703, %swap3A_704], %swap3A_707 {strides = array<i32>} : memref<64x768xf32, #tpu.memory_space<vmem>>, vector<1x16xf32>,
      %get3A_708 = arith.index_cast %scan3A_73 : i32 to index
      %get3A_709 = arith.constant 624 : index
      %get3A_710 = tpu.vector_load %arg9[%get3A_708, %get3A_709] {strides = array<i32>} : memref<64x768xf32, #tpu.memory_space<vmem>>, vector<1x16xf32>,
      %get3A_711 = vector.shape_cast %get3A_710 : vector<1x16xf32> to vector<16xf32>
      %mul3A_712 = arith.mulf %get3A_711, %get3A_78 : vector<16xf32>
      %get3A_713 = arith.index_cast %scan3A_73 : i32 to index
      %get3A_714 = arith.constant 624 : index
      %get3A_715 = tpu.vector_load %arg10[%get3A_713, %get3A_714] {strides = array<i32>} : memref<64x768xf32, #tpu.memory_space<vmem>>, vector<1x16xf32>,
      %get3A_716 = vector.shape_cast %get3A_715 : vector<1x16xf32> to vector<16xf32>
      %mul3A_717 = arith.mulf %get3A_716, %get3A_84 : vector<16xf32>
      %add3A_718 = arith.addf %mul3A_712, %mul3A_717 : vector<16xf32>
      %swap3A_719 = arith.index_cast %scan3A_73 : i32 to index
      %swap3A_720 = arith.constant 624 : index
      %swap3A_721 = tpu.vector_load %arg9[%swap3A_719, %swap3A_720] {strides = array<i32>} : memref<64x768xf32, #tpu.memory_space<vmem>>, vector<1x16xf32>,
      %swap3A_722 = vector.shape_cast %swap3A_721 : vector<1x16xf32> to vector<16xf32>
      %swap3A_723 = vector.shape_cast %add3A_718 : vector<16xf32> to vector<1x16xf32>
      tpu.vector_store %arg9[%swap3A_719, %swap3A_720], %swap3A_723 {strides = array<i32>} : memref<64x768xf32, #tpu.memory_space<vmem>>, vector<1x16xf32>,
      %get3A_724 = arith.index_cast %scan3A_73 : i32 to index
      %get3A_725 = arith.constant 640 : index
      %get3A_726 = tpu.vector_load %arg9[%get3A_724, %get3A_725] {strides = array<i32>} : memref<64x768xf32, #tpu.memory_space<vmem>>, vector<1x16xf32>,
      %get3A_727 = vector.shape_cast %get3A_726 : vector<1x16xf32> to vector<16xf32>
      %mul3A_728 = arith.mulf %get3A_727, %get3A_78 : vector<16xf32>
      %get3A_729 = arith.index_cast %scan3A_73 : i32 to index
      %get3A_730 = arith.constant 640 : index
      %get3A_731 = tpu.vector_load %arg10[%get3A_729, %get3A_730] {strides = array<i32>} : memref<64x768xf32, #tpu.memory_space<vmem>>, vector<1x16xf32>,
      %get3A_732 = vector.shape_cast %get3A_731 : vector<1x16xf32> to vector<16xf32>
      %mul3A_733 = arith.mulf %get3A_732, %get3A_84 : vector<16xf32>
      %add3A_734 = arith.addf %mul3A_728, %mul3A_733 : vector<16xf32>
      %swap3A_735 = arith.index_cast %scan3A_73 : i32 to index
      %swap3A_736 = arith.constant 640 : index
      %swap3A_737 = tpu.vector_load %arg9[%swap3A_735, %swap3A_736] {strides = array<i32>} : memref<64x768xf32, #tpu.memory_space<vmem>>, vector<1x16xf32>,
      %swap3A_738 = vector.shape_cast %swap3A_737 : vector<1x16xf32> to vector<16xf32>
      %swap3A_739 = vector.shape_cast %add3A_734 : vector<16xf32> to vector<1x16xf32>
      tpu.vector_store %arg9[%swap3A_735, %swap3A_736], %swap3A_739 {strides = array<i32>} : memref<64x768xf32, #tpu.memory_space<vmem>>, vector<1x16xf32>,
      %get3A_740 = arith.index_cast %scan3A_73 : i32 to index
      %get3A_741 = arith.constant 656 : index
      %get3A_742 = tpu.vector_load %arg9[%get3A_740, %get3A_741] {strides = array<i32>} : memref<64x768xf32, #tpu.memory_space<vmem>>, vector<1x16xf32>,
      %get3A_743 = vector.shape_cast %get3A_742 : vector<1x16xf32> to vector<16xf32>
      %mul3A_744 = arith.mulf %get3A_743, %get3A_78 : vector<16xf32>
      %get3A_745 = arith.index_cast %scan3A_73 : i32 to index
      %get3A_746 = arith.constant 656 : index
      %get3A_747 = tpu.vector_load %arg10[%get3A_745, %get3A_746] {strides = array<i32>} : memref<64x768xf32, #tpu.memory_space<vmem>>, vector<1x16xf32>,
      %get3A_748 = vector.shape_cast %get3A_747 : vector<1x16xf32> to vector<16xf32>
      %mul3A_749 = arith.mulf %get3A_748, %get3A_84 : vector<16xf32>
      %add3A_750 = arith.addf %mul3A_744, %mul3A_749 : vector<16xf32>
      %swap3A_751 = arith.index_cast %scan3A_73 : i32 to index
      %swap3A_752 = arith.constant 656 : index
      %swap3A_753 = tpu.vector_load %arg9[%swap3A_751, %swap3A_752] {strides = array<i32>} : memref<64x768xf32, #tpu.memory_space<vmem>>, vector<1x16xf32>,
      %swap3A_754 = vector.shape_cast %swap3A_753 : vector<1x16xf32> to vector<16xf32>
      %swap3A_755 = vector.shape_cast %add3A_750 : vector<16xf32> to vector<1x16xf32>
      tpu.vector_store %arg9[%swap3A_751, %swap3A_752], %swap3A_755 {strides = array<i32>} : memref<64x768xf32, #tpu.memory_space<vmem>>, vector<1x16xf32>,
      %get3A_756 = arith.index_cast %scan3A_73 : i32 to index
      %get3A_757 = arith.constant 672 : index
      %get3A_758 = tpu.vector_load %arg9[%get3A_756, %get3A_757] {strides = array<i32>} : memref<64x768xf32, #tpu.memory_space<vmem>>, vector<1x16xf32>,
      %get3A_759 = vector.shape_cast %get3A_758 : vector<1x16xf32> to vector<16xf32>
      %mul3A_760 = arith.mulf %get3A_759, %get3A_78 : vector<16xf32>
      %get3A_761 = arith.index_cast %scan3A_73 : i32 to index
      %get3A_762 = arith.constant 672 : index
      %get3A_763 = tpu.vector_load %arg10[%get3A_761, %get3A_762] {strides = array<i32>} : memref<64x768xf32, #tpu.memory_space<vmem>>, vector<1x16xf32>,
      %get3A_764 = vector.shape_cast %get3A_763 : vector<1x16xf32> to vector<16xf32>
      %mul3A_765 = arith.mulf %get3A_764, %get3A_84 : vector<16xf32>
      %add3A_766 = arith.addf %mul3A_760, %mul3A_765 : vector<16xf32>
      %swap3A_767 = arith.index_cast %scan3A_73 : i32 to index
      %swap3A_768 = arith.constant 672 : index
      %swap3A_769 = tpu.vector_load %arg9[%swap3A_767, %swap3A_768] {strides = array<i32>} : memref<64x768xf32, #tpu.memory_space<vmem>>, vector<1x16xf32>,
      %swap3A_770 = vector.shape_cast %swap3A_769 : vector<1x16xf32> to vector<16xf32>
      %swap3A_771 = vector.shape_cast %add3A_766 : vector<16xf32> to vector<1x16xf32>
      tpu.vector_store %arg9[%swap3A_767, %swap3A_768], %swap3A_771 {strides = array<i32>} : memref<64x768xf32, #tpu.memory_space<vmem>>, vector<1x16xf32>,
      %get3A_772 = arith.index_cast %scan3A_73 : i32 to index
      %get3A_773 = arith.constant 688 : index
      %get3A_774 = tpu.vector_load %arg9[%get3A_772, %get3A_773] {strides = array<i32>} : memref<64x768xf32, #tpu.memory_space<vmem>>, vector<1x16xf32>,
      %get3A_775 = vector.shape_cast %get3A_774 : vector<1x16xf32> to vector<16xf32>
      %mul3A_776 = arith.mulf %get3A_775, %get3A_78 : vector<16xf32>
      %get3A_777 = arith.index_cast %scan3A_73 : i32 to index
      %get3A_778 = arith.constant 688 : index
      %get3A_779 = tpu.vector_load %arg10[%get3A_777, %get3A_778] {strides = array<i32>} : memref<64x768xf32, #tpu.memory_space<vmem>>, vector<1x16xf32>,
      %get3A_780 = vector.shape_cast %get3A_779 : vector<1x16xf32> to vector<16xf32>
      %mul3A_781 = arith.mulf %get3A_780, %get3A_84 : vector<16xf32>
      %add3A_782 = arith.addf %mul3A_776, %mul3A_781 : vector<16xf32>
      %swap3A_783 = arith.index_cast %scan3A_73 : i32 to index
      %swap3A_784 = arith.constant 688 : index
      %swap3A_785 = tpu.vector_load %arg9[%swap3A_783, %swap3A_784] {strides = array<i32>} : memref<64x768xf32, #tpu.memory_space<vmem>>, vector<1x16xf32>,
      %swap3A_786 = vector.shape_cast %swap3A_785 : vector<1x16xf32> to vector<16xf32>
      %swap3A_787 = vector.shape_cast %add3A_782 : vector<16xf32> to vector<1x16xf32>
      tpu.vector_store %arg9[%swap3A_783, %swap3A_784], %swap3A_787 {strides = array<i32>} : memref<64x768xf32, #tpu.memory_space<vmem>>, vector<1x16xf32>,
      %get3A_788 = arith.index_cast %scan3A_73 : i32 to index
      %get3A_789 = arith.constant 704 : index
      %get3A_790 = tpu.vector_load %arg9[%get3A_788, %get3A_789] {strides = array<i32>} : memref<64x768xf32, #tpu.memory_space<vmem>>, vector<1x16xf32>,
      %get3A_791 = vector.shape_cast %get3A_790 : vector<1x16xf32> to vector<16xf32>
      %mul3A_792 = arith.mulf %get3A_791, %get3A_78 : vector<16xf32>
      %get3A_793 = arith.index_cast %scan3A_73 : i32 to index
      %get3A_794 = arith.constant 704 : index
      %get3A_795 = tpu.vector_load %arg10[%get3A_793, %get3A_794] {strides = array<i32>} : memref<64x768xf32, #tpu.memory_space<vmem>>, vector<1x16xf32>,
      %get3A_796 = vector.shape_cast %get3A_795 : vector<1x16xf32> to vector<16xf32>
      %mul3A_797 = arith.mulf %get3A_796, %get3A_84 : vector<16xf32>
      %add3A_798 = arith.addf %mul3A_792, %mul3A_797 : vector<16xf32>
      %swap3A_799 = arith.index_cast %scan3A_73 : i32 to index
      %swap3A_800 = arith.constant 704 : index
      %swap3A_801 = tpu.vector_load %arg9[%swap3A_799, %swap3A_800] {strides = array<i32>} : memref<64x768xf32, #tpu.memory_space<vmem>>, vector<1x16xf32>,
      %swap3A_802 = vector.shape_cast %swap3A_801 : vector<1x16xf32> to vector<16xf32>
      %swap3A_803 = vector.shape_cast %add3A_798 : vector<16xf32> to vector<1x16xf32>
      tpu.vector_store %arg9[%swap3A_799, %swap3A_800], %swap3A_803 {strides = array<i32>} : memref<64x768xf32, #tpu.memory_space<vmem>>, vector<1x16xf32>,
      %get3A_804 = arith.index_cast %scan3A_73 : i32 to index
      %get3A_805 = arith.constant 720 : index
      %get3A_806 = tpu.vector_load %arg9[%get3A_804, %get3A_805] {strides = array<i32>} : memref<64x768xf32, #tpu.memory_space<vmem>>, vector<1x16xf32>,
      %get3A_807 = vector.shape_cast %get3A_806 : vector<1x16xf32> to vector<16xf32>
      %mul3A_808 = arith.mulf %get3A_807, %get3A_78 : vector<16xf32>
      %get3A_809 = arith.index_cast %scan3A_73 : i32 to index
      %get3A_810 = arith.constant 720 : index
      %get3A_811 = tpu.vector_load %arg10[%get3A_809, %get3A_810] {strides = array<i32>} : memref<64x768xf32, #tpu.memory_space<vmem>>, vector<1x16xf32>,
      %get3A_812 = vector.shape_cast %get3A_811 : vector<1x16xf32> to vector<16xf32>
      %mul3A_813 = arith.mulf %get3A_812, %get3A_84 : vector<16xf32>
      %add3A_814 = arith.addf %mul3A_808, %mul3A_813 : vector<16xf32>
      %swap3A_815 = arith.index_cast %scan3A_73 : i32 to index
      %swap3A_816 = arith.constant 720 : index
      %swap3A_817 = tpu.vector_load %arg9[%swap3A_815, %swap3A_816] {strides = array<i32>} : memref<64x768xf32, #tpu.memory_space<vmem>>, vector<1x16xf32>,
      %swap3A_818 = vector.shape_cast %swap3A_817 : vector<1x16xf32> to vector<16xf32>
      %swap3A_819 = vector.shape_cast %add3A_814 : vector<16xf32> to vector<1x16xf32>
      tpu.vector_store %arg9[%swap3A_815, %swap3A_816], %swap3A_819 {strides = array<i32>} : memref<64x768xf32, #tpu.memory_space<vmem>>, vector<1x16xf32>,
      %get3A_820 = arith.index_cast %scan3A_73 : i32 to index
      %get3A_821 = arith.constant 736 : index
      %get3A_822 = tpu.vector_load %arg9[%get3A_820, %get3A_821] {strides = array<i32>} : memref<64x768xf32, #tpu.memory_space<vmem>>, vector<1x16xf32>,
      %get3A_823 = vector.shape_cast %get3A_822 : vector<1x16xf32> to vector<16xf32>
      %mul3A_824 = arith.mulf %get3A_823, %get3A_78 : vector<16xf32>
      %get3A_825 = arith.index_cast %scan3A_73 : i32 to index
      %get3A_826 = arith.constant 736 : index
      %get3A_827 = tpu.vector_load %arg10[%get3A_825, %get3A_826] {strides = array<i32>} : memref<64x768xf32, #tpu.memory_space<vmem>>, vector<1x16xf32>,
      %get3A_828 = vector.shape_cast %get3A_827 : vector<1x16xf32> to vector<16xf32>
      %mul3A_829 = arith.mulf %get3A_828, %get3A_84 : vector<16xf32>
      %add3A_830 = arith.addf %mul3A_824, %mul3A_829 : vector<16xf32>
      %swap3A_831 = arith.index_cast %scan3A_73 : i32 to index
      %swap3A_832 = arith.constant 736 : index
      %swap3A_833 = tpu.vector_load %arg9[%swap3A_831, %swap3A_832] {strides = array<i32>} : memref<64x768xf32, #tpu.memory_space<vmem>>, vector<1x16xf32>,
      %swap3A_834 = vector.shape_cast %swap3A_833 : vector<1x16xf32> to vector<16xf32>
      %swap3A_835 = vector.shape_cast %add3A_830 : vector<16xf32> to vector<1x16xf32>
      tpu.vector_store %arg9[%swap3A_831, %swap3A_832], %swap3A_835 {strides = array<i32>} : memref<64x768xf32, #tpu.memory_space<vmem>>, vector<1x16xf32>,
      %get3A_836 = arith.index_cast %scan3A_73 : i32 to index
      %get3A_837 = arith.constant 752 : index
      %get3A_838 = tpu.vector_load %arg9[%get3A_836, %get3A_837] {strides = array<i32>} : memref<64x768xf32, #tpu.memory_space<vmem>>, vector<1x16xf32>,
      %get3A_839 = vector.shape_cast %get3A_838 : vector<1x16xf32> to vector<16xf32>
      %mul3A_840 = arith.mulf %get3A_839, %get3A_78 : vector<16xf32>
      %get3A_841 = arith.index_cast %scan3A_73 : i32 to index
      %get3A_842 = arith.constant 752 : index
      %get3A_843 = tpu.vector_load %arg10[%get3A_841, %get3A_842] {strides = array<i32>} : memref<64x768xf32, #tpu.memory_space<vmem>>, vector<1x16xf32>,
      %get3A_844 = vector.shape_cast %get3A_843 : vector<1x16xf32> to vector<16xf32>
      %mul3A_845 = arith.mulf %get3A_844, %get3A_84 : vector<16xf32>
      %add3A_846 = arith.addf %mul3A_840, %mul3A_845 : vector<16xf32>
      %swap3A_847 = arith.index_cast %scan3A_73 : i32 to index
      %swap3A_848 = arith.constant 752 : index
      %swap3A_849 = tpu.vector_load %arg9[%swap3A_847, %swap3A_848] {strides = array<i32>} : memref<64x768xf32, #tpu.memory_space<vmem>>, vector<1x16xf32>,
      %swap3A_850 = vector.shape_cast %swap3A_849 : vector<1x16xf32> to vector<16xf32>
      %swap3A_851 = vector.shape_cast %add3A_846 : vector<16xf32> to vector<1x16xf32>
      tpu.vector_store %arg9[%swap3A_847, %swap3A_848], %swap3A_851 {strides = array<i32>} : memref<64x768xf32, #tpu.memory_space<vmem>>, vector<1x16xf32>,
    }
    %scan3A_34 = arith.constant 64 : i32
    %add3A_35 = arith.constant 0 : i32
    %add3A_36 = arith.addi %mul3A_2, %add3A_35 : i32
    "tpu.region"() ({
      %run_scoped3A_73 = tpu.sem_alloc : memref<!tpu.dma_semaphore, #tpu.memory_space<semaphore_mem>>
      %dma_start3A_74 = arith.constant 0 : i32
      %dma_start3A_75 = tpu.memref_slice %arg5[%add3A_36, %dma_start3A_74] : memref<4096x768xf32, #tpu.memory_space<hbm>> -> memref<64x768xf32, #tpu.memory_space<hbm>>
      %dma_start3A_76 = arith.constant 0 : i32
      %dma_start3A_77 = tpu.memref_slice %arg5[%add3A_36, %dma_start3A_76] : memref<4096x768xf32, #tpu.memory_space<hbm>> -> memref<64x768xf32, #tpu.memory_space<hbm>>
      tpu.enqueue_dma source(%arg9 : memref<64x768xf32, #tpu.memory_space<vmem>>) target(%dma_start3A_77 : memref<64x768xf32, #tpu.memory_space<hbm>>) target_semaphore(%run_scoped3A_73 : memref<!tpu.dma_semaphore, #tpu.memory_space<semaphore_mem>>)
      %dma_wait3A_78 = arith.constant 0 : i32
      %dma_wait3A_79 = tpu.memref_slice %arg5[%add3A_36, %dma_wait3A_78] : memref<4096x768xf32, #tpu.memory_space<hbm>> -> memref<64x768xf32, #tpu.memory_space<hbm>>
      %dma_wait3A_80 = arith.constant 0 : i32
      %dma_wait3A_81 = tpu.memref_slice %arg5[%add3A_36, %dma_wait3A_80] : memref<4096x768xf32, #tpu.memory_space<hbm>> -> memref<64x768xf32, #tpu.memory_space<hbm>>
      tpu.wait_dma2 semaphore(%run_scoped3A_73 : memref<!tpu.dma_semaphore, #tpu.memory_space<semaphore_mem>>) src(%arg9 : memref<64x768xf32, #tpu.memory_space<vmem>>) dst(%dma_wait3A_81 : memref<64x768xf32, #tpu.memory_space<hbm>>)
      tpu.yield
    }) : () -> ()
    %dma_start3A_37 = arith.constant 1 : i32
    %dma_start3A_38 = arith.constant 0 : i32
    %dma_start3A_39 = tpu.memref_slice %arg6[%dma_start3A_37, %dma_start3A_38] : memref<2x64xi32, #tpu.memory_space<vmem>> -> memref<1x64xi32, #tpu.memory_space<vmem>>
    %dma_start3A_40 = tpu.memref_squeeze %dma_start3A_39 : memref<1x64xi32, #tpu.memory_space<vmem>> -> memref<64xi32, #tpu.memory_space<vmem>>
    %dma_start3A_41 = arith.constant 0 : i32
    %dma_start3A_42 = arith.constant 0 : i32
    %dma_start3A_43 = tpu.memref_slice %arg2[%dma_start3A_41, %dma_start3A_42] : memref<8192x768xf32, #tpu.memory_space<hbm>> -> memref<8192x768xf32, #tpu.memory_space<hbm>>
    tpu.enqueue_indirect_dma source(%dma_start3A_43 : memref<8192x768xf32, #tpu.memory_space<hbm>>) target(%arg9 : memref<64x768xf32, #tpu.memory_space<vmem>>) offsets(%dma_start3A_40 : memref<64xi32, #tpu.memory_space<vmem>>) semaphore(%arg11 : memref<!tpu.dma_semaphore, #tpu.memory_space<semaphore_mem>>)
    %dma_start3A_44 = arith.constant 1 : i32
    %dma_start3A_45 = arith.constant 0 : i32
    %dma_start3A_46 = tpu.memref_slice %arg7[%dma_start3A_44, %dma_start3A_45] : memref<2x64xi32, #tpu.memory_space<vmem>> -> memref<1x64xi32, #tpu.memory_space<vmem>>
    %dma_start3A_47 = tpu.memref_squeeze %dma_start3A_46 : memref<1x64xi32, #tpu.memory_space<vmem>> -> memref<64xi32, #tpu.memory_space<vmem>>
    %dma_start3A_48 = arith.constant 0 : i32
    %dma_start3A_49 = arith.constant 0 : i32
    %dma_start3A_50 = tpu.memref_slice %arg2[%dma_start3A_48, %dma_start3A_49] : memref<8192x768xf32, #tpu.memory_space<hbm>> -> memref<8192x768xf32, #tpu.memory_space<hbm>>
    tpu.enqueue_indirect_dma source(%dma_start3A_50 : memref<8192x768xf32, #tpu.memory_space<hbm>>) target(%arg10 : memref<64x768xf32, #tpu.memory_space<vmem>>) offsets(%dma_start3A_47 : memref<64xi32, #tpu.memory_space<vmem>>) semaphore(%arg12 : memref<!tpu.dma_semaphore, #tpu.memory_space<semaphore_mem>>)
    %dma_wait3A_51 = arith.constant 1 : i32
    %dma_wait3A_52 = arith.constant 0 : i32
    %dma_wait3A_53 = tpu.memref_slice %arg6[%dma_wait3A_51, %dma_wait3A_52] : memref<2x64xi32, #tpu.memory_space<vmem>> -> memref<1x64xi32, #tpu.memory_space<vmem>>
    %dma_wait3A_54 = tpu.memref_squeeze %dma_wait3A_53 : memref<1x64xi32, #tpu.memory_space<vmem>> -> memref<64xi32, #tpu.memory_space<vmem>>
    %dma_wait3A_55 = arith.constant 0 : i32
    %dma_wait3A_56 = arith.constant 0 : i32
    %dma_wait3A_57 = tpu.memref_slice %arg2[%dma_wait3A_55, %dma_wait3A_56] : memref<8192x768xf32, #tpu.memory_space<hbm>> -> memref<8192x768xf32, #tpu.memory_space<hbm>>
    tpu.wait_indirect_dma semaphore(%arg11 : memref<!tpu.dma_semaphore, #tpu.memory_space<semaphore_mem>>) src(%dma_wait3A_57 : memref<8192x768xf32, #tpu.memory_space<hbm>>) dst(%arg9 : memref<64x768xf32, #tpu.memory_space<vmem>>)
    %dma_wait3A_58 = arith.constant 1 : i32
    %dma_wait3A_59 = arith.constant 0 : i32
    %dma_wait3A_60 = tpu.memref_slice %arg7[%dma_wait3A_58, %dma_wait3A_59] : memref<2x64xi32, #tpu.memory_space<vmem>> -> memref<1x64xi32, #tpu.memory_space<vmem>>
    %dma_wait3A_61 = tpu.memref_squeeze %dma_wait3A_60 : memref<1x64xi32, #tpu.memory_space<vmem>> -> memref<64xi32, #tpu.memory_space<vmem>>
    %dma_wait3A_62 = arith.constant 0 : i32
    %dma_wait3A_63 = arith.constant 0 : i32
    %dma_wait3A_64 = tpu.memref_slice %arg2[%dma_wait3A_62, %dma_wait3A_63] : memref<8192x768xf32, #tpu.memory_space<hbm>> -> memref<8192x768xf32, #tpu.memory_space<hbm>>
    tpu.wait_indirect_dma semaphore(%arg12 : memref<!tpu.dma_semaphore, #tpu.memory_space<semaphore_mem>>) src(%dma_wait3A_64 : memref<8192x768xf32, #tpu.memory_space<hbm>>) dst(%arg10 : memref<64x768xf32, #tpu.memory_space<vmem>>)
    %scan3A_65 = arith.constant 0 : i32
    %scan3A_66 = arith.constant 0 : i32
    %scan3A_67 = arith.constant 64 : i32
    %scan3A_68 = arith.addi %scan3A_66, %scan3A_67 : i32
    %scan3A_69 = arith.constant 1 : i32
    scf.for %scan3A_73 = %scan3A_66 to %scan3A_68 step %scan3A_69  : i32 {
      %get3A = arith.constant 1 : i32
      %get3A_74 = arith.index_cast %get3A : i32 to index
      %get3A_75 = arith.index_cast %scan3A_73 : i32 to index
      %get3A_76 = arith.constant 0 : index
      %get3A_77 = tpu.vector_load %arg8[%get3A_74, %get3A_75, %get3A_76] {strides = array<i32>} : memref<2x64x32xf32, #tpu.memory_space<vmem>>, vector<1x1x16xf32>,
      %get3A_78 = vector.shape_cast %get3A_77 : vector<1x1x16xf32> to vector<16xf32>
      %get3A_79 = arith.constant 1 : i32
      %get3A_80 = arith.index_cast %get3A_79 : i32 to index
      %get3A_81 = arith.index_cast %scan3A_73 : i32 to index
      %get3A_82 = arith.constant 16 : index
      %get3A_83 = tpu.vector_load %arg8[%get3A_80, %get3A_81, %get3A_82] {strides = array<i32>} : memref<2x64x32xf32, #tpu.memory_space<vmem>>, vector<1x1x16xf32>,
      %get3A_84 = vector.shape_cast %get3A_83 : vector<1x1x16xf32> to vector<16xf32>
      %get3A_85 = arith.index_cast %scan3A_73 : i32 to index
      %get3A_86 = arith.constant 0 : index
      %get3A_87 = tpu.vector_load %arg9[%get3A_85, %get3A_86] {strides = array<i32>} : memref<64x768xf32, #tpu.memory_space<vmem>>, vector<1x16xf32>,
      %get3A_88 = vector.shape_cast %get3A_87 : vector<1x16xf32> to vector<16xf32>
      %mul3A_89 = arith.mulf %get3A_88, %get3A_78 : vector<16xf32>
      %get3A_90 = arith.index_cast %scan3A_73 : i32 to index
      %get3A_91 = arith.constant 0 : index
      %get3A_92 = tpu.vector_load %arg10[%get3A_90, %get3A_91] {strides = array<i32>} : memref<64x768xf32, #tpu.memory_space<vmem>>, vector<1x16xf32>,
      %get3A_93 = vector.shape_cast %get3A_92 : vector<1x16xf32> to vector<16xf32>
      %mul3A_94 = arith.mulf %get3A_93, %get3A_84 : vector<16xf32>
      %add3A_95 = arith.addf %mul3A_89, %mul3A_94 : vector<16xf32>
      %swap3A = arith.index_cast %scan3A_73 : i32 to index
      %swap3A_96 = arith.constant 0 : index
      %swap3A_97 = tpu.vector_load %arg9[%swap3A, %swap3A_96] {strides = array<i32>} : memref<64x768xf32, #tpu.memory_space<vmem>>, vector<1x16xf32>,
      %swap3A_98 = vector.shape_cast %swap3A_97 : vector<1x16xf32> to vector<16xf32>
      %swap3A_99 = vector.shape_cast %add3A_95 : vector<16xf32> to vector<1x16xf32>
      tpu.vector_store %arg9[%swap3A, %swap3A_96], %swap3A_99 {strides = array<i32>} : memref<64x768xf32, #tpu.memory_space<vmem>>, vector<1x16xf32>,
      %get3A_100 = arith.index_cast %scan3A_73 : i32 to index
      %get3A_101 = arith.constant 16 : index
      %get3A_102 = tpu.vector_load %arg9[%get3A_100, %get3A_101] {strides = array<i32>} : memref<64x768xf32, #tpu.memory_space<vmem>>, vector<1x16xf32>,
      %get3A_103 = vector.shape_cast %get3A_102 : vector<1x16xf32> to vector<16xf32>
      %mul3A_104 = arith.mulf %get3A_103, %get3A_78 : vector<16xf32>
      %get3A_105 = arith.index_cast %scan3A_73 : i32 to index
      %get3A_106 = arith.constant 16 : index
      %get3A_107 = tpu.vector_load %arg10[%get3A_105, %get3A_106] {strides = array<i32>} : memref<64x768xf32, #tpu.memory_space<vmem>>, vector<1x16xf32>,
      %get3A_108 = vector.shape_cast %get3A_107 : vector<1x16xf32> to vector<16xf32>
      %mul3A_109 = arith.mulf %get3A_108, %get3A_84 : vector<16xf32>
      %add3A_110 = arith.addf %mul3A_104, %mul3A_109 : vector<16xf32>
      %swap3A_111 = arith.index_cast %scan3A_73 : i32 to index
      %swap3A_112 = arith.constant 16 : index
      %swap3A_113 = tpu.vector_load %arg9[%swap3A_111, %swap3A_112] {strides = array<i32>} : memref<64x768xf32, #tpu.memory_space<vmem>>, vector<1x16xf32>,
      %swap3A_114 = vector.shape_cast %swap3A_113 : vector<1x16xf32> to vector<16xf32>
      %swap3A_115 = vector.shape_cast %add3A_110 : vector<16xf32> to vector<1x16xf32>
      tpu.vector_store %arg9[%swap3A_111, %swap3A_112], %swap3A_115 {strides = array<i32>} : memref<64x768xf32, #tpu.memory_space<vmem>>, vector<1x16xf32>,
      %get3A_116 = arith.index_cast %scan3A_73 : i32 to index
      %get3A_117 = arith.constant 32 : index
      %get3A_118 = tpu.vector_load %arg9[%get3A_116, %get3A_117] {strides = array<i32>} : memref<64x768xf32, #tpu.memory_space<vmem>>, vector<1x16xf32>,
      %get3A_119 = vector.shape_cast %get3A_118 : vector<1x16xf32> to vector<16xf32>
      %mul3A_120 = arith.mulf %get3A_119, %get3A_78 : vector<16xf32>
      %get3A_121 = arith.index_cast %scan3A_73 : i32 to index
      %get3A_122 = arith.constant 32 : index
      %get3A_123 = tpu.vector_load %arg10[%get3A_121, %get3A_122] {strides = array<i32>} : memref<64x768xf32, #tpu.memory_space<vmem>>, vector<1x16xf32>,
      %get3A_124 = vector.shape_cast %get3A_123 : vector<1x16xf32> to vector<16xf32>
      %mul3A_125 = arith.mulf %get3A_124, %get3A_84 : vector<16xf32>
      %add3A_126 = arith.addf %mul3A_120, %mul3A_125 : vector<16xf32>
      %swap3A_127 = arith.index_cast %scan3A_73 : i32 to index
      %swap3A_128 = arith.constant 32 : index
      %swap3A_129 = tpu.vector_load %arg9[%swap3A_127, %swap3A_128] {strides = array<i32>} : memref<64x768xf32, #tpu.memory_space<vmem>>, vector<1x16xf32>,
      %swap3A_130 = vector.shape_cast %swap3A_129 : vector<1x16xf32> to vector<16xf32>
      %swap3A_131 = vector.shape_cast %add3A_126 : vector<16xf32> to vector<1x16xf32>
      tpu.vector_store %arg9[%swap3A_127, %swap3A_128], %swap3A_131 {strides = array<i32>} : memref<64x768xf32, #tpu.memory_space<vmem>>, vector<1x16xf32>,
      %get3A_132 = arith.index_cast %scan3A_73 : i32 to index
      %get3A_133 = arith.constant 48 : index
      %get3A_134 = tpu.vector_load %arg9[%get3A_132, %get3A_133] {strides = array<i32>} : memref<64x768xf32, #tpu.memory_space<vmem>>, vector<1x16xf32>,
      %get3A_135 = vector.shape_cast %get3A_134 : vector<1x16xf32> to vector<16xf32>
      %mul3A_136 = arith.mulf %get3A_135, %get3A_78 : vector<16xf32>
      %get3A_137 = arith.index_cast %scan3A_73 : i32 to index
      %get3A_138 = arith.constant 48 : index
      %get3A_139 = tpu.vector_load %arg10[%get3A_137, %get3A_138] {strides = array<i32>} : memref<64x768xf32, #tpu.memory_space<vmem>>, vector<1x16xf32>,
      %get3A_140 = vector.shape_cast %get3A_139 : vector<1x16xf32> to vector<16xf32>
      %mul3A_141 = arith.mulf %get3A_140, %get3A_84 : vector<16xf32>
      %add3A_142 = arith.addf %mul3A_136, %mul3A_141 : vector<16xf32>
      %swap3A_143 = arith.index_cast %scan3A_73 : i32 to index
      %swap3A_144 = arith.constant 48 : index
      %swap3A_145 = tpu.vector_load %arg9[%swap3A_143, %swap3A_144] {strides = array<i32>} : memref<64x768xf32, #tpu.memory_space<vmem>>, vector<1x16xf32>,
      %swap3A_146 = vector.shape_cast %swap3A_145 : vector<1x16xf32> to vector<16xf32>
      %swap3A_147 = vector.shape_cast %add3A_142 : vector<16xf32> to vector<1x16xf32>
      tpu.vector_store %arg9[%swap3A_143, %swap3A_144], %swap3A_147 {strides = array<i32>} : memref<64x768xf32, #tpu.memory_space<vmem>>, vector<1x16xf32>,
      %get3A_148 = arith.index_cast %scan3A_73 : i32 to index
      %get3A_149 = arith.constant 64 : index
      %get3A_150 = tpu.vector_load %arg9[%get3A_148, %get3A_149] {strides = array<i32>} : memref<64x768xf32, #tpu.memory_space<vmem>>, vector<1x16xf32>,
      %get3A_151 = vector.shape_cast %get3A_150 : vector<1x16xf32> to vector<16xf32>
      %mul3A_152 = arith.mulf %get3A_151, %get3A_78 : vector<16xf32>
      %get3A_153 = arith.index_cast %scan3A_73 : i32 to index
      %get3A_154 = arith.constant 64 : index
      %get3A_155 = tpu.vector_load %arg10[%get3A_153, %get3A_154] {strides = array<i32>} : memref<64x768xf32, #tpu.memory_space<vmem>>, vector<1x16xf32>,
      %get3A_156 = vector.shape_cast %get3A_155 : vector<1x16xf32> to vector<16xf32>
      %mul3A_157 = arith.mulf %get3A_156, %get3A_84 : vector<16xf32>
      %add3A_158 = arith.addf %mul3A_152, %mul3A_157 : vector<16xf32>
      %swap3A_159 = arith.index_cast %scan3A_73 : i32 to index
      %swap3A_160 = arith.constant 64 : index
      %swap3A_161 = tpu.vector_load %arg9[%swap3A_159, %swap3A_160] {strides = array<i32>} : memref<64x768xf32, #tpu.memory_space<vmem>>, vector<1x16xf32>,
      %swap3A_162 = vector.shape_cast %swap3A_161 : vector<1x16xf32> to vector<16xf32>
      %swap3A_163 = vector.shape_cast %add3A_158 : vector<16xf32> to vector<1x16xf32>
      tpu.vector_store %arg9[%swap3A_159, %swap3A_160], %swap3A_163 {strides = array<i32>} : memref<64x768xf32, #tpu.memory_space<vmem>>, vector<1x16xf32>,
      %get3A_164 = arith.index_cast %scan3A_73 : i32 to index
      %get3A_165 = arith.constant 80 : index
      %get3A_166 = tpu.vector_load %arg9[%get3A_164, %get3A_165] {strides = array<i32>} : memref<64x768xf32, #tpu.memory_space<vmem>>, vector<1x16xf32>,
      %get3A_167 = vector.shape_cast %get3A_166 : vector<1x16xf32> to vector<16xf32>
      %mul3A_168 = arith.mulf %get3A_167, %get3A_78 : vector<16xf32>
      %get3A_169 = arith.index_cast %scan3A_73 : i32 to index
      %get3A_170 = arith.constant 80 : index
      %get3A_171 = tpu.vector_load %arg10[%get3A_169, %get3A_170] {strides = array<i32>} : memref<64x768xf32, #tpu.memory_space<vmem>>, vector<1x16xf32>,
      %get3A_172 = vector.shape_cast %get3A_171 : vector<1x16xf32> to vector<16xf32>
      %mul3A_173 = arith.mulf %get3A_172, %get3A_84 : vector<16xf32>
      %add3A_174 = arith.addf %mul3A_168, %mul3A_173 : vector<16xf32>
      %swap3A_175 = arith.index_cast %scan3A_73 : i32 to index
      %swap3A_176 = arith.constant 80 : index
      %swap3A_177 = tpu.vector_load %arg9[%swap3A_175, %swap3A_176] {strides = array<i32>} : memref<64x768xf32, #tpu.memory_space<vmem>>, vector<1x16xf32>,
      %swap3A_178 = vector.shape_cast %swap3A_177 : vector<1x16xf32> to vector<16xf32>
      %swap3A_179 = vector.shape_cast %add3A_174 : vector<16xf32> to vector<1x16xf32>
      tpu.vector_store %arg9[%swap3A_175, %swap3A_176], %swap3A_179 {strides = array<i32>} : memref<64x768xf32, #tpu.memory_space<vmem>>, vector<1x16xf32>,
      %get3A_180 = arith.index_cast %scan3A_73 : i32 to index
      %get3A_181 = arith.constant 96 : index
      %get3A_182 = tpu.vector_load %arg9[%get3A_180, %get3A_181] {strides = array<i32>} : memref<64x768xf32, #tpu.memory_space<vmem>>, vector<1x16xf32>,
      %get3A_183 = vector.shape_cast %get3A_182 : vector<1x16xf32> to vector<16xf32>
      %mul3A_184 = arith.mulf %get3A_183, %get3A_78 : vector<16xf32>
      %get3A_185 = arith.index_cast %scan3A_73 : i32 to index
      %get3A_186 = arith.constant 96 : index
      %get3A_187 = tpu.vector_load %arg10[%get3A_185, %get3A_186] {strides = array<i32>} : memref<64x768xf32, #tpu.memory_space<vmem>>, vector<1x16xf32>,
      %get3A_188 = vector.shape_cast %get3A_187 : vector<1x16xf32> to vector<16xf32>
      %mul3A_189 = arith.mulf %get3A_188, %get3A_84 : vector<16xf32>
      %add3A_190 = arith.addf %mul3A_184, %mul3A_189 : vector<16xf32>
      %swap3A_191 = arith.index_cast %scan3A_73 : i32 to index
      %swap3A_192 = arith.constant 96 : index
      %swap3A_193 = tpu.vector_load %arg9[%swap3A_191, %swap3A_192] {strides = array<i32>} : memref<64x768xf32, #tpu.memory_space<vmem>>, vector<1x16xf32>,
      %swap3A_194 = vector.shape_cast %swap3A_193 : vector<1x16xf32> to vector<16xf32>
      %swap3A_195 = vector.shape_cast %add3A_190 : vector<16xf32> to vector<1x16xf32>
      tpu.vector_store %arg9[%swap3A_191, %swap3A_192], %swap3A_195 {strides = array<i32>} : memref<64x768xf32, #tpu.memory_space<vmem>>, vector<1x16xf32>,
      %get3A_196 = arith.index_cast %scan3A_73 : i32 to index
      %get3A_197 = arith.constant 112 : index
      %get3A_198 = tpu.vector_load %arg9[%get3A_196, %get3A_197] {strides = array<i32>} : memref<64x768xf32, #tpu.memory_space<vmem>>, vector<1x16xf32>,
      %get3A_199 = vector.shape_cast %get3A_198 : vector<1x16xf32> to vector<16xf32>
      %mul3A_200 = arith.mulf %get3A_199, %get3A_78 : vector<16xf32>
      %get3A_201 = arith.index_cast %scan3A_73 : i32 to index
      %get3A_202 = arith.constant 112 : index
      %get3A_203 = tpu.vector_load %arg10[%get3A_201, %get3A_202] {strides = array<i32>} : memref<64x768xf32, #tpu.memory_space<vmem>>, vector<1x16xf32>,
      %get3A_204 = vector.shape_cast %get3A_203 : vector<1x16xf32> to vector<16xf32>
      %mul3A_205 = arith.mulf %get3A_204, %get3A_84 : vector<16xf32>
      %add3A_206 = arith.addf %mul3A_200, %mul3A_205 : vector<16xf32>
      %swap3A_207 = arith.index_cast %scan3A_73 : i32 to index
      %swap3A_208 = arith.constant 112 : index
      %swap3A_209 = tpu.vector_load %arg9[%swap3A_207, %swap3A_208] {strides = array<i32>} : memref<64x768xf32, #tpu.memory_space<vmem>>, vector<1x16xf32>,
      %swap3A_210 = vector.shape_cast %swap3A_209 : vector<1x16xf32> to vector<16xf32>
      %swap3A_211 = vector.shape_cast %add3A_206 : vector<16xf32> to vector<1x16xf32>
      tpu.vector_store %arg9[%swap3A_207, %swap3A_208], %swap3A_211 {strides = array<i32>} : memref<64x768xf32, #tpu.memory_space<vmem>>, vector<1x16xf32>,
      %get3A_212 = arith.index_cast %scan3A_73 : i32 to index
      %get3A_213 = arith.constant 128 : index
      %get3A_214 = tpu.vector_load %arg9[%get3A_212, %get3A_213] {strides = array<i32>} : memref<64x768xf32, #tpu.memory_space<vmem>>, vector<1x16xf32>,
      %get3A_215 = vector.shape_cast %get3A_214 : vector<1x16xf32> to vector<16xf32>
      %mul3A_216 = arith.mulf %get3A_215, %get3A_78 : vector<16xf32>
      %get3A_217 = arith.index_cast %scan3A_73 : i32 to index
      %get3A_218 = arith.constant 128 : index
      %get3A_219 = tpu.vector_load %arg10[%get3A_217, %get3A_218] {strides = array<i32>} : memref<64x768xf32, #tpu.memory_space<vmem>>, vector<1x16xf32>,
      %get3A_220 = vector.shape_cast %get3A_219 : vector<1x16xf32> to vector<16xf32>
      %mul3A_221 = arith.mulf %get3A_220, %get3A_84 : vector<16xf32>
      %add3A_222 = arith.addf %mul3A_216, %mul3A_221 : vector<16xf32>
      %swap3A_223 = arith.index_cast %scan3A_73 : i32 to index
      %swap3A_224 = arith.constant 128 : index
      %swap3A_225 = tpu.vector_load %arg9[%swap3A_223, %swap3A_224] {strides = array<i32>} : memref<64x768xf32, #tpu.memory_space<vmem>>, vector<1x16xf32>,
      %swap3A_226 = vector.shape_cast %swap3A_225 : vector<1x16xf32> to vector<16xf32>
      %swap3A_227 = vector.shape_cast %add3A_222 : vector<16xf32> to vector<1x16xf32>
      tpu.vector_store %arg9[%swap3A_223, %swap3A_224], %swap3A_227 {strides = array<i32>} : memref<64x768xf32, #tpu.memory_space<vmem>>, vector<1x16xf32>,
      %get3A_228 = arith.index_cast %scan3A_73 : i32 to index
      %get3A_229 = arith.constant 144 : index
      %get3A_230 = tpu.vector_load %arg9[%get3A_228, %get3A_229] {strides = array<i32>} : memref<64x768xf32, #tpu.memory_space<vmem>>, vector<1x16xf32>,
      %get3A_231 = vector.shape_cast %get3A_230 : vector<1x16xf32> to vector<16xf32>
      %mul3A_232 = arith.mulf %get3A_231, %get3A_78 : vector<16xf32>
      %get3A_233 = arith.index_cast %scan3A_73 : i32 to index
      %get3A_234 = arith.constant 144 : index
      %get3A_235 = tpu.vector_load %arg10[%get3A_233, %get3A_234] {strides = array<i32>} : memref<64x768xf32, #tpu.memory_space<vmem>>, vector<1x16xf32>,
      %get3A_236 = vector.shape_cast %get3A_235 : vector<1x16xf32> to vector<16xf32>
      %mul3A_237 = arith.mulf %get3A_236, %get3A_84 : vector<16xf32>
      %add3A_238 = arith.addf %mul3A_232, %mul3A_237 : vector<16xf32>
      %swap3A_239 = arith.index_cast %scan3A_73 : i32 to index
      %swap3A_240 = arith.constant 144 : index
      %swap3A_241 = tpu.vector_load %arg9[%swap3A_239, %swap3A_240] {strides = array<i32>} : memref<64x768xf32, #tpu.memory_space<vmem>>, vector<1x16xf32>,
      %swap3A_242 = vector.shape_cast %swap3A_241 : vector<1x16xf32> to vector<16xf32>
      %swap3A_243 = vector.shape_cast %add3A_238 : vector<16xf32> to vector<1x16xf32>
      tpu.vector_store %arg9[%swap3A_239, %swap3A_240], %swap3A_243 {strides = array<i32>} : memref<64x768xf32, #tpu.memory_space<vmem>>, vector<1x16xf32>,
      %get3A_244 = arith.index_cast %scan3A_73 : i32 to index
      %get3A_245 = arith.constant 160 : index
      %get3A_246 = tpu.vector_load %arg9[%get3A_244, %get3A_245] {strides = array<i32>} : memref<64x768xf32, #tpu.memory_space<vmem>>, vector<1x16xf32>,
      %get3A_247 = vector.shape_cast %get3A_246 : vector<1x16xf32> to vector<16xf32>
      %mul3A_248 = arith.mulf %get3A_247, %get3A_78 : vector<16xf32>
      %get3A_249 = arith.index_cast %scan3A_73 : i32 to index
      %get3A_250 = arith.constant 160 : index
      %get3A_251 = tpu.vector_load %arg10[%get3A_249, %get3A_250] {strides = array<i32>} : memref<64x768xf32, #tpu.memory_space<vmem>>, vector<1x16xf32>,
      %get3A_252 = vector.shape_cast %get3A_251 : vector<1x16xf32> to vector<16xf32>
      %mul3A_253 = arith.mulf %get3A_252, %get3A_84 : vector<16xf32>
      %add3A_254 = arith.addf %mul3A_248, %mul3A_253 : vector<16xf32>
      %swap3A_255 = arith.index_cast %scan3A_73 : i32 to index
      %swap3A_256 = arith.constant 160 : index
      %swap3A_257 = tpu.vector_load %arg9[%swap3A_255, %swap3A_256] {strides = array<i32>} : memref<64x768xf32, #tpu.memory_space<vmem>>, vector<1x16xf32>,
      %swap3A_258 = vector.shape_cast %swap3A_257 : vector<1x16xf32> to vector<16xf32>
      %swap3A_259 = vector.shape_cast %add3A_254 : vector<16xf32> to vector<1x16xf32>
      tpu.vector_store %arg9[%swap3A_255, %swap3A_256], %swap3A_259 {strides = array<i32>} : memref<64x768xf32, #tpu.memory_space<vmem>>, vector<1x16xf32>,
      %get3A_260 = arith.index_cast %scan3A_73 : i32 to index
      %get3A_261 = arith.constant 176 : index
      %get3A_262 = tpu.vector_load %arg9[%get3A_260, %get3A_261] {strides = array<i32>} : memref<64x768xf32, #tpu.memory_space<vmem>>, vector<1x16xf32>,
      %get3A_263 = vector.shape_cast %get3A_262 : vector<1x16xf32> to vector<16xf32>
      %mul3A_264 = arith.mulf %get3A_263, %get3A_78 : vector<16xf32>
      %get3A_265 = arith.index_cast %scan3A_73 : i32 to index
      %get3A_266 = arith.constant 176 : index
      %get3A_267 = tpu.vector_load %arg10[%get3A_265, %get3A_266] {strides = array<i32>} : memref<64x768xf32, #tpu.memory_space<vmem>>, vector<1x16xf32>,
      %get3A_268 = vector.shape_cast %get3A_267 : vector<1x16xf32> to vector<16xf32>
      %mul3A_269 = arith.mulf %get3A_268, %get3A_84 : vector<16xf32>
      %add3A_270 = arith.addf %mul3A_264, %mul3A_269 : vector<16xf32>
      %swap3A_271 = arith.index_cast %scan3A_73 : i32 to index
      %swap3A_272 = arith.constant 176 : index
      %swap3A_273 = tpu.vector_load %arg9[%swap3A_271, %swap3A_272] {strides = array<i32>} : memref<64x768xf32, #tpu.memory_space<vmem>>, vector<1x16xf32>,
      %swap3A_274 = vector.shape_cast %swap3A_273 : vector<1x16xf32> to vector<16xf32>
      %swap3A_275 = vector.shape_cast %add3A_270 : vector<16xf32> to vector<1x16xf32>
      tpu.vector_store %arg9[%swap3A_271, %swap3A_272], %swap3A_275 {strides = array<i32>} : memref<64x768xf32, #tpu.memory_space<vmem>>, vector<1x16xf32>,
      %get3A_276 = arith.index_cast %scan3A_73 : i32 to index
      %get3A_277 = arith.constant 192 : index
      %get3A_278 = tpu.vector_load %arg9[%get3A_276, %get3A_277] {strides = array<i32>} : memref<64x768xf32, #tpu.memory_space<vmem>>, vector<1x16xf32>,
      %get3A_279 = vector.shape_cast %get3A_278 : vector<1x16xf32> to vector<16xf32>
      %mul3A_280 = arith.mulf %get3A_279, %get3A_78 : vector<16xf32>
      %get3A_281 = arith.index_cast %scan3A_73 : i32 to index
      %get3A_282 = arith.constant 192 : index
      %get3A_283 = tpu.vector_load %arg10[%get3A_281, %get3A_282] {strides = array<i32>} : memref<64x768xf32, #tpu.memory_space<vmem>>, vector<1x16xf32>,
      %get3A_284 = vector.shape_cast %get3A_283 : vector<1x16xf32> to vector<16xf32>
      %mul3A_285 = arith.mulf %get3A_284, %get3A_84 : vector<16xf32>
      %add3A_286 = arith.addf %mul3A_280, %mul3A_285 : vector<16xf32>
      %swap3A_287 = arith.index_cast %scan3A_73 : i32 to index
      %swap3A_288 = arith.constant 192 : index
      %swap3A_289 = tpu.vector_load %arg9[%swap3A_287, %swap3A_288] {strides = array<i32>} : memref<64x768xf32, #tpu.memory_space<vmem>>, vector<1x16xf32>,
      %swap3A_290 = vector.shape_cast %swap3A_289 : vector<1x16xf32> to vector<16xf32>
      %swap3A_291 = vector.shape_cast %add3A_286 : vector<16xf32> to vector<1x16xf32>
      tpu.vector_store %arg9[%swap3A_287, %swap3A_288], %swap3A_291 {strides = array<i32>} : memref<64x768xf32, #tpu.memory_space<vmem>>, vector<1x16xf32>,
      %get3A_292 = arith.index_cast %scan3A_73 : i32 to index
      %get3A_293 = arith.constant 208 : index
      %get3A_294 = tpu.vector_load %arg9[%get3A_292, %get3A_293] {strides = array<i32>} : memref<64x768xf32, #tpu.memory_space<vmem>>, vector<1x16xf32>,
      %get3A_295 = vector.shape_cast %get3A_294 : vector<1x16xf32> to vector<16xf32>
      %mul3A_296 = arith.mulf %get3A_295, %get3A_78 : vector<16xf32>
      %get3A_297 = arith.index_cast %scan3A_73 : i32 to index
      %get3A_298 = arith.constant 208 : index
      %get3A_299 = tpu.vector_load %arg10[%get3A_297, %get3A_298] {strides = array<i32>} : memref<64x768xf32, #tpu.memory_space<vmem>>, vector<1x16xf32>,
      %get3A_300 = vector.shape_cast %get3A_299 : vector<1x16xf32> to vector<16xf32>
      %mul3A_301 = arith.mulf %get3A_300, %get3A_84 : vector<16xf32>
      %add3A_302 = arith.addf %mul3A_296, %mul3A_301 : vector<16xf32>
      %swap3A_303 = arith.index_cast %scan3A_73 : i32 to index
      %swap3A_304 = arith.constant 208 : index
      %swap3A_305 = tpu.vector_load %arg9[%swap3A_303, %swap3A_304] {strides = array<i32>} : memref<64x768xf32, #tpu.memory_space<vmem>>, vector<1x16xf32>,
      %swap3A_306 = vector.shape_cast %swap3A_305 : vector<1x16xf32> to vector<16xf32>
      %swap3A_307 = vector.shape_cast %add3A_302 : vector<16xf32> to vector<1x16xf32>
      tpu.vector_store %arg9[%swap3A_303, %swap3A_304], %swap3A_307 {strides = array<i32>} : memref<64x768xf32, #tpu.memory_space<vmem>>, vector<1x16xf32>,
      %get3A_308 = arith.index_cast %scan3A_73 : i32 to index
      %get3A_309 = arith.constant 224 : index
      %get3A_310 = tpu.vector_load %arg9[%get3A_308, %get3A_309] {strides = array<i32>} : memref<64x768xf32, #tpu.memory_space<vmem>>, vector<1x16xf32>,
      %get3A_311 = vector.shape_cast %get3A_310 : vector<1x16xf32> to vector<16xf32>
      %mul3A_312 = arith.mulf %get3A_311, %get3A_78 : vector<16xf32>
      %get3A_313 = arith.index_cast %scan3A_73 : i32 to index
      %get3A_314 = arith.constant 224 : index
      %get3A_315 = tpu.vector_load %arg10[%get3A_313, %get3A_314] {strides = array<i32>} : memref<64x768xf32, #tpu.memory_space<vmem>>, vector<1x16xf32>,
      %get3A_316 = vector.shape_cast %get3A_315 : vector<1x16xf32> to vector<16xf32>
      %mul3A_317 = arith.mulf %get3A_316, %get3A_84 : vector<16xf32>
      %add3A_318 = arith.addf %mul3A_312, %mul3A_317 : vector<16xf32>
      %swap3A_319 = arith.index_cast %scan3A_73 : i32 to index
      %swap3A_320 = arith.constant 224 : index
      %swap3A_321 = tpu.vector_load %arg9[%swap3A_319, %swap3A_320] {strides = array<i32>} : memref<64x768xf32, #tpu.memory_space<vmem>>, vector<1x16xf32>,
      %swap3A_322 = vector.shape_cast %swap3A_321 : vector<1x16xf32> to vector<16xf32>
      %swap3A_323 = vector.shape_cast %add3A_318 : vector<16xf32> to vector<1x16xf32>
      tpu.vector_store %arg9[%swap3A_319, %swap3A_320], %swap3A_323 {strides = array<i32>} : memref<64x768xf32, #tpu.memory_space<vmem>>, vector<1x16xf32>,
      %get3A_324 = arith.index_cast %scan3A_73 : i32 to index
      %get3A_325 = arith.constant 240 : index
      %get3A_326 = tpu.vector_load %arg9[%get3A_324, %get3A_325] {strides = array<i32>} : memref<64x768xf32, #tpu.memory_space<vmem>>, vector<1x16xf32>,
      %get3A_327 = vector.shape_cast %get3A_326 : vector<1x16xf32> to vector<16xf32>
      %mul3A_328 = arith.mulf %get3A_327, %get3A_78 : vector<16xf32>
      %get3A_329 = arith.index_cast %scan3A_73 : i32 to index
      %get3A_330 = arith.constant 240 : index
      %get3A_331 = tpu.vector_load %arg10[%get3A_329, %get3A_330] {strides = array<i32>} : memref<64x768xf32, #tpu.memory_space<vmem>>, vector<1x16xf32>,
      %get3A_332 = vector.shape_cast %get3A_331 : vector<1x16xf32> to vector<16xf32>
      %mul3A_333 = arith.mulf %get3A_332, %get3A_84 : vector<16xf32>
      %add3A_334 = arith.addf %mul3A_328, %mul3A_333 : vector<16xf32>
      %swap3A_335 = arith.index_cast %scan3A_73 : i32 to index
      %swap3A_336 = arith.constant 240 : index
      %swap3A_337 = tpu.vector_load %arg9[%swap3A_335, %swap3A_336] {strides = array<i32>} : memref<64x768xf32, #tpu.memory_space<vmem>>, vector<1x16xf32>,
      %swap3A_338 = vector.shape_cast %swap3A_337 : vector<1x16xf32> to vector<16xf32>
      %swap3A_339 = vector.shape_cast %add3A_334 : vector<16xf32> to vector<1x16xf32>
      tpu.vector_store %arg9[%swap3A_335, %swap3A_336], %swap3A_339 {strides = array<i32>} : memref<64x768xf32, #tpu.memory_space<vmem>>, vector<1x16xf32>,
      %get3A_340 = arith.index_cast %scan3A_73 : i32 to index
      %get3A_341 = arith.constant 256 : index
      %get3A_342 = tpu.vector_load %arg9[%get3A_340, %get3A_341] {strides = array<i32>} : memref<64x768xf32, #tpu.memory_space<vmem>>, vector<1x16xf32>,
      %get3A_343 = vector.shape_cast %get3A_342 : vector<1x16xf32> to vector<16xf32>
      %mul3A_344 = arith.mulf %get3A_343, %get3A_78 : vector<16xf32>
      %get3A_345 = arith.index_cast %scan3A_73 : i32 to index
      %get3A_346 = arith.constant 256 : index
      %get3A_347 = tpu.vector_load %arg10[%get3A_345, %get3A_346] {strides = array<i32>} : memref<64x768xf32, #tpu.memory_space<vmem>>, vector<1x16xf32>,
      %get3A_348 = vector.shape_cast %get3A_347 : vector<1x16xf32> to vector<16xf32>
      %mul3A_349 = arith.mulf %get3A_348, %get3A_84 : vector<16xf32>
      %add3A_350 = arith.addf %mul3A_344, %mul3A_349 : vector<16xf32>
      %swap3A_351 = arith.index_cast %scan3A_73 : i32 to index
      %swap3A_352 = arith.constant 256 : index
      %swap3A_353 = tpu.vector_load %arg9[%swap3A_351, %swap3A_352] {strides = array<i32>} : memref<64x768xf32, #tpu.memory_space<vmem>>, vector<1x16xf32>,
      %swap3A_354 = vector.shape_cast %swap3A_353 : vector<1x16xf32> to vector<16xf32>
      %swap3A_355 = vector.shape_cast %add3A_350 : vector<16xf32> to vector<1x16xf32>
      tpu.vector_store %arg9[%swap3A_351, %swap3A_352], %swap3A_355 {strides = array<i32>} : memref<64x768xf32, #tpu.memory_space<vmem>>, vector<1x16xf32>,
      %get3A_356 = arith.index_cast %scan3A_73 : i32 to index
      %get3A_357 = arith.constant 272 : index
      %get3A_358 = tpu.vector_load %arg9[%get3A_356, %get3A_357] {strides = array<i32>} : memref<64x768xf32, #tpu.memory_space<vmem>>, vector<1x16xf32>,
      %get3A_359 = vector.shape_cast %get3A_358 : vector<1x16xf32> to vector<16xf32>
      %mul3A_360 = arith.mulf %get3A_359, %get3A_78 : vector<16xf32>
      %get3A_361 = arith.index_cast %scan3A_73 : i32 to index
      %get3A_362 = arith.constant 272 : index
      %get3A_363 = tpu.vector_load %arg10[%get3A_361, %get3A_362] {strides = array<i32>} : memref<64x768xf32, #tpu.memory_space<vmem>>, vector<1x16xf32>,
      %get3A_364 = vector.shape_cast %get3A_363 : vector<1x16xf32> to vector<16xf32>
      %mul3A_365 = arith.mulf %get3A_364, %get3A_84 : vector<16xf32>
      %add3A_366 = arith.addf %mul3A_360, %mul3A_365 : vector<16xf32>
      %swap3A_367 = arith.index_cast %scan3A_73 : i32 to index
      %swap3A_368 = arith.constant 272 : index
      %swap3A_369 = tpu.vector_load %arg9[%swap3A_367, %swap3A_368] {strides = array<i32>} : memref<64x768xf32, #tpu.memory_space<vmem>>, vector<1x16xf32>,
      %swap3A_370 = vector.shape_cast %swap3A_369 : vector<1x16xf32> to vector<16xf32>
      %swap3A_371 = vector.shape_cast %add3A_366 : vector<16xf32> to vector<1x16xf32>
      tpu.vector_store %arg9[%swap3A_367, %swap3A_368], %swap3A_371 {strides = array<i32>} : memref<64x768xf32, #tpu.memory_space<vmem>>, vector<1x16xf32>,
      %get3A_372 = arith.index_cast %scan3A_73 : i32 to index
      %get3A_373 = arith.constant 288 : index
      %get3A_374 = tpu.vector_load %arg9[%get3A_372, %get3A_373] {strides = array<i32>} : memref<64x768xf32, #tpu.memory_space<vmem>>, vector<1x16xf32>,
      %get3A_375 = vector.shape_cast %get3A_374 : vector<1x16xf32> to vector<16xf32>
      %mul3A_376 = arith.mulf %get3A_375, %get3A_78 : vector<16xf32>
      %get3A_377 = arith.index_cast %scan3A_73 : i32 to index
      %get3A_378 = arith.constant 288 : index
      %get3A_379 = tpu.vector_load %arg10[%get3A_377, %get3A_378] {strides = array<i32>} : memref<64x768xf32, #tpu.memory_space<vmem>>, vector<1x16xf32>,
      %get3A_380 = vector.shape_cast %get3A_379 : vector<1x16xf32> to vector<16xf32>
      %mul3A_381 = arith.mulf %get3A_380, %get3A_84 : vector<16xf32>
      %add3A_382 = arith.addf %mul3A_376, %mul3A_381 : vector<16xf32>
      %swap3A_383 = arith.index_cast %scan3A_73 : i32 to index
      %swap3A_384 = arith.constant 288 : index
      %swap3A_385 = tpu.vector_load %arg9[%swap3A_383, %swap3A_384] {strides = array<i32>} : memref<64x768xf32, #tpu.memory_space<vmem>>, vector<1x16xf32>,
      %swap3A_386 = vector.shape_cast %swap3A_385 : vector<1x16xf32> to vector<16xf32>
      %swap3A_387 = vector.shape_cast %add3A_382 : vector<16xf32> to vector<1x16xf32>
      tpu.vector_store %arg9[%swap3A_383, %swap3A_384], %swap3A_387 {strides = array<i32>} : memref<64x768xf32, #tpu.memory_space<vmem>>, vector<1x16xf32>,
      %get3A_388 = arith.index_cast %scan3A_73 : i32 to index
      %get3A_389 = arith.constant 304 : index
      %get3A_390 = tpu.vector_load %arg9[%get3A_388, %get3A_389] {strides = array<i32>} : memref<64x768xf32, #tpu.memory_space<vmem>>, vector<1x16xf32>,
      %get3A_391 = vector.shape_cast %get3A_390 : vector<1x16xf32> to vector<16xf32>
      %mul3A_392 = arith.mulf %get3A_391, %get3A_78 : vector<16xf32>
      %get3A_393 = arith.index_cast %scan3A_73 : i32 to index
      %get3A_394 = arith.constant 304 : index
      %get3A_395 = tpu.vector_load %arg10[%get3A_393, %get3A_394] {strides = array<i32>} : memref<64x768xf32, #tpu.memory_space<vmem>>, vector<1x16xf32>,
      %get3A_396 = vector.shape_cast %get3A_395 : vector<1x16xf32> to vector<16xf32>
      %mul3A_397 = arith.mulf %get3A_396, %get3A_84 : vector<16xf32>
      %add3A_398 = arith.addf %mul3A_392, %mul3A_397 : vector<16xf32>
      %swap3A_399 = arith.index_cast %scan3A_73 : i32 to index
      %swap3A_400 = arith.constant 304 : index
      %swap3A_401 = tpu.vector_load %arg9[%swap3A_399, %swap3A_400] {strides = array<i32>} : memref<64x768xf32, #tpu.memory_space<vmem>>, vector<1x16xf32>,
      %swap3A_402 = vector.shape_cast %swap3A_401 : vector<1x16xf32> to vector<16xf32>
      %swap3A_403 = vector.shape_cast %add3A_398 : vector<16xf32> to vector<1x16xf32>
      tpu.vector_store %arg9[%swap3A_399, %swap3A_400], %swap3A_403 {strides = array<i32>} : memref<64x768xf32, #tpu.memory_space<vmem>>, vector<1x16xf32>,
      %get3A_404 = arith.index_cast %scan3A_73 : i32 to index
      %get3A_405 = arith.constant 320 : index
      %get3A_406 = tpu.vector_load %arg9[%get3A_404, %get3A_405] {strides = array<i32>} : memref<64x768xf32, #tpu.memory_space<vmem>>, vector<1x16xf32>,
      %get3A_407 = vector.shape_cast %get3A_406 : vector<1x16xf32> to vector<16xf32>
      %mul3A_408 = arith.mulf %get3A_407, %get3A_78 : vector<16xf32>
      %get3A_409 = arith.index_cast %scan3A_73 : i32 to index
      %get3A_410 = arith.constant 320 : index
      %get3A_411 = tpu.vector_load %arg10[%get3A_409, %get3A_410] {strides = array<i32>} : memref<64x768xf32, #tpu.memory_space<vmem>>, vector<1x16xf32>,
      %get3A_412 = vector.shape_cast %get3A_411 : vector<1x16xf32> to vector<16xf32>
      %mul3A_413 = arith.mulf %get3A_412, %get3A_84 : vector<16xf32>
      %add3A_414 = arith.addf %mul3A_408, %mul3A_413 : vector<16xf32>
      %swap3A_415 = arith.index_cast %scan3A_73 : i32 to index
      %swap3A_416 = arith.constant 320 : index
      %swap3A_417 = tpu.vector_load %arg9[%swap3A_415, %swap3A_416] {strides = array<i32>} : memref<64x768xf32, #tpu.memory_space<vmem>>, vector<1x16xf32>,
      %swap3A_418 = vector.shape_cast %swap3A_417 : vector<1x16xf32> to vector<16xf32>
      %swap3A_419 = vector.shape_cast %add3A_414 : vector<16xf32> to vector<1x16xf32>
      tpu.vector_store %arg9[%swap3A_415, %swap3A_416], %swap3A_419 {strides = array<i32>} : memref<64x768xf32, #tpu.memory_space<vmem>>, vector<1x16xf32>,
      %get3A_420 = arith.index_cast %scan3A_73 : i32 to index
      %get3A_421 = arith.constant 336 : index
      %get3A_422 = tpu.vector_load %arg9[%get3A_420, %get3A_421] {strides = array<i32>} : memref<64x768xf32, #tpu.memory_space<vmem>>, vector<1x16xf32>,
      %get3A_423 = vector.shape_cast %get3A_422 : vector<1x16xf32> to vector<16xf32>
      %mul3A_424 = arith.mulf %get3A_423, %get3A_78 : vector<16xf32>
      %get3A_425 = arith.index_cast %scan3A_73 : i32 to index
      %get3A_426 = arith.constant 336 : index
      %get3A_427 = tpu.vector_load %arg10[%get3A_425, %get3A_426] {strides = array<i32>} : memref<64x768xf32, #tpu.memory_space<vmem>>, vector<1x16xf32>,
      %get3A_428 = vector.shape_cast %get3A_427 : vector<1x16xf32> to vector<16xf32>
      %mul3A_429 = arith.mulf %get3A_428, %get3A_84 : vector<16xf32>
      %add3A_430 = arith.addf %mul3A_424, %mul3A_429 : vector<16xf32>
      %swap3A_431 = arith.index_cast %scan3A_73 : i32 to index
      %swap3A_432 = arith.constant 336 : index
      %swap3A_433 = tpu.vector_load %arg9[%swap3A_431, %swap3A_432] {strides = array<i32>} : memref<64x768xf32, #tpu.memory_space<vmem>>, vector<1x16xf32>,
      %swap3A_434 = vector.shape_cast %swap3A_433 : vector<1x16xf32> to vector<16xf32>
      %swap3A_435 = vector.shape_cast %add3A_430 : vector<16xf32> to vector<1x16xf32>
      tpu.vector_store %arg9[%swap3A_431, %swap3A_432], %swap3A_435 {strides = array<i32>} : memref<64x768xf32, #tpu.memory_space<vmem>>, vector<1x16xf32>,
      %get3A_436 = arith.index_cast %scan3A_73 : i32 to index
      %get3A_437 = arith.constant 352 : index
      %get3A_438 = tpu.vector_load %arg9[%get3A_436, %get3A_437] {strides = array<i32>} : memref<64x768xf32, #tpu.memory_space<vmem>>, vector<1x16xf32>,
      %get3A_439 = vector.shape_cast %get3A_438 : vector<1x16xf32> to vector<16xf32>
      %mul3A_440 = arith.mulf %get3A_439, %get3A_78 : vector<16xf32>
      %get3A_441 = arith.index_cast %scan3A_73 : i32 to index
      %get3A_442 = arith.constant 352 : index
      %get3A_443 = tpu.vector_load %arg10[%get3A_441, %get3A_442] {strides = array<i32>} : memref<64x768xf32, #tpu.memory_space<vmem>>, vector<1x16xf32>,
      %get3A_444 = vector.shape_cast %get3A_443 : vector<1x16xf32> to vector<16xf32>
      %mul3A_445 = arith.mulf %get3A_444, %get3A_84 : vector<16xf32>
      %add3A_446 = arith.addf %mul3A_440, %mul3A_445 : vector<16xf32>
      %swap3A_447 = arith.index_cast %scan3A_73 : i32 to index
      %swap3A_448 = arith.constant 352 : index
      %swap3A_449 = tpu.vector_load %arg9[%swap3A_447, %swap3A_448] {strides = array<i32>} : memref<64x768xf32, #tpu.memory_space<vmem>>, vector<1x16xf32>,
      %swap3A_450 = vector.shape_cast %swap3A_449 : vector<1x16xf32> to vector<16xf32>
      %swap3A_451 = vector.shape_cast %add3A_446 : vector<16xf32> to vector<1x16xf32>
      tpu.vector_store %arg9[%swap3A_447, %swap3A_448], %swap3A_451 {strides = array<i32>} : memref<64x768xf32, #tpu.memory_space<vmem>>, vector<1x16xf32>,
      %get3A_452 = arith.index_cast %scan3A_73 : i32 to index
      %get3A_453 = arith.constant 368 : index
      %get3A_454 = tpu.vector_load %arg9[%get3A_452, %get3A_453] {strides = array<i32>} : memref<64x768xf32, #tpu.memory_space<vmem>>, vector<1x16xf32>,
      %get3A_455 = vector.shape_cast %get3A_454 : vector<1x16xf32> to vector<16xf32>
      %mul3A_456 = arith.mulf %get3A_455, %get3A_78 : vector<16xf32>
      %get3A_457 = arith.index_cast %scan3A_73 : i32 to index
      %get3A_458 = arith.constant 368 : index
      %get3A_459 = tpu.vector_load %arg10[%get3A_457, %get3A_458] {strides = array<i32>} : memref<64x768xf32, #tpu.memory_space<vmem>>, vector<1x16xf32>,
      %get3A_460 = vector.shape_cast %get3A_459 : vector<1x16xf32> to vector<16xf32>
      %mul3A_461 = arith.mulf %get3A_460, %get3A_84 : vector<16xf32>
      %add3A_462 = arith.addf %mul3A_456, %mul3A_461 : vector<16xf32>
      %swap3A_463 = arith.index_cast %scan3A_73 : i32 to index
      %swap3A_464 = arith.constant 368 : index
      %swap3A_465 = tpu.vector_load %arg9[%swap3A_463, %swap3A_464] {strides = array<i32>} : memref<64x768xf32, #tpu.memory_space<vmem>>, vector<1x16xf32>,
      %swap3A_466 = vector.shape_cast %swap3A_465 : vector<1x16xf32> to vector<16xf32>
      %swap3A_467 = vector.shape_cast %add3A_462 : vector<16xf32> to vector<1x16xf32>
      tpu.vector_store %arg9[%swap3A_463, %swap3A_464], %swap3A_467 {strides = array<i32>} : memref<64x768xf32, #tpu.memory_space<vmem>>, vector<1x16xf32>,
      %get3A_468 = arith.index_cast %scan3A_73 : i32 to index
      %get3A_469 = arith.constant 384 : index
      %get3A_470 = tpu.vector_load %arg9[%get3A_468, %get3A_469] {strides = array<i32>} : memref<64x768xf32, #tpu.memory_space<vmem>>, vector<1x16xf32>,
      %get3A_471 = vector.shape_cast %get3A_470 : vector<1x16xf32> to vector<16xf32>
      %mul3A_472 = arith.mulf %get3A_471, %get3A_78 : vector<16xf32>
      %get3A_473 = arith.index_cast %scan3A_73 : i32 to index
      %get3A_474 = arith.constant 384 : index
      %get3A_475 = tpu.vector_load %arg10[%get3A_473, %get3A_474] {strides = array<i32>} : memref<64x768xf32, #tpu.memory_space<vmem>>, vector<1x16xf32>,
      %get3A_476 = vector.shape_cast %get3A_475 : vector<1x16xf32> to vector<16xf32>
      %mul3A_477 = arith.mulf %get3A_476, %get3A_84 : vector<16xf32>
      %add3A_478 = arith.addf %mul3A_472, %mul3A_477 : vector<16xf32>
      %swap3A_479 = arith.index_cast %scan3A_73 : i32 to index
      %swap3A_480 = arith.constant 384 : index
      %swap3A_481 = tpu.vector_load %arg9[%swap3A_479, %swap3A_480] {strides = array<i32>} : memref<64x768xf32, #tpu.memory_space<vmem>>, vector<1x16xf32>,
      %swap3A_482 = vector.shape_cast %swap3A_481 : vector<1x16xf32> to vector<16xf32>
      %swap3A_483 = vector.shape_cast %add3A_478 : vector<16xf32> to vector<1x16xf32>
      tpu.vector_store %arg9[%swap3A_479, %swap3A_480], %swap3A_483 {strides = array<i32>} : memref<64x768xf32, #tpu.memory_space<vmem>>, vector<1x16xf32>,
      %get3A_484 = arith.index_cast %scan3A_73 : i32 to index
      %get3A_485 = arith.constant 400 : index
      %get3A_486 = tpu.vector_load %arg9[%get3A_484, %get3A_485] {strides = array<i32>} : memref<64x768xf32, #tpu.memory_space<vmem>>, vector<1x16xf32>,
      %get3A_487 = vector.shape_cast %get3A_486 : vector<1x16xf32> to vector<16xf32>
      %mul3A_488 = arith.mulf %get3A_487, %get3A_78 : vector<16xf32>
      %get3A_489 = arith.index_cast %scan3A_73 : i32 to index
      %get3A_490 = arith.constant 400 : index
      %get3A_491 = tpu.vector_load %arg10[%get3A_489, %get3A_490] {strides = array<i32>} : memref<64x768xf32, #tpu.memory_space<vmem>>, vector<1x16xf32>,
      %get3A_492 = vector.shape_cast %get3A_491 : vector<1x16xf32> to vector<16xf32>
      %mul3A_493 = arith.mulf %get3A_492, %get3A_84 : vector<16xf32>
      %add3A_494 = arith.addf %mul3A_488, %mul3A_493 : vector<16xf32>
      %swap3A_495 = arith.index_cast %scan3A_73 : i32 to index
      %swap3A_496 = arith.constant 400 : index
      %swap3A_497 = tpu.vector_load %arg9[%swap3A_495, %swap3A_496] {strides = array<i32>} : memref<64x768xf32, #tpu.memory_space<vmem>>, vector<1x16xf32>,
      %swap3A_498 = vector.shape_cast %swap3A_497 : vector<1x16xf32> to vector<16xf32>
      %swap3A_499 = vector.shape_cast %add3A_494 : vector<16xf32> to vector<1x16xf32>
      tpu.vector_store %arg9[%swap3A_495, %swap3A_496], %swap3A_499 {strides = array<i32>} : memref<64x768xf32, #tpu.memory_space<vmem>>, vector<1x16xf32>,
      %get3A_500 = arith.index_cast %scan3A_73 : i32 to index
      %get3A_501 = arith.constant 416 : index
      %get3A_502 = tpu.vector_load %arg9[%get3A_500, %get3A_501] {strides = array<i32>} : memref<64x768xf32, #tpu.memory_space<vmem>>, vector<1x16xf32>,
      %get3A_503 = vector.shape_cast %get3A_502 : vector<1x16xf32> to vector<16xf32>
      %mul3A_504 = arith.mulf %get3A_503, %get3A_78 : vector<16xf32>
      %get3A_505 = arith.index_cast %scan3A_73 : i32 to index
      %get3A_506 = arith.constant 416 : index
      %get3A_507 = tpu.vector_load %arg10[%get3A_505, %get3A_506] {strides = array<i32>} : memref<64x768xf32, #tpu.memory_space<vmem>>, vector<1x16xf32>,
      %get3A_508 = vector.shape_cast %get3A_507 : vector<1x16xf32> to vector<16xf32>
      %mul3A_509 = arith.mulf %get3A_508, %get3A_84 : vector<16xf32>
      %add3A_510 = arith.addf %mul3A_504, %mul3A_509 : vector<16xf32>
      %swap3A_511 = arith.index_cast %scan3A_73 : i32 to index
      %swap3A_512 = arith.constant 416 : index
      %swap3A_513 = tpu.vector_load %arg9[%swap3A_511, %swap3A_512] {strides = array<i32>} : memref<64x768xf32, #tpu.memory_space<vmem>>, vector<1x16xf32>,
      %swap3A_514 = vector.shape_cast %swap3A_513 : vector<1x16xf32> to vector<16xf32>
      %swap3A_515 = vector.shape_cast %add3A_510 : vector<16xf32> to vector<1x16xf32>
      tpu.vector_store %arg9[%swap3A_511, %swap3A_512], %swap3A_515 {strides = array<i32>} : memref<64x768xf32, #tpu.memory_space<vmem>>, vector<1x16xf32>,
      %get3A_516 = arith.index_cast %scan3A_73 : i32 to index
      %get3A_517 = arith.constant 432 : index
      %get3A_518 = tpu.vector_load %arg9[%get3A_516, %get3A_517] {strides = array<i32>} : memref<64x768xf32, #tpu.memory_space<vmem>>, vector<1x16xf32>,
      %get3A_519 = vector.shape_cast %get3A_518 : vector<1x16xf32> to vector<16xf32>
      %mul3A_520 = arith.mulf %get3A_519, %get3A_78 : vector<16xf32>
      %get3A_521 = arith.index_cast %scan3A_73 : i32 to index
      %get3A_522 = arith.constant 432 : index
      %get3A_523 = tpu.vector_load %arg10[%get3A_521, %get3A_522] {strides = array<i32>} : memref<64x768xf32, #tpu.memory_space<vmem>>, vector<1x16xf32>,
      %get3A_524 = vector.shape_cast %get3A_523 : vector<1x16xf32> to vector<16xf32>
      %mul3A_525 = arith.mulf %get3A_524, %get3A_84 : vector<16xf32>
      %add3A_526 = arith.addf %mul3A_520, %mul3A_525 : vector<16xf32>
      %swap3A_527 = arith.index_cast %scan3A_73 : i32 to index
      %swap3A_528 = arith.constant 432 : index
      %swap3A_529 = tpu.vector_load %arg9[%swap3A_527, %swap3A_528] {strides = array<i32>} : memref<64x768xf32, #tpu.memory_space<vmem>>, vector<1x16xf32>,
      %swap3A_530 = vector.shape_cast %swap3A_529 : vector<1x16xf32> to vector<16xf32>
      %swap3A_531 = vector.shape_cast %add3A_526 : vector<16xf32> to vector<1x16xf32>
      tpu.vector_store %arg9[%swap3A_527, %swap3A_528], %swap3A_531 {strides = array<i32>} : memref<64x768xf32, #tpu.memory_space<vmem>>, vector<1x16xf32>,
      %get3A_532 = arith.index_cast %scan3A_73 : i32 to index
      %get3A_533 = arith.constant 448 : index
      %get3A_534 = tpu.vector_load %arg9[%get3A_532, %get3A_533] {strides = array<i32>} : memref<64x768xf32, #tpu.memory_space<vmem>>, vector<1x16xf32>,
      %get3A_535 = vector.shape_cast %get3A_534 : vector<1x16xf32> to vector<16xf32>
      %mul3A_536 = arith.mulf %get3A_535, %get3A_78 : vector<16xf32>
      %get3A_537 = arith.index_cast %scan3A_73 : i32 to index
      %get3A_538 = arith.constant 448 : index
      %get3A_539 = tpu.vector_load %arg10[%get3A_537, %get3A_538] {strides = array<i32>} : memref<64x768xf32, #tpu.memory_space<vmem>>, vector<1x16xf32>,
      %get3A_540 = vector.shape_cast %get3A_539 : vector<1x16xf32> to vector<16xf32>
      %mul3A_541 = arith.mulf %get3A_540, %get3A_84 : vector<16xf32>
      %add3A_542 = arith.addf %mul3A_536, %mul3A_541 : vector<16xf32>
      %swap3A_543 = arith.index_cast %scan3A_73 : i32 to index
      %swap3A_544 = arith.constant 448 : index
      %swap3A_545 = tpu.vector_load %arg9[%swap3A_543, %swap3A_544] {strides = array<i32>} : memref<64x768xf32, #tpu.memory_space<vmem>>, vector<1x16xf32>,
      %swap3A_546 = vector.shape_cast %swap3A_545 : vector<1x16xf32> to vector<16xf32>
      %swap3A_547 = vector.shape_cast %add3A_542 : vector<16xf32> to vector<1x16xf32>
      tpu.vector_store %arg9[%swap3A_543, %swap3A_544], %swap3A_547 {strides = array<i32>} : memref<64x768xf32, #tpu.memory_space<vmem>>, vector<1x16xf32>,
      %get3A_548 = arith.index_cast %scan3A_73 : i32 to index
      %get3A_549 = arith.constant 464 : index
      %get3A_550 = tpu.vector_load %arg9[%get3A_548, %get3A_549] {strides = array<i32>} : memref<64x768xf32, #tpu.memory_space<vmem>>, vector<1x16xf32>,
      %get3A_551 = vector.shape_cast %get3A_550 : vector<1x16xf32> to vector<16xf32>
      %mul3A_552 = arith.mulf %get3A_551, %get3A_78 : vector<16xf32>
      %get3A_553 = arith.index_cast %scan3A_73 : i32 to index
      %get3A_554 = arith.constant 464 : index
      %get3A_555 = tpu.vector_load %arg10[%get3A_553, %get3A_554] {strides = array<i32>} : memref<64x768xf32, #tpu.memory_space<vmem>>, vector<1x16xf32>,
      %get3A_556 = vector.shape_cast %get3A_555 : vector<1x16xf32> to vector<16xf32>
      %mul3A_557 = arith.mulf %get3A_556, %get3A_84 : vector<16xf32>
      %add3A_558 = arith.addf %mul3A_552, %mul3A_557 : vector<16xf32>
      %swap3A_559 = arith.index_cast %scan3A_73 : i32 to index
      %swap3A_560 = arith.constant 464 : index
      %swap3A_561 = tpu.vector_load %arg9[%swap3A_559, %swap3A_560] {strides = array<i32>} : memref<64x768xf32, #tpu.memory_space<vmem>>, vector<1x16xf32>,
      %swap3A_562 = vector.shape_cast %swap3A_561 : vector<1x16xf32> to vector<16xf32>
      %swap3A_563 = vector.shape_cast %add3A_558 : vector<16xf32> to vector<1x16xf32>
      tpu.vector_store %arg9[%swap3A_559, %swap3A_560], %swap3A_563 {strides = array<i32>} : memref<64x768xf32, #tpu.memory_space<vmem>>, vector<1x16xf32>,
      %get3A_564 = arith.index_cast %scan3A_73 : i32 to index
      %get3A_565 = arith.constant 480 : index
      %get3A_566 = tpu.vector_load %arg9[%get3A_564, %get3A_565] {strides = array<i32>} : memref<64x768xf32, #tpu.memory_space<vmem>>, vector<1x16xf32>,
      %get3A_567 = vector.shape_cast %get3A_566 : vector<1x16xf32> to vector<16xf32>
      %mul3A_568 = arith.mulf %get3A_567, %get3A_78 : vector<16xf32>
      %get3A_569 = arith.index_cast %scan3A_73 : i32 to index
      %get3A_570 = arith.constant 480 : index
      %get3A_571 = tpu.vector_load %arg10[%get3A_569, %get3A_570] {strides = array<i32>} : memref<64x768xf32, #tpu.memory_space<vmem>>, vector<1x16xf32>,
      %get3A_572 = vector.shape_cast %get3A_571 : vector<1x16xf32> to vector<16xf32>
      %mul3A_573 = arith.mulf %get3A_572, %get3A_84 : vector<16xf32>
      %add3A_574 = arith.addf %mul3A_568, %mul3A_573 : vector<16xf32>
      %swap3A_575 = arith.index_cast %scan3A_73 : i32 to index
      %swap3A_576 = arith.constant 480 : index
      %swap3A_577 = tpu.vector_load %arg9[%swap3A_575, %swap3A_576] {strides = array<i32>} : memref<64x768xf32, #tpu.memory_space<vmem>>, vector<1x16xf32>,
      %swap3A_578 = vector.shape_cast %swap3A_577 : vector<1x16xf32> to vector<16xf32>
      %swap3A_579 = vector.shape_cast %add3A_574 : vector<16xf32> to vector<1x16xf32>
      tpu.vector_store %arg9[%swap3A_575, %swap3A_576], %swap3A_579 {strides = array<i32>} : memref<64x768xf32, #tpu.memory_space<vmem>>, vector<1x16xf32>,
      %get3A_580 = arith.index_cast %scan3A_73 : i32 to index
      %get3A_581 = arith.constant 496 : index
      %get3A_582 = tpu.vector_load %arg9[%get3A_580, %get3A_581] {strides = array<i32>} : memref<64x768xf32, #tpu.memory_space<vmem>>, vector<1x16xf32>,
      %get3A_583 = vector.shape_cast %get3A_582 : vector<1x16xf32> to vector<16xf32>
      %mul3A_584 = arith.mulf %get3A_583, %get3A_78 : vector<16xf32>
      %get3A_585 = arith.index_cast %scan3A_73 : i32 to index
      %get3A_586 = arith.constant 496 : index
      %get3A_587 = tpu.vector_load %arg10[%get3A_585, %get3A_586] {strides = array<i32>} : memref<64x768xf32, #tpu.memory_space<vmem>>, vector<1x16xf32>,
      %get3A_588 = vector.shape_cast %get3A_587 : vector<1x16xf32> to vector<16xf32>
      %mul3A_589 = arith.mulf %get3A_588, %get3A_84 : vector<16xf32>
      %add3A_590 = arith.addf %mul3A_584, %mul3A_589 : vector<16xf32>
      %swap3A_591 = arith.index_cast %scan3A_73 : i32 to index
      %swap3A_592 = arith.constant 496 : index
      %swap3A_593 = tpu.vector_load %arg9[%swap3A_591, %swap3A_592] {strides = array<i32>} : memref<64x768xf32, #tpu.memory_space<vmem>>, vector<1x16xf32>,
      %swap3A_594 = vector.shape_cast %swap3A_593 : vector<1x16xf32> to vector<16xf32>
      %swap3A_595 = vector.shape_cast %add3A_590 : vector<16xf32> to vector<1x16xf32>
      tpu.vector_store %arg9[%swap3A_591, %swap3A_592], %swap3A_595 {strides = array<i32>} : memref<64x768xf32, #tpu.memory_space<vmem>>, vector<1x16xf32>,
      %get3A_596 = arith.index_cast %scan3A_73 : i32 to index
      %get3A_597 = arith.constant 512 : index
      %get3A_598 = tpu.vector_load %arg9[%get3A_596, %get3A_597] {strides = array<i32>} : memref<64x768xf32, #tpu.memory_space<vmem>>, vector<1x16xf32>,
      %get3A_599 = vector.shape_cast %get3A_598 : vector<1x16xf32> to vector<16xf32>
      %mul3A_600 = arith.mulf %get3A_599, %get3A_78 : vector<16xf32>
      %get3A_601 = arith.index_cast %scan3A_73 : i32 to index
      %get3A_602 = arith.constant 512 : index
      %get3A_603 = tpu.vector_load %arg10[%get3A_601, %get3A_602] {strides = array<i32>} : memref<64x768xf32, #tpu.memory_space<vmem>>, vector<1x16xf32>,
      %get3A_604 = vector.shape_cast %get3A_603 : vector<1x16xf32> to vector<16xf32>
      %mul3A_605 = arith.mulf %get3A_604, %get3A_84 : vector<16xf32>
      %add3A_606 = arith.addf %mul3A_600, %mul3A_605 : vector<16xf32>
      %swap3A_607 = arith.index_cast %scan3A_73 : i32 to index
      %swap3A_608 = arith.constant 512 : index
      %swap3A_609 = tpu.vector_load %arg9[%swap3A_607, %swap3A_608] {strides = array<i32>} : memref<64x768xf32, #tpu.memory_space<vmem>>, vector<1x16xf32>,
      %swap3A_610 = vector.shape_cast %swap3A_609 : vector<1x16xf32> to vector<16xf32>
      %swap3A_611 = vector.shape_cast %add3A_606 : vector<16xf32> to vector<1x16xf32>
      tpu.vector_store %arg9[%swap3A_607, %swap3A_608], %swap3A_611 {strides = array<i32>} : memref<64x768xf32, #tpu.memory_space<vmem>>, vector<1x16xf32>,
      %get3A_612 = arith.index_cast %scan3A_73 : i32 to index
      %get3A_613 = arith.constant 528 : index
      %get3A_614 = tpu.vector_load %arg9[%get3A_612, %get3A_613] {strides = array<i32>} : memref<64x768xf32, #tpu.memory_space<vmem>>, vector<1x16xf32>,
      %get3A_615 = vector.shape_cast %get3A_614 : vector<1x16xf32> to vector<16xf32>
      %mul3A_616 = arith.mulf %get3A_615, %get3A_78 : vector<16xf32>
      %get3A_617 = arith.index_cast %scan3A_73 : i32 to index
      %get3A_618 = arith.constant 528 : index
      %get3A_619 = tpu.vector_load %arg10[%get3A_617, %get3A_618] {strides = array<i32>} : memref<64x768xf32, #tpu.memory_space<vmem>>, vector<1x16xf32>,
      %get3A_620 = vector.shape_cast %get3A_619 : vector<1x16xf32> to vector<16xf32>
      %mul3A_621 = arith.mulf %get3A_620, %get3A_84 : vector<16xf32>
      %add3A_622 = arith.addf %mul3A_616, %mul3A_621 : vector<16xf32>
      %swap3A_623 = arith.index_cast %scan3A_73 : i32 to index
      %swap3A_624 = arith.constant 528 : index
      %swap3A_625 = tpu.vector_load %arg9[%swap3A_623, %swap3A_624] {strides = array<i32>} : memref<64x768xf32, #tpu.memory_space<vmem>>, vector<1x16xf32>,
      %swap3A_626 = vector.shape_cast %swap3A_625 : vector<1x16xf32> to vector<16xf32>
      %swap3A_627 = vector.shape_cast %add3A_622 : vector<16xf32> to vector<1x16xf32>
      tpu.vector_store %arg9[%swap3A_623, %swap3A_624], %swap3A_627 {strides = array<i32>} : memref<64x768xf32, #tpu.memory_space<vmem>>, vector<1x16xf32>,
      %get3A_628 = arith.index_cast %scan3A_73 : i32 to index
      %get3A_629 = arith.constant 544 : index
      %get3A_630 = tpu.vector_load %arg9[%get3A_628, %get3A_629] {strides = array<i32>} : memref<64x768xf32, #tpu.memory_space<vmem>>, vector<1x16xf32>,
      %get3A_631 = vector.shape_cast %get3A_630 : vector<1x16xf32> to vector<16xf32>
      %mul3A_632 = arith.mulf %get3A_631, %get3A_78 : vector<16xf32>
      %get3A_633 = arith.index_cast %scan3A_73 : i32 to index
      %get3A_634 = arith.constant 544 : index
      %get3A_635 = tpu.vector_load %arg10[%get3A_633, %get3A_634] {strides = array<i32>} : memref<64x768xf32, #tpu.memory_space<vmem>>, vector<1x16xf32>,
      %get3A_636 = vector.shape_cast %get3A_635 : vector<1x16xf32> to vector<16xf32>
      %mul3A_637 = arith.mulf %get3A_636, %get3A_84 : vector<16xf32>
      %add3A_638 = arith.addf %mul3A_632, %mul3A_637 : vector<16xf32>
      %swap3A_639 = arith.index_cast %scan3A_73 : i32 to index
      %swap3A_640 = arith.constant 544 : index
      %swap3A_641 = tpu.vector_load %arg9[%swap3A_639, %swap3A_640] {strides = array<i32>} : memref<64x768xf32, #tpu.memory_space<vmem>>, vector<1x16xf32>,
      %swap3A_642 = vector.shape_cast %swap3A_641 : vector<1x16xf32> to vector<16xf32>
      %swap3A_643 = vector.shape_cast %add3A_638 : vector<16xf32> to vector<1x16xf32>
      tpu.vector_store %arg9[%swap3A_639, %swap3A_640], %swap3A_643 {strides = array<i32>} : memref<64x768xf32, #tpu.memory_space<vmem>>, vector<1x16xf32>,
      %get3A_644 = arith.index_cast %scan3A_73 : i32 to index
      %get3A_645 = arith.constant 560 : index
      %get3A_646 = tpu.vector_load %arg9[%get3A_644, %get3A_645] {strides = array<i32>} : memref<64x768xf32, #tpu.memory_space<vmem>>, vector<1x16xf32>,
      %get3A_647 = vector.shape_cast %get3A_646 : vector<1x16xf32> to vector<16xf32>
      %mul3A_648 = arith.mulf %get3A_647, %get3A_78 : vector<16xf32>
      %get3A_649 = arith.index_cast %scan3A_73 : i32 to index
      %get3A_650 = arith.constant 560 : index
      %get3A_651 = tpu.vector_load %arg10[%get3A_649, %get3A_650] {strides = array<i32>} : memref<64x768xf32, #tpu.memory_space<vmem>>, vector<1x16xf32>,
      %get3A_652 = vector.shape_cast %get3A_651 : vector<1x16xf32> to vector<16xf32>
      %mul3A_653 = arith.mulf %get3A_652, %get3A_84 : vector<16xf32>
      %add3A_654 = arith.addf %mul3A_648, %mul3A_653 : vector<16xf32>
      %swap3A_655 = arith.index_cast %scan3A_73 : i32 to index
      %swap3A_656 = arith.constant 560 : index
      %swap3A_657 = tpu.vector_load %arg9[%swap3A_655, %swap3A_656] {strides = array<i32>} : memref<64x768xf32, #tpu.memory_space<vmem>>, vector<1x16xf32>,
      %swap3A_658 = vector.shape_cast %swap3A_657 : vector<1x16xf32> to vector<16xf32>
      %swap3A_659 = vector.shape_cast %add3A_654 : vector<16xf32> to vector<1x16xf32>
      tpu.vector_store %arg9[%swap3A_655, %swap3A_656], %swap3A_659 {strides = array<i32>} : memref<64x768xf32, #tpu.memory_space<vmem>>, vector<1x16xf32>,
      %get3A_660 = arith.index_cast %scan3A_73 : i32 to index
      %get3A_661 = arith.constant 576 : index
      %get3A_662 = tpu.vector_load %arg9[%get3A_660, %get3A_661] {strides = array<i32>} : memref<64x768xf32, #tpu.memory_space<vmem>>, vector<1x16xf32>,
      %get3A_663 = vector.shape_cast %get3A_662 : vector<1x16xf32> to vector<16xf32>
      %mul3A_664 = arith.mulf %get3A_663, %get3A_78 : vector<16xf32>
      %get3A_665 = arith.index_cast %scan3A_73 : i32 to index
      %get3A_666 = arith.constant 576 : index
      %get3A_667 = tpu.vector_load %arg10[%get3A_665, %get3A_666] {strides = array<i32>} : memref<64x768xf32, #tpu.memory_space<vmem>>, vector<1x16xf32>,
      %get3A_668 = vector.shape_cast %get3A_667 : vector<1x16xf32> to vector<16xf32>
      %mul3A_669 = arith.mulf %get3A_668, %get3A_84 : vector<16xf32>
      %add3A_670 = arith.addf %mul3A_664, %mul3A_669 : vector<16xf32>
      %swap3A_671 = arith.index_cast %scan3A_73 : i32 to index
      %swap3A_672 = arith.constant 576 : index
      %swap3A_673 = tpu.vector_load %arg9[%swap3A_671, %swap3A_672] {strides = array<i32>} : memref<64x768xf32, #tpu.memory_space<vmem>>, vector<1x16xf32>,
      %swap3A_674 = vector.shape_cast %swap3A_673 : vector<1x16xf32> to vector<16xf32>
      %swap3A_675 = vector.shape_cast %add3A_670 : vector<16xf32> to vector<1x16xf32>
      tpu.vector_store %arg9[%swap3A_671, %swap3A_672], %swap3A_675 {strides = array<i32>} : memref<64x768xf32, #tpu.memory_space<vmem>>, vector<1x16xf32>,
      %get3A_676 = arith.index_cast %scan3A_73 : i32 to index
      %get3A_677 = arith.constant 592 : index
      %get3A_678 = tpu.vector_load %arg9[%get3A_676, %get3A_677] {strides = array<i32>} : memref<64x768xf32, #tpu.memory_space<vmem>>, vector<1x16xf32>,
      %get3A_679 = vector.shape_cast %get3A_678 : vector<1x16xf32> to vector<16xf32>
      %mul3A_680 = arith.mulf %get3A_679, %get3A_78 : vector<16xf32>
      %get3A_681 = arith.index_cast %scan3A_73 : i32 to index
      %get3A_682 = arith.constant 592 : index
      %get3A_683 = tpu.vector_load %arg10[%get3A_681, %get3A_682] {strides = array<i32>} : memref<64x768xf32, #tpu.memory_space<vmem>>, vector<1x16xf32>,
      %get3A_684 = vector.shape_cast %get3A_683 : vector<1x16xf32> to vector<16xf32>
      %mul3A_685 = arith.mulf %get3A_684, %get3A_84 : vector<16xf32>
      %add3A_686 = arith.addf %mul3A_680, %mul3A_685 : vector<16xf32>
      %swap3A_687 = arith.index_cast %scan3A_73 : i32 to index
      %swap3A_688 = arith.constant 592 : index
      %swap3A_689 = tpu.vector_load %arg9[%swap3A_687, %swap3A_688] {strides = array<i32>} : memref<64x768xf32, #tpu.memory_space<vmem>>, vector<1x16xf32>,
      %swap3A_690 = vector.shape_cast %swap3A_689 : vector<1x16xf32> to vector<16xf32>
      %swap3A_691 = vector.shape_cast %add3A_686 : vector<16xf32> to vector<1x16xf32>
      tpu.vector_store %arg9[%swap3A_687, %swap3A_688], %swap3A_691 {strides = array<i32>} : memref<64x768xf32, #tpu.memory_space<vmem>>, vector<1x16xf32>,
      %get3A_692 = arith.index_cast %scan3A_73 : i32 to index
      %get3A_693 = arith.constant 608 : index
      %get3A_694 = tpu.vector_load %arg9[%get3A_692, %get3A_693] {strides = array<i32>} : memref<64x768xf32, #tpu.memory_space<vmem>>, vector<1x16xf32>,
      %get3A_695 = vector.shape_cast %get3A_694 : vector<1x16xf32> to vector<16xf32>
      %mul3A_696 = arith.mulf %get3A_695, %get3A_78 : vector<16xf32>
      %get3A_697 = arith.index_cast %scan3A_73 : i32 to index
      %get3A_698 = arith.constant 608 : index
      %get3A_699 = tpu.vector_load %arg10[%get3A_697, %get3A_698] {strides = array<i32>} : memref<64x768xf32, #tpu.memory_space<vmem>>, vector<1x16xf32>,
      %get3A_700 = vector.shape_cast %get3A_699 : vector<1x16xf32> to vector<16xf32>
      %mul3A_701 = arith.mulf %get3A_700, %get3A_84 : vector<16xf32>
      %add3A_702 = arith.addf %mul3A_696, %mul3A_701 : vector<16xf32>
      %swap3A_703 = arith.index_cast %scan3A_73 : i32 to index
      %swap3A_704 = arith.constant 608 : index
      %swap3A_705 = tpu.vector_load %arg9[%swap3A_703, %swap3A_704] {strides = array<i32>} : memref<64x768xf32, #tpu.memory_space<vmem>>, vector<1x16xf32>,
      %swap3A_706 = vector.shape_cast %swap3A_705 : vector<1x16xf32> to vector<16xf32>
      %swap3A_707 = vector.shape_cast %add3A_702 : vector<16xf32> to vector<1x16xf32>
      tpu.vector_store %arg9[%swap3A_703, %swap3A_704], %swap3A_707 {strides = array<i32>} : memref<64x768xf32, #tpu.memory_space<vmem>>, vector<1x16xf32>,
      %get3A_708 = arith.index_cast %scan3A_73 : i32 to index
      %get3A_709 = arith.constant 624 : index
      %get3A_710 = tpu.vector_load %arg9[%get3A_708, %get3A_709] {strides = array<i32>} : memref<64x768xf32, #tpu.memory_space<vmem>>, vector<1x16xf32>,
      %get3A_711 = vector.shape_cast %get3A_710 : vector<1x16xf32> to vector<16xf32>
      %mul3A_712 = arith.mulf %get3A_711, %get3A_78 : vector<16xf32>
      %get3A_713 = arith.index_cast %scan3A_73 : i32 to index
      %get3A_714 = arith.constant 624 : index
      %get3A_715 = tpu.vector_load %arg10[%get3A_713, %get3A_714] {strides = array<i32>} : memref<64x768xf32, #tpu.memory_space<vmem>>, vector<1x16xf32>,
      %get3A_716 = vector.shape_cast %get3A_715 : vector<1x16xf32> to vector<16xf32>
      %mul3A_717 = arith.mulf %get3A_716, %get3A_84 : vector<16xf32>
      %add3A_718 = arith.addf %mul3A_712, %mul3A_717 : vector<16xf32>
      %swap3A_719 = arith.index_cast %scan3A_73 : i32 to index
      %swap3A_720 = arith.constant 624 : index
      %swap3A_721 = tpu.vector_load %arg9[%swap3A_719, %swap3A_720] {strides = array<i32>} : memref<64x768xf32, #tpu.memory_space<vmem>>, vector<1x16xf32>,
      %swap3A_722 = vector.shape_cast %swap3A_721 : vector<1x16xf32> to vector<16xf32>
      %swap3A_723 = vector.shape_cast %add3A_718 : vector<16xf32> to vector<1x16xf32>
      tpu.vector_store %arg9[%swap3A_719, %swap3A_720], %swap3A_723 {strides = array<i32>} : memref<64x768xf32, #tpu.memory_space<vmem>>, vector<1x16xf32>,
      %get3A_724 = arith.index_cast %scan3A_73 : i32 to index
      %get3A_725 = arith.constant 640 : index
      %get3A_726 = tpu.vector_load %arg9[%get3A_724, %get3A_725] {strides = array<i32>} : memref<64x768xf32, #tpu.memory_space<vmem>>, vector<1x16xf32>,
      %get3A_727 = vector.shape_cast %get3A_726 : vector<1x16xf32> to vector<16xf32>
      %mul3A_728 = arith.mulf %get3A_727, %get3A_78 : vector<16xf32>
      %get3A_729 = arith.index_cast %scan3A_73 : i32 to index
      %get3A_730 = arith.constant 640 : index
      %get3A_731 = tpu.vector_load %arg10[%get3A_729, %get3A_730] {strides = array<i32>} : memref<64x768xf32, #tpu.memory_space<vmem>>, vector<1x16xf32>,
      %get3A_732 = vector.shape_cast %get3A_731 : vector<1x16xf32> to vector<16xf32>
      %mul3A_733 = arith.mulf %get3A_732, %get3A_84 : vector<16xf32>
      %add3A_734 = arith.addf %mul3A_728, %mul3A_733 : vector<16xf32>
      %swap3A_735 = arith.index_cast %scan3A_73 : i32 to index
      %swap3A_736 = arith.constant 640 : index
      %swap3A_737 = tpu.vector_load %arg9[%swap3A_735, %swap3A_736] {strides = array<i32>} : memref<64x768xf32, #tpu.memory_space<vmem>>, vector<1x16xf32>,
      %swap3A_738 = vector.shape_cast %swap3A_737 : vector<1x16xf32> to vector<16xf32>
      %swap3A_739 = vector.shape_cast %add3A_734 : vector<16xf32> to vector<1x16xf32>
      tpu.vector_store %arg9[%swap3A_735, %swap3A_736], %swap3A_739 {strides = array<i32>} : memref<64x768xf32, #tpu.memory_space<vmem>>, vector<1x16xf32>,
      %get3A_740 = arith.index_cast %scan3A_73 : i32 to index
      %get3A_741 = arith.constant 656 : index
      %get3A_742 = tpu.vector_load %arg9[%get3A_740, %get3A_741] {strides = array<i32>} : memref<64x768xf32, #tpu.memory_space<vmem>>, vector<1x16xf32>,
      %get3A_743 = vector.shape_cast %get3A_742 : vector<1x16xf32> to vector<16xf32>
      %mul3A_744 = arith.mulf %get3A_743, %get3A_78 : vector<16xf32>
      %get3A_745 = arith.index_cast %scan3A_73 : i32 to index
      %get3A_746 = arith.constant 656 : index
      %get3A_747 = tpu.vector_load %arg10[%get3A_745, %get3A_746] {strides = array<i32>} : memref<64x768xf32, #tpu.memory_space<vmem>>, vector<1x16xf32>,
      %get3A_748 = vector.shape_cast %get3A_747 : vector<1x16xf32> to vector<16xf32>
      %mul3A_749 = arith.mulf %get3A_748, %get3A_84 : vector<16xf32>
      %add3A_750 = arith.addf %mul3A_744, %mul3A_749 : vector<16xf32>
      %swap3A_751 = arith.index_cast %scan3A_73 : i32 to index
      %swap3A_752 = arith.constant 656 : index
      %swap3A_753 = tpu.vector_load %arg9[%swap3A_751, %swap3A_752] {strides = array<i32>} : memref<64x768xf32, #tpu.memory_space<vmem>>, vector<1x16xf32>,
      %swap3A_754 = vector.shape_cast %swap3A_753 : vector<1x16xf32> to vector<16xf32>
      %swap3A_755 = vector.shape_cast %add3A_750 : vector<16xf32> to vector<1x16xf32>
      tpu.vector_store %arg9[%swap3A_751, %swap3A_752], %swap3A_755 {strides = array<i32>} : memref<64x768xf32, #tpu.memory_space<vmem>>, vector<1x16xf32>,
      %get3A_756 = arith.index_cast %scan3A_73 : i32 to index
      %get3A_757 = arith.constant 672 : index
      %get3A_758 = tpu.vector_load %arg9[%get3A_756, %get3A_757] {strides = array<i32>} : memref<64x768xf32, #tpu.memory_space<vmem>>, vector<1x16xf32>,
      %get3A_759 = vector.shape_cast %get3A_758 : vector<1x16xf32> to vector<16xf32>
      %mul3A_760 = arith.mulf %get3A_759, %get3A_78 : vector<16xf32>
      %get3A_761 = arith.index_cast %scan3A_73 : i32 to index
      %get3A_762 = arith.constant 672 : index
      %get3A_763 = tpu.vector_load %arg10[%get3A_761, %get3A_762] {strides = array<i32>} : memref<64x768xf32, #tpu.memory_space<vmem>>, vector<1x16xf32>,
      %get3A_764 = vector.shape_cast %get3A_763 : vector<1x16xf32> to vector<16xf32>
      %mul3A_765 = arith.mulf %get3A_764, %get3A_84 : vector<16xf32>
      %add3A_766 = arith.addf %mul3A_760, %mul3A_765 : vector<16xf32>
      %swap3A_767 = arith.index_cast %scan3A_73 : i32 to index
      %swap3A_768 = arith.constant 672 : index
      %swap3A_769 = tpu.vector_load %arg9[%swap3A_767, %swap3A_768] {strides = array<i32>} : memref<64x768xf32, #tpu.memory_space<vmem>>, vector<1x16xf32>,
      %swap3A_770 = vector.shape_cast %swap3A_769 : vector<1x16xf32> to vector<16xf32>
      %swap3A_771 = vector.shape_cast %add3A_766 : vector<16xf32> to vector<1x16xf32>
      tpu.vector_store %arg9[%swap3A_767, %swap3A_768], %swap3A_771 {strides = array<i32>} : memref<64x768xf32, #tpu.memory_space<vmem>>, vector<1x16xf32>,
      %get3A_772 = arith.index_cast %scan3A_73 : i32 to index
      %get3A_773 = arith.constant 688 : index
      %get3A_774 = tpu.vector_load %arg9[%get3A_772, %get3A_773] {strides = array<i32>} : memref<64x768xf32, #tpu.memory_space<vmem>>, vector<1x16xf32>,
      %get3A_775 = vector.shape_cast %get3A_774 : vector<1x16xf32> to vector<16xf32>
      %mul3A_776 = arith.mulf %get3A_775, %get3A_78 : vector<16xf32>
      %get3A_777 = arith.index_cast %scan3A_73 : i32 to index
      %get3A_778 = arith.constant 688 : index
      %get3A_779 = tpu.vector_load %arg10[%get3A_777, %get3A_778] {strides = array<i32>} : memref<64x768xf32, #tpu.memory_space<vmem>>, vector<1x16xf32>,
      %get3A_780 = vector.shape_cast %get3A_779 : vector<1x16xf32> to vector<16xf32>
      %mul3A_781 = arith.mulf %get3A_780, %get3A_84 : vector<16xf32>
      %add3A_782 = arith.addf %mul3A_776, %mul3A_781 : vector<16xf32>
      %swap3A_783 = arith.index_cast %scan3A_73 : i32 to index
      %swap3A_784 = arith.constant 688 : index
      %swap3A_785 = tpu.vector_load %arg9[%swap3A_783, %swap3A_784] {strides = array<i32>} : memref<64x768xf32, #tpu.memory_space<vmem>>, vector<1x16xf32>,
      %swap3A_786 = vector.shape_cast %swap3A_785 : vector<1x16xf32> to vector<16xf32>
      %swap3A_787 = vector.shape_cast %add3A_782 : vector<16xf32> to vector<1x16xf32>
      tpu.vector_store %arg9[%swap3A_783, %swap3A_784], %swap3A_787 {strides = array<i32>} : memref<64x768xf32, #tpu.memory_space<vmem>>, vector<1x16xf32>,
      %get3A_788 = arith.index_cast %scan3A_73 : i32 to index
      %get3A_789 = arith.constant 704 : index
      %get3A_790 = tpu.vector_load %arg9[%get3A_788, %get3A_789] {strides = array<i32>} : memref<64x768xf32, #tpu.memory_space<vmem>>, vector<1x16xf32>,
      %get3A_791 = vector.shape_cast %get3A_790 : vector<1x16xf32> to vector<16xf32>
      %mul3A_792 = arith.mulf %get3A_791, %get3A_78 : vector<16xf32>
      %get3A_793 = arith.index_cast %scan3A_73 : i32 to index
      %get3A_794 = arith.constant 704 : index
      %get3A_795 = tpu.vector_load %arg10[%get3A_793, %get3A_794] {strides = array<i32>} : memref<64x768xf32, #tpu.memory_space<vmem>>, vector<1x16xf32>,
      %get3A_796 = vector.shape_cast %get3A_795 : vector<1x16xf32> to vector<16xf32>
      %mul3A_797 = arith.mulf %get3A_796, %get3A_84 : vector<16xf32>
      %add3A_798 = arith.addf %mul3A_792, %mul3A_797 : vector<16xf32>
      %swap3A_799 = arith.index_cast %scan3A_73 : i32 to index
      %swap3A_800 = arith.constant 704 : index
      %swap3A_801 = tpu.vector_load %arg9[%swap3A_799, %swap3A_800] {strides = array<i32>} : memref<64x768xf32, #tpu.memory_space<vmem>>, vector<1x16xf32>,
      %swap3A_802 = vector.shape_cast %swap3A_801 : vector<1x16xf32> to vector<16xf32>
      %swap3A_803 = vector.shape_cast %add3A_798 : vector<16xf32> to vector<1x16xf32>
      tpu.vector_store %arg9[%swap3A_799, %swap3A_800], %swap3A_803 {strides = array<i32>} : memref<64x768xf32, #tpu.memory_space<vmem>>, vector<1x16xf32>,
      %get3A_804 = arith.index_cast %scan3A_73 : i32 to index
      %get3A_805 = arith.constant 720 : index
      %get3A_806 = tpu.vector_load %arg9[%get3A_804, %get3A_805] {strides = array<i32>} : memref<64x768xf32, #tpu.memory_space<vmem>>, vector<1x16xf32>,
      %get3A_807 = vector.shape_cast %get3A_806 : vector<1x16xf32> to vector<16xf32>
      %mul3A_808 = arith.mulf %get3A_807, %get3A_78 : vector<16xf32>
      %get3A_809 = arith.index_cast %scan3A_73 : i32 to index
      %get3A_810 = arith.constant 720 : index
      %get3A_811 = tpu.vector_load %arg10[%get3A_809, %get3A_810] {strides = array<i32>} : memref<64x768xf32, #tpu.memory_space<vmem>>, vector<1x16xf32>,
      %get3A_812 = vector.shape_cast %get3A_811 : vector<1x16xf32> to vector<16xf32>
      %mul3A_813 = arith.mulf %get3A_812, %get3A_84 : vector<16xf32>
      %add3A_814 = arith.addf %mul3A_808, %mul3A_813 : vector<16xf32>
      %swap3A_815 = arith.index_cast %scan3A_73 : i32 to index
      %swap3A_816 = arith.constant 720 : index
      %swap3A_817 = tpu.vector_load %arg9[%swap3A_815, %swap3A_816] {strides = array<i32>} : memref<64x768xf32, #tpu.memory_space<vmem>>, vector<1x16xf32>,
      %swap3A_818 = vector.shape_cast %swap3A_817 : vector<1x16xf32> to vector<16xf32>
      %swap3A_819 = vector.shape_cast %add3A_814 : vector<16xf32> to vector<1x16xf32>
      tpu.vector_store %arg9[%swap3A_815, %swap3A_816], %swap3A_819 {strides = array<i32>} : memref<64x768xf32, #tpu.memory_space<vmem>>, vector<1x16xf32>,
      %get3A_820 = arith.index_cast %scan3A_73 : i32 to index
      %get3A_821 = arith.constant 736 : index
      %get3A_822 = tpu.vector_load %arg9[%get3A_820, %get3A_821] {strides = array<i32>} : memref<64x768xf32, #tpu.memory_space<vmem>>, vector<1x16xf32>,
      %get3A_823 = vector.shape_cast %get3A_822 : vector<1x16xf32> to vector<16xf32>
      %mul3A_824 = arith.mulf %get3A_823, %get3A_78 : vector<16xf32>
      %get3A_825 = arith.index_cast %scan3A_73 : i32 to index
      %get3A_826 = arith.constant 736 : index
      %get3A_827 = tpu.vector_load %arg10[%get3A_825, %get3A_826] {strides = array<i32>} : memref<64x768xf32, #tpu.memory_space<vmem>>, vector<1x16xf32>,
      %get3A_828 = vector.shape_cast %get3A_827 : vector<1x16xf32> to vector<16xf32>
      %mul3A_829 = arith.mulf %get3A_828, %get3A_84 : vector<16xf32>
      %add3A_830 = arith.addf %mul3A_824, %mul3A_829 : vector<16xf32>
      %swap3A_831 = arith.index_cast %scan3A_73 : i32 to index
      %swap3A_832 = arith.constant 736 : index
      %swap3A_833 = tpu.vector_load %arg9[%swap3A_831, %swap3A_832] {strides = array<i32>} : memref<64x768xf32, #tpu.memory_space<vmem>>, vector<1x16xf32>,
      %swap3A_834 = vector.shape_cast %swap3A_833 : vector<1x16xf32> to vector<16xf32>
      %swap3A_835 = vector.shape_cast %add3A_830 : vector<16xf32> to vector<1x16xf32>
      tpu.vector_store %arg9[%swap3A_831, %swap3A_832], %swap3A_835 {strides = array<i32>} : memref<64x768xf32, #tpu.memory_space<vmem>>, vector<1x16xf32>,
      %get3A_836 = arith.index_cast %scan3A_73 : i32 to index
      %get3A_837 = arith.constant 752 : index
      %get3A_838 = tpu.vector_load %arg9[%get3A_836, %get3A_837] {strides = array<i32>} : memref<64x768xf32, #tpu.memory_space<vmem>>, vector<1x16xf32>,
      %get3A_839 = vector.shape_cast %get3A_838 : vector<1x16xf32> to vector<16xf32>
      %mul3A_840 = arith.mulf %get3A_839, %get3A_78 : vector<16xf32>
      %get3A_841 = arith.index_cast %scan3A_73 : i32 to index
      %get3A_842 = arith.constant 752 : index
      %get3A_843 = tpu.vector_load %arg10[%get3A_841, %get3A_842] {strides = array<i32>} : memref<64x768xf32, #tpu.memory_space<vmem>>, vector<1x16xf32>,
      %get3A_844 = vector.shape_cast %get3A_843 : vector<1x16xf32> to vector<16xf32>
      %mul3A_845 = arith.mulf %get3A_844, %get3A_84 : vector<16xf32>
      %add3A_846 = arith.addf %mul3A_840, %mul3A_845 : vector<16xf32>
      %swap3A_847 = arith.index_cast %scan3A_73 : i32 to index
      %swap3A_848 = arith.constant 752 : index
      %swap3A_849 = tpu.vector_load %arg9[%swap3A_847, %swap3A_848] {strides = array<i32>} : memref<64x768xf32, #tpu.memory_space<vmem>>, vector<1x16xf32>,
      %swap3A_850 = vector.shape_cast %swap3A_849 : vector<1x16xf32> to vector<16xf32>
      %swap3A_851 = vector.shape_cast %add3A_846 : vector<16xf32> to vector<1x16xf32>
      tpu.vector_store %arg9[%swap3A_847, %swap3A_848], %swap3A_851 {strides = array<i32>} : memref<64x768xf32, #tpu.memory_space<vmem>>, vector<1x16xf32>,
    }
    %scan3A_70 = arith.constant 64 : i32
    %add3A_71 = arith.constant 64 : i32
    %add3A_72 = arith.addi %mul3A_2, %add3A_71 : i32
    "tpu.region"() ({
      %run_scoped3A_73 = tpu.sem_alloc : memref<!tpu.dma_semaphore, #tpu.memory_space<semaphore_mem>>
      %dma_start3A_74 = arith.constant 0 : i32
      %dma_start3A_75 = tpu.memref_slice %arg5[%add3A_72, %dma_start3A_74] : memref<4096x768xf32, #tpu.memory_space<hbm>> -> memref<64x768xf32, #tpu.memory_space<hbm>>
      %dma_start3A_76 = arith.constant 0 : i32
      %dma_start3A_77 = tpu.memref_slice %arg5[%add3A_72, %dma_start3A_76] : memref<4096x768xf32, #tpu.memory_space<hbm>> -> memref<64x768xf32, #tpu.memory_space<hbm>>
      tpu.enqueue_dma source(%arg9 : memref<64x768xf32, #tpu.memory_space<vmem>>) target(%dma_start3A_77 : memref<64x768xf32, #tpu.memory_space<hbm>>) target_semaphore(%run_scoped3A_73 : memref<!tpu.dma_semaphore, #tpu.memory_space<semaphore_mem>>)
      %dma_wait3A_78 = arith.constant 0 : i32
      %dma_wait3A_79 = tpu.memref_slice %arg5[%add3A_72, %dma_wait3A_78] : memref<4096x768xf32, #tpu.memory_space<hbm>> -> memref<64x768xf32, #tpu.memory_space<hbm>>
      %dma_wait3A_80 = arith.constant 0 : i32
      %dma_wait3A_81 = tpu.memref_slice %arg5[%add3A_72, %dma_wait3A_80] : memref<4096x768xf32, #tpu.memory_space<hbm>> -> memref<64x768xf32, #tpu.memory_space<hbm>>
      tpu.wait_dma2 semaphore(%run_scoped3A_73 : memref<!tpu.dma_semaphore, #tpu.memory_space<semaphore_mem>>) src(%arg9 : memref<64x768xf32, #tpu.memory_space<vmem>>) dst(%dma_wait3A_81 : memref<64x768xf32, #tpu.memory_space<hbm>>)
      tpu.yield
    }) : () -> ()
    return
  }
}

module attributes {stable_mosaic.version = 14 : i64} {
  func.func @_gating_body(%arg0: memref<4096x768xf32, #tpu.memory_space<vmem>>, %arg1: memref<768x8xf32, #tpu.memory_space<vmem>>, %arg2: memref<1x8xf32, #tpu.memory_space<vmem>>, %arg3: memref<4096x2xi32, #tpu.memory_space<vmem>>, %arg4: memref<4096x2xf32, #tpu.memory_space<vmem>>, %arg5: memref<1x8xi32, #tpu.memory_space<vmem>>) attributes {dimension_semantics = [], scalar_prefetch = 0 : i64, scratch_operands = 0 : i64, tpu.core_type = #tpu.core_type<tc>} {
    %get3A = arith.constant 0 : index
    %get3A_0 = arith.constant 0 : index
    %get3A_1 = vector.load %arg0[%get3A, %get3A_0] : memref<4096x768xf32, #tpu.memory_space<vmem>>, vector<4096x768xf32>
    %convert_element_type3A = arith.truncf %get3A_1 : vector<4096x768xf32> to vector<4096x768xbf16>
    %get3A_2 = arith.constant 0 : index
    %get3A_3 = arith.constant 0 : index
    %get3A_4 = vector.load %arg1[%get3A_2, %get3A_3] : memref<768x8xf32, #tpu.memory_space<vmem>>, vector<768x8xf32>
    %convert_element_type3A_5 = arith.truncf %get3A_4 : vector<768x8xf32> to vector<768x8xbf16>
    %dot_general3A = arith.constant dense<0.000000e+00> : vector<4096x8xf32>
    %dot_general3A_6 = tpu.matmul %convert_element_type3A, %convert_element_type3A_5, %dot_general3A {dimension_numbers = #tpu.dot_dimension_numbers<[1], [0], [0], [1], [0, 0, 1, 1], [], []>, transpose_lhs_hint = false} : vector<4096x768xbf16>, vector<768x8xbf16>, vector<4096x8xf32> -> vector<4096x8xf32>
    %get3A_7 = arith.constant 0 : index
    %get3A_8 = arith.constant 0 : index
    %get3A_9 = vector.load %arg2[%get3A_7, %get3A_8] : memref<1x8xf32, #tpu.memory_space<vmem>>, vector<1x8xf32>
    %add3A = vector.broadcast %get3A_9 : vector<1x8xf32> to vector<4096x8xf32>
    %add3A_10 = arith.addf %dot_general3A_6, %add3A : vector<4096x8xf32>
    %reduce_max3A = arith.constant dense<0xFF800000> : vector<4096xf32>
    %reduce_max3A_11 = vector.multi_reduction <maximumf>, %add3A_10, %reduce_max3A [1] : vector<4096x8xf32> to vector<4096xf32>
    %broadcast_in_dim3A = vector.shape_cast %reduce_max3A_11 : vector<4096xf32> to vector<4096x1xf32>
    %sub3A = vector.broadcast %broadcast_in_dim3A : vector<4096x1xf32> to vector<4096x8xf32>
    %sub3A_12 = arith.subf %add3A_10, %sub3A : vector<4096x8xf32>
    %exp3A = math.exp %sub3A_12 : vector<4096x8xf32>
    %reduce_sum3A = arith.constant dense<0.000000e+00> : vector<4096xf32>
    %reduce_sum3A_13 = vector.multi_reduction <add>, %exp3A, %reduce_sum3A [1] : vector<4096x8xf32> to vector<4096xf32>
    %broadcast_in_dim3A_14 = vector.shape_cast %reduce_sum3A_13 : vector<4096xf32> to vector<4096x1xf32>
    %div3A = vector.broadcast %broadcast_in_dim3A_14 : vector<4096x1xf32> to vector<4096x8xf32>
    %div3A_15 = arith.divf %exp3A, %div3A : vector<4096x8xf32>
    %iota3A = tpu.iota {dimensions = array<i32: 1>} : vector<4096x8xi32>
    %reduce_max3A_16 = arith.constant dense<0xFF800000> : vector<4096xf32>
    %reduce_max3A_17 = vector.multi_reduction <maximumf>, %div3A_15, %reduce_max3A_16 [1] : vector<4096x8xf32> to vector<4096xf32>
    %broadcast_in_dim3A_18 = vector.shape_cast %reduce_max3A_17 : vector<4096xf32> to vector<4096x1xf32>
    %eq3A = vector.broadcast %broadcast_in_dim3A_18 : vector<4096x1xf32> to vector<4096x8xf32>
    %eq3A_19 = arith.cmpf oeq, %div3A_15, %eq3A : vector<4096x8xf32>
    %jit3A = arith.constant 8 : i32
    %broadcast_in_dim3A_20 = vector.broadcast %jit3A : i32 to vector<4096x8xi32>
    %select_n3A = arith.select %eq3A_19, %iota3A, %broadcast_in_dim3A_20 : vector<4096x8xi1>, vector<4096x8xi32>
    %reduce_min3A = arith.constant dense<2147483647> : vector<4096xi32>
    %reduce_min3A_21 = vector.multi_reduction <minsi>, %select_n3A, %reduce_min3A [1] : vector<4096x8xi32> to vector<4096xi32>
    %broadcast_in_dim3A_22 = vector.shape_cast %reduce_min3A_21 : vector<4096xi32> to vector<4096x1xi32>
    %eq3A_23 = vector.broadcast %broadcast_in_dim3A_22 : vector<4096x1xi32> to vector<4096x8xi32>
    %eq3A_24 = arith.cmpi eq, %iota3A, %eq3A_23 : vector<4096x8xi32>
    %jit3A_25 = arith.constant -1.000000e+00 : f32
    %broadcast_in_dim3A_26 = vector.broadcast %jit3A_25 : f32 to vector<4096x8xf32>
    %select_n3A_27 = arith.select %eq3A_24, %broadcast_in_dim3A_26, %div3A_15 : vector<4096x8xi1>, vector<4096x8xf32>
    %reduce_max3A_28 = arith.constant dense<0xFF800000> : vector<4096xf32>
    %reduce_max3A_29 = vector.multi_reduction <maximumf>, %select_n3A_27, %reduce_max3A_28 [1] : vector<4096x8xf32> to vector<4096xf32>
    %broadcast_in_dim3A_30 = vector.shape_cast %reduce_max3A_29 : vector<4096xf32> to vector<4096x1xf32>
    %eq3A_31 = vector.broadcast %broadcast_in_dim3A_30 : vector<4096x1xf32> to vector<4096x8xf32>
    %eq3A_32 = arith.cmpf oeq, %select_n3A_27, %eq3A_31 : vector<4096x8xf32>
    %jit3A_33 = arith.constant 8 : i32
    %broadcast_in_dim3A_34 = vector.broadcast %jit3A_33 : i32 to vector<4096x8xi32>
    %select_n3A_35 = arith.select %eq3A_32, %iota3A, %broadcast_in_dim3A_34 : vector<4096x8xi1>, vector<4096x8xi32>
    %reduce_min3A_36 = arith.constant dense<2147483647> : vector<4096xi32>
    %reduce_min3A_37 = vector.multi_reduction <minsi>, %select_n3A_35, %reduce_min3A_36 [1] : vector<4096x8xi32> to vector<4096xi32>
    %broadcast_in_dim3A_38 = vector.shape_cast %reduce_min3A_37 : vector<4096xi32> to vector<4096x1xi32>
    %eq3A_39 = vector.broadcast %broadcast_in_dim3A_38 : vector<4096x1xi32> to vector<4096x8xi32>
    %eq3A_40 = arith.cmpi eq, %iota3A, %eq3A_39 : vector<4096x8xi32>
    %concatenate3A = tpu.concatenate %broadcast_in_dim3A_18, %broadcast_in_dim3A_30 in 1 : vector<4096x1xf32>, vector<4096x1xf32> -> vector<4096x2xf32>
    %swap3A = arith.constant 0 : index
    %swap3A_41 = arith.constant 0 : index
    %swap3A_42 = vector.load %arg4[%swap3A, %swap3A_41] : memref<4096x2xf32, #tpu.memory_space<vmem>>, vector<4096x2xf32>
    tpu.vector_store %arg4[%swap3A, %swap3A_41], %concatenate3A {strides = array<i32>} : memref<4096x2xf32, #tpu.memory_space<vmem>>, vector<4096x2xf32>,
    %convert_element_type3A_43 = arith.extui %eq3A_24 : vector<4096x8xi1> to vector<4096x8xi32>
    %convert_element_type3A_44 = arith.sitofp %convert_element_type3A_43 : vector<4096x8xi32> to vector<4096x8xf32>
    %convert_element_type3A_45 = arith.extui %eq3A_40 : vector<4096x8xi1> to vector<4096x8xi32>
    %convert_element_type3A_46 = arith.sitofp %convert_element_type3A_45 : vector<4096x8xi32> to vector<4096x8xf32>
    %add3A_47 = arith.addf %convert_element_type3A_44, %convert_element_type3A_46 : vector<4096x8xf32>
    %iota3A_48 = tpu.iota {dimensions = array<i32: 0>} : vector<512x512xi32>
    %iota3A_49 = tpu.iota {dimensions = array<i32: 1>} : vector<512x512xi32>
    %lt3A = arith.cmpi slt, %iota3A_49, %iota3A_48 : vector<512x512xi32>
    %convert_element_type3A_50 = arith.extui %lt3A : vector<512x512xi1> to vector<512x512xi32>
    %convert_element_type3A_51 = arith.sitofp %convert_element_type3A_50 : vector<512x512xi32> to vector<512x512xf32>
    %broadcast_in_dim3A_52 = arith.constant 0.000000e+00 : f32
    %broadcast_in_dim3A_53 = vector.broadcast %broadcast_in_dim3A_52 : f32 to vector<1x8xf32>
    %slice3A = vector.extract_strided_slice %add3A_47 {offsets = [0, 0], sizes = [512, 8], strides = [1, 1]} : vector<4096x8xf32> to vector<512x8xf32>
    %dot_general3A_54 = arith.constant dense<0.000000e+00> : vector<512x8xf32>
    %dot_general3A_55 = tpu.matmul %convert_element_type3A_51, %slice3A, %dot_general3A_54 {dimension_numbers = #tpu.dot_dimension_numbers<[1], [0], [0], [1], [0, 0, 1, 1], [], []>, transpose_lhs_hint = false} : vector<512x512xf32>, vector<512x8xf32>, vector<512x8xf32> -> vector<512x8xf32>
    %add3A_56 = vector.broadcast %broadcast_in_dim3A_53 : vector<1x8xf32> to vector<512x8xf32>
    %add3A_57 = arith.addf %dot_general3A_55, %add3A_56 : vector<512x8xf32>
    %reduce_sum3A_58 = arith.constant dense<0.000000e+00> : vector<8xf32>
    %reduce_sum3A_59 = vector.multi_reduction <add>, %slice3A, %reduce_sum3A_58 [0] : vector<512x8xf32> to vector<8xf32>
    %broadcast_in_dim3A_60 = vector.shape_cast %reduce_sum3A_59 : vector<8xf32> to vector<1x8xf32>
    %add3A_61 = arith.addf %broadcast_in_dim3A_53, %broadcast_in_dim3A_60 : vector<1x8xf32>
    %slice3A_62 = vector.extract_strided_slice %add3A_47 {offsets = [512, 0], sizes = [512, 8], strides = [1, 1]} : vector<4096x8xf32> to vector<512x8xf32>
    %dot_general3A_63 = arith.constant dense<0.000000e+00> : vector<512x8xf32>
    %dot_general3A_64 = tpu.matmul %convert_element_type3A_51, %slice3A_62, %dot_general3A_63 {dimension_numbers = #tpu.dot_dimension_numbers<[1], [0], [0], [1], [0, 0, 1, 1], [], []>, transpose_lhs_hint = false} : vector<512x512xf32>, vector<512x8xf32>, vector<512x8xf32> -> vector<512x8xf32>
    %add3A_65 = vector.broadcast %add3A_61 : vector<1x8xf32> to vector<512x8xf32>
    %add3A_66 = arith.addf %dot_general3A_64, %add3A_65 : vector<512x8xf32>
    %reduce_sum3A_67 = arith.constant dense<0.000000e+00> : vector<8xf32>
    %reduce_sum3A_68 = vector.multi_reduction <add>, %slice3A_62, %reduce_sum3A_67 [0] : vector<512x8xf32> to vector<8xf32>
    %broadcast_in_dim3A_69 = vector.shape_cast %reduce_sum3A_68 : vector<8xf32> to vector<1x8xf32>
    %add3A_70 = arith.addf %add3A_61, %broadcast_in_dim3A_69 : vector<1x8xf32>
    %slice3A_71 = vector.extract_strided_slice %add3A_47 {offsets = [1024, 0], sizes = [512, 8], strides = [1, 1]} : vector<4096x8xf32> to vector<512x8xf32>
    %dot_general3A_72 = arith.constant dense<0.000000e+00> : vector<512x8xf32>
    %dot_general3A_73 = tpu.matmul %convert_element_type3A_51, %slice3A_71, %dot_general3A_72 {dimension_numbers = #tpu.dot_dimension_numbers<[1], [0], [0], [1], [0, 0, 1, 1], [], []>, transpose_lhs_hint = false} : vector<512x512xf32>, vector<512x8xf32>, vector<512x8xf32> -> vector<512x8xf32>
    %add3A_74 = vector.broadcast %add3A_70 : vector<1x8xf32> to vector<512x8xf32>
    %add3A_75 = arith.addf %dot_general3A_73, %add3A_74 : vector<512x8xf32>
    %reduce_sum3A_76 = arith.constant dense<0.000000e+00> : vector<8xf32>
    %reduce_sum3A_77 = vector.multi_reduction <add>, %slice3A_71, %reduce_sum3A_76 [0] : vector<512x8xf32> to vector<8xf32>
    %broadcast_in_dim3A_78 = vector.shape_cast %reduce_sum3A_77 : vector<8xf32> to vector<1x8xf32>
    %add3A_79 = arith.addf %add3A_70, %broadcast_in_dim3A_78 : vector<1x8xf32>
    %slice3A_80 = vector.extract_strided_slice %add3A_47 {offsets = [1536, 0], sizes = [512, 8], strides = [1, 1]} : vector<4096x8xf32> to vector<512x8xf32>
    %dot_general3A_81 = arith.constant dense<0.000000e+00> : vector<512x8xf32>
    %dot_general3A_82 = tpu.matmul %convert_element_type3A_51, %slice3A_80, %dot_general3A_81 {dimension_numbers = #tpu.dot_dimension_numbers<[1], [0], [0], [1], [0, 0, 1, 1], [], []>, transpose_lhs_hint = false} : vector<512x512xf32>, vector<512x8xf32>, vector<512x8xf32> -> vector<512x8xf32>
    %add3A_83 = vector.broadcast %add3A_79 : vector<1x8xf32> to vector<512x8xf32>
    %add3A_84 = arith.addf %dot_general3A_82, %add3A_83 : vector<512x8xf32>
    %reduce_sum3A_85 = arith.constant dense<0.000000e+00> : vector<8xf32>
    %reduce_sum3A_86 = vector.multi_reduction <add>, %slice3A_80, %reduce_sum3A_85 [0] : vector<512x8xf32> to vector<8xf32>
    %broadcast_in_dim3A_87 = vector.shape_cast %reduce_sum3A_86 : vector<8xf32> to vector<1x8xf32>
    %add3A_88 = arith.addf %add3A_79, %broadcast_in_dim3A_87 : vector<1x8xf32>
    %slice3A_89 = vector.extract_strided_slice %add3A_47 {offsets = [2048, 0], sizes = [512, 8], strides = [1, 1]} : vector<4096x8xf32> to vector<512x8xf32>
    %dot_general3A_90 = arith.constant dense<0.000000e+00> : vector<512x8xf32>
    %dot_general3A_91 = tpu.matmul %convert_element_type3A_51, %slice3A_89, %dot_general3A_90 {dimension_numbers = #tpu.dot_dimension_numbers<[1], [0], [0], [1], [0, 0, 1, 1], [], []>, transpose_lhs_hint = false} : vector<512x512xf32>, vector<512x8xf32>, vector<512x8xf32> -> vector<512x8xf32>
    %add3A_92 = vector.broadcast %add3A_88 : vector<1x8xf32> to vector<512x8xf32>
    %add3A_93 = arith.addf %dot_general3A_91, %add3A_92 : vector<512x8xf32>
    %reduce_sum3A_94 = arith.constant dense<0.000000e+00> : vector<8xf32>
    %reduce_sum3A_95 = vector.multi_reduction <add>, %slice3A_89, %reduce_sum3A_94 [0] : vector<512x8xf32> to vector<8xf32>
    %broadcast_in_dim3A_96 = vector.shape_cast %reduce_sum3A_95 : vector<8xf32> to vector<1x8xf32>
    %add3A_97 = arith.addf %add3A_88, %broadcast_in_dim3A_96 : vector<1x8xf32>
    %slice3A_98 = vector.extract_strided_slice %add3A_47 {offsets = [2560, 0], sizes = [512, 8], strides = [1, 1]} : vector<4096x8xf32> to vector<512x8xf32>
    %dot_general3A_99 = arith.constant dense<0.000000e+00> : vector<512x8xf32>
    %dot_general3A_100 = tpu.matmul %convert_element_type3A_51, %slice3A_98, %dot_general3A_99 {dimension_numbers = #tpu.dot_dimension_numbers<[1], [0], [0], [1], [0, 0, 1, 1], [], []>, transpose_lhs_hint = false} : vector<512x512xf32>, vector<512x8xf32>, vector<512x8xf32> -> vector<512x8xf32>
    %add3A_101 = vector.broadcast %add3A_97 : vector<1x8xf32> to vector<512x8xf32>
    %add3A_102 = arith.addf %dot_general3A_100, %add3A_101 : vector<512x8xf32>
    %reduce_sum3A_103 = arith.constant dense<0.000000e+00> : vector<8xf32>
    %reduce_sum3A_104 = vector.multi_reduction <add>, %slice3A_98, %reduce_sum3A_103 [0] : vector<512x8xf32> to vector<8xf32>
    %broadcast_in_dim3A_105 = vector.shape_cast %reduce_sum3A_104 : vector<8xf32> to vector<1x8xf32>
    %add3A_106 = arith.addf %add3A_97, %broadcast_in_dim3A_105 : vector<1x8xf32>
    %slice3A_107 = vector.extract_strided_slice %add3A_47 {offsets = [3072, 0], sizes = [512, 8], strides = [1, 1]} : vector<4096x8xf32> to vector<512x8xf32>
    %dot_general3A_108 = arith.constant dense<0.000000e+00> : vector<512x8xf32>
    %dot_general3A_109 = tpu.matmul %convert_element_type3A_51, %slice3A_107, %dot_general3A_108 {dimension_numbers = #tpu.dot_dimension_numbers<[1], [0], [0], [1], [0, 0, 1, 1], [], []>, transpose_lhs_hint = false} : vector<512x512xf32>, vector<512x8xf32>, vector<512x8xf32> -> vector<512x8xf32>
    %add3A_110 = vector.broadcast %add3A_106 : vector<1x8xf32> to vector<512x8xf32>
    %add3A_111 = arith.addf %dot_general3A_109, %add3A_110 : vector<512x8xf32>
    %reduce_sum3A_112 = arith.constant dense<0.000000e+00> : vector<8xf32>
    %reduce_sum3A_113 = vector.multi_reduction <add>, %slice3A_107, %reduce_sum3A_112 [0] : vector<512x8xf32> to vector<8xf32>
    %broadcast_in_dim3A_114 = vector.shape_cast %reduce_sum3A_113 : vector<8xf32> to vector<1x8xf32>
    %add3A_115 = arith.addf %add3A_106, %broadcast_in_dim3A_114 : vector<1x8xf32>
    %slice3A_116 = vector.extract_strided_slice %add3A_47 {offsets = [3584, 0], sizes = [512, 8], strides = [1, 1]} : vector<4096x8xf32> to vector<512x8xf32>
    %dot_general3A_117 = arith.constant dense<0.000000e+00> : vector<512x8xf32>
    %dot_general3A_118 = tpu.matmul %convert_element_type3A_51, %slice3A_116, %dot_general3A_117 {dimension_numbers = #tpu.dot_dimension_numbers<[1], [0], [0], [1], [0, 0, 1, 1], [], []>, transpose_lhs_hint = false} : vector<512x512xf32>, vector<512x8xf32>, vector<512x8xf32> -> vector<512x8xf32>
    %add3A_119 = vector.broadcast %add3A_115 : vector<1x8xf32> to vector<512x8xf32>
    %add3A_120 = arith.addf %dot_general3A_118, %add3A_119 : vector<512x8xf32>
    %reduce_sum3A_121 = arith.constant dense<0.000000e+00> : vector<8xf32>
    %reduce_sum3A_122 = vector.multi_reduction <add>, %slice3A_116, %reduce_sum3A_121 [0] : vector<512x8xf32> to vector<8xf32>
    %broadcast_in_dim3A_123 = vector.shape_cast %reduce_sum3A_122 : vector<8xf32> to vector<1x8xf32>
    %add3A_124 = arith.addf %add3A_115, %broadcast_in_dim3A_123 : vector<1x8xf32>
    %concatenate3A_125 = tpu.concatenate %add3A_57, %add3A_66, %add3A_75, %add3A_84, %add3A_93, %add3A_102, %add3A_111, %add3A_120 in 0 : vector<512x8xf32>, vector<512x8xf32>, vector<512x8xf32>, vector<512x8xf32>, vector<512x8xf32>, vector<512x8xf32>, vector<512x8xf32>, vector<512x8xf32> -> vector<4096x8xf32>
    %convert_element_type3A_126 = arith.fptosi %add3A_124 : vector<1x8xf32> to vector<1x8xi32>
    %swap3A_127 = arith.constant 0 : index
    %swap3A_128 = arith.constant 0 : index
    %swap3A_129 = vector.load %arg5[%swap3A_127, %swap3A_128] : memref<1x8xi32, #tpu.memory_space<vmem>>, vector<1x8xi32>
    tpu.vector_store %arg5[%swap3A_127, %swap3A_128], %convert_element_type3A_126 {strides = array<i32>} : memref<1x8xi32, #tpu.memory_space<vmem>>, vector<1x8xi32>,
    %iota3A_130 = tpu.iota {dimensions = array<i32: 0>} : vector<8x8xi32>
    %iota3A_131 = tpu.iota {dimensions = array<i32: 1>} : vector<8x8xi32>
    %lt3A_132 = arith.cmpi slt, %iota3A_130, %iota3A_131 : vector<8x8xi32>
    %convert_element_type3A_133 = arith.extui %lt3A_132 : vector<8x8xi1> to vector<8x8xi32>
    %convert_element_type3A_134 = arith.sitofp %convert_element_type3A_133 : vector<8x8xi32> to vector<8x8xf32>
    %dot_general3A_135 = arith.constant dense<0.000000e+00> : vector<1x8xf32>
    %dot_general3A_136 = tpu.matmul %add3A_124, %convert_element_type3A_134, %dot_general3A_135 {dimension_numbers = #tpu.dot_dimension_numbers<[1], [0], [0], [1], [0, 0, 1, 1], [], []>, transpose_lhs_hint = false} : vector<1x8xf32>, vector<8x8xf32>, vector<1x8xf32> -> vector<1x8xf32>
    %add3A_137 = vector.broadcast %dot_general3A_136 : vector<1x8xf32> to vector<4096x8xf32>
    %add3A_138 = arith.addf %concatenate3A_125, %add3A_137 : vector<4096x8xf32>
    %jit3A_139 = arith.constant 0.000000e+00 : f32
    %broadcast_in_dim3A_140 = vector.broadcast %jit3A_139 : f32 to vector<4096x8xf32>
    %select_n3A_141 = arith.select %eq3A_24, %add3A_138, %broadcast_in_dim3A_140 : vector<4096x8xi1>, vector<4096x8xf32>
    %reduce_sum3A_142 = arith.constant dense<0.000000e+00> : vector<4096xf32>
    %reduce_sum3A_143 = vector.multi_reduction <add>, %select_n3A_141, %reduce_sum3A_142 [1] : vector<4096x8xf32> to vector<4096xf32>
    %broadcast_in_dim3A_144 = vector.shape_cast %reduce_sum3A_143 : vector<4096xf32> to vector<4096x1xf32>
    %jit3A_145 = arith.constant 0.000000e+00 : f32
    %broadcast_in_dim3A_146 = vector.broadcast %jit3A_145 : f32 to vector<4096x8xf32>
    %select_n3A_147 = arith.select %eq3A_40, %add3A_138, %broadcast_in_dim3A_146 : vector<4096x8xi1>, vector<4096x8xf32>
    %reduce_sum3A_148 = arith.constant dense<0.000000e+00> : vector<4096xf32>
    %reduce_sum3A_149 = vector.multi_reduction <add>, %select_n3A_147, %reduce_sum3A_148 [1] : vector<4096x8xf32> to vector<4096xf32>
    %broadcast_in_dim3A_150 = vector.shape_cast %reduce_sum3A_149 : vector<4096xf32> to vector<4096x1xf32>
    %concatenate3A_151 = tpu.concatenate %broadcast_in_dim3A_144, %broadcast_in_dim3A_150 in 1 : vector<4096x1xf32>, vector<4096x1xf32> -> vector<4096x2xf32>
    %convert_element_type3A_152 = arith.fptosi %concatenate3A_151 : vector<4096x2xf32> to vector<4096x2xi32>
    %swap3A_153 = arith.constant 0 : index
    %swap3A_154 = arith.constant 0 : index
    %swap3A_155 = vector.load %arg3[%swap3A_153, %swap3A_154] : memref<4096x2xi32, #tpu.memory_space<vmem>>, vector<4096x2xi32>
    tpu.vector_store %arg3[%swap3A_153, %swap3A_154], %convert_element_type3A_152 {strides = array<i32>} : memref<4096x2xi32, #tpu.memory_space<vmem>>, vector<4096x2xi32>,
    return
  }
}

module attributes {stable_mosaic.version = 14 : i64} {
  func.func @_gmm_body(%arg0: i32, %arg1: memref<39xi32, #tpu.memory_space<smem>>, %arg2: memref<39xi32, #tpu.memory_space<smem>>, %arg3: memref<39xi32, #tpu.memory_space<smem>>, %arg4: memref<10xi32, #tpu.memory_space<smem>>, %arg5: memref<256x768xf32, #tpu.memory_space<vmem>>, %arg6: memref<1x768x3072xbf16, #tpu.memory_space<vmem>>, %arg7: memref<1x1x3072xf32, #tpu.memory_space<vmem>>, %arg8: memref<1x3072x768xbf16, #tpu.memory_space<vmem>>, %arg9: memref<1x1x768xf32, #tpu.memory_space<vmem>>, %arg10: memref<256x768xf32, #tpu.memory_space<vmem>>) attributes {dimension_semantics = [#tpu.dimension_semantics<arbitrary>], iteration_bounds = array<i64: 39>, scalar_prefetch = 4 : i64, scratch_operands = 0 : i64, tpu.core_type = #tpu.core_type<tc>, window_params = [{transform_indices = @transform_0, window_bounds = array<i64: 256, 768>}, {transform_indices = @transform_1, window_bounds = array<i64: 1, 768, 3072>}, {transform_indices = @transform_2, window_bounds = array<i64: 1, 1, 3072>}, {transform_indices = @transform_3, window_bounds = array<i64: 1, 3072, 768>}, {transform_indices = @transform_4, window_bounds = array<i64: 1, 1, 768>}, {transform_indices = @transform_5, window_bounds = array<i64: 256, 768>}]} {
    %get3A = arith.index_cast %arg0 : i32 to index
    %get3A_0 = memref.load %arg2[%get3A] : memref<39xi32, #tpu.memory_space<smem>>
    %get3A_1 = arith.index_cast %get3A_0 : i32 to index
    %get3A_2 = memref.load %arg4[%get3A_1] : memref<10xi32, #tpu.memory_space<smem>>
    %add3A = arith.constant 1 : i32
    %add3A_3 = arith.addi %get3A_0, %add3A : i32
    %get3A_4 = arith.index_cast %add3A_3 : i32 to index
    %get3A_5 = memref.load %arg4[%get3A_4] : memref<10xi32, #tpu.memory_space<smem>>
    %get3A_6 = arith.index_cast %arg0 : i32 to index
    %get3A_7 = memref.load %arg1[%get3A_6] : memref<39xi32, #tpu.memory_space<smem>>
    %mul3A = arith.constant 256 : i32
    %mul3A_8 = arith.muli %get3A_7, %mul3A : i32
    %iota3A = tpu.iota {dimensions = array<i32: 0>} : vector<256x1xi32>
    %add3A_9 = vector.broadcast %mul3A_8 : i32 to vector<256x1xi32>
    %add3A_10 = arith.addi %iota3A, %add3A_9 : vector<256x1xi32>
    %ge3A = vector.broadcast %get3A_2 : i32 to vector<256x1xi32>
    %ge3A_11 = arith.cmpi sge, %add3A_10, %ge3A : vector<256x1xi32>
    %lt3A = vector.broadcast %get3A_5 : i32 to vector<256x1xi32>
    %lt3A_12 = arith.cmpi slt, %add3A_10, %lt3A : vector<256x1xi32>
    %and3A = arith.andi %ge3A_11, %lt3A_12 : vector<256x1xi1>
    %get3A_13 = arith.constant 0 : index
    %get3A_14 = arith.constant 0 : index
    %get3A_15 = vector.load %arg5[%get3A_13, %get3A_14] : memref<256x768xf32, #tpu.memory_space<vmem>>, vector<256x768xf32>
    %convert_element_type3A = arith.truncf %get3A_15 : vector<256x768xf32> to vector<256x768xbf16>
    %get3A_16 = arith.constant 0 : index
    %get3A_17 = arith.constant 0 : index
    %get3A_18 = arith.constant 0 : index
    %get3A_19 = vector.load %arg6[%get3A_16, %get3A_17, %get3A_18] : memref<1x768x3072xbf16, #tpu.memory_space<vmem>>, vector<1x768x3072xbf16>
    %get3A_20 = vector.shape_cast %get3A_19 : vector<1x768x3072xbf16> to vector<768x3072xbf16>
    %dot_general3A = arith.constant dense<0.000000e+00> : vector<256x3072xf32>
    %dot_general3A_21 = tpu.matmul %convert_element_type3A, %get3A_20, %dot_general3A {dimension_numbers = #tpu.dot_dimension_numbers<[1], [0], [0], [1], [0, 0, 1, 1], [], []>, transpose_lhs_hint = false} : vector<256x768xbf16>, vector<768x3072xbf16>, vector<256x3072xf32> -> vector<256x3072xf32>
    %get3A_22 = arith.constant 0 : index
    %get3A_23 = arith.constant 0 : index
    %get3A_24 = arith.constant 0 : index
    %get3A_25 = vector.load %arg7[%get3A_22, %get3A_23, %get3A_24] : memref<1x1x3072xf32, #tpu.memory_space<vmem>>, vector<1x1x3072xf32>
    %get3A_26 = vector.shape_cast %get3A_25 : vector<1x1x3072xf32> to vector<1x3072xf32>
    %add3A_27 = vector.broadcast %get3A_26 : vector<1x3072xf32> to vector<256x3072xf32>
    %add3A_28 = arith.addf %dot_general3A_21, %add3A_27 : vector<256x3072xf32>
    %integer_pow3A = arith.mulf %add3A_28, %add3A_28 : vector<256x3072xf32>
    %integer_pow3A_29 = arith.mulf %add3A_28, %integer_pow3A : vector<256x3072xf32>
    %mul3A_30 = arith.constant 4.471500e-02 : f32
    %mul3A_31 = vector.broadcast %mul3A_30 : f32 to vector<256x3072xf32>
    %mul3A_32 = arith.mulf %mul3A_31, %integer_pow3A_29 : vector<256x3072xf32>
    %add3A_33 = arith.addf %add3A_28, %mul3A_32 : vector<256x3072xf32>
    %mul3A_34 = arith.constant 0.797884583 : f32
    %mul3A_35 = vector.broadcast %mul3A_34 : f32 to vector<256x3072xf32>
    %mul3A_36 = arith.mulf %mul3A_35, %add3A_33 : vector<256x3072xf32>
    %tanh3A = math.tanh %mul3A_36 : vector<256x3072xf32>
    %add3A_37 = arith.constant 1.000000e+00 : f32
    %add3A_38 = vector.broadcast %add3A_37 : f32 to vector<256x3072xf32>
    %add3A_39 = arith.addf %add3A_38, %tanh3A : vector<256x3072xf32>
    %mul3A_40 = arith.constant 5.000000e-01 : f32
    %mul3A_41 = vector.broadcast %mul3A_40 : f32 to vector<256x3072xf32>
    %mul3A_42 = arith.mulf %mul3A_41, %add3A_39 : vector<256x3072xf32>
    %mul3A_43 = arith.mulf %add3A_28, %mul3A_42 : vector<256x3072xf32>
    %convert_element_type3A_44 = arith.truncf %mul3A_43 : vector<256x3072xf32> to vector<256x3072xbf16>
    %get3A_45 = arith.constant 0 : index
    %get3A_46 = arith.constant 0 : index
    %get3A_47 = arith.constant 0 : index
    %get3A_48 = vector.load %arg8[%get3A_45, %get3A_46, %get3A_47] : memref<1x3072x768xbf16, #tpu.memory_space<vmem>>, vector<1x3072x768xbf16>
    %get3A_49 = vector.shape_cast %get3A_48 : vector<1x3072x768xbf16> to vector<3072x768xbf16>
    %dot_general3A_50 = arith.constant dense<0.000000e+00> : vector<256x768xf32>
    %dot_general3A_51 = tpu.matmul %convert_element_type3A_44, %get3A_49, %dot_general3A_50 {dimension_numbers = #tpu.dot_dimension_numbers<[1], [0], [0], [1], [0, 0, 1, 1], [], []>, transpose_lhs_hint = false} : vector<256x3072xbf16>, vector<3072x768xbf16>, vector<256x768xf32> -> vector<256x768xf32>
    %get3A_52 = arith.constant 0 : index
    %get3A_53 = arith.constant 0 : index
    %get3A_54 = arith.constant 0 : index
    %get3A_55 = vector.load %arg9[%get3A_52, %get3A_53, %get3A_54] : memref<1x1x768xf32, #tpu.memory_space<vmem>>, vector<1x1x768xf32>
    %get3A_56 = vector.shape_cast %get3A_55 : vector<1x1x768xf32> to vector<1x768xf32>
    %add3A_57 = vector.broadcast %get3A_56 : vector<1x768xf32> to vector<256x768xf32>
    %add3A_58 = arith.addf %dot_general3A_51, %add3A_57 : vector<256x768xf32>
    %jit3A = arith.constant 0.000000e+00 : f32
    %broadcast_in_dim3A = vector.shape_cast %and3A : vector<256x1xi1> to vector<256x1xi1>
    %broadcast_in_dim3A_59 = vector.broadcast %broadcast_in_dim3A : vector<256x1xi1> to vector<256x768xi1>
    %broadcast_in_dim3A_60 = vector.broadcast %jit3A : f32 to vector<256x768xf32>
    %select_n3A = arith.select %broadcast_in_dim3A_59, %add3A_58, %broadcast_in_dim3A_60 : vector<256x768xi1>, vector<256x768xf32>
    %get3A_61 = arith.index_cast %arg0 : i32 to index
    %get3A_62 = memref.load %arg3[%get3A_61] : memref<39xi32, #tpu.memory_space<smem>>
    %eq3A = arith.constant 1 : i32
    %eq3A_63 = arith.cmpi eq, %get3A_62, %eq3A : i32
    %convert_element_type3A_64 = arith.extui %eq3A_63 : i1 to i32
    %cond3A = arith.constant 0 : i32
    %cond3A_65 = arith.cmpi ne, %convert_element_type3A_64, %cond3A : i32
    scf.if %cond3A_65 {
      %swap3A = arith.constant 0 : index
      %swap3A_73 = arith.constant 0 : index
      %swap3A_74 = vector.load %arg10[%swap3A, %swap3A_73] : memref<256x768xf32, #tpu.memory_space<vmem>>, vector<256x768xf32>
      tpu.vector_store %arg10[%swap3A, %swap3A_73], %select_n3A {strides = array<i32>} : memref<256x768xf32, #tpu.memory_space<vmem>>, vector<256x768xf32>,
    } else {
    }
    %get3A_66 = arith.index_cast %arg0 : i32 to index
    %get3A_67 = memref.load %arg3[%get3A_66] : memref<39xi32, #tpu.memory_space<smem>>
    %eq3A_68 = arith.constant 0 : i32
    %eq3A_69 = arith.cmpi eq, %get3A_67, %eq3A_68 : i32
    %convert_element_type3A_70 = arith.extui %eq3A_69 : i1 to i32
    %cond3A_71 = arith.constant 0 : i32
    %cond3A_72 = arith.cmpi ne, %convert_element_type3A_70, %cond3A_71 : i32
    scf.if %cond3A_72 {
      %get3A_73 = arith.constant 0 : index
      %get3A_74 = arith.constant 0 : index
      %get3A_75 = vector.load %arg10[%get3A_73, %get3A_74] : memref<256x768xf32, #tpu.memory_space<vmem>>, vector<256x768xf32>
      %add3A_76 = arith.addf %get3A_75, %select_n3A : vector<256x768xf32>
      %swap3A = arith.constant 0 : index
      %swap3A_77 = arith.constant 0 : index
      %swap3A_78 = vector.load %arg10[%swap3A, %swap3A_77] : memref<256x768xf32, #tpu.memory_space<vmem>>, vector<256x768xf32>
      tpu.vector_store %arg10[%swap3A, %swap3A_77], %add3A_76 {strides = array<i32>} : memref<256x768xf32, #tpu.memory_space<vmem>>, vector<256x768xf32>,
    } else {
    }
    return
  }
  func.func @transform_0(%arg0: i32, %arg1: memref<39xi32, #tpu.memory_space<smem>>, %arg2: memref<39xi32, #tpu.memory_space<smem>>, %arg3: memref<39xi32, #tpu.memory_space<smem>>, %arg4: memref<10xi32, #tpu.memory_space<smem>>) -> (i32, i32) {
    %get3A = arith.index_cast %arg0 : i32 to index
    %get3A_0 = memref.load %arg1[%get3A] : memref<39xi32, #tpu.memory_space<smem>>
    %c0_i32 = arith.constant 0 : i32
    %c0_i32_1 = arith.constant 0 : i32
    return %get3A_0, %c0_i32 : i32, i32
  }
  func.func @transform_1(%arg0: i32, %arg1: memref<39xi32, #tpu.memory_space<smem>>, %arg2: memref<39xi32, #tpu.memory_space<smem>>, %arg3: memref<39xi32, #tpu.memory_space<smem>>, %arg4: memref<10xi32, #tpu.memory_space<smem>>) -> (i32, i32, i32) {
    %get3A = arith.index_cast %arg0 : i32 to index
    %get3A_0 = memref.load %arg2[%get3A] : memref<39xi32, #tpu.memory_space<smem>>
    %min3A = arith.constant 7 : i32
    %min3A_1 = arith.minsi %get3A_0, %min3A : i32
    %c0_i32 = arith.constant 0 : i32
    %c0_i32_2 = arith.constant 0 : i32
    %c0_i32_3 = arith.constant 0 : i32
    return %min3A_1, %c0_i32, %c0_i32_2 : i32, i32, i32
  }
  func.func @transform_2(%arg0: i32, %arg1: memref<39xi32, #tpu.memory_space<smem>>, %arg2: memref<39xi32, #tpu.memory_space<smem>>, %arg3: memref<39xi32, #tpu.memory_space<smem>>, %arg4: memref<10xi32, #tpu.memory_space<smem>>) -> (i32, i32, i32) {
    %get3A = arith.index_cast %arg0 : i32 to index
    %get3A_0 = memref.load %arg2[%get3A] : memref<39xi32, #tpu.memory_space<smem>>
    %min3A = arith.constant 7 : i32
    %min3A_1 = arith.minsi %get3A_0, %min3A : i32
    %c0_i32 = arith.constant 0 : i32
    %c0_i32_2 = arith.constant 0 : i32
    %c0_i32_3 = arith.constant 0 : i32
    return %min3A_1, %c0_i32, %c0_i32_2 : i32, i32, i32
  }
  func.func @transform_3(%arg0: i32, %arg1: memref<39xi32, #tpu.memory_space<smem>>, %arg2: memref<39xi32, #tpu.memory_space<smem>>, %arg3: memref<39xi32, #tpu.memory_space<smem>>, %arg4: memref<10xi32, #tpu.memory_space<smem>>) -> (i32, i32, i32) {
    %get3A = arith.index_cast %arg0 : i32 to index
    %get3A_0 = memref.load %arg2[%get3A] : memref<39xi32, #tpu.memory_space<smem>>
    %min3A = arith.constant 7 : i32
    %min3A_1 = arith.minsi %get3A_0, %min3A : i32
    %c0_i32 = arith.constant 0 : i32
    %c0_i32_2 = arith.constant 0 : i32
    %c0_i32_3 = arith.constant 0 : i32
    return %min3A_1, %c0_i32, %c0_i32_2 : i32, i32, i32
  }
  func.func @transform_4(%arg0: i32, %arg1: memref<39xi32, #tpu.memory_space<smem>>, %arg2: memref<39xi32, #tpu.memory_space<smem>>, %arg3: memref<39xi32, #tpu.memory_space<smem>>, %arg4: memref<10xi32, #tpu.memory_space<smem>>) -> (i32, i32, i32) {
    %get3A = arith.index_cast %arg0 : i32 to index
    %get3A_0 = memref.load %arg2[%get3A] : memref<39xi32, #tpu.memory_space<smem>>
    %min3A = arith.constant 7 : i32
    %min3A_1 = arith.minsi %get3A_0, %min3A : i32
    %c0_i32 = arith.constant 0 : i32
    %c0_i32_2 = arith.constant 0 : i32
    %c0_i32_3 = arith.constant 0 : i32
    return %min3A_1, %c0_i32, %c0_i32_2 : i32, i32, i32
  }
  func.func @transform_5(%arg0: i32, %arg1: memref<39xi32, #tpu.memory_space<smem>>, %arg2: memref<39xi32, #tpu.memory_space<smem>>, %arg3: memref<39xi32, #tpu.memory_space<smem>>, %arg4: memref<10xi32, #tpu.memory_space<smem>>) -> (i32, i32) {
    %get3A = arith.index_cast %arg0 : i32 to index
    %get3A_0 = memref.load %arg1[%get3A] : memref<39xi32, #tpu.memory_space<smem>>
    %c0_i32 = arith.constant 0 : i32
    %c0_i32_1 = arith.constant 0 : i32
    return %get3A_0, %c0_i32 : i32, i32
  }
}

</mosaic_0001>

<sc_bundles>
// kernel: kernel.6.cloned.1.call-start
scs
__scs_entry_jumppad:
0x0: {  	(pc) =	sbr.rel $0x88, $3  }
0x1: {  	(tag) =	ssettag $0x0;
	lr =	simm.s32 $0x1  }
0x2: {  	[smem:$0x3F9A] =	sst lr;
	_ =	strace $0xD0000000  }
0x3: {  	_ = 	snop  }
0x4: {  	_ = 	snop  }
0x5: {  	_ = 	snop  }
0x6: {  	_ = 	snop  }
0x7: {  	_ = 	snop  }
__scs_overlays_trampoline_lowered:
0x8: {  	[smem:$0x3FA9] =	sst s0  }
0x9: {  	[smem:$0x3FAA] =	sst s1  }
0xa: {  	[smem:$0x3FAB] =	sst s2  }
0xb: {  	[smem:$0x3FAC] =	sst s3  }
0xc: {  	[smem:$0x3FAD] =	sst s4  }
0xd: {  	[smem:$0x3FAE] =	sst s5  }
0xe: {  	[smem:$0x3FAF] =	sst s6  }
0xf: {  	[smem:$0x3FB0] =	sst s7  }
0x10: {  	[smem:$0x3FB1] =	sst s8  }
0x11: {  	[smem:$0x3FB2] =	sst s9;
	s0 =	simm.s32 @!p0 $0x0  }
0x12: {  	s1 =	sld [smem:$0x3F98];
	s0 =	simm.s32 @p0 $0x1  }
0x13: {  	[smem:$0x3FB3] =	sst s0;
	s0 =	simm.s32 @!p1 $0x0  }
0x14: {  	s2 =	sld [smem:$0x3F97];
	s0 =	simm.s32 @p1 $0x1  }
0x15: {  	[smem:$0x3FB4] =	sst s0;
	s0 =	simm.s32 @!p2 $0x0  }
0x16: {  	s3 =	sld [smem:$0x3FDB];
	s0 =	simm.s32 @p2 $0x1  }
0x17: {  	s4 =	simm.s32 $0x1BF5;
	[smem:$0x3FB6] =	sst s0  }
0x18: {  	s0 =	sld [smem:$0x3F99];
	_ =	swait.ge [sflag:s4], $0x0  }
0x19: {  	s7 =	sld [smem:$0x3F9A]  }
0x1a: {  	s8 =	sadd.s32 $0xFFFFE003, lr  }
0x1b: {  	s9 =	sadd.s32 $0xFFFFFEF7, lr;
	s5 =	simm.s32 $0xFFFFFFFF;
	p2 =	slt.u32 s8, $0xFFFFF086  }
0x1c: {  	p1 =	slt.u32 s9, $0xF7A;
	s5 =	simm.s32 @!p2 $0x0  }
0x1d: {  	s5 =	simm.s32 @p1 $0x1;
	p0 =	seq.s32 s7, s2  }
0x1e: {  	s7 =	smul.u32 @!p0 $0xF7A, s2;
	p2 =	seq.s32 @!p0 s5, $0x0  }
0x1f: {  	s9 =	smul.u32 $0xF7A, s1;
	s8 =	simm.s32 @!p0 $0x1BF5;
	p2 =	por !p2, p0  }
0x20: {  	[sflag:s8] =	ssyncset.s32 @!p0 $0xFFFFF086;
	s6 =	sadd.s32 @!p0 s3, s7;
	s7 =	simm.s32 @!p0 $0x108  }
0x21: {  	s3 =	sadd.s32 s3, s9;
	s6 =	sadd.s32 @!p0 $0x88, s6;
	s7 =	simm.s32 @p2 $0x1082  }
0x22: {  	[simem:s7], [sflag:s8] =	dma.local @!p0 [hbm:s6], $0xF7A  }
0x23: {  	s9 =	sor.u32 $0xD0000000, s2;
	s6 =	simm.s32 $0x108;
	_ =	swait.ge @!p0 [sflag:s8], $0x0  }
0x24: {  	s3 =	sadd.s32 $0x88, s3;
	s6 =	simm.s32 @!p1 $0x1082;
	[sflag:s4] =	ssyncset.s32 $0xFFFFF086  }
0x25: {  	[simem:s6], [sflag:s4] =	dma.local [hbm:s3], $0xF7A  }
0x26: {  	[smem:$0x3F9A] =	sst s1;
	(tag) =	ssettag s2;
	_ =	strace s9  }
0x27: {  	s1 =	sld [smem:$0x3FAA]  }
0x28: {  	s2 =	sld [smem:$0x3FAB]  }
0x29: {  	s4 =	sld [smem:$0x3FAD]  }
0x2a: {  	p0 =	seq.s32 s5, $0x0;
	s5 =	sld [smem:$0x3FAE]  }
0x2b: {  	s6 =	sld [smem:$0x3FAF]  }
0x2c: {  	s7 =	sld [smem:$0x3FB0]  }
0x2d: {  	s3 =	simm.s32 $0x108;
	s8 =	sld [smem:$0x3FB1]  }
0x2e: {  	s3 =	simm.s32 @!p0 $0x1082;
	s9 =	sld [smem:$0x3FB2]  }
0x2f: {  	lr =	sadd.s32 s0, s3;
	s0 =	sld [smem:$0x3FA9]  }
0x30: {  	s3 =	sld [smem:$0x3FAC]  }
0x31: {  	[smem:$0x3FB5] =	sst s10  }
0x32: {  	s10 =	sld [smem:$0x3FB3];
	_ =	sdelay $0x3  }
0x33: {  	p0 =	seq.s32 s10, $0x1;
	s10 =	sld [smem:$0x3FB5];
	_ =	sdelay $0x3  }
0x34: {  	[smem:$0x3FB5] =	sst s10  }
0x35: {  	s10 =	sld [smem:$0x3FB4];
	_ =	sdelay $0x3  }
0x36: {  	p1 =	seq.s32 s10, $0x1;
	s10 =	sld [smem:$0x3FB5];
	_ =	sdelay $0x3  }
0x37: {  	[smem:$0x3FB5] =	sst s10  }
0x38: {  	s10 =	sld [smem:$0x3FB6]  }
0x39: {  	_ = 	snop;
	(pc) =	sbr.ind lr, $3  }
0x3a: {  	_ = 	snop  }
0x3b: {  	_ = 	snop  }
0x3c: {  	p2 =	seq.s32 s10, $0x1;
	s10 =	sld [smem:$0x3FB5]  }
0x3d: {  	_ =	shalt  }
0x3e: {  	_ =	shalt  }
0x3f: {  	_ =	shalt  }
0x40: {  	_ =	shalt  }
0x41: {  	_ =	shalt  }
0x42: {  	_ =	shalt  }
0x43: {  	_ =	shalt  }
0x44: {  	_ =	shalt  }
0x45: {  	_ =	shalt  }
0x46: {  	_ =	shalt  }
0x47: {  	_ =	shalt  }
0x48: {  	_ =	shalt  }
0x49: {  	_ =	shalt  }
0x4a: {  	_ =	shalt  }
0x4b: {  	_ =	shalt  }
0x4c: {  	_ =	shalt  }
0x4d: {  	_ =	shalt  }
0x4e: {  	_ =	shalt  }
0x4f: {  	_ =	shalt  }
0x50: {  	_ =	shalt  }
0x51: {  	_ =	shalt  }
0x52: {  	_ =	shalt  }
0x53: {  	_ =	shalt  }
0x54: {  	_ =	shalt  }
0x55: {  	_ =	shalt  }
0x56: {  	_ =	shalt  }
0x57: {  	_ =	shalt  }
0x58: {  	_ =	shalt  }
0x59: {  	_ =	shalt  }
0x5a: {  	_ =	shalt  }
0x5b: {  	_ =	shalt  }
0x5c: {  	_ =	shalt  }
0x5d: {  	_ =	shalt  }
0x5e: {  	_ =	shalt  }
0x5f: {  	_ =	shalt  }
0x60: {  	_ =	shalt  }
0x61: {  	_ =	shalt  }
0x62: {  	_ =	shalt  }
0x63: {  	_ =	shalt  }
0x64: {  	_ =	shalt  }
0x65: {  	_ =	shalt  }
0x66: {  	_ =	shalt  }
0x67: {  	_ =	shalt  }
0x68: {  	_ =	shalt  }
0x69: {  	_ =	shalt  }
0x6a: {  	_ =	shalt  }
0x6b: {  	_ =	shalt  }
0x6c: {  	_ =	shalt  }
0x6d: {  	_ =	shalt  }
0x6e: {  	_ =	shalt  }
0x6f: {  	_ =	shalt  }
0x70: {  	_ =	shalt  }
0x71: {  	_ =	shalt  }
0x72: {  	_ =	shalt  }
0x73: {  	_ =	shalt  }
0x74: {  	_ =	shalt  }
0x75: {  	_ =	shalt  }
0x76: {  	_ =	shalt  }
0x77: {  	_ =	shalt  }
0x78: {  	_ =	shalt  }
0x79: {  	_ =	shalt  }
0x7a: {  	_ =	shalt  }
0x7b: {  	_ =	shalt  }
0x7c: {  	_ =	shalt  }
0x7d: {  	_ =	shalt  }
0x7e: {  	_ =	shalt  }
0x7f: {  	_ =	shalt  }
0x80: {  	_ =	shalt  }
0x81: {  	_ =	shalt  }
0x82: {  	_ =	shalt  }
0x83: {  	_ =	shalt  }
0x84: {  	_ =	shalt  }
0x85: {  	_ =	shalt  }
0x86: {  	_ =	shalt  }
0x87: {  	_ =	shalt  }
.Lfunc_end0:
.L_simem_size_0:
called_computation_lowered:
.L_overlay_start_0:
0x88: {  	s2 =	sld [smem:$0x3FD9]  }
0x89: {  	s3 =	sld [smem:$0x3FFE];
	_ =	sdelay $0x1  }
0x8a: {  	s1 =	srdreg.scid  }
0x8b: {  	s0 =	sand.u32 $0x1, s1  }
0x8c: {  	s17 =	sshll.u32 s0, $0xA;
	s2 =	sadd.s32 s3, s2  }
0x8d: {  	s2 =	sadd.s32 s2, s17  }
0x8e: {  	[smem:$0x3FC1] =	sst s2  }
0x8f: {  	_ = 	snop  }
0x90: {  	s2 =	sld [smem:$0x3FC9];
	(tm) =	ssettm $0x1  }
0x91: {  	s18 =	sld [smem:$0x3FFB];
	_ =	sdelay $0x3  }
0x92: {  	_ =	strace s18  }
0x93: {  	s3 =	sld [smem:$0x3FFC];
	_ =	sdelay $0x3  }
0x94: {  	_ =	strace s3  }
0x95: {  	s3 =	sld [smem:$0x3FFD];
	_ =	sdelay $0x3  }
0x96: {  	_ =	strace s3  }
0x97: {  	_ =	strace $0x8FFFFFFF  }
0x98: {  	s19 =	sld [smem:$0x3FDB];
	_ =	sdelay $0x1  }
0x99: {  	s4 =	simm.s32 $_scs_section_size  }
0x9a: {  	s5 =	simm.s32 $_size__tile_overlayer_lowered;
	s6 =	simm.s32 $_tile_overlayer_lowered  }
0x9b: {  	s22 =	simm.s32 $0x1BFF;
	s21 =	sshll.u32 s6, $0x1;
	s3 =	sadd.s32 s4, s19  }
0x9c: {  	s7 =	simm.s32 $0x0;
	s20 =	sshll.u32 s5, $0x1;
	s5 =	sadd.s32 s21, s3  }
0x9d: {  	[timem:s7], [sflag:s22] =	dma.local [hbm:s5], s20  }
0x9e: {  	_ =	swait.ge [sflag:s22], s20  }
0x9f: {  	s4 =	ssub.s32 $0x0, s20;
	[sflag:s22] =	ssyncset.done $0x0  }
0xa0: {  	[sflag:s22] =	ssyncadd.s32 s4;
	_ =	sdelay $0x1  }
0xa1: {  	s23 =	simm.s32 $0x1B8B  }
0xa2: {  	_ =	swait.ge [sflag:s23], $0x1  }
0xa3: {  	[sflag:s23] =	ssyncset.done $0x0  }
0xa4: {  	s25 =	simm.s32 $0x1B8E;
	s24 =	sld [smem:$0x3FFE];
	[sflag:s23] =	ssyncadd.s32 $0xFFFFFFFF  }
0xa5: {  	s26 =	simm.s32 $execute0_lowered;
	[smem:$0x3FD2] =	sst s25  }
0xa6: {  	s5 =	sshll.u32 s26, $0x1;
	_ =	strace $0x80000046;
	[dreg:$0x1] =	wrdreg $0xFFFFFFFF  }
0xa7: {  	s28 =	simm.s32 $_size_execute0_lowered;
	s3 =	sadd.s32 s3, s5;
	[dreg:$0x0] =	wrdreg $0x0  }
0xa8: {  	s5 =	sshll.u32 s28, $0x1;
	[dreg:$0x2] =	wrdreg s3  }
0xa9: {  	[dreg:$0x3] =	wrdreg s5  }
0xaa: {  	[dreg:$0x4] =	wrdreg $0xC0  }
0xab: {  	_ =	task [dreg:s7], $0x5FFFF  }
0xac: {  	[dreg:$0x1] =	wrdreg $0xFFFFFFFF  }
0xad: {  	[dreg:$0x0] =	wrdreg $0x60  }
0xae: {  	[dreg:$0x2] =	wrdreg s2  }
0xaf: {  	[dreg:$0x3] =	wrdreg s24  }
0xb0: {  	[dreg:$0x4] =	wrdreg $0x9  }
0xb1: {  	_ =	task.clear_ibuf [dreg:s7], $0x5FFFF;
	_ =	strace $0x90000046  }
0xb2: {  	s29 =	simm.s32 $0x9;
	_ =	strace $0x80000048  }
0xb3: {  	_ =	swait.ge [sflag:s29], $0x1  }
0xb4: {  	[sflag:s29] =	ssyncadd.s32 $0xFFFFFFFF  }
0xb5: {  	_ =	strace $0x90000048  }
0xb6: {  	_ =	sfence  }
0xb7: {  	s30 =	sld [smem:$0x0];
	_ =	sdelay $0x2  }
0xb8: {  	s31 =	sshll.u32 s1, $0xD;
	s1 =	sshrl.u32 s1, $0x2  }
0xb9: {  	s3 =	sand.u32 $0x4000, s31;
	s1 =	sadd.s32 s1, s30  }
0xba: {  	s0 =	sor.u32 s3, s0;
	s1 =	sshll.u32 s1, $0x11  }
0xbb: {  	s0 =	sor.u32 s1, s0  }
0xbc: {  	s0 =	sadd.s32 $0x8F2B, s0  }
0xbd: {  	[sflag:s0] =	ssyncadd.remote.s32 $0x1  }
0xbe: {  	_ =	sfence.sel $0xFFFF  }
0xbf: {  	[dreg:$0x0] =	wrdreg $0xFFFFFFFF;
	(pc) =	sbr.abs _section_cstart, $3  }
0xc0: {  	[dreg:$0x1] =	wrdreg $0xFFFFFFFF  }
0xc1: {  	_ =	task.clear_ibuf [dreg:s7], $0x2FFFF;
	_ =	strace $0x9FFFFFFF  }
0xc2: {  	(tm) =	ssettm $0x7FFFFFFF  }
0xc3: {  	_ =	shalt  }
tec
execute0_lowered:
.L_overlay_start_1:
0x0: {  	(tag) =	ssettag $0x1  }
0x1: {  	s0 =	rddreg [dreg:$0x0]  }
0x2: {  	s1 =	rddreg [dreg:$0x1];
	s2 =	simm.s32 $0x0;
	s3 =	srdreg.scid  }
0x3: {  	s5 =	stileid.u32;
	s31 =	simm.s32 $0x100;
	s11 =	simm.s32 $0x2  }
0x4: {  	[smem:$0x7FF] =	sst s2;
	s4 =	sand.u32 $0x1, s3;
	s29 =	sshll.u32 s5, $0x1  }
0x5: {  	s3 =	sadd.s32 $0x800, s1;
	_ =	strace $0x80000047;
	s5 =	sor.u32 s4, s29  }
0x6: {  	s4 =	ssub.s32 $0x2, s4;
	[dreg:$0x6] =	wrdreg s31;
	s7 =	smul.u32 $0x18000, s5  }
0x7: {  	s6 =	sshll.u32 s5, $0x5;
	s5 =	smul.u32 $0x3000, s5;
	s30 =	sshrl.u32 s4, $0x1  }
0x8: {  	s8 =	sadd.s32 s1, s6;
	s4 =	ssub.s32 s4, s30;
	s6 =	sadd.s32 $0xA00, s1  }
0x9: {  	[dreg:$0x7] =	wrdreg s8;
	s8 =	sadd.s32 $0x400, s8;
	s7 =	sshrl.u32 s7, $0x3  }
0xa: {  	v2 =	vlaneseq.u32;
	s5 =	sadd.s32 s0, s5;
	[dreg:$0x3] =	wrdreg s8;
	s0 =	sadd.s32 s0, s7  }
0xb: {  	vm0 =	vmmov $0xffff;
	v1 =	vshrl.u32 v2, $0x3;
	[dreg:$0x4] =	wrdreg s5;
	s5 =	sadd.s32 $0x900, s1;
	s0 =	sadd.s32 $0x1800, s0  }
0xc: {  	v0 =	vand.u32 $0x7, v2;
	v2 =	vor.u32 $0x8, v2;
	v1 =	vmul.u32 $0x8, v1;
	s7 =	smax.u32 s4, $0x1;
	s8 =	simm.s32 $0x3;
	[dreg:$0x5] =	wrdreg s0  }
.LBB2_1:
0xd: {  	s12 =	rddreg [dreg:$0x7]  }
0xe: {  	[tilespmem:s2], [sflag:$0x3] =	stream.linear.gather [hbm4b:s12+s2], $0x100, $0x38;
	[tilespmem:$0x18200] =	vst v63  }
0xf: {  	_ =	swait.ge [sflag:s8], $0x100  }
0x10: {  	s28 =	rddreg [dreg:$0x3];
	[sflag:s8] =	ssyncset.done $0x0  }
0x11: {  	s13 =	rddreg [dreg:$0x6];
	[sflag:s8] =	ssyncadd.s32 $0xFFFFFF00  }
0x12: {  	[tilespmem:s13], [sflag:$0x3] =	stream.linear.gather [hbm4b:s28+s2], $0x100, $0x38;
	[tilespmem:$0x18200] =	vst v63  }
0x13: {  	_ =	swait.ge [sflag:s8], $0x100  }
0x14: {  	[sflag:s8] =	ssyncset.done $0x0  }
0x15: {  	s4 =	simm.s32 $0x200;
	s29 =	rddreg [dreg:$0x4];
	[sflag:s8] =	ssyncadd.s32 $0xFFFFFF00  }
0x16: {  	[tilespmem:s4], [sflag:$0x3] =	stream.linear.gather [hbm4b:s29+s2], $0xC000, $0x38;
	[tilespmem:$0x18200] =	vst v63  }
0x17: {  	_ =	swait.ge [sflag:s8], $0xC000  }
0x18: {  	[sflag:s8] =	ssyncset.done $0x0  }
0x19: {  	[sflag:s8] =	ssyncadd.s32 $0xFFFF4000  }
0x1a: {  	v3 =	vld [tilespmem:$0x0];
	_ =	sdelay $0x4  }
0x1b: {  	v4 =	vshrl.u32 v3, $0x3  }
0x1c: {  	v4 =	vmul.u32 $0x30, v4  }
0x1d: {  	v3 =	vand.u32 $0x7, v3  }
0x1e: {  	v3 =	vor.u32 v3, v4  }
0x1f: {  	v4 =	vperm.xlane v3, v0;
	_ =	sdelay $0x1  }
0x20: {  	v4 =	vadd.s32 v1, v4;
	_ =	sdelay $0x3  }
0x21: {  	v3 =	vperm.xlane v3, v2  }
0x22: {  	[hbm4b:s3+s2] =	stream.indirect_vreg.scatter [tilespmem:s4], [sflag:$0x1], $0x80, v4, vm0, $0xb8;
	[tilespmem:$0x18200] =	vst v63  }
0x23: {  	s12 =	simm.s32 $0xA00;
	v3 =	vadd.s32 v1, v3  }
0x24: {  	[hbm4b:s5+s2] =	stream.indirect_vreg.scatter [tilespmem:s12], [sflag:$0x1], $0x80, v4, vm0, $0xb8;
	[tilespmem:$0x18200] =	vst v63  }
0x25: {  	s13 =	simm.s32 $0x1200  }
0x26: {  	[hbm4b:s6+s2] =	stream.indirect_vreg.scatter [tilespmem:s13], [sflag:$0x1], $0x80, v4, vm0, $0xb8;
	[tilespmem:$0x18200] =	vst v63  }
0x27: {  	s14 =	simm.s32 $0x1A00  }
0x28: {  	[hbm4b:s3+s2] =	stream.indirect_vreg.scatter [tilespmem:s14], [sflag:$0x1], $0x80, v3, vm0, $0xb8;
	[tilespmem:$0x18200] =	vst v63  }
0x29: {  	s15 =	simm.s32 $0x2200  }
0x2a: {  	[hbm4b:s5+s2] =	stream.indirect_vreg.scatter [tilespmem:s15], [sflag:$0x1], $0x80, v3, vm0, $0xb8;
	[tilespmem:$0x18200] =	vst v63  }
0x2b: {  	s16 =	simm.s32 $0x2A00  }
0x2c: {  	[hbm4b:s6+s2] =	stream.indirect_vreg.scatter [tilespmem:s16], [sflag:$0x1], $0x80, v3, vm0, $0xb8;
	[tilespmem:$0x18200] =	vst v63  }
0x2d: {  	v3 =	vld [tilespmem:$0x10];
	_ =	sdelay $0x4  }
0x2e: {  	v49 =	vshrl.u32 v3, $0x3  }
0x2f: {  	v4 =	vmul.u32 $0x30, v49  }
0x30: {  	v3 =	vand.u32 $0x7, v3  }
0x31: {  	v3 =	vor.u32 v3, v4  }
0x32: {  	v4 =	vperm.xlane v3, v0;
	_ =	sdelay $0x1  }
0x33: {  	v4 =	vadd.s32 v1, v4;
	_ =	sdelay $0x3  }
0x34: {  	s17 =	simm.s32 $0x3200;
	v3 =	vperm.xlane v3, v2  }
0x35: {  	[hbm4b:s3+s2] =	stream.indirect_vreg.scatter [tilespmem:s17], [sflag:$0x1], $0x80, v4, vm0, $0xb8;
	[tilespmem:$0x18200] =	vst v63  }
0x36: {  	s18 =	simm.s32 $0x3A00;
	v3 =	vadd.s32 v1, v3  }
0x37: {  	[hbm4b:s5+s2] =	stream.indirect_vreg.scatter [tilespmem:s18], [sflag:$0x1], $0x80, v4, vm0, $0xb8;
	[tilespmem:$0x18200] =	vst v63  }
0x38: {  	s19 =	simm.s32 $0x4200  }
0x39: {  	[hbm4b:s6+s2] =	stream.indirect_vreg.scatter [tilespmem:s19], [sflag:$0x1], $0x80, v4, vm0, $0xb8;
	[tilespmem:$0x18200] =	vst v63  }
0x3a: {  	s20 =	simm.s32 $0x4A00  }
0x3b: {  	[hbm4b:s3+s2] =	stream.indirect_vreg.scatter [tilespmem:s20], [sflag:$0x1], $0x80, v3, vm0, $0xb8;
	[tilespmem:$0x18200] =	vst v63  }
0x3c: {  	s21 =	simm.s32 $0x5200  }
0x3d: {  	[hbm4b:s5+s2] =	stream.indirect_vreg.scatter [tilespmem:s21], [sflag:$0x1], $0x80, v3, vm0, $0xb8;
	[tilespmem:$0x18200] =	vst v63  }
0x3e: {  	s22 =	simm.s32 $0x5A00  }
0x3f: {  	[hbm4b:s6+s2] =	stream.indirect_vreg.scatter [tilespmem:s22], [sflag:$0x1], $0x80, v3, vm0, $0xb8;
	[tilespmem:$0x18200] =	vst v63  }
0x40: {  	v3 =	vld [tilespmem:$0x20];
	_ =	sdelay $0x4  }
0x41: {  	v50 =	vshrl.u32 v3, $0x3  }
0x42: {  	v4 =	vmul.u32 $0x30, v50  }
0x43: {  	v3 =	vand.u32 $0x7, v3  }
0x44: {  	v3 =	vor.u32 v3, v4  }
0x45: {  	v4 =	vperm.xlane v3, v0;
	_ =	sdelay $0x1  }
0x46: {  	v4 =	vadd.s32 v1, v4;
	_ =	sdelay $0x3  }
0x47: {  	s23 =	simm.s32 $0x6200;
	v3 =	vperm.xlane v3, v2  }
0x48: {  	[hbm4b:s3+s2] =	stream.indirect_vreg.scatter [tilespmem:s23], [sflag:$0x1], $0x80, v4, vm0, $0xb8;
	[tilespmem:$0x18200] =	vst v63  }
0x49: {  	s24 =	simm.s32 $0x6A00;
	v3 =	vadd.s32 v1, v3  }
0x4a: {  	[hbm4b:s5+s2] =	stream.indirect_vreg.scatter [tilespmem:s24], [sflag:$0x1], $0x80, v4, vm0, $0xb8;
	[tilespmem:$0x18200] =	vst v63  }
0x4b: {  	s25 =	simm.s32 $0x7200  }
0x4c: {  	[hbm4b:s6+s2] =	stream.indirect_vreg.scatter [tilespmem:s25], [sflag:$0x1], $0x80, v4, vm0, $0xb8;
	[tilespmem:$0x18200] =	vst v63  }
0x4d: {  	s26 =	simm.s32 $0x7A00  }
0x4e: {  	[hbm4b:s3+s2] =	stream.indirect_vreg.scatter [tilespmem:s26], [sflag:$0x1], $0x80, v3, vm0, $0xb8;
	[tilespmem:$0x18200] =	vst v63  }
0x4f: {  	s28 =	simm.s32 $0x8200  }
0x50: {  	[hbm4b:s5+s2] =	stream.indirect_vreg.scatter [tilespmem:s28], [sflag:$0x1], $0x80, v3, vm0, $0xb8;
	[tilespmem:$0x18200] =	vst v63  }
0x51: {  	s29 =	simm.s32 $0x8A00  }
0x52: {  	[hbm4b:s6+s2] =	stream.indirect_vreg.scatter [tilespmem:s29], [sflag:$0x1], $0x80, v3, vm0, $0xb8;
	[tilespmem:$0x18200] =	vst v63  }
0x53: {  	v3 =	vld [tilespmem:$0x30];
	_ =	sdelay $0x4  }
0x54: {  	v51 =	vshrl.u32 v3, $0x3  }
0x55: {  	v4 =	vmul.u32 $0x30, v51  }
0x56: {  	v3 =	vand.u32 $0x7, v3  }
0x57: {  	v3 =	vor.u32 v3, v4  }
0x58: {  	v4 =	vperm.xlane v3, v0;
	_ =	sdelay $0x1  }
0x59: {  	v4 =	vadd.s32 v1, v4;
	_ =	sdelay $0x3  }
0x5a: {  	s30 =	simm.s32 $0x9200;
	v3 =	vperm.xlane v3, v2  }
0x5b: {  	[hbm4b:s3+s2] =	stream.indirect_vreg.scatter [tilespmem:s30], [sflag:$0x1], $0x80, v4, vm0, $0xb8;
	[tilespmem:$0x18200] =	vst v63  }
0x5c: {  	s31 =	simm.s32 $0x9A00;
	v3 =	vadd.s32 v1, v3  }
0x5d: {  	[hbm4b:s5+s2] =	stream.indirect_vreg.scatter [tilespmem:s31], [sflag:$0x1], $0x80, v4, vm0, $0xb8;
	[tilespmem:$0x18200] =	vst v63  }
0x5e: {  	s0 =	simm.s32 $0xA200  }
0x5f: {  	[hbm4b:s6+s2] =	stream.indirect_vreg.scatter [tilespmem:s0], [sflag:$0x1], $0x80, v4, vm0, $0xb8;
	[tilespmem:$0x18200] =	vst v63  }
0x60: {  	s1 =	simm.s32 $0xAA00  }
0x61: {  	[hbm4b:s3+s2] =	stream.indirect_vreg.scatter [tilespmem:s1], [sflag:$0x1], $0x80, v3, vm0, $0xb8;
	[tilespmem:$0x18200] =	vst v63  }
0x62: {  	s9 =	simm.s32 $0xB200  }
0x63: {  	[hbm4b:s5+s2] =	stream.indirect_vreg.scatter [tilespmem:s9], [sflag:$0x1], $0x80, v3, vm0, $0xb8;
	[tilespmem:$0x18200] =	vst v63  }
0x64: {  	s10 =	simm.s32 $0xBA00  }
0x65: {  	[hbm4b:s6+s2] =	stream.indirect_vreg.scatter [tilespmem:s10], [sflag:$0x1], $0x80, v3, vm0, $0xb8;
	[tilespmem:$0x18200] =	vst v63  }
0x66: {  	v3 =	vld [tilespmem:$0x100];
	_ =	sdelay $0x4  }
0x67: {  	v52 =	vshrl.u32 v3, $0x3  }
0x68: {  	v4 =	vmul.u32 $0x30, v52  }
0x69: {  	v3 =	vand.u32 $0x7, v3  }
0x6a: {  	v3 =	vor.u32 v3, v4  }
0x6b: {  	v4 =	vperm.xlane v3, v0;
	_ =	sdelay $0x1  }
0x6c: {  	v4 =	vadd.s32 v1, v4;
	_ =	sdelay $0x3  }
0x6d: {  	v3 =	vperm.xlane v3, v2  }
0x6e: {  	[hbm4b:s3+s2] =	stream.indirect_vreg.scatter [tilespmem:s4], [sflag:$0x1], $0x80, v4, vm0, $0xb8;
	[tilespmem:$0x18200] =	vst v63  }
0x6f: {  	v3 =	vadd.s32 v1, v3  }
0x70: {  	[hbm4b:s5+s2] =	stream.indirect_vreg.scatter [tilespmem:s12], [sflag:$0x1], $0x80, v4, vm0, $0xb8;
	[tilespmem:$0x18200] =	vst v63  }
0x71: {  	_ = 	snop  }
0x72: {  	[hbm4b:s6+s2] =	stream.indirect_vreg.scatter [tilespmem:s13], [sflag:$0x1], $0x80, v4, vm0, $0xb8;
	[tilespmem:$0x18200] =	vst v63  }
0x73: {  	_ = 	snop  }
0x74: {  	[hbm4b:s3+s2] =	stream.indirect_vreg.scatter [tilespmem:s14], [sflag:$0x1], $0x80, v3, vm0, $0xb8;
	[tilespmem:$0x18200] =	vst v63  }
0x75: {  	_ = 	snop  }
0x76: {  	[hbm4b:s5+s2] =	stream.indirect_vreg.scatter [tilespmem:s15], [sflag:$0x1], $0x80, v3, vm0, $0xb8;
	[tilespmem:$0x18200] =	vst v63  }
0x77: {  	_ = 	snop  }
0x78: {  	[hbm4b:s6+s2] =	stream.indirect_vreg.scatter [tilespmem:s16], [sflag:$0x1], $0x80, v3, vm0, $0xb8;
	[tilespmem:$0x18200] =	vst v63  }
0x79: {  	v3 =	vld [tilespmem:$0x110];
	_ =	sdelay $0x4  }
0x7a: {  	v53 =	vshrl.u32 v3, $0x3  }
0x7b: {  	v4 =	vmul.u32 $0x30, v53  }
0x7c: {  	v3 =	vand.u32 $0x7, v3  }
0x7d: {  	v3 =	vor.u32 v3, v4  }
0x7e: {  	v4 =	vperm.xlane v3, v0;
	_ =	sdelay $0x1  }
0x7f: {  	v4 =	vadd.s32 v1, v4;
	_ =	sdelay $0x3  }
0x80: {  	v3 =	vperm.xlane v3, v2  }
0x81: {  	[hbm4b:s3+s2] =	stream.indirect_vreg.scatter [tilespmem:s17], [sflag:$0x1], $0x80, v4, vm0, $0xb8;
	[tilespmem:$0x18200] =	vst v63  }
0x82: {  	v3 =	vadd.s32 v1, v3  }
0x83: {  	[hbm4b:s5+s2] =	stream.indirect_vreg.scatter [tilespmem:s18], [sflag:$0x1], $0x80, v4, vm0, $0xb8;
	[tilespmem:$0x18200] =	vst v63  }
0x84: {  	_ = 	snop  }
0x85: {  	[hbm4b:s6+s2] =	stream.indirect_vreg.scatter [tilespmem:s19], [sflag:$0x1], $0x80, v4, vm0, $0xb8;
	[tilespmem:$0x18200] =	vst v63  }
0x86: {  	_ = 	snop  }
0x87: {  	[hbm4b:s3+s2] =	stream.indirect_vreg.scatter [tilespmem:s20], [sflag:$0x1], $0x80, v3, vm0, $0xb8;
	[tilespmem:$0x18200] =	vst v63  }
0x88: {  	_ = 	snop  }
0x89: {  	[hbm4b:s5+s2] =	stream.indirect_vreg.scatter [tilespmem:s21], [sflag:$0x1], $0x80, v3, vm0, $0xb8;
	[tilespmem:$0x18200] =	vst v63  }
0x8a: {  	_ = 	snop  }
0x8b: {  	[hbm4b:s6+s2] =	stream.indirect_vreg.scatter [tilespmem:s22], [sflag:$0x1], $0x80, v3, vm0, $0xb8;
	[tilespmem:$0x18200] =	vst v63  }
0x8c: {  	v3 =	vld [tilespmem:$0x120];
	_ =	sdelay $0x4  }
0x8d: {  	v54 =	vshrl.u32 v3, $0x3  }
0x8e: {  	v4 =	vmul.u32 $0x30, v54  }
0x8f: {  	v3 =	vand.u32 $0x7, v3  }
0x90: {  	v3 =	vor.u32 v3, v4  }
0x91: {  	v4 =	vperm.xlane v3, v0;
	_ =	sdelay $0x1  }
0x92: {  	v4 =	vadd.s32 v1, v4;
	_ =	sdelay $0x3  }
0x93: {  	v3 =	vperm.xlane v3, v2  }
0x94: {  	[hbm4b:s3+s2] =	stream.indirect_vreg.scatter [tilespmem:s23], [sflag:$0x1], $0x80, v4, vm0, $0xb8;
	[tilespmem:$0x18200] =	vst v63  }
0x95: {  	v3 =	vadd.s32 v1, v3  }
0x96: {  	[hbm4b:s5+s2] =	stream.indirect_vreg.scatter [tilespmem:s24], [sflag:$0x1], $0x80, v4, vm0, $0xb8;
	[tilespmem:$0x18200] =	vst v63  }
0x97: {  	_ = 	snop  }
0x98: {  	[hbm4b:s6+s2] =	stream.indirect_vreg.scatter [tilespmem:s25], [sflag:$0x1], $0x80, v4, vm0, $0xb8;
	[tilespmem:$0x18200] =	vst v63  }
0x99: {  	_ = 	snop  }
0x9a: {  	[hbm4b:s3+s2] =	stream.indirect_vreg.scatter [tilespmem:s26], [sflag:$0x1], $0x80, v3, vm0, $0xb8;
	[tilespmem:$0x18200] =	vst v63  }
0x9b: {  	_ = 	snop  }
0x9c: {  	[hbm4b:s5+s2] =	stream.indirect_vreg.scatter [tilespmem:s28], [sflag:$0x1], $0x80, v3, vm0, $0xb8;
	[tilespmem:$0x18200] =	vst v63  }
0x9d: {  	_ = 	snop  }
0x9e: {  	[hbm4b:s6+s2] =	stream.indirect_vreg.scatter [tilespmem:s29], [sflag:$0x1], $0x80, v3, vm0, $0xb8;
	[tilespmem:$0x18200] =	vst v63  }
0x9f: {  	v3 =	vld [tilespmem:$0x130];
	_ =	sdelay $0x4  }
0xa0: {  	v55 =	vshrl.u32 v3, $0x3  }
0xa1: {  	v4 =	vmul.u32 $0x30, v55  }
0xa2: {  	v3 =	vand.u32 $0x7, v3  }
0xa3: {  	v3 =	vor.u32 v3, v4  }
0xa4: {  	v4 =	vperm.xlane v3, v0;
	_ =	sdelay $0x1  }
0xa5: {  	v4 =	vadd.s32 v1, v4;
	_ =	sdelay $0x3  }
0xa6: {  	v3 =	vperm.xlane v3, v2  }
0xa7: {  	[hbm4b:s3+s2] =	stream.indirect_vreg.scatter [tilespmem:s30], [sflag:$0x1], $0x80, v4, vm0, $0xb8;
	[tilespmem:$0x18200] =	vst v63  }
0xa8: {  	v3 =	vadd.s32 v1, v3  }
0xa9: {  	[hbm4b:s5+s2] =	stream.indirect_vreg.scatter [tilespmem:s31], [sflag:$0x1], $0x80, v4, vm0, $0xb8;
	[tilespmem:$0x18200] =	vst v63  }
0xaa: {  	_ = 	snop  }
0xab: {  	[hbm4b:s6+s2] =	stream.indirect_vreg.scatter [tilespmem:s0], [sflag:$0x1], $0x80, v4, vm0, $0xb8;
	[tilespmem:$0x18200] =	vst v63  }
0xac: {  	_ = 	snop  }
0xad: {  	[hbm4b:s3+s2] =	stream.indirect_vreg.scatter [tilespmem:s1], [sflag:$0x1], $0x80, v3, vm0, $0xb8;
	[tilespmem:$0x18200] =	vst v63  }
0xae: {  	_ = 	snop  }
0xaf: {  	[hbm4b:s5+s2] =	stream.indirect_vreg.scatter [tilespmem:s9], [sflag:$0x1], $0x80, v3, vm0, $0xb8;
	[tilespmem:$0x18200] =	vst v63  }
0xb0: {  	_ = 	snop  }
0xb1: {  	[hbm4b:s6+s2] =	stream.indirect_vreg.scatter [tilespmem:s10], [sflag:$0x1], $0x80, v3, vm0, $0xb8;
	[tilespmem:$0x18200] =	vst v63  }
0xb2: {  	s30 =	rddreg [dreg:$0x5];
	s0 =	simm.s32 $0xC200  }
0xb3: {  	[tilespmem:s0], [sflag:$0x3] =	stream.linear.gather [hbm4b:s30+s2], $0xC000, $0x38;
	[tilespmem:$0x18200] =	vst v63  }
0xb4: {  	_ =	swait.ge [sflag:s8], $0xC000  }
0xb5: {  	[sflag:s8] =	ssyncset.done $0x0  }
0xb6: {  	[sflag:s8] =	ssyncadd.s32 $0xFFFF4000  }
0xb7: {  	v3 =	vld [tilespmem:$0x80];
	_ =	sdelay $0x4  }
0xb8: {  	v56 =	vshrl.u32 v3, $0x3  }
0xb9: {  	v4 =	vmul.u32 $0x30, v56  }
0xba: {  	v3 =	vand.u32 $0x7, v3  }
0xbb: {  	v3 =	vor.u32 v3, v4  }
0xbc: {  	v4 =	vperm.xlane v3, v0;
	_ =	sdelay $0x1  }
0xbd: {  	v4 =	vadd.s32 v1, v4;
	_ =	sdelay $0x3  }
0xbe: {  	v3 =	vperm.xlane v3, v2  }
0xbf: {  	[hbm4b:s3+s2] =	stream.indirect_vreg.scatter [tilespmem:s0], [sflag:$0x2], $0x80, v4, vm0, $0xb8;
	[tilespmem:$0x18200] =	vst v63  }
0xc0: {  	s1 =	simm.s32 $0xCA00;
	v3 =	vadd.s32 v1, v3  }
0xc1: {  	[hbm4b:s5+s2] =	stream.indirect_vreg.scatter [tilespmem:s1], [sflag:$0x2], $0x80, v4, vm0, $0xb8;
	[tilespmem:$0x18200] =	vst v63  }
0xc2: {  	s4 =	simm.s32 $0xD200  }
0xc3: {  	[hbm4b:s6+s2] =	stream.indirect_vreg.scatter [tilespmem:s4], [sflag:$0x2], $0x80, v4, vm0, $0xb8;
	[tilespmem:$0x18200] =	vst v63  }
0xc4: {  	s9 =	simm.s32 $0xDA00  }
0xc5: {  	[hbm4b:s3+s2] =	stream.indirect_vreg.scatter [tilespmem:s9], [sflag:$0x2], $0x80, v3, vm0, $0xb8;
	[tilespmem:$0x18200] =	vst v63  }
0xc6: {  	s10 =	simm.s32 $0xE200  }
0xc7: {  	[hbm4b:s5+s2] =	stream.indirect_vreg.scatter [tilespmem:s10], [sflag:$0x2], $0x80, v3, vm0, $0xb8;
	[tilespmem:$0x18200] =	vst v63  }
0xc8: {  	s12 =	simm.s32 $0xEA00  }
0xc9: {  	[hbm4b:s6+s2] =	stream.indirect_vreg.scatter [tilespmem:s12], [sflag:$0x2], $0x80, v3, vm0, $0xb8;
	[tilespmem:$0x18200] =	vst v63  }
0xca: {  	v3 =	vld [tilespmem:$0x90];
	_ =	sdelay $0x4  }
0xcb: {  	v57 =	vshrl.u32 v3, $0x3  }
0xcc: {  	v4 =	vmul.u32 $0x30, v57  }
0xcd: {  	v3 =	vand.u32 $0x7, v3  }
0xce: {  	v3 =	vor.u32 v3, v4  }
0xcf: {  	v4 =	vperm.xlane v3, v0;
	_ =	sdelay $0x1  }
0xd0: {  	v4 =	vadd.s32 v1, v4;
	_ =	sdelay $0x3  }
0xd1: {  	s13 =	simm.s32 $0xF200;
	v3 =	vperm.xlane v3, v2  }
0xd2: {  	[hbm4b:s3+s2] =	stream.indirect_vreg.scatter [tilespmem:s13], [sflag:$0x2], $0x80, v4, vm0, $0xb8;
	[tilespmem:$0x18200] =	vst v63  }
0xd3: {  	s14 =	simm.s32 $0xFA00;
	v3 =	vadd.s32 v1, v3  }
0xd4: {  	[hbm4b:s5+s2] =	stream.indirect_vreg.scatter [tilespmem:s14], [sflag:$0x2], $0x80, v4, vm0, $0xb8;
	[tilespmem:$0x18200] =	vst v63  }
0xd5: {  	s15 =	simm.s32 $0x10200  }
0xd6: {  	[hbm4b:s6+s2] =	stream.indirect_vreg.scatter [tilespmem:s15], [sflag:$0x2], $0x80, v4, vm0, $0xb8;
	[tilespmem:$0x18200] =	vst v63  }
0xd7: {  	s16 =	simm.s32 $0x10A00  }
0xd8: {  	[hbm4b:s3+s2] =	stream.indirect_vreg.scatter [tilespmem:s16], [sflag:$0x2], $0x80, v3, vm0, $0xb8;
	[tilespmem:$0x18200] =	vst v63  }
0xd9: {  	s17 =	simm.s32 $0x11200  }
0xda: {  	[hbm4b:s5+s2] =	stream.indirect_vreg.scatter [tilespmem:s17], [sflag:$0x2], $0x80, v3, vm0, $0xb8;
	[tilespmem:$0x18200] =	vst v63  }
0xdb: {  	s18 =	simm.s32 $0x11A00  }
0xdc: {  	[hbm4b:s6+s2] =	stream.indirect_vreg.scatter [tilespmem:s18], [sflag:$0x2], $0x80, v3, vm0, $0xb8;
	[tilespmem:$0x18200] =	vst v63  }
0xdd: {  	v3 =	vld [tilespmem:$0xA0];
	_ =	sdelay $0x4  }
0xde: {  	v58 =	vshrl.u32 v3, $0x3  }
0xdf: {  	v4 =	vmul.u32 $0x30, v58  }
0xe0: {  	v3 =	vand.u32 $0x7, v3  }
0xe1: {  	v3 =	vor.u32 v3, v4  }
0xe2: {  	v4 =	vperm.xlane v3, v0;
	_ =	sdelay $0x1  }
0xe3: {  	v4 =	vadd.s32 v1, v4;
	_ =	sdelay $0x3  }
0xe4: {  	s19 =	simm.s32 $0x12200;
	v3 =	vperm.xlane v3, v2  }
0xe5: {  	[hbm4b:s3+s2] =	stream.indirect_vreg.scatter [tilespmem:s19], [sflag:$0x2], $0x80, v4, vm0, $0xb8;
	[tilespmem:$0x18200] =	vst v63  }
0xe6: {  	s20 =	simm.s32 $0x12A00;
	v3 =	vadd.s32 v1, v3  }
0xe7: {  	[hbm4b:s5+s2] =	stream.indirect_vreg.scatter [tilespmem:s20], [sflag:$0x2], $0x80, v4, vm0, $0xb8;
	[tilespmem:$0x18200] =	vst v63  }
0xe8: {  	s21 =	simm.s32 $0x13200  }
0xe9: {  	[hbm4b:s6+s2] =	stream.indirect_vreg.scatter [tilespmem:s21], [sflag:$0x2], $0x80, v4, vm0, $0xb8;
	[tilespmem:$0x18200] =	vst v63  }
0xea: {  	s22 =	simm.s32 $0x13A00  }
0xeb: {  	[hbm4b:s3+s2] =	stream.indirect_vreg.scatter [tilespmem:s22], [sflag:$0x2], $0x80, v3, vm0, $0xb8;
	[tilespmem:$0x18200] =	vst v63  }
0xec: {  	s23 =	simm.s32 $0x14200  }
0xed: {  	[hbm4b:s5+s2] =	stream.indirect_vreg.scatter [tilespmem:s23], [sflag:$0x2], $0x80, v3, vm0, $0xb8;
	[tilespmem:$0x18200] =	vst v63  }
0xee: {  	s24 =	simm.s32 $0x14A00  }
0xef: {  	[hbm4b:s6+s2] =	stream.indirect_vreg.scatter [tilespmem:s24], [sflag:$0x2], $0x80, v3, vm0, $0xb8;
	[tilespmem:$0x18200] =	vst v63  }
0xf0: {  	v3 =	vld [tilespmem:$0xB0];
	_ =	sdelay $0x4  }
0xf1: {  	v59 =	vshrl.u32 v3, $0x3  }
0xf2: {  	v4 =	vmul.u32 $0x30, v59  }
0xf3: {  	v3 =	vand.u32 $0x7, v3  }
0xf4: {  	v3 =	vor.u32 v3, v4  }
0xf5: {  	v4 =	vperm.xlane v3, v0;
	_ =	sdelay $0x1  }
0xf6: {  	v4 =	vadd.s32 v1, v4;
	_ =	sdelay $0x3  }
0xf7: {  	s25 =	simm.s32 $0x15200;
	v3 =	vperm.xlane v3, v2  }
0xf8: {  	[hbm4b:s3+s2] =	stream.indirect_vreg.scatter [tilespmem:s25], [sflag:$0x2], $0x80, v4, vm0, $0xb8;
	[tilespmem:$0x18200] =	vst v63  }
0xf9: {  	s26 =	simm.s32 $0x15A00;
	v3 =	vadd.s32 v1, v3  }
0xfa: {  	[hbm4b:s5+s2] =	stream.indirect_vreg.scatter [tilespmem:s26], [sflag:$0x2], $0x80, v4, vm0, $0xb8;
	[tilespmem:$0x18200] =	vst v63  }
0xfb: {  	s28 =	simm.s32 $0x16200  }
0xfc: {  	[hbm4b:s6+s2] =	stream.indirect_vreg.scatter [tilespmem:s28], [sflag:$0x2], $0x80, v4, vm0, $0xb8;
	[tilespmem:$0x18200] =	vst v63  }
0xfd: {  	s29 =	simm.s32 $0x16A00  }
0xfe: {  	[hbm4b:s3+s2] =	stream.indirect_vreg.scatter [tilespmem:s29], [sflag:$0x2], $0x80, v3, vm0, $0xb8;
	[tilespmem:$0x18200] =	vst v63  }
0xff: {  	s30 =	simm.s32 $0x17200  }
0x100: {  	[hbm4b:s5+s2] =	stream.indirect_vreg.scatter [tilespmem:s30], [sflag:$0x2], $0x80, v3, vm0, $0xb8;
	[tilespmem:$0x18200] =	vst v63  }
0x101: {  	s31 =	simm.s32 $0x17A00  }
0x102: {  	[hbm4b:s6+s2] =	stream.indirect_vreg.scatter [tilespmem:s31], [sflag:$0x2], $0x80, v3, vm0, $0xb8;
	[tilespmem:$0x18200] =	vst v63  }
0x103: {  	v3 =	vld [tilespmem:$0x180];
	_ =	sdelay $0x4  }
0x104: {  	v60 =	vshrl.u32 v3, $0x3  }
0x105: {  	v4 =	vmul.u32 $0x30, v60  }
0x106: {  	v3 =	vand.u32 $0x7, v3  }
0x107: {  	v3 =	vor.u32 v3, v4  }
0x108: {  	v4 =	vperm.xlane v3, v0;
	_ =	sdelay $0x1  }
0x109: {  	v4 =	vadd.s32 v1, v4;
	_ =	sdelay $0x3  }
0x10a: {  	v3 =	vperm.xlane v3, v2  }
0x10b: {  	[hbm4b:s3+s2] =	stream.indirect_vreg.scatter [tilespmem:s0], [sflag:$0x2], $0x80, v4, vm0, $0xb8;
	[tilespmem:$0x18200] =	vst v63  }
0x10c: {  	v3 =	vadd.s32 v1, v3  }
0x10d: {  	[hbm4b:s5+s2] =	stream.indirect_vreg.scatter [tilespmem:s1], [sflag:$0x2], $0x80, v4, vm0, $0xb8;
	[tilespmem:$0x18200] =	vst v63  }
0x10e: {  	_ = 	snop  }
0x10f: {  	[hbm4b:s6+s2] =	stream.indirect_vreg.scatter [tilespmem:s4], [sflag:$0x2], $0x80, v4, vm0, $0xb8;
	[tilespmem:$0x18200] =	vst v63  }
0x110: {  	_ = 	snop  }
0x111: {  	[hbm4b:s3+s2] =	stream.indirect_vreg.scatter [tilespmem:s9], [sflag:$0x2], $0x80, v3, vm0, $0xb8;
	[tilespmem:$0x18200] =	vst v63  }
0x112: {  	_ = 	snop  }
0x113: {  	[hbm4b:s5+s2] =	stream.indirect_vreg.scatter [tilespmem:s10], [sflag:$0x2], $0x80, v3, vm0, $0xb8;
	[tilespmem:$0x18200] =	vst v63  }
0x114: {  	_ = 	snop  }
0x115: {  	[hbm4b:s6+s2] =	stream.indirect_vreg.scatter [tilespmem:s12], [sflag:$0x2], $0x80, v3, vm0, $0xb8;
	[tilespmem:$0x18200] =	vst v63  }
0x116: {  	v3 =	vld [tilespmem:$0x190];
	_ =	sdelay $0x4  }
0x117: {  	v61 =	vshrl.u32 v3, $0x3  }
0x118: {  	v4 =	vmul.u32 $0x30, v61  }
0x119: {  	v3 =	vand.u32 $0x7, v3  }
0x11a: {  	v3 =	vor.u32 v3, v4  }
0x11b: {  	v4 =	vperm.xlane v3, v0;
	_ =	sdelay $0x1  }
0x11c: {  	v4 =	vadd.s32 v1, v4;
	_ =	sdelay $0x3  }
0x11d: {  	v3 =	vperm.xlane v3, v2  }
0x11e: {  	[hbm4b:s3+s2] =	stream.indirect_vreg.scatter [tilespmem:s13], [sflag:$0x2], $0x80, v4, vm0, $0xb8;
	[tilespmem:$0x18200] =	vst v63  }
0x11f: {  	v3 =	vadd.s32 v1, v3  }
0x120: {  	[hbm4b:s5+s2] =	stream.indirect_vreg.scatter [tilespmem:s14], [sflag:$0x2], $0x80, v4, vm0, $0xb8;
	[tilespmem:$0x18200] =	vst v63  }
0x121: {  	_ = 	snop  }
0x122: {  	[hbm4b:s6+s2] =	stream.indirect_vreg.scatter [tilespmem:s15], [sflag:$0x2], $0x80, v4, vm0, $0xb8;
	[tilespmem:$0x18200] =	vst v63  }
0x123: {  	_ = 	snop  }
0x124: {  	[hbm4b:s3+s2] =	stream.indirect_vreg.scatter [tilespmem:s16], [sflag:$0x2], $0x80, v3, vm0, $0xb8;
	[tilespmem:$0x18200] =	vst v63  }
0x125: {  	_ = 	snop  }
0x126: {  	[hbm4b:s5+s2] =	stream.indirect_vreg.scatter [tilespmem:s17], [sflag:$0x2], $0x80, v3, vm0, $0xb8;
	[tilespmem:$0x18200] =	vst v63  }
0x127: {  	_ = 	snop  }
0x128: {  	[hbm4b:s6+s2] =	stream.indirect_vreg.scatter [tilespmem:s18], [sflag:$0x2], $0x80, v3, vm0, $0xb8;
	[tilespmem:$0x18200] =	vst v63  }
0x129: {  	v3 =	vld [tilespmem:$0x1A0];
	_ =	sdelay $0x4  }
0x12a: {  	v62 =	vshrl.u32 v3, $0x3  }
0x12b: {  	v4 =	vmul.u32 $0x30, v62  }
0x12c: {  	v3 =	vand.u32 $0x7, v3  }
0x12d: {  	v3 =	vor.u32 v3, v4  }
0x12e: {  	v4 =	vperm.xlane v3, v0;
	_ =	sdelay $0x1  }
0x12f: {  	v4 =	vadd.s32 v1, v4;
	_ =	sdelay $0x3  }
0x130: {  	v3 =	vperm.xlane v3, v2  }
0x131: {  	[hbm4b:s3+s2] =	stream.indirect_vreg.scatter [tilespmem:s19], [sflag:$0x2], $0x80, v4, vm0, $0xb8;
	[tilespmem:$0x18200] =	vst v63  }
0x132: {  	v3 =	vadd.s32 v1, v3  }
0x133: {  	[hbm4b:s5+s2] =	stream.indirect_vreg.scatter [tilespmem:s20], [sflag:$0x2], $0x80, v4, vm0, $0xb8;
	[tilespmem:$0x18200] =	vst v63  }
0x134: {  	_ = 	snop  }
0x135: {  	[hbm4b:s6+s2] =	stream.indirect_vreg.scatter [tilespmem:s21], [sflag:$0x2], $0x80, v4, vm0, $0xb8;
	[tilespmem:$0x18200] =	vst v63  }
0x136: {  	_ = 	snop  }
0x137: {  	[hbm4b:s3+s2] =	stream.indirect_vreg.scatter [tilespmem:s22], [sflag:$0x2], $0x80, v3, vm0, $0xb8;
	[tilespmem:$0x18200] =	vst v63  }
0x138: {  	_ = 	snop  }
0x139: {  	[hbm4b:s5+s2] =	stream.indirect_vreg.scatter [tilespmem:s23], [sflag:$0x2], $0x80, v3, vm0, $0xb8;
	[tilespmem:$0x18200] =	vst v63  }
0x13a: {  	_ = 	snop  }
0x13b: {  	[hbm4b:s6+s2] =	stream.indirect_vreg.scatter [tilespmem:s24], [sflag:$0x2], $0x80, v3, vm0, $0xb8;
	[tilespmem:$0x18200] =	vst v63  }
0x13c: {  	v3 =	vld [tilespmem:$0x1B0];
	_ =	sdelay $0x4  }
0x13d: {  	v63 =	vshrl.u32 v3, $0x3  }
0x13e: {  	v4 =	vmul.u32 $0x30, v63  }
0x13f: {  	v3 =	vand.u32 $0x7, v3  }
0x140: {  	v3 =	vor.u32 v3, v4  }
0x141: {  	v4 =	vperm.xlane v3, v0;
	_ =	sdelay $0x1  }
0x142: {  	v4 =	vadd.s32 v1, v4;
	_ =	sdelay $0x3  }
0x143: {  	v3 =	vperm.xlane v3, v2  }
0x144: {  	[hbm4b:s3+s2] =	stream.indirect_vreg.scatter [tilespmem:s25], [sflag:$0x2], $0x80, v4, vm0, $0xb8;
	[tilespmem:$0x18200] =	vst v63  }
0x145: {  	v3 =	vadd.s32 v1, v3  }
0x146: {  	[hbm4b:s5+s2] =	stream.indirect_vreg.scatter [tilespmem:s26], [sflag:$0x2], $0x80, v4, vm0, $0xb8;
	[tilespmem:$0x18200] =	vst v63  }
0x147: {  	_ = 	snop  }
0x148: {  	[hbm4b:s6+s2] =	stream.indirect_vreg.scatter [tilespmem:s28], [sflag:$0x2], $0x80, v4, vm0, $0xb8;
	[tilespmem:$0x18200] =	vst v63  }
0x149: {  	_ = 	snop  }
0x14a: {  	[hbm4b:s3+s2] =	stream.indirect_vreg.scatter [tilespmem:s29], [sflag:$0x2], $0x80, v3, vm0, $0xb8;
	[tilespmem:$0x18200] =	vst v63  }
0x14b: {  	_ = 	snop  }
0x14c: {  	[hbm4b:s5+s2] =	stream.indirect_vreg.scatter [tilespmem:s30], [sflag:$0x2], $0x80, v3, vm0, $0xb8;
	[tilespmem:$0x18200] =	vst v63  }
0x14d: {  	_ = 	snop  }
0x14e: {  	[hbm4b:s6+s2] =	stream.indirect_vreg.scatter [tilespmem:s31], [sflag:$0x2], $0x80, v3, vm0, $0xb8;
	[tilespmem:$0x18200] =	vst v63  }
0x14f: {  	s31 =	simm.s32 $0x1  }
0x150: {  	_ =	swait.ge [sflag:s31], $0xC000  }
0x151: {  	[sflag:s31] =	ssyncset.done $0x0  }
0x152: {  	[sflag:s31] =	ssyncadd.s32 $0xFFFF4000  }
0x153: {  	_ =	swait.ge [sflag:s31], $0xC000  }
0x154: {  	[sflag:s31] =	ssyncset.done $0x0  }
0x155: {  	[sflag:s31] =	ssyncadd.s32 $0xFFFF4000  }
0x156: {  	p0 =	sne.s32 s7, $0x1;
	_ =	swait.ge [sflag:s11], $0xC000  }
.Ltmp0:
0x157: {  	[sflag:s11] =	ssyncset.done $0x0;
	(pc) =	sbr.rel @p0 .LBB2_1-.Ltmp0, $4  }
0x158: {  	[sflag:s11] =	ssyncadd.s32 $0xFFFF4000  }
0x159: {  	_ =	swait.ge [sflag:s11], $0xC000  }
0x15a: {  	[sflag:s11] =	ssyncset.done $0x0  }
0x15b: {  	s7 =	sadd.s32 $0xFFFFFFFF, s7;
	[sflag:s11] =	ssyncadd.s32 $0xFFFF4000  }
0x15c: {  	_ =	sfence.sel $0x180000  }
0x15d: {  	[bflag:$0x0] =	sbarrier.arrive $0xFFFF  }
0x15e: {  	_ =	strace $0x90000047  }
0x15f: {  	s0 =	stileid.u32;
	[bflag:$0x2] =	sbarrier.arrive $0xFFFF  }
0x160: {  	p0 =	sne.s32 s0, $0x0;
	s0 =	rddreg [dreg:$0x2]  }
0x161: {  	s0 =	sadd.s32 @!p0 $0x100000, s0  }
0x162: {  	[sflag:s0] =	ssyncadd.tile.s32 @!p0 $0x1;
	_ =	shalt  }
.Lfunc_end2:
_tile_overlayer_lowered:
.L_overlay_start_2:
0x163: {  	(tag) =	ssettag $0x2  }
0x164: {  	s0 =	rddreg [dreg:$0x0];
	s2 =	stileid.u32  }
0x165: {  	s1 =	rddreg [dreg:$0x1];
	p0 =	sne.s32 s2, $0x0  }
0x166: {  	s3 =	rddreg [dreg:$0x2];
	[bflag:$0x3] =	sbarrier.arrive $0xFFFF;
	s2 =	simm.s32 @!p0 $0x1C03  }
0x167: {  	[timem:s3], [sflag:s2] =	dma.local @!p0 [hbm:s0], s1  }
0x168: {  	s0 =	simm.s32 @!p0 $0x3  }
0x169: {  	_ =	swait.ge @!p0 [sflag:s0], s1  }
0x16a: {  	s1 =	ssub.s32 @!p0 $0x0, s1;
	[sflag:s0] =	ssyncset.done @!p0 $0x0  }
0x16b: {  	[sflag:s0] =	ssyncadd.s32 @!p0 s1  }
0x16c: {  	[bflag:$0x3] =	sbarrier.arrive $0xFFFF  }
0x16d: {  	_ =	shalt  }

// kernel: kernel.9.cloned.1.call-start
scs
__scs_entry_jumppad:
0x0: {  	(pc) =	sbr.rel $0x88, $3  }
0x1: {  	(tag) =	ssettag $0x0;
	lr =	simm.s32 $0x1  }
0x2: {  	[smem:$0x3F9A] =	sst lr;
	_ =	strace $0xD0000000  }
0x3: {  	_ = 	snop  }
0x4: {  	_ = 	snop  }
0x5: {  	_ = 	snop  }
0x6: {  	_ = 	snop  }
0x7: {  	_ = 	snop  }
__scs_overlays_trampoline_lowered:
0x8: {  	[smem:$0x3FA9] =	sst s0  }
0x9: {  	[smem:$0x3FAA] =	sst s1  }
0xa: {  	[smem:$0x3FAB] =	sst s2  }
0xb: {  	[smem:$0x3FAC] =	sst s3  }
0xc: {  	[smem:$0x3FAD] =	sst s4  }
0xd: {  	[smem:$0x3FAE] =	sst s5  }
0xe: {  	[smem:$0x3FAF] =	sst s6  }
0xf: {  	[smem:$0x3FB0] =	sst s7  }
0x10: {  	[smem:$0x3FB1] =	sst s8  }
0x11: {  	[smem:$0x3FB2] =	sst s9;
	s0 =	simm.s32 @!p0 $0x0  }
0x12: {  	s1 =	sld [smem:$0x3F98];
	s0 =	simm.s32 @p0 $0x1  }
0x13: {  	[smem:$0x3FB3] =	sst s0;
	s0 =	simm.s32 @!p1 $0x0  }
0x14: {  	s2 =	sld [smem:$0x3F97];
	s0 =	simm.s32 @p1 $0x1  }
0x15: {  	[smem:$0x3FB4] =	sst s0;
	s0 =	simm.s32 @!p2 $0x0  }
0x16: {  	s3 =	sld [smem:$0x3FDB];
	s0 =	simm.s32 @p2 $0x1  }
0x17: {  	s4 =	simm.s32 $0x1BF5;
	[smem:$0x3FB6] =	sst s0  }
0x18: {  	s0 =	sld [smem:$0x3F99];
	_ =	swait.ge [sflag:s4], $0x0  }
0x19: {  	s7 =	sld [smem:$0x3F9A]  }
0x1a: {  	s8 =	sadd.s32 $0xFFFFE003, lr  }
0x1b: {  	s9 =	sadd.s32 $0xFFFFFEF7, lr;
	s5 =	simm.s32 $0xFFFFFFFF;
	p2 =	slt.u32 s8, $0xFFFFF086  }
0x1c: {  	p1 =	slt.u32 s9, $0xF7A;
	s5 =	simm.s32 @!p2 $0x0  }
0x1d: {  	s5 =	simm.s32 @p1 $0x1;
	p0 =	seq.s32 s7, s2  }
0x1e: {  	s7 =	smul.u32 @!p0 $0xF7A, s2;
	p2 =	seq.s32 @!p0 s5, $0x0  }
0x1f: {  	s9 =	smul.u32 $0xF7A, s1;
	s8 =	simm.s32 @!p0 $0x1BF5;
	p2 =	por !p2, p0  }
0x20: {  	[sflag:s8] =	ssyncset.s32 @!p0 $0xFFFFF086;
	s6 =	sadd.s32 @!p0 s3, s7;
	s7 =	simm.s32 @!p0 $0x108  }
0x21: {  	s3 =	sadd.s32 s3, s9;
	s6 =	sadd.s32 @!p0 $0x88, s6;
	s7 =	simm.s32 @p2 $0x1082  }
0x22: {  	[simem:s7], [sflag:s8] =	dma.local @!p0 [hbm:s6], $0xF7A  }
0x23: {  	s9 =	sor.u32 $0xD0000000, s2;
	s6 =	simm.s32 $0x108;
	_ =	swait.ge @!p0 [sflag:s8], $0x0  }
0x24: {  	s3 =	sadd.s32 $0x88, s3;
	s6 =	simm.s32 @!p1 $0x1082;
	[sflag:s4] =	ssyncset.s32 $0xFFFFF086  }
0x25: {  	[simem:s6], [sflag:s4] =	dma.local [hbm:s3], $0xF7A  }
0x26: {  	[smem:$0x3F9A] =	sst s1;
	(tag) =	ssettag s2;
	_ =	strace s9  }
0x27: {  	s1 =	sld [smem:$0x3FAA]  }
0x28: {  	s2 =	sld [smem:$0x3FAB]  }
0x29: {  	s4 =	sld [smem:$0x3FAD]  }
0x2a: {  	p0 =	seq.s32 s5, $0x0;
	s5 =	sld [smem:$0x3FAE]  }
0x2b: {  	s6 =	sld [smem:$0x3FAF]  }
0x2c: {  	s7 =	sld [smem:$0x3FB0]  }
0x2d: {  	s3 =	simm.s32 $0x108;
	s8 =	sld [smem:$0x3FB1]  }
0x2e: {  	s3 =	simm.s32 @!p0 $0x1082;
	s9 =	sld [smem:$0x3FB2]  }
0x2f: {  	lr =	sadd.s32 s0, s3;
	s0 =	sld [smem:$0x3FA9]  }
0x30: {  	s3 =	sld [smem:$0x3FAC]  }
0x31: {  	[smem:$0x3FB5] =	sst s10  }
0x32: {  	s10 =	sld [smem:$0x3FB3];
	_ =	sdelay $0x3  }
0x33: {  	p0 =	seq.s32 s10, $0x1;
	s10 =	sld [smem:$0x3FB5];
	_ =	sdelay $0x3  }
0x34: {  	[smem:$0x3FB5] =	sst s10  }
0x35: {  	s10 =	sld [smem:$0x3FB4];
	_ =	sdelay $0x3  }
0x36: {  	p1 =	seq.s32 s10, $0x1;
	s10 =	sld [smem:$0x3FB5];
	_ =	sdelay $0x3  }
0x37: {  	[smem:$0x3FB5] =	sst s10  }
0x38: {  	s10 =	sld [smem:$0x3FB6]  }
0x39: {  	_ = 	snop;
	(pc) =	sbr.ind lr, $3  }
0x3a: {  	_ = 	snop  }
0x3b: {  	_ = 	snop  }
0x3c: {  	p2 =	seq.s32 s10, $0x1;
	s10 =	sld [smem:$0x3FB5]  }
0x3d: {  	_ =	shalt  }
0x3e: {  	_ =	shalt  }
0x3f: {  	_ =	shalt  }
0x40: {  	_ =	shalt  }
0x41: {  	_ =	shalt  }
0x42: {  	_ =	shalt  }
0x43: {  	_ =	shalt  }
0x44: {  	_ =	shalt  }
0x45: {  	_ =	shalt  }
0x46: {  	_ =	shalt  }
0x47: {  	_ =	shalt  }
0x48: {  	_ =	shalt  }
0x49: {  	_ =	shalt  }
0x4a: {  	_ =	shalt  }
0x4b: {  	_ =	shalt  }
0x4c: {  	_ =	shalt  }
0x4d: {  	_ =	shalt  }
0x4e: {  	_ =	shalt  }
0x4f: {  	_ =	shalt  }
0x50: {  	_ =	shalt  }
0x51: {  	_ =	shalt  }
0x52: {  	_ =	shalt  }
0x53: {  	_ =	shalt  }
0x54: {  	_ =	shalt  }
0x55: {  	_ =	shalt  }
0x56: {  	_ =	shalt  }
0x57: {  	_ =	shalt  }
0x58: {  	_ =	shalt  }
0x59: {  	_ =	shalt  }
0x5a: {  	_ =	shalt  }
0x5b: {  	_ =	shalt  }
0x5c: {  	_ =	shalt  }
0x5d: {  	_ =	shalt  }
0x5e: {  	_ =	shalt  }
0x5f: {  	_ =	shalt  }
0x60: {  	_ =	shalt  }
0x61: {  	_ =	shalt  }
0x62: {  	_ =	shalt  }
0x63: {  	_ =	shalt  }
0x64: {  	_ =	shalt  }
0x65: {  	_ =	shalt  }
0x66: {  	_ =	shalt  }
0x67: {  	_ =	shalt  }
0x68: {  	_ =	shalt  }
0x69: {  	_ =	shalt  }
0x6a: {  	_ =	shalt  }
0x6b: {  	_ =	shalt  }
0x6c: {  	_ =	shalt  }
0x6d: {  	_ =	shalt  }
0x6e: {  	_ =	shalt  }
0x6f: {  	_ =	shalt  }
0x70: {  	_ =	shalt  }
0x71: {  	_ =	shalt  }
0x72: {  	_ =	shalt  }
0x73: {  	_ =	shalt  }
0x74: {  	_ =	shalt  }
0x75: {  	_ =	shalt  }
0x76: {  	_ =	shalt  }
0x77: {  	_ =	shalt  }
0x78: {  	_ =	shalt  }
0x79: {  	_ =	shalt  }
0x7a: {  	_ =	shalt  }
0x7b: {  	_ =	shalt  }
0x7c: {  	_ =	shalt  }
0x7d: {  	_ =	shalt  }
0x7e: {  	_ =	shalt  }
0x7f: {  	_ =	shalt  }
0x80: {  	_ =	shalt  }
0x81: {  	_ =	shalt  }
0x82: {  	_ =	shalt  }
0x83: {  	_ =	shalt  }
0x84: {  	_ =	shalt  }
0x85: {  	_ =	shalt  }
0x86: {  	_ =	shalt  }
0x87: {  	_ =	shalt  }
.Lfunc_end0:
.L_simem_size_0:
called_computation.1_lowered:
.L_overlay_start_0:
0x88: {  	s2 =	sld [smem:$0x3FD9]  }
0x89: {  	s3 =	sld [smem:$0x3FFE];
	_ =	sdelay $0x1  }
0x8a: {  	s1 =	srdreg.scid  }
0x8b: {  	s0 =	sand.u32 $0x1, s1  }
0x8c: {  	s17 =	sshll.u32 s0, $0xA;
	s2 =	sadd.s32 s3, s2  }
0x8d: {  	s2 =	sadd.s32 s2, s17  }
0x8e: {  	[smem:$0x3FC1] =	sst s2  }
0x8f: {  	_ = 	snop  }
0x90: {  	s2 =	sld [smem:$0x3FD0];
	(tm) =	ssettm $0x1  }
0x91: {  	s18 =	sld [smem:$0x3FFB];
	_ =	sdelay $0x3  }
0x92: {  	_ =	strace s18  }
0x93: {  	s3 =	sld [smem:$0x3FFC];
	_ =	sdelay $0x3  }
0x94: {  	_ =	strace s3  }
0x95: {  	s3 =	sld [smem:$0x3FFD];
	_ =	sdelay $0x3  }
0x96: {  	_ =	strace s3  }
0x97: {  	_ =	strace $0x8FFFFFFF  }
0x98: {  	s19 =	sld [smem:$0x3FDB];
	_ =	sdelay $0x1  }
0x99: {  	s4 =	simm.s32 $_scs_section_size  }
0x9a: {  	s5 =	simm.s32 $_size__tile_overlayer_lowered;
	s6 =	simm.s32 $_tile_overlayer_lowered  }
0x9b: {  	s22 =	simm.s32 $0x1BFF;
	s21 =	sshll.u32 s6, $0x1;
	s3 =	sadd.s32 s4, s19  }
0x9c: {  	s7 =	simm.s32 $0x0;
	s20 =	sshll.u32 s5, $0x1;
	s5 =	sadd.s32 s21, s3  }
0x9d: {  	[timem:s7], [sflag:s22] =	dma.local [hbm:s5], s20  }
0x9e: {  	_ =	swait.ge [sflag:s22], s20  }
0x9f: {  	s4 =	ssub.s32 $0x0, s20;
	[sflag:s22] =	ssyncset.done $0x0  }
0xa0: {  	[sflag:s22] =	ssyncadd.s32 s4;
	_ =	sdelay $0x1  }
0xa1: {  	s23 =	simm.s32 $0x1B8B  }
0xa2: {  	_ =	swait.ge [sflag:s23], $0x1  }
0xa3: {  	[sflag:s23] =	ssyncset.done $0x0  }
0xa4: {  	s25 =	simm.s32 $0x1B8E;
	s24 =	sld [smem:$0x3FFE];
	[sflag:s23] =	ssyncadd.s32 $0xFFFFFFFF  }
0xa5: {  	s26 =	simm.s32 $execute0_lowered;
	[smem:$0x3FD2] =	sst s25  }
0xa6: {  	s5 =	sshll.u32 s26, $0x1;
	_ =	strace $0x80000049;
	[dreg:$0x1] =	wrdreg $0xFFFFFFFF  }
0xa7: {  	s28 =	simm.s32 $_size_execute0_lowered;
	s3 =	sadd.s32 s3, s5;
	[dreg:$0x0] =	wrdreg $0x0  }
0xa8: {  	s5 =	sshll.u32 s28, $0x1;
	[dreg:$0x2] =	wrdreg s3  }
0xa9: {  	[dreg:$0x3] =	wrdreg s5  }
0xaa: {  	[dreg:$0x4] =	wrdreg $0xC0  }
0xab: {  	_ =	task [dreg:s7], $0x5FFFF  }
0xac: {  	[dreg:$0x1] =	wrdreg $0xFFFFFFFF  }
0xad: {  	[dreg:$0x0] =	wrdreg $0x60  }
0xae: {  	[dreg:$0x2] =	wrdreg s24  }
0xaf: {  	[dreg:$0x3] =	wrdreg s2  }
0xb0: {  	[dreg:$0x4] =	wrdreg $0x9  }
0xb1: {  	_ =	task.clear_ibuf [dreg:s7], $0x5FFFF;
	_ =	strace $0x90000049  }
0xb2: {  	s29 =	simm.s32 $0x9;
	_ =	strace $0x8000004B  }
0xb3: {  	_ =	swait.ge [sflag:s29], $0x1  }
0xb4: {  	[sflag:s29] =	ssyncadd.s32 $0xFFFFFFFF  }
0xb5: {  	_ =	strace $0x9000004B  }
0xb6: {  	_ =	sfence  }
0xb7: {  	s30 =	sld [smem:$0x0];
	_ =	sdelay $0x2  }
0xb8: {  	s31 =	sshll.u32 s1, $0xD;
	s1 =	sshrl.u32 s1, $0x2  }
0xb9: {  	s3 =	sand.u32 $0x4000, s31;
	s1 =	sadd.s32 s1, s30  }
0xba: {  	s0 =	sor.u32 s3, s0;
	s1 =	sshll.u32 s1, $0x11  }
0xbb: {  	s0 =	sor.u32 s1, s0  }
0xbc: {  	s0 =	sadd.s32 $0x8F2B, s0  }
0xbd: {  	[sflag:s0] =	ssyncadd.remote.s32 $0x1  }
0xbe: {  	_ =	sfence.sel $0xFFFF  }
0xbf: {  	[dreg:$0x0] =	wrdreg $0xFFFFFFFF;
	(pc) =	sbr.abs _section_cstart, $3  }
0xc0: {  	[dreg:$0x1] =	wrdreg $0xFFFFFFFF  }
0xc1: {  	_ =	task.clear_ibuf [dreg:s7], $0x2FFFF;
	_ =	strace $0x9FFFFFFF  }
0xc2: {  	(tm) =	ssettm $0x7FFFFFFF  }
0xc3: {  	_ =	shalt  }
tec
execute0_lowered:
.L_overlay_start_1:
0x0: {  	(tag) =	ssettag $0x1  }
0x1: {  	s0 =	rddreg [dreg:$0x0]  }
0x2: {  	s1 =	rddreg [dreg:$0x1];
	s2 =	simm.s32 $0x0  }
0x3: {  	s3 =	srdreg.scid;
	s5 =	stileid.u32;
	s12 =	simm.s32 $0x3  }
0x4: {  	s15 =	simm.s32 $0x4200;
	s30 =	simm.s32 $0x14A00;
	s31 =	simm.s32 $0x15200  }
0x5: {  	s13 =	simm.s32 $0x16A00;
	s14 =	simm.s32 $0x17200;
	s16 =	simm.s32 $0x17A00  }
0x6: {  	s17 =	simm.s32 $0x18200;
	s18 =	simm.s32 $0x18A00;
	s19 =	simm.s32 $0x19A00  }
0x7: {  	s20 =	simm.s32 $0x1AA00;
	s21 =	simm.s32 $0x1B200;
	s22 =	simm.s32 $0x1BA00  }
0x8: {  	s23 =	simm.s32 $0x1;
	s4 =	sand.u32 $0x1, s3;
	s5 =	sshll.u32 s5, $0x1  }
0x9: {  	[smem:$0x7FF] =	sst s2;
	s3 =	sadd.s32 $0x310800, s0;
	s5 =	sor.u32 s4, s5  }
0xa: {  	_ =	strace $0x8000004A;
	s7 =	ssub.s32 $0x2, s4;
	s6 =	sshll.u32 s5, $0xB  }
0xb: {  	s24 =	sshll.u32 s5, $0x5;
	s8 =	sshrl.u32 s7, $0x1;
	s9 =	smul.u32 $0x18000, s5  }
0xc: {  	s5 =	smul.u32 $0x3000, s5;
	s4 =	sadd.s32 s0, s24;
	s6 =	sadd.s32 s6, s0  }
0xd: {  	s10 =	ssub.s32 s7, s8;
	s7 =	sadd.s32 $0x310900, s0;
	s8 =	sadd.s32 $0x310A00, s0  }
0xe: {  	s24 =	simm.s32 $0x2;
	s25 =	sadd.s32 $0x400, s4;
	s6 =	sadd.s32 $0xC0800, s6  }
0xf: {  	s26 =	sshrl.u32 s9, $0x3;
	s29 =	smax.u32 s10, $0x1;
	[dreg:$0x3] =	wrdreg s25  }
0x10: {  	[dreg:$0x4] =	wrdreg s6;
	s28 =	sadd.s32 s1, s26;
	s1 =	sadd.s32 s1, s5  }
0x11: {  	v2 =	vlaneseq.u32;
	[dreg:$0x7] =	wrdreg s29;
	s5 =	simm.s32 $0x19200;
	s6 =	simm.s32 $0x1A200  }
0x12: {  	vm0 =	vmmov $0xffff;
	v1 =	vshrl.u32 v2, $0x3;
	s25 =	simm.s32 $0x0;
	[dreg:$0x5] =	wrdreg s1;
	s0 =	sadd.s32 $0x1800, s28  }
0x13: {  	v0 =	vand.u32 $0x7, v2;
	v2 =	vor.u32 $0x8, v2;
	v1 =	vmul.u32 $0x8, v1;
	s1 =	simm.s32 $0x16200;
	[dreg:$0x6] =	wrdreg s0;
	s0 =	simm.s32 $0x15A00  }
.LBB2_1:
0x14: {  	[tilespmem:s2], [sflag:$0x3] =	stream.linear.gather [hbm4b:s4+s2], $0x100, $0x38;
	[tilespmem:$0x1C200] =	vst v63  }
0x15: {  	_ =	swait.ge [sflag:s12], $0x100  }
0x16: {  	[sflag:s12] =	ssyncset.done $0x0  }
0x17: {  	s10 =	simm.s32 $0x100;
	s9 =	rddreg [dreg:$0x3];
	[sflag:s12] =	ssyncadd.s32 $0xFFFFFF00  }
0x18: {  	[tilespmem:s10], [sflag:$0x3] =	stream.linear.gather [hbm4b:s9+s2], $0x100, $0x38;
	[tilespmem:$0x1C200] =	vst v63  }
0x19: {  	_ =	swait.ge [sflag:s12], $0x100  }
0x1a: {  	[sflag:s12] =	ssyncset.done $0x0  }
0x1b: {  	s29 =	simm.s32 $0x200;
	s26 =	rddreg [dreg:$0x4];
	[sflag:s12] =	ssyncadd.s32 $0xFFFFFF00  }
0x1c: {  	[tilespmem:s29], [sflag:$0x3] =	stream.linear.gather [hbm4b:s26+s2], $0x4000, $0x38;
	[tilespmem:$0x1C200] =	vst v63  }
0x1d: {  	_ =	swait.ge [sflag:s12], $0x4000  }
0x1e: {  	[sflag:s12] =	ssyncset.done $0x0  }
0x1f: {  	[sflag:s12] =	ssyncadd.s32 $0xFFFFC000  }
0x20: {  	v3 =	vld [tilespmem:$0x0];
	_ =	sdelay $0x4  }
0x21: {  	v4 =	vshrl.u32 v3, $0x3  }
0x22: {  	v4 =	vmul.u32 $0x30, v4  }
0x23: {  	v3 =	vand.u32 $0x7, v3  }
0x24: {  	v3 =	vor.u32 v3, v4  }
0x25: {  	v4 =	vperm.xlane v3, v0;
	_ =	sdelay $0x1  }
0x26: {  	v4 =	vadd.s32 v1, v4;
	_ =	sdelay $0x3  }
0x27: {  	v3 =	vperm.xlane v3, v2  }
0x28: {  	[tilespmem:s15], [sflag:$0x1] =	stream.indirect_vreg.gather [hbm4b:s3+s2], $0x80, v4, vm0, $0xb8;
	[tilespmem:$0x1C200] =	vst v63  }
0x29: {  	s11 =	simm.s32 $0x4A00;
	v3 =	vadd.s32 v1, v3  }
0x2a: {  	[tilespmem:s11], [sflag:$0x1] =	stream.indirect_vreg.gather [hbm4b:s7+s2], $0x80, v4, vm0, $0xb8;
	[tilespmem:$0x1C200] =	vst v63  }
0x2b: {  	s26 =	simm.s32 $0x5200  }
0x2c: {  	[tilespmem:s26], [sflag:$0x1] =	stream.indirect_vreg.gather [hbm4b:s8+s2], $0x80, v4, vm0, $0xb8;
	[tilespmem:$0x1C200] =	vst v63  }
0x2d: {  	s29 =	simm.s32 $0x5A00  }
0x2e: {  	[tilespmem:s29], [sflag:$0x1] =	stream.indirect_vreg.gather [hbm4b:s3+s2], $0x80, v3, vm0, $0xb8;
	[tilespmem:$0x1C200] =	vst v63  }
0x2f: {  	s10 =	simm.s32 $0x6200  }
0x30: {  	[tilespmem:s10], [sflag:$0x1] =	stream.indirect_vreg.gather [hbm4b:s7+s2], $0x80, v3, vm0, $0xb8;
	[tilespmem:$0x1C200] =	vst v63  }
0x31: {  	s11 =	simm.s32 $0x6A00  }
0x32: {  	[tilespmem:s11], [sflag:$0x1] =	stream.indirect_vreg.gather [hbm4b:s8+s2], $0x80, v3, vm0, $0xb8;
	[tilespmem:$0x1C200] =	vst v63  }
0x33: {  	v3 =	vld [tilespmem:$0x10];
	_ =	sdelay $0x4  }
0x34: {  	v4 =	vshrl.u32 v3, $0x3  }
0x35: {  	v4 =	vmul.u32 $0x30, v4  }
0x36: {  	v3 =	vand.u32 $0x7, v3  }
0x37: {  	v3 =	vor.u32 v3, v4  }
0x38: {  	v4 =	vperm.xlane v3, v0;
	_ =	sdelay $0x1  }
0x39: {  	v4 =	vadd.s32 v1, v4;
	_ =	sdelay $0x3  }
0x3a: {  	s26 =	simm.s32 $0x7200;
	v3 =	vperm.xlane v3, v2  }
0x3b: {  	[tilespmem:s26], [sflag:$0x1] =	stream.indirect_vreg.gather [hbm4b:s3+s2], $0x80, v4, vm0, $0xb8;
	[tilespmem:$0x1C200] =	vst v63  }
0x3c: {  	s29 =	simm.s32 $0x7A00;
	v3 =	vadd.s32 v1, v3  }
0x3d: {  	[tilespmem:s29], [sflag:$0x1] =	stream.indirect_vreg.gather [hbm4b:s7+s2], $0x80, v4, vm0, $0xb8;
	[tilespmem:$0x1C200] =	vst v63  }
0x3e: {  	s10 =	simm.s32 $0x8200  }
0x3f: {  	[tilespmem:s10], [sflag:$0x1] =	stream.indirect_vreg.gather [hbm4b:s8+s2], $0x80, v4, vm0, $0xb8;
	[tilespmem:$0x1C200] =	vst v63  }
0x40: {  	s11 =	simm.s32 $0x8A00  }
0x41: {  	[tilespmem:s11], [sflag:$0x1] =	stream.indirect_vreg.gather [hbm4b:s3+s2], $0x80, v3, vm0, $0xb8;
	[tilespmem:$0x1C200] =	vst v63  }
0x42: {  	s26 =	simm.s32 $0x9200  }
0x43: {  	[tilespmem:s26], [sflag:$0x1] =	stream.indirect_vreg.gather [hbm4b:s7+s2], $0x80, v3, vm0, $0xb8;
	[tilespmem:$0x1C200] =	vst v63  }
0x44: {  	s29 =	simm.s32 $0x9A00  }
0x45: {  	[tilespmem:s29], [sflag:$0x1] =	stream.indirect_vreg.gather [hbm4b:s8+s2], $0x80, v3, vm0, $0xb8;
	[tilespmem:$0x1C200] =	vst v63  }
0x46: {  	v3 =	vld [tilespmem:$0x20];
	_ =	sdelay $0x4  }
0x47: {  	v4 =	vshrl.u32 v3, $0x3  }
0x48: {  	v4 =	vmul.u32 $0x30, v4  }
0x49: {  	v3 =	vand.u32 $0x7, v3  }
0x4a: {  	v3 =	vor.u32 v3, v4  }
0x4b: {  	v4 =	vperm.xlane v3, v0;
	_ =	sdelay $0x1  }
0x4c: {  	v4 =	vadd.s32 v1, v4;
	_ =	sdelay $0x3  }
0x4d: {  	s10 =	simm.s32 $0xA200;
	v3 =	vperm.xlane v3, v2  }
0x4e: {  	[tilespmem:s10], [sflag:$0x1] =	stream.indirect_vreg.gather [hbm4b:s3+s2], $0x80, v4, vm0, $0xb8;
	[tilespmem:$0x1C200] =	vst v63  }
0x4f: {  	s11 =	simm.s32 $0xAA00;
	v3 =	vadd.s32 v1, v3  }
0x50: {  	[tilespmem:s11], [sflag:$0x1] =	stream.indirect_vreg.gather [hbm4b:s7+s2], $0x80, v4, vm0, $0xb8;
	[tilespmem:$0x1C200] =	vst v63  }
0x51: {  	s26 =	simm.s32 $0xB200  }
0x52: {  	[tilespmem:s26], [sflag:$0x1] =	stream.indirect_vreg.gather [hbm4b:s8+s2], $0x80, v4, vm0, $0xb8;
	[tilespmem:$0x1C200] =	vst v63  }
0x53: {  	s29 =	simm.s32 $0xBA00  }
0x54: {  	[tilespmem:s29], [sflag:$0x1] =	stream.indirect_vreg.gather [hbm4b:s3+s2], $0x80, v3, vm0, $0xb8;
	[tilespmem:$0x1C200] =	vst v63  }
0x55: {  	s10 =	simm.s32 $0xC200  }
0x56: {  	[tilespmem:s10], [sflag:$0x1] =	stream.indirect_vreg.gather [hbm4b:s7+s2], $0x80, v3, vm0, $0xb8;
	[tilespmem:$0x1C200] =	vst v63  }
0x57: {  	s11 =	simm.s32 $0xCA00  }
0x58: {  	[tilespmem:s11], [sflag:$0x1] =	stream.indirect_vreg.gather [hbm4b:s8+s2], $0x80, v3, vm0, $0xb8;
	[tilespmem:$0x1C200] =	vst v63  }
0x59: {  	v3 =	vld [tilespmem:$0x30];
	_ =	sdelay $0x4  }
0x5a: {  	v4 =	vshrl.u32 v3, $0x3  }
0x5b: {  	v4 =	vmul.u32 $0x30, v4  }
0x5c: {  	v3 =	vand.u32 $0x7, v3  }
0x5d: {  	v3 =	vor.u32 v3, v4  }
0x5e: {  	v4 =	vperm.xlane v3, v0;
	_ =	sdelay $0x1  }
0x5f: {  	v4 =	vadd.s32 v1, v4;
	_ =	sdelay $0x3  }
0x60: {  	s26 =	simm.s32 $0xD200;
	v3 =	vperm.xlane v3, v2  }
0x61: {  	[tilespmem:s26], [sflag:$0x1] =	stream.indirect_vreg.gather [hbm4b:s3+s2], $0x80, v4, vm0, $0xb8;
	[tilespmem:$0x1C200] =	vst v63  }
0x62: {  	s29 =	simm.s32 $0xDA00;
	v3 =	vadd.s32 v1, v3  }
0x63: {  	[tilespmem:s29], [sflag:$0x1] =	stream.indirect_vreg.gather [hbm4b:s7+s2], $0x80, v4, vm0, $0xb8;
	[tilespmem:$0x1C200] =	vst v63  }
0x64: {  	s10 =	simm.s32 $0xE200  }
0x65: {  	[tilespmem:s10], [sflag:$0x1] =	stream.indirect_vreg.gather [hbm4b:s8+s2], $0x80, v4, vm0, $0xb8;
	[tilespmem:$0x1C200] =	vst v63  }
0x66: {  	s11 =	simm.s32 $0xEA00  }
0x67: {  	[tilespmem:s11], [sflag:$0x1] =	stream.indirect_vreg.gather [hbm4b:s3+s2], $0x80, v3, vm0, $0xb8;
	[tilespmem:$0x1C200] =	vst v63  }
0x68: {  	s26 =	simm.s32 $0xF200  }
0x69: {  	[tilespmem:s26], [sflag:$0x1] =	stream.indirect_vreg.gather [hbm4b:s7+s2], $0x80, v3, vm0, $0xb8;
	[tilespmem:$0x1C200] =	vst v63  }
0x6a: {  	s29 =	simm.s32 $0xFA00  }
0x6b: {  	[tilespmem:s29], [sflag:$0x1] =	stream.indirect_vreg.gather [hbm4b:s8+s2], $0x80, v3, vm0, $0xb8;
	[tilespmem:$0x1C200] =	vst v63  }
0x6c: {  	v3 =	vld [tilespmem:$0x100];
	_ =	sdelay $0x4  }
0x6d: {  	v4 =	vshrl.u32 v3, $0x3  }
0x6e: {  	v4 =	vmul.u32 $0x30, v4  }
0x6f: {  	v3 =	vand.u32 $0x7, v3  }
0x70: {  	v3 =	vor.u32 v3, v4  }
0x71: {  	v4 =	vperm.xlane v3, v0;
	_ =	sdelay $0x1  }
0x72: {  	v4 =	vadd.s32 v1, v4;
	_ =	sdelay $0x3  }
0x73: {  	s10 =	simm.s32 $0x10200;
	v3 =	vperm.xlane v3, v2  }
0x74: {  	[tilespmem:s10], [sflag:$0x2] =	stream.indirect_vreg.gather [hbm4b:s3+s2], $0x80, v4, vm0, $0xb8;
	[tilespmem:$0x1C200] =	vst v63  }
0x75: {  	s11 =	simm.s32 $0x10A00;
	v3 =	vadd.s32 v1, v3  }
0x76: {  	[tilespmem:s11], [sflag:$0x2] =	stream.indirect_vreg.gather [hbm4b:s7+s2], $0x80, v4, vm0, $0xb8;
	[tilespmem:$0x1C200] =	vst v63  }
0x77: {  	s26 =	simm.s32 $0x11200  }
0x78: {  	[tilespmem:s26], [sflag:$0x2] =	stream.indirect_vreg.gather [hbm4b:s8+s2], $0x80, v4, vm0, $0xb8;
	[tilespmem:$0x1C200] =	vst v63  }
0x79: {  	s29 =	simm.s32 $0x11A00  }
0x7a: {  	[tilespmem:s29], [sflag:$0x2] =	stream.indirect_vreg.gather [hbm4b:s3+s2], $0x80, v3, vm0, $0xb8;
	[tilespmem:$0x1C200] =	vst v63  }
0x7b: {  	s10 =	simm.s32 $0x12200  }
0x7c: {  	[tilespmem:s10], [sflag:$0x2] =	stream.indirect_vreg.gather [hbm4b:s7+s2], $0x80, v3, vm0, $0xb8;
	[tilespmem:$0x1C200] =	vst v63  }
0x7d: {  	s11 =	simm.s32 $0x12A00  }
0x7e: {  	[tilespmem:s11], [sflag:$0x2] =	stream.indirect_vreg.gather [hbm4b:s8+s2], $0x80, v3, vm0, $0xb8;
	[tilespmem:$0x1C200] =	vst v63  }
0x7f: {  	v3 =	vld [tilespmem:$0x110];
	_ =	sdelay $0x4  }
0x80: {  	v4 =	vshrl.u32 v3, $0x3  }
0x81: {  	v4 =	vmul.u32 $0x30, v4  }
0x82: {  	v3 =	vand.u32 $0x7, v3  }
0x83: {  	v3 =	vor.u32 v3, v4  }
0x84: {  	v4 =	vperm.xlane v3, v0;
	_ =	sdelay $0x1  }
0x85: {  	v4 =	vadd.s32 v1, v4;
	_ =	sdelay $0x3  }
0x86: {  	s26 =	simm.s32 $0x13200;
	v3 =	vperm.xlane v3, v2  }
0x87: {  	[tilespmem:s26], [sflag:$0x2] =	stream.indirect_vreg.gather [hbm4b:s3+s2], $0x80, v4, vm0, $0xb8;
	[tilespmem:$0x1C200] =	vst v63  }
0x88: {  	s29 =	simm.s32 $0x13A00;
	v3 =	vadd.s32 v1, v3  }
0x89: {  	[tilespmem:s29], [sflag:$0x2] =	stream.indirect_vreg.gather [hbm4b:s7+s2], $0x80, v4, vm0, $0xb8;
	[tilespmem:$0x1C200] =	vst v63  }
0x8a: {  	s10 =	simm.s32 $0x14200  }
0x8b: {  	[tilespmem:s10], [sflag:$0x2] =	stream.indirect_vreg.gather [hbm4b:s8+s2], $0x80, v4, vm0, $0xb8;
	[tilespmem:$0x1C200] =	vst v63  }
0x8c: {  	_ = 	snop  }
0x8d: {  	[tilespmem:s30], [sflag:$0x2] =	stream.indirect_vreg.gather [hbm4b:s3+s2], $0x80, v3, vm0, $0xb8;
	[tilespmem:$0x1C200] =	vst v63  }
0x8e: {  	_ = 	snop  }
0x8f: {  	[tilespmem:s31], [sflag:$0x2] =	stream.indirect_vreg.gather [hbm4b:s7+s2], $0x80, v3, vm0, $0xb8;
	[tilespmem:$0x1C200] =	vst v63  }
0x90: {  	_ = 	snop  }
0x91: {  	[tilespmem:s0], [sflag:$0x2] =	stream.indirect_vreg.gather [hbm4b:s8+s2], $0x80, v3, vm0, $0xb8;
	[tilespmem:$0x1C200] =	vst v63  }
0x92: {  	v3 =	vld [tilespmem:$0x120];
	_ =	sdelay $0x4  }
0x93: {  	v4 =	vshrl.u32 v3, $0x3  }
0x94: {  	v4 =	vmul.u32 $0x30, v4  }
0x95: {  	v3 =	vand.u32 $0x7, v3  }
0x96: {  	v3 =	vor.u32 v3, v4  }
0x97: {  	v4 =	vperm.xlane v3, v0;
	_ =	sdelay $0x1  }
0x98: {  	v4 =	vadd.s32 v1, v4;
	_ =	sdelay $0x3  }
0x99: {  	v3 =	vperm.xlane v3, v2  }
0x9a: {  	[tilespmem:s1], [sflag:$0x2] =	stream.indirect_vreg.gather [hbm4b:s3+s2], $0x80, v4, vm0, $0xb8;
	[tilespmem:$0x1C200] =	vst v63  }
0x9b: {  	v3 =	vadd.s32 v1, v3  }
0x9c: {  	[tilespmem:s13], [sflag:$0x2] =	stream.indirect_vreg.gather [hbm4b:s7+s2], $0x80, v4, vm0, $0xb8;
	[tilespmem:$0x1C200] =	vst v63  }
0x9d: {  	_ = 	snop  }
0x9e: {  	[tilespmem:s14], [sflag:$0x2] =	stream.indirect_vreg.gather [hbm4b:s8+s2], $0x80, v4, vm0, $0xb8;
	[tilespmem:$0x1C200] =	vst v63  }
0x9f: {  	_ = 	snop  }
0xa0: {  	[tilespmem:s16], [sflag:$0x2] =	stream.indirect_vreg.gather [hbm4b:s3+s2], $0x80, v3, vm0, $0xb8;
	[tilespmem:$0x1C200] =	vst v63  }
0xa1: {  	_ = 	snop  }
0xa2: {  	[tilespmem:s17], [sflag:$0x2] =	stream.indirect_vreg.gather [hbm4b:s7+s2], $0x80, v3, vm0, $0xb8;
	[tilespmem:$0x1C200] =	vst v63  }
0xa3: {  	_ = 	snop  }
0xa4: {  	[tilespmem:s18], [sflag:$0x2] =	stream.indirect_vreg.gather [hbm4b:s8+s2], $0x80, v3, vm0, $0xb8;
	[tilespmem:$0x1C200] =	vst v63  }
0xa5: {  	v3 =	vld [tilespmem:$0x130];
	_ =	sdelay $0x4  }
0xa6: {  	v4 =	vshrl.u32 v3, $0x3  }
0xa7: {  	v4 =	vmul.u32 $0x30, v4  }
0xa8: {  	v3 =	vand.u32 $0x7, v3  }
0xa9: {  	v3 =	vor.u32 v3, v4  }
0xaa: {  	v4 =	vperm.xlane v3, v0;
	_ =	sdelay $0x1  }
0xab: {  	v4 =	vadd.s32 v1, v4;
	_ =	sdelay $0x3  }
0xac: {  	v3 =	vperm.xlane v3, v2  }
0xad: {  	[tilespmem:s5], [sflag:$0x2] =	stream.indirect_vreg.gather [hbm4b:s3+s2], $0x80, v4, vm0, $0xb8;
	[tilespmem:$0x1C200] =	vst v63  }
0xae: {  	v3 =	vadd.s32 v1, v3  }
0xaf: {  	[tilespmem:s19], [sflag:$0x2] =	stream.indirect_vreg.gather [hbm4b:s7+s2], $0x80, v4, vm0, $0xb8;
	[tilespmem:$0x1C200] =	vst v63  }
0xb0: {  	_ = 	snop  }
0xb1: {  	[tilespmem:s6], [sflag:$0x2] =	stream.indirect_vreg.gather [hbm4b:s8+s2], $0x80, v4, vm0, $0xb8;
	[tilespmem:$0x1C200] =	vst v63  }
0xb2: {  	_ = 	snop  }
0xb3: {  	[tilespmem:s20], [sflag:$0x2] =	stream.indirect_vreg.gather [hbm4b:s3+s2], $0x80, v3, vm0, $0xb8;
	[tilespmem:$0x1C200] =	vst v63  }
0xb4: {  	_ = 	snop  }
0xb5: {  	[tilespmem:s21], [sflag:$0x2] =	stream.indirect_vreg.gather [hbm4b:s7+s2], $0x80, v3, vm0, $0xb8;
	[tilespmem:$0x1C200] =	vst v63  }
0xb6: {  	_ = 	snop  }
0xb7: {  	[tilespmem:s22], [sflag:$0x2] =	stream.indirect_vreg.gather [hbm4b:s8+s2], $0x80, v3, vm0, $0xb8;
	[tilespmem:$0x1C200] =	vst v63  }
0xb8: {  	_ =	swait.ge [sflag:s23], $0xC000  }
0xb9: {  	[sflag:s23] =	ssyncset.done $0x0  }
0xba: {  	s11 =	simm.s32 $0x0;
	[sflag:s23] =	ssyncadd.s32 $0xFFFF4000  }
0xbb: {  	s9 =	smul.u32 $0x1800, s11;
	_ =	swait.ge [sflag:s24], $0xC000  }
0xbc: {  	s26 =	sand.u32 $0x380, s2;
	[sflag:s24] =	ssyncset.done $0x0  }
0xbd: {  	s28 =	sor.u32 s26, s9;
	[sflag:s24] =	ssyncadd.s32 $0xFFFF4000  }
0xbe: {  	v4 =	vld [tilespmem:s28+$0x4210]  }
0xbf: {  	v3 =	vld [tilespmem:s28+$0x10210]  }
0xc0: {  	v6 =	vld [tilespmem:s28+$0x4220]  }
0xc1: {  	v5 =	vld [tilespmem:s28+$0x10220]  }
0xc2: {  	v10 =	vld [tilespmem:s28+$0x4230]  }
0xc3: {  	v7 =	vld [tilespmem:s28+$0x10230]  }
0xc4: {  	v12 =	vld [tilespmem:s28+$0x4240]  }
0xc5: {  	v11 =	vld [tilespmem:s28+$0x10240]  }
0xc6: {  	v13 =	vld [tilespmem:s28+$0x4260]  }
0xc7: {  	v14 =	vld [tilespmem:s28+$0x4270]  }
0xc8: {  	v15 =	vld [tilespmem:s28+$0x4600]  }
0xc9: {  	v16 =	vld [tilespmem:s28+$0x4610]  }
0xca: {  	v17 =	vld [tilespmem:s28+$0x4620]  }
0xcb: {  	v18 =	vld [tilespmem:s28+$0x4630]  }
0xcc: {  	v19 =	vld [tilespmem:s28+$0x4640]  }
0xcd: {  	v20 =	vld [tilespmem:s28+$0x4650]  }
0xce: {  	v21 =	vld [tilespmem:s28+$0x4660]  }
0xcf: {  	v22 =	vld [tilespmem:s28+$0x4670]  }
0xd0: {  	v23 =	vld [tilespmem:s28+$0x4A00]  }
0xd1: {  	v24 =	vld [tilespmem:s28+$0x4A10]  }
0xd2: {  	v25 =	vld [tilespmem:s28+$0x4A20]  }
0xd3: {  	v26 =	vld [tilespmem:s28+$0x4A30]  }
0xd4: {  	v27 =	vld [tilespmem:s28+$0x4A40]  }
0xd5: {  	v28 =	vld [tilespmem:s28+$0x4A50]  }
0xd6: {  	v29 =	vld [tilespmem:s28+$0x4A60]  }
0xd7: {  	v30 =	vld [tilespmem:s28+$0x4A70]  }
0xd8: {  	v31 =	vld [tilespmem:s28+$0x4E00]  }
0xd9: {  	v32 =	vld [tilespmem:s28+$0x4E10]  }
0xda: {  	v33 =	vld [tilespmem:s28+$0x4E20]  }
0xdb: {  	v34 =	vld [tilespmem:s28+$0x4E30]  }
0xdc: {  	v35 =	vld [tilespmem:s28+$0x4E40]  }
0xdd: {  	v36 =	vld [tilespmem:s28+$0x4E50]  }
0xde: {  	v37 =	vld [tilespmem:s28+$0x4E60]  }
0xdf: {  	v38 =	vld [tilespmem:s28+$0x4E70]  }
0xe0: {  	v39 =	vld [tilespmem:s28+$0x5200]  }
0xe1: {  	v40 =	vld [tilespmem:s28+$0x5210]  }
0xe2: {  	v41 =	vld [tilespmem:s28+$0x5220]  }
0xe3: {  	v42 =	vld [tilespmem:s28+$0x5230]  }
0xe4: {  	v43 =	vld [tilespmem:s28+$0x5240]  }
0xe5: {  	v44 =	vld [tilespmem:s28+$0x5250]  }
0xe6: {  	v45 =	vld [tilespmem:s28+$0x5260]  }
0xe7: {  	v46 =	vld [tilespmem:s28+$0x5600]  }
0xe8: {  	v47 =	vld [tilespmem:s28+$0x5610]  }
0xe9: {  	v48 =	vld [tilespmem:s28+$0x11610]  }
0xea: {  	v49 =	vld [tilespmem:s28+$0x11630]  }
0xeb: {  	v50 =	vld [tilespmem:s28+$0x5630]  }
0xec: {  	s26 =	simm.s32 $0x210;
	v51 =	vld [tilespmem:s28+$0x5620]  }
0xed: {  	v8 =	vld [tilespmem:s26+$0xFFFFFFF0]  }
0xee: {  	v9 =	vld [tilespmem:s26+$0x0]  }
0xef: {  	v52 =	vld [tilespmem:s28+$0x11620]  }
0xf0: {  	v53 =	vld [tilespmem:s28+$0x11600]  }
0xf1: {  	v54 =	vld [tilespmem:s28+$0x5270]  }
0xf2: {  	v55 =	vld [tilespmem:s28+$0x11270];
	v50 =	vmul.f32 v50, v8  }
0xf3: {  	v56 =	vld [tilespmem:s28+$0x11260];
	v49 =	vmul.f32 v49, v9;
	v51 =	vmul.f32 v51, v8  }
0xf4: {  	v61 =	vld [tilespmem:s28+$0x11200];
	v52 =	vmul.f32 v52, v9;
	v47 =	vmul.f32 v47, v8  }
0xf5: {  	v57 =	vld [tilespmem:s28+$0x11250];
	v48 =	vmul.f32 v48, v9;
	v46 =	vmul.f32 v46, v8;
	v49 =	vadd.f32 v49, v50  }
0xf6: {  	v58 =	vld [tilespmem:s28+$0x11240];
	v62 =	vmul.f32 v53, v9;
	v63 =	vmul.f32 v54, v8;
	v51 =	vadd.f32 v52, v51  }
0xf7: {  	v53 =	vld [tilespmem:s28+$0x11230];
	v59 =	vmul.f32 v55, v9;
	v45 =	vmul.f32 v45, v8;
	v47 =	vadd.f32 v48, v47;
	[tilespmem:s28+$0x5630] =	vst v49  }
0xf8: {  	v60 =	vmul.f32 v56, v9;
	v56 =	vld [tilespmem:s28+$0x10E60];
	v39 =	vmul.f32 v39, v8;
	v46 =	vadd.f32 v62, v46;
	[tilespmem:s28+$0x5620] =	vst v51  }
0xf9: {  	v61 =	vmul.f32 v61, v9;
	v55 =	vld [tilespmem:s28+$0x10A70];
	v12 =	vmul.f32 v12, v8;
	v52 =	vadd.f32 v59, v63;
	[tilespmem:s28+$0x5610] =	vst v47  }
0xfa: {  	v11 =	vmul.f32 v11, v9;
	v10 =	vmul.f32 v10, v8;
	v48 =	vld [tilespmem:s28+$0x11220];
	v45 =	vadd.f32 v60, v45;
	[tilespmem:s28+$0x5600] =	vst v46  }
0xfb: {  	v7 =	vmul.f32 v7, v9;
	v63 =	vmul.f32 v58, v9;
	v58 =	vld [tilespmem:s28+$0x10E50];
	v39 =	vadd.f32 v61, v39;
	[tilespmem:s28+$0x5270] =	vst v52  }
0xfc: {  	v44 =	vmul.f32 v44, v8;
	v62 =	vmul.f32 v57, v9;
	v59 =	vld [tilespmem:s28+$0x10E40];
	v11 =	vadd.f32 v11, v12;
	[tilespmem:s28+$0x5260] =	vst v45  }
0xfd: {  	v43 =	vmul.f32 v43, v8;
	v60 =	vld [tilespmem:s28+$0x10E30];
	v7 =	vadd.f32 v7, v10;
	[tilespmem:s28+$0x5200] =	vst v39  }
0xfe: {  	v42 =	vmul.f32 v42, v8;
	v61 =	vld [tilespmem:s28+$0x10A10];
	v44 =	vadd.f32 v62, v44;
	[tilespmem:s28+$0x4240] =	vst v11;
	v57 =	vmul.f32 v53, v9  }
0xff: {  	v37 =	vmul.f32 v37, v8;
	v49 =	vld [tilespmem:s28+$0x11210];
	v43 =	vadd.f32 v63, v43;
	[tilespmem:s28+$0x4230] =	vst v7;
	v46 =	vmul.f32 v56, v9  }
0x100: {  	v41 =	vmul.f32 v41, v8;
	v47 =	vld [tilespmem:s28+$0x10E70];
	[tilespmem:s28+$0x5250] =	vst v44;
	v48 =	vmul.f32 v48, v9;
	v42 =	vadd.f32 v57, v42  }
0x101: {  	v36 =	vmul.f32 v36, v8;
	v62 =	vld [tilespmem:s28+$0x10E20];
	[tilespmem:s28+$0x5240] =	vst v43;
	v54 =	vmul.f32 v58, v9;
	v37 =	vadd.f32 v46, v37  }
0x102: {  	v35 =	vmul.f32 v35, v8;
	v63 =	vld [tilespmem:s28+$0x10E10];
	v45 =	vmul.f32 v59, v9;
	v41 =	vadd.f32 v48, v41;
	[tilespmem:s28+$0x5230] =	vst v42  }
0x103: {  	v34 =	vmul.f32 v34, v8;
	v56 =	vld [tilespmem:s28+$0x10A60];
	v44 =	vmul.f32 v60, v9;
	v36 =	vadd.f32 v54, v36;
	[tilespmem:s28+$0x4E60] =	vst v37  }
0x104: {  	v40 =	vmul.f32 v40, v8;
	v53 =	vld [tilespmem:s28+$0x10E00];
	v49 =	vmul.f32 v49, v9;
	v35 =	vadd.f32 v45, v35;
	[tilespmem:s28+$0x5220] =	vst v41  }
0x105: {  	v38 =	vmul.f32 v38, v8;
	v12 =	vld [tilespmem:s28+$0x5660];
	v47 =	vmul.f32 v47, v9;
	v34 =	vadd.f32 v44, v34;
	[tilespmem:s28+$0x4E50] =	vst v36  }
0x106: {  	v33 =	vmul.f32 v33, v8;
	v58 =	vld [tilespmem:s28+$0x10A40];
	v43 =	vmul.f32 v62, v9;
	v40 =	vadd.f32 v49, v40;
	[tilespmem:s28+$0x4E40] =	vst v35  }
0x107: {  	v32 =	vmul.f32 v32, v8;
	v57 =	vld [tilespmem:s28+$0x10A50];
	v42 =	vmul.f32 v63, v9;
	v38 =	vadd.f32 v47, v38;
	[tilespmem:s28+$0x4E30] =	vst v34  }
0x108: {  	v29 =	vmul.f32 v29, v8;
	v60 =	vld [tilespmem:s28+$0x10A20];
	v39 =	vmul.f32 v56, v9;
	v33 =	vadd.f32 v43, v33;
	[tilespmem:s28+$0x5210] =	vst v40  }
0x109: {  	v31 =	vmul.f32 v31, v8;
	v59 =	vld [tilespmem:s28+$0x10A30];
	v41 =	vmul.f32 v53, v9;
	v32 =	vadd.f32 v42, v32;
	[tilespmem:s28+$0x4E70] =	vst v38  }
0x10a: {  	v24 =	vmul.f32 v24, v8;
	v62 =	vld [tilespmem:s28+$0x10A00];
	v34 =	vmul.f32 v61, v9;
	v29 =	vadd.f32 v39, v29;
	[tilespmem:s28+$0x4E20] =	vst v33  }
0x10b: {  	v27 =	vmul.f32 v27, v8;
	v63 =	vld [tilespmem:s28+$0x10670];
	v37 =	vmul.f32 v58, v9;
	v31 =	vadd.f32 v41, v31;
	[tilespmem:s28+$0x4E10] =	vst v32  }
0x10c: {  	v30 =	vmul.f32 v30, v8;
	v40 =	vmul.f32 v55, v9;
	v24 =	vadd.f32 v34, v24;
	[tilespmem:s28+$0x4A60] =	vst v29;
	v29 =	vld [tilespmem:s28+$0x10640]  }
0x10d: {  	v25 =	vmul.f32 v25, v8;
	v35 =	vmul.f32 v60, v9;
	v27 =	vadd.f32 v37, v27;
	[tilespmem:s28+$0x4E00] =	vst v31;
	v31 =	vld [tilespmem:s28+$0x10660]  }
0x10e: {  	v28 =	vmul.f32 v28, v8;
	v38 =	vmul.f32 v57, v9;
	v30 =	vadd.f32 v40, v30;
	[tilespmem:s28+$0x4A10] =	vst v24;
	v24 =	vld [tilespmem:s28+$0x10270]  }
0x10f: {  	v23 =	vmul.f32 v23, v8;
	v33 =	vmul.f32 v62, v9;
	v25 =	vadd.f32 v35, v25;
	[tilespmem:s28+$0x4A40] =	vst v27;
	v27 =	vld [tilespmem:s28+$0x10620]  }
0x110: {  	v26 =	vmul.f32 v26, v8;
	v36 =	vmul.f32 v59, v9;
	v28 =	vadd.f32 v38, v28;
	[tilespmem:s28+$0x4A70] =	vst v30;
	v30 =	vld [tilespmem:s28+$0x10650]  }
0x111: {  	v22 =	vmul.f32 v22, v8;
	v32 =	vmul.f32 v63, v9;
	v23 =	vadd.f32 v33, v23;
	[tilespmem:s28+$0x4A20] =	vst v25;
	v25 =	vld [tilespmem:s28+$0x10600]  }
0x112: {  	v19 =	vmul.f32 v19, v8;
	v26 =	vadd.f32 v36, v26;
	[tilespmem:s28+$0x4A50] =	vst v28;
	v28 =	vld [tilespmem:s28+$0x10630];
	v29 =	vmul.f32 v29, v9  }
0x113: {  	v21 =	vmul.f32 v21, v8;
	v22 =	vadd.f32 v32, v22;
	[tilespmem:s28+$0x4A00] =	vst v23;
	v23 =	vld [tilespmem:s28+$0x10260];
	v31 =	vmul.f32 v31, v9  }
0x114: {  	v17 =	vmul.f32 v17, v8;
	[tilespmem:s28+$0x4A30] =	vst v26;
	v26 =	vld [tilespmem:s28+$0x10610];
	v27 =	vmul.f32 v27, v9;
	v19 =	vadd.f32 v29, v19  }
0x115: {  	v20 =	vmul.f32 v20, v8;
	[tilespmem:s28+$0x4670] =	vst v22;
	v22 =	vld [tilespmem:s28+$0x4250];
	v30 =	vmul.f32 v30, v9;
	v21 =	vadd.f32 v31, v21  }
0x116: {  	v15 =	vmul.f32 v15, v8;
	v25 =	vmul.f32 v25, v9;
	v17 =	vadd.f32 v27, v17;
	[tilespmem:s28+$0x4640] =	vst v19;
	v19 =	vld [tilespmem:s28+$0x11650]  }
0x117: {  	v18 =	vmul.f32 v18, v8;
	v28 =	vmul.f32 v28, v9;
	v20 =	vadd.f32 v30, v20;
	[tilespmem:s28+$0x4660] =	vst v21;
	v21 =	vld [tilespmem:s28+$0x10250]  }
0x118: {  	v13 =	vmul.f32 v13, v8;
	v23 =	vmul.f32 v23, v9;
	v15 =	vadd.f32 v25, v15;
	[tilespmem:s28+$0x4620] =	vst v17;
	v17 =	vld [tilespmem:s28+$0x5640]  }
0x119: {  	v6 =	vmul.f32 v6, v8;
	v5 =	vmul.f32 v5, v9;
	v18 =	vadd.f32 v28, v18;
	[tilespmem:s28+$0x4650] =	vst v20;
	v20 =	vld [tilespmem:s28+$0x11640]  }
0x11a: {  	v14 =	vmul.f32 v14, v8;
	v24 =	vmul.f32 v24, v9;
	v13 =	vadd.f32 v23, v13;
	[tilespmem:s28+$0x4600] =	vst v15;
	v15 =	vld [tilespmem:s28+$0x5650]  }
0x11b: {  	v4 =	vmul.f32 v4, v8;
	v3 =	vmul.f32 v3, v9;
	v5 =	vadd.f32 v5, v6;
	[tilespmem:s28+$0x4630] =	vst v18;
	v18 =	vld [tilespmem:s28+$0x11660]  }
0x11c: {  	v6 =	vld [tilespmem:s28+$0x4200];
	v14 =	vadd.f32 v24, v14;
	v10 =	vmul.f32 v22, v8;
	[tilespmem:s28+$0x4260] =	vst v13;
	v13 =	vmul.f32 v21, v9  }
0x11d: {  	s29 =	simm.s32 $0x0;
	v16 =	vmul.f32 v16, v8;
	v3 =	vadd.f32 v3, v4;
	v7 =	vld [tilespmem:s28+$0x10200];
	[tilespmem:s28+$0x4220] =	vst v5;
	v26 =	vmul.f32 v26, v9  }
0x11e: {  	s9 =	smul.u32 $0x1800, s29;
	s10 =	simm.s32 $0x80;
	[tilespmem:s28+$0x4270] =	vst v14;
	v14 =	vld [tilespmem:s28+$0x5670];
	v11 =	vmul.f32 v17, v8;
	v17 =	vmul.f32 v20, v9;
	v4 =	vadd.f32 v13, v10  }
0x11f: {  	s11 =	sand.u32 $0x380, s10;
	[tilespmem:s28+$0x4210] =	vst v3;
	v16 =	vadd.f32 v26, v16;
	v5 =	vmul.f32 v15, v8;
	v10 =	vmul.f32 v19, v9  }
0x120: {  	s9 =	sor.u32 s11, s9;
	v11 =	vadd.f32 v17, v11;
	[tilespmem:s28+$0x4250] =	vst v4;
	v4 =	vmul.f32 v12, v8;
	v12 =	vmul.f32 v18, v9  }
0x121: {  	v3 =	vld [tilespmem:s9+$0x4210];
	[tilespmem:s28+$0x4610] =	vst v16;
	v5 =	vadd.f32 v10, v5  }
0x122: {  	v7 =	vmul.f32 v7, v9;
	v16 =	vld [tilespmem:s28+$0x11670];
	[tilespmem:s28+$0x5640] =	vst v11;
	v12 =	vadd.f32 v12, v4  }
0x123: {  	v10 =	vmul.f32 v14, v8;
	v8 =	vmul.f32 v6, v8;
	v4 =	vld [tilespmem:s9+$0x10210];
	[tilespmem:s28+$0x5650] =	vst v5  }
0x124: {  	v6 =	vld [tilespmem:s9+$0x4220];
	[tilespmem:s28+$0x5660] =	vst v12  }
0x125: {  	v7 =	vadd.f32 v7, v8;
	v5 =	vld [tilespmem:s9+$0x10220]  }
0x126: {  	v8 =	vld [tilespmem:s9+$0x4230]  }
0x127: {  	[tilespmem:s28+$0x4200] =	vst v7;
	v18 =	vld [tilespmem:s9+$0x4630]  }
0x128: {  	v11 =	vmul.f32 v16, v9;
	v26 =	vld [tilespmem:s9+$0x4A30]  }
0x129: {  	v36 =	vld [tilespmem:s9+$0x4E30]  }
0x12a: {  	v9 =	vadd.f32 v11, v10;
	v44 =	vld [tilespmem:s9+$0x5230]  }
0x12b: {  	v48 =	vld [tilespmem:s9+$0x5600]  }
0x12c: {  	[tilespmem:s28+$0x5670] =	vst v9;
	v50 =	vld [tilespmem:s9+$0x5610]  }
0x12d: {  	v7 =	vld [tilespmem:s9+$0x10230]  }
0x12e: {  	v10 =	vld [tilespmem:s9+$0x4240]  }
0x12f: {  	v9 =	vld [tilespmem:s9+$0x10240]  }
0x130: {  	v12 =	vld [tilespmem:s9+$0x4250]  }
0x131: {  	v11 =	vld [tilespmem:s9+$0x10250]  }
0x132: {  	v13 =	vld [tilespmem:s9+$0x4260]  }
0x133: {  	v14 =	vld [tilespmem:s9+$0x4270]  }
0x134: {  	v15 =	vld [tilespmem:s9+$0x4600]  }
0x135: {  	v16 =	vld [tilespmem:s9+$0x4610]  }
0x136: {  	v17 =	vld [tilespmem:s9+$0x4620]  }
0x137: {  	v19 =	vld [tilespmem:s9+$0x4640]  }
0x138: {  	v20 =	vld [tilespmem:s9+$0x4650]  }
0x139: {  	v21 =	vld [tilespmem:s9+$0x4660]  }
0x13a: {  	v22 =	vld [tilespmem:s9+$0x4670]  }
0x13b: {  	v23 =	vld [tilespmem:s9+$0x4A00]  }
0x13c: {  	v24 =	vld [tilespmem:s9+$0x4A10]  }
0x13d: {  	v25 =	vld [tilespmem:s9+$0x4A20]  }
0x13e: {  	v27 =	vld [tilespmem:s9+$0x4A40]  }
0x13f: {  	v28 =	vld [tilespmem:s9+$0x4A50]  }
0x140: {  	v29 =	vld [tilespmem:s9+$0x4A60]  }
0x141: {  	v30 =	vld [tilespmem:s9+$0x4A70]  }
0x142: {  	v32 =	vld [tilespmem:s9+$0x4E00]  }
0x143: {  	v34 =	vld [tilespmem:s9+$0x4E10]  }
0x144: {  	v35 =	vld [tilespmem:s9+$0x4E20]  }
0x145: {  	v37 =	vld [tilespmem:s9+$0x4E40]  }
0x146: {  	v38 =	vld [tilespmem:s9+$0x4E50]  }
0x147: {  	v39 =	vld [tilespmem:s9+$0x4E60]  }
0x148: {  	v40 =	vld [tilespmem:s9+$0x4E70]  }
0x149: {  	v41 =	vld [tilespmem:s9+$0x5200]  }
0x14a: {  	v42 =	vld [tilespmem:s9+$0x5210]  }
0x14b: {  	v43 =	vld [tilespmem:s9+$0x5220]  }
0x14c: {  	v45 =	vld [tilespmem:s9+$0x5240]  }
0x14d: {  	v46 =	vld [tilespmem:s9+$0x5250]  }
0x14e: {  	v47 =	vld [tilespmem:s9+$0x5260]  }
0x14f: {  	v49 =	vld [tilespmem:s9+$0x11610]  }
0x150: {  	s28 =	simm.s32 $0x2;
	v51 =	vld [tilespmem:s9+$0x11630]  }
.LBB2_2:
0x151: {  	p0 =	sne.s32 s28, $0x3F;
	v52 =	vld [tilespmem:s9+$0x5630]  }
0x152: {  	s26 =	sadd.s32 $0x80, s26;
	v53 =	vld [tilespmem:s9+$0x5620]  }
0x153: {  	v33 =	vld [tilespmem:s26+$0xFFFFFFF0]  }
0x154: {  	v31 =	vld [tilespmem:s26+$0x0]  }
0x155: {  	v54 =	vld [tilespmem:s9+$0x11620]  }
0x156: {  	v55 =	vld [tilespmem:s9+$0x11600]  }
0x157: {  	v56 =	vld [tilespmem:s9+$0x5270]  }
0x158: {  	v57 =	vld [tilespmem:s9+$0x11270];
	v50 =	vmul.f32 v50, v33;
	v53 =	vmul.f32 v53, v33  }
0x159: {  	v52 =	vmul.f32 v52, v33;
	v58 =	vld [tilespmem:s9+$0x11260];
	v51 =	vmul.f32 v51, v31  }
0x15a: {  	v49 =	vmul.f32 v49, v31;
	v59 =	vld [tilespmem:s9+$0x11250];
	v54 =	vmul.f32 v54, v31  }
0x15b: {  	v48 =	vmul.f32 v48, v33;
	v60 =	vld [tilespmem:s9+$0x11240];
	v55 =	vmul.f32 v55, v31;
	v51 =	vadd.f32 v51, v52  }
0x15c: {  	v49 =	vadd.f32 v49, v50;
	v52 =	vld [tilespmem:s9+$0x11230];
	v56 =	vmul.f32 v56, v33;
	v50 =	vadd.f32 v54, v53  }
0x15d: {  	v47 =	vmul.f32 v47, v33;
	v53 =	vld [tilespmem:s9+$0x11220];
	v54 =	vmul.f32 v57, v31;
	v48 =	vadd.f32 v55, v48;
	[tilespmem:s9+$0x5630] =	vst v51  }
0x15e: {  	v46 =	vmul.f32 v46, v33;
	v51 =	vld [tilespmem:s9+$0x11210];
	v55 =	vmul.f32 v58, v31;
	[tilespmem:s9+$0x5620] =	vst v50  }
0x15f: {  	v45 =	vmul.f32 v45, v33;
	v50 =	vld [tilespmem:s9+$0x11200];
	v57 =	vmul.f32 v59, v31;
	v54 =	vadd.f32 v54, v56;
	[tilespmem:s9+$0x5610] =	vst v49  }
0x160: {  	v44 =	vmul.f32 v44, v33;
	v49 =	vld [tilespmem:s9+$0x10E70];
	v56 =	vmul.f32 v60, v31;
	v47 =	vadd.f32 v55, v47;
	[tilespmem:s9+$0x5600] =	vst v48  }
0x161: {  	v43 =	vmul.f32 v43, v33;
	v48 =	vld [tilespmem:s9+$0x10E60];
	v52 =	vmul.f32 v52, v31;
	v46 =	vadd.f32 v57, v46;
	[tilespmem:s9+$0x5270] =	vst v54  }
0x162: {  	v42 =	vmul.f32 v42, v33;
	v54 =	vld [tilespmem:s9+$0x10E50];
	v53 =	vmul.f32 v53, v31;
	v45 =	vadd.f32 v56, v45;
	[tilespmem:s9+$0x5260] =	vst v47  }
0x163: {  	v41 =	vmul.f32 v41, v33;
	v47 =	vld [tilespmem:s9+$0x10E40];
	v51 =	vmul.f32 v51, v31;
	v44 =	vadd.f32 v52, v44;
	[tilespmem:s9+$0x5250] =	vst v46  }
0x164: {  	v40 =	vmul.f32 v40, v33;
	v46 =	vld [tilespmem:s9+$0x10E30];
	v50 =	vmul.f32 v50, v31;
	v43 =	vadd.f32 v53, v43;
	[tilespmem:s9+$0x5240] =	vst v45  }
0x165: {  	v39 =	vmul.f32 v39, v33;
	v45 =	vld [tilespmem:s9+$0x10E20];
	v49 =	vmul.f32 v49, v31;
	v42 =	vadd.f32 v51, v42;
	[tilespmem:s9+$0x5230] =	vst v44  }
0x166: {  	v38 =	vmul.f32 v38, v33;
	v44 =	vld [tilespmem:s9+$0x10E10];
	v48 =	vmul.f32 v48, v31;
	v41 =	vadd.f32 v50, v41;
	[tilespmem:s9+$0x5220] =	vst v43  }
0x167: {  	v37 =	vmul.f32 v37, v33;
	v43 =	vld [tilespmem:s9+$0x10E00];
	v50 =	vmul.f32 v54, v31;
	v40 =	vadd.f32 v49, v40;
	[tilespmem:s9+$0x5210] =	vst v42  }
0x168: {  	v36 =	vmul.f32 v36, v33;
	v42 =	vld [tilespmem:s9+$0x10A70];
	v47 =	vmul.f32 v47, v31;
	v39 =	vadd.f32 v48, v39;
	[tilespmem:s9+$0x5200] =	vst v41  }
0x169: {  	v35 =	vmul.f32 v35, v33;
	v41 =	vld [tilespmem:s9+$0x10A60];
	v46 =	vmul.f32 v46, v31;
	v38 =	vadd.f32 v50, v38;
	[tilespmem:s9+$0x4E70] =	vst v40  }
0x16a: {  	v34 =	vmul.f32 v34, v33;
	v40 =	vld [tilespmem:s9+$0x10A50];
	v45 =	vmul.f32 v45, v31;
	v37 =	vadd.f32 v47, v37;
	[tilespmem:s9+$0x4E60] =	vst v39  }
0x16b: {  	v32 =	vmul.f32 v32, v33;
	v39 =	vld [tilespmem:s9+$0x10A40];
	v44 =	vmul.f32 v44, v31;
	v36 =	vadd.f32 v46, v36;
	[tilespmem:s9+$0x4E50] =	vst v38  }
0x16c: {  	v30 =	vmul.f32 v30, v33;
	v38 =	vld [tilespmem:s9+$0x10A30];
	v43 =	vmul.f32 v43, v31;
	v35 =	vadd.f32 v45, v35;
	[tilespmem:s9+$0x4E40] =	vst v37  }
0x16d: {  	v29 =	vmul.f32 v29, v33;
	v37 =	vld [tilespmem:s9+$0x10A20];
	v42 =	vmul.f32 v42, v31;
	v34 =	vadd.f32 v44, v34;
	[tilespmem:s9+$0x4E30] =	vst v36  }
0x16e: {  	v28 =	vmul.f32 v28, v33;
	v36 =	vld [tilespmem:s9+$0x10A10];
	v41 =	vmul.f32 v41, v31;
	v32 =	vadd.f32 v43, v32;
	[tilespmem:s9+$0x4E20] =	vst v35  }
0x16f: {  	v27 =	vmul.f32 v27, v33;
	v35 =	vld [tilespmem:s9+$0x10A00];
	v40 =	vmul.f32 v40, v31;
	v30 =	vadd.f32 v42, v30;
	[tilespmem:s9+$0x4E10] =	vst v34  }
0x170: {  	v26 =	vmul.f32 v26, v33;
	v34 =	vld [tilespmem:s9+$0x10670];
	v39 =	vmul.f32 v39, v31;
	v29 =	vadd.f32 v41, v29;
	[tilespmem:s9+$0x4E00] =	vst v32  }
0x171: {  	v25 =	vmul.f32 v25, v33;
	v32 =	vld [tilespmem:s9+$0x10660];
	v38 =	vmul.f32 v38, v31;
	v28 =	vadd.f32 v40, v28;
	[tilespmem:s9+$0x4A70] =	vst v30  }
0x172: {  	v24 =	vmul.f32 v24, v33;
	v30 =	vld [tilespmem:s9+$0x10650];
	v37 =	vmul.f32 v37, v31;
	v27 =	vadd.f32 v39, v27;
	[tilespmem:s9+$0x4A60] =	vst v29  }
0x173: {  	v23 =	vmul.f32 v23, v33;
	v29 =	vld [tilespmem:s9+$0x10640];
	v36 =	vmul.f32 v36, v31;
	v26 =	vadd.f32 v38, v26;
	[tilespmem:s9+$0x4A50] =	vst v28  }
0x174: {  	v22 =	vmul.f32 v22, v33;
	v28 =	vld [tilespmem:s9+$0x10630];
	v35 =	vmul.f32 v35, v31;
	v25 =	vadd.f32 v37, v25;
	[tilespmem:s9+$0x4A40] =	vst v27  }
0x175: {  	v21 =	vmul.f32 v21, v33;
	v27 =	vld [tilespmem:s9+$0x10620];
	v34 =	vmul.f32 v34, v31;
	v24 =	vadd.f32 v36, v24;
	[tilespmem:s9+$0x4A30] =	vst v26  }
0x176: {  	v20 =	vmul.f32 v20, v33;
	v26 =	vld [tilespmem:s9+$0x10610];
	v32 =	vmul.f32 v32, v31;
	v23 =	vadd.f32 v35, v23;
	[tilespmem:s9+$0x4A20] =	vst v25  }
0x177: {  	v19 =	vmul.f32 v19, v33;
	v25 =	vld [tilespmem:s9+$0x10600];
	v30 =	vmul.f32 v30, v31;
	v22 =	vadd.f32 v34, v22;
	[tilespmem:s9+$0x4A10] =	vst v24  }
0x178: {  	v18 =	vmul.f32 v18, v33;
	v24 =	vld [tilespmem:s9+$0x10270];
	v29 =	vmul.f32 v29, v31;
	v21 =	vadd.f32 v32, v21;
	[tilespmem:s9+$0x4A00] =	vst v23  }
0x179: {  	v17 =	vmul.f32 v17, v33;
	v23 =	vld [tilespmem:s9+$0x10260];
	v28 =	vmul.f32 v28, v31;
	v20 =	vadd.f32 v30, v20;
	[tilespmem:s9+$0x4670] =	vst v22  }
0x17a: {  	v16 =	vmul.f32 v16, v33;
	v22 =	vmul.f32 v27, v31;
	v19 =	vadd.f32 v29, v19;
	[tilespmem:s9+$0x4660] =	vst v21;
	v21 =	vld [tilespmem:s9+$0x11640]  }
0x17b: {  	v15 =	vmul.f32 v15, v33;
	v26 =	vmul.f32 v26, v31;
	v18 =	vadd.f32 v28, v18;
	[tilespmem:s9+$0x4650] =	vst v20;
	v20 =	vld [tilespmem:s9+$0x11650]  }
0x17c: {  	v14 =	vmul.f32 v14, v33;
	v25 =	vmul.f32 v25, v31;
	v17 =	vadd.f32 v22, v17;
	[tilespmem:s9+$0x4640] =	vst v19;
	v19 =	vld [tilespmem:s9+$0x11660]  }
0x17d: {  	v13 =	vmul.f32 v13, v33;
	v22 =	vmul.f32 v24, v31;
	v16 =	vadd.f32 v26, v16;
	[tilespmem:s9+$0x4630] =	vst v18;
	v18 =	vld [tilespmem:s9+$0x11670]  }
0x17e: {  	v12 =	vmul.f32 v12, v33;
	v23 =	vmul.f32 v23, v31;
	v15 =	vadd.f32 v25, v15;
	[tilespmem:s9+$0x4620] =	vst v17;
	v17 =	vld [tilespmem:s9+$0x5640]  }
0x17f: {  	v10 =	vmul.f32 v10, v33;
	v11 =	vmul.f32 v11, v31;
	v14 =	vadd.f32 v22, v14;
	[tilespmem:s9+$0x4610] =	vst v16;
	v16 =	vld [tilespmem:s9+$0x5650]  }
0x180: {  	v8 =	vmul.f32 v8, v33;
	v9 =	vmul.f32 v9, v31;
	v13 =	vadd.f32 v23, v13;
	[tilespmem:s9+$0x4600] =	vst v15;
	v15 =	vld [tilespmem:s9+$0x5660]  }
0x181: {  	v6 =	vmul.f32 v6, v33;
	v7 =	vmul.f32 v7, v31;
	v11 =	vadd.f32 v11, v12;
	[tilespmem:s9+$0x4270] =	vst v14;
	v12 =	vld [tilespmem:s9+$0x5670]  }
0x182: {  	v3 =	vmul.f32 v3, v33;
	v5 =	vmul.f32 v5, v31;
	v9 =	vadd.f32 v9, v10;
	v14 =	vld [tilespmem:s9+$0x4200];
	[tilespmem:s9+$0x4260] =	vst v13  }
0x183: {  	v4 =	vmul.f32 v4, v31;
	v7 =	vadd.f32 v7, v8;
	v10 =	vld [tilespmem:s9+$0x10200];
	[tilespmem:s9+$0x4250] =	vst v11;
	v8 =	vmul.f32 v17, v33  }
0x184: {  	s11 =	sshrl.u32 s28, $0x3;
	v5 =	vadd.f32 v5, v6;
	v6 =	vmul.f32 v21, v31;
	[tilespmem:s9+$0x4240] =	vst v9;
	v9 =	vmul.f32 v16, v33  }
0x185: {  	s10 =	sadd.s32 $0x80, s10;
	s11 =	smul.u32 $0x1800, s11;
	v3 =	vadd.f32 v4, v3;
	v4 =	vmul.f32 v20, v31;
	[tilespmem:s9+$0x4230] =	vst v7;
	v7 =	vmul.f32 v15, v33  }
0x186: {  	s29 =	sand.u32 $0x380, s10;
	[tilespmem:s9+$0x4220] =	vst v5;
	v5 =	vadd.f32 v6, v8;
	v6 =	vmul.f32 v19, v31;
	v8 =	vmul.f32 v12, v33  }
0x187: {  	s11 =	sor.u32 s29, s11;
	v9 =	vadd.f32 v4, v9;
	v12 =	vmul.f32 v18, v31;
	v11 =	vmul.f32 v14, v33;
	[tilespmem:s9+$0x4210] =	vst v3  }
0x188: {  	v3 =	vld [tilespmem:s11+$0x4210];
	v10 =	vmul.f32 v10, v31;
	[tilespmem:s9+$0x5640] =	vst v5;
	v5 =	vadd.f32 v6, v7  }
0x189: {  	v7 =	vadd.f32 v12, v8;
	v4 =	vld [tilespmem:s11+$0x10210];
	[tilespmem:s9+$0x5650] =	vst v9  }
0x18a: {  	v6 =	vld [tilespmem:s11+$0x4220];
	v9 =	vadd.f32 v10, v11;
	[tilespmem:s9+$0x5660] =	vst v5  }
0x18b: {  	v5 =	vld [tilespmem:s11+$0x10220];
	[tilespmem:s9+$0x5670] =	vst v7  }
0x18c: {  	v8 =	vld [tilespmem:s11+$0x4230];
	[tilespmem:s9+$0x4200] =	vst v9;
	s9 =	smov.u32 s11  }
0x18d: {  	v7 =	vld [tilespmem:s9+$0x10230]  }
0x18e: {  	v10 =	vld [tilespmem:s9+$0x4240]  }
0x18f: {  	v9 =	vld [tilespmem:s9+$0x10240]  }
0x190: {  	v12 =	vld [tilespmem:s9+$0x4250]  }
0x191: {  	v11 =	vld [tilespmem:s9+$0x10250]  }
0x192: {  	v13 =	vld [tilespmem:s9+$0x4260]  }
0x193: {  	v14 =	vld [tilespmem:s9+$0x4270]  }
0x194: {  	v15 =	vld [tilespmem:s9+$0x4600]  }
0x195: {  	v16 =	vld [tilespmem:s9+$0x4610]  }
0x196: {  	v17 =	vld [tilespmem:s9+$0x4620]  }
0x197: {  	v18 =	vld [tilespmem:s9+$0x4630]  }
0x198: {  	v19 =	vld [tilespmem:s9+$0x4640]  }
0x199: {  	v20 =	vld [tilespmem:s9+$0x4650]  }
0x19a: {  	v21 =	vld [tilespmem:s9+$0x4660]  }
0x19b: {  	v22 =	vld [tilespmem:s9+$0x4670]  }
0x19c: {  	v23 =	vld [tilespmem:s9+$0x4A00]  }
0x19d: {  	v24 =	vld [tilespmem:s9+$0x4A10]  }
0x19e: {  	v25 =	vld [tilespmem:s9+$0x4A20]  }
0x19f: {  	v26 =	vld [tilespmem:s9+$0x4A30]  }
0x1a0: {  	v27 =	vld [tilespmem:s9+$0x4A40]  }
0x1a1: {  	v28 =	vld [tilespmem:s9+$0x4A50]  }
0x1a2: {  	v29 =	vld [tilespmem:s9+$0x4A60]  }
0x1a3: {  	v30 =	vld [tilespmem:s9+$0x4A70]  }
0x1a4: {  	v32 =	vld [tilespmem:s9+$0x4E00]  }
0x1a5: {  	v34 =	vld [tilespmem:s9+$0x4E10]  }
0x1a6: {  	v35 =	vld [tilespmem:s9+$0x4E20]  }
0x1a7: {  	v36 =	vld [tilespmem:s9+$0x4E30]  }
0x1a8: {  	v37 =	vld [tilespmem:s9+$0x4E40]  }
0x1a9: {  	v38 =	vld [tilespmem:s9+$0x4E50]  }
0x1aa: {  	v39 =	vld [tilespmem:s9+$0x4E60]  }
0x1ab: {  	v40 =	vld [tilespmem:s9+$0x4E70]  }
0x1ac: {  	v41 =	vld [tilespmem:s9+$0x5200]  }
0x1ad: {  	v42 =	vld [tilespmem:s9+$0x5210]  }
0x1ae: {  	v43 =	vld [tilespmem:s9+$0x5220]  }
0x1af: {  	v44 =	vld [tilespmem:s9+$0x5230]  }
0x1b0: {  	v45 =	vld [tilespmem:s9+$0x5240]  }
0x1b1: {  	v46 =	vld [tilespmem:s9+$0x5250]  }
.Ltmp0:
0x1b2: {  	v47 =	vld [tilespmem:s9+$0x5260];
	(pc) =	sbr.rel @p0 .LBB2_2-.Ltmp0, $4  }
0x1b3: {  	v48 =	vld [tilespmem:s9+$0x5600]  }
0x1b4: {  	v50 =	vld [tilespmem:s9+$0x5610]  }
0x1b5: {  	v49 =	vld [tilespmem:s9+$0x11610]  }
0x1b6: {  	s28 =	sadd.s32 $0x1, s28;
	v51 =	vld [tilespmem:s9+$0x11630]  }
0x1b7: {  	v52 =	vld [tilespmem:s9+$0x5630]  }
0x1b8: {  	v53 =	vld [tilespmem:s9+$0x5620];
	s10 =	sadd.s32 $0x80, s26  }
0x1b9: {  	v31 =	vld [tilespmem:s10+$0xFFFFFFF0]  }
0x1ba: {  	v33 =	vld [tilespmem:s10+$0x0]  }
0x1bb: {  	v54 =	vld [tilespmem:s9+$0x11620]  }
0x1bc: {  	v55 =	vld [tilespmem:s9+$0x11600]  }
0x1bd: {  	v56 =	vld [tilespmem:s9+$0x5270]  }
0x1be: {  	v57 =	vld [tilespmem:s9+$0x11270];
	v52 =	vmul.f32 v52, v31  }
0x1bf: {  	v58 =	vld [tilespmem:s9+$0x11260];
	v51 =	vmul.f32 v51, v33;
	v53 =	vmul.f32 v53, v31  }
0x1c0: {  	v54 =	vmul.f32 v54, v33;
	v50 =	vmul.f32 v50, v31  }
0x1c1: {  	v49 =	vmul.f32 v49, v33;
	v48 =	vmul.f32 v48, v31  }
0x1c2: {  	v59 =	vld [tilespmem:s9+$0x11250];
	v62 =	vmul.f32 v55, v33;
	v63 =	vmul.f32 v56, v31  }
0x1c3: {  	v60 =	vld [tilespmem:s9+$0x11240];
	v57 =	vmul.f32 v57, v33;
	v47 =	vmul.f32 v47, v31;
	v51 =	vadd.f32 v51, v52  }
0x1c4: {  	v61 =	vld [tilespmem:s9+$0x11220];
	v58 =	vmul.f32 v58, v33;
	v46 =	vmul.f32 v46, v31;
	v53 =	vadd.f32 v54, v53  }
0x1c5: {  	v45 =	vmul.f32 v45, v31;
	v44 =	vmul.f32 v44, v31;
	v52 =	vld [tilespmem:s9+$0x11230];
	v49 =	vadd.f32 v49, v50;
	[tilespmem:s9+$0x5630] =	vst v51  }
0x1c6: {  	v43 =	vmul.f32 v43, v31;
	v42 =	vmul.f32 v42, v31;
	v50 =	vld [tilespmem:s9+$0x11200];
	v48 =	vadd.f32 v62, v48;
	[tilespmem:s9+$0x5620] =	vst v53  }
0x1c7: {  	v41 =	vmul.f32 v41, v31;
	v62 =	vmul.f32 v59, v33;
	v47 =	vadd.f32 v58, v47;
	v59 =	vld [tilespmem:s9+$0x10E20];
	[tilespmem:s9+$0x5610] =	vst v49  }
0x1c8: {  	v40 =	vmul.f32 v40, v31;
	v51 =	vld [tilespmem:s9+$0x11210];
	v53 =	vadd.f32 v57, v63;
	[tilespmem:s9+$0x5600] =	vst v48;
	v63 =	vmul.f32 v60, v33  }
0x1c9: {  	v39 =	vmul.f32 v39, v31;
	v58 =	vmul.f32 v61, v33;
	v49 =	vld [tilespmem:s9+$0x10E70];
	v46 =	vadd.f32 v62, v46;
	[tilespmem:s9+$0x5260] =	vst v47  }
0x1ca: {  	v38 =	vmul.f32 v38, v31;
	v48 =	vld [tilespmem:s9+$0x10E60];
	[tilespmem:s9+$0x5270] =	vst v53;
	v45 =	vadd.f32 v63, v45;
	v52 =	vmul.f32 v52, v33  }
0x1cb: {  	v37 =	vmul.f32 v37, v31;
	v47 =	vld [tilespmem:s9+$0x10E40];
	v43 =	vadd.f32 v58, v43;
	[tilespmem:s9+$0x5250] =	vst v46;
	v50 =	vmul.f32 v50, v33  }
0x1cc: {  	v35 =	vmul.f32 v35, v31;
	v57 =	vld [tilespmem:s9+$0x10E30];
	[tilespmem:s9+$0x5240] =	vst v45;
	v45 =	vmul.f32 v59, v33;
	v44 =	vadd.f32 v52, v44  }
0x1cd: {  	v36 =	vmul.f32 v36, v31;
	v53 =	vld [tilespmem:s9+$0x10E50];
	[tilespmem:s9+$0x5220] =	vst v43;
	v51 =	vmul.f32 v51, v33;
	v41 =	vadd.f32 v50, v41  }
0x1ce: {  	v34 =	vmul.f32 v34, v31;
	v60 =	vld [tilespmem:s9+$0x10E10];
	v49 =	vmul.f32 v49, v33;
	v35 =	vadd.f32 v45, v35;
	[tilespmem:s9+$0x5230] =	vst v44  }
0x1cf: {  	v30 =	vmul.f32 v30, v31;
	v63 =	vld [tilespmem:s9+$0x10A60];
	v48 =	vmul.f32 v48, v33;
	v42 =	vadd.f32 v51, v42;
	[tilespmem:s9+$0x5200] =	vst v41  }
0x1d0: {  	v29 =	vmul.f32 v29, v31;
	v58 =	vld [tilespmem:s9+$0x10A00];
	v47 =	vmul.f32 v47, v33;
	v40 =	vadd.f32 v49, v40;
	[tilespmem:s9+$0x4E20] =	vst v35  }
0x1d1: {  	v28 =	vmul.f32 v28, v31;
	v62 =	vld [tilespmem:s9+$0x10A70];
	v46 =	vmul.f32 v57, v33;
	v39 =	vadd.f32 v48, v39;
	[tilespmem:s9+$0x5210] =	vst v42  }
0x1d2: {  	v27 =	vmul.f32 v27, v31;
	v54 =	vld [tilespmem:s9+$0x10A40];
	v52 =	vmul.f32 v53, v33;
	v37 =	vadd.f32 v47, v37;
	[tilespmem:s9+$0x4E70] =	vst v40  }
0x1d3: {  	v26 =	vmul.f32 v26, v31;
	v53 =	vld [tilespmem:s9+$0x10A50];
	v36 =	vadd.f32 v46, v36;
	v44 =	vmul.f32 v60, v33;
	[tilespmem:s9+$0x4E60] =	vst v39  }
0x1d4: {  	v25 =	vmul.f32 v25, v31;
	v57 =	vld [tilespmem:s9+$0x10A10];
	v41 =	vmul.f32 v63, v33;
	v38 =	vadd.f32 v52, v38;
	[tilespmem:s9+$0x4E40] =	vst v37  }
0x1d5: {  	v55 =	vld [tilespmem:s9+$0x10A30];
	v23 =	vmul.f32 v23, v31;
	v35 =	vmul.f32 v58, v33;
	[tilespmem:s9+$0x4E30] =	vst v36;
	v34 =	vadd.f32 v44, v34  }
0x1d6: {  	v24 =	vmul.f32 v24, v31;
	v59 =	vld [tilespmem:s9+$0x10670];
	v42 =	vmul.f32 v62, v33;
	v29 =	vadd.f32 v41, v29;
	[tilespmem:s9+$0x4E50] =	vst v38  }
0x1d7: {  	v56 =	vld [tilespmem:s9+$0x10A20];
	v22 =	vmul.f32 v22, v31;
	v39 =	vmul.f32 v54, v33;
	v23 =	vadd.f32 v35, v23;
	[tilespmem:s9+$0x4E10] =	vst v34  }
0x1d8: {  	v21 =	vmul.f32 v21, v31;
	v60 =	vld [tilespmem:s9+$0x10660];
	v30 =	vadd.f32 v42, v30;
	[tilespmem:s9+$0x4A60] =	vst v29;
	v40 =	vmul.f32 v53, v33  }
0x1d9: {  	v20 =	vmul.f32 v20, v31;
	v36 =	vmul.f32 v57, v33;
	v29 =	vld [tilespmem:s9+$0x10640];
	v27 =	vadd.f32 v39, v27;
	[tilespmem:s9+$0x4A00] =	vst v23  }
0x1da: {  	v19 =	vmul.f32 v19, v31;
	v38 =	vmul.f32 v55, v33;
	[tilespmem:s9+$0x4A70] =	vst v30;
	v30 =	vld [tilespmem:s9+$0x10650];
	v28 =	vadd.f32 v40, v28  }
0x1db: {  	v10 =	vmul.f32 v10, v31;
	v61 =	vld [tilespmem:s9+$0x10E00];
	v34 =	vmul.f32 v59, v33;
	v24 =	vadd.f32 v36, v24;
	[tilespmem:s9+$0x4A40] =	vst v27  }
0x1dc: {  	v9 =	vmul.f32 v9, v33;
	v37 =	vmul.f32 v56, v33;
	v26 =	vadd.f32 v38, v26;
	[tilespmem:s9+$0x4A50] =	vst v28;
	v28 =	vld [tilespmem:s9+$0x10630]  }
0x1dd: {  	v12 =	vmul.f32 v12, v31;
	v11 =	vmul.f32 v11, v33;
	v27 =	vld [tilespmem:s9+$0x10620];
	v22 =	vadd.f32 v34, v22;
	[tilespmem:s9+$0x4A10] =	vst v24  }
0x1de: {  	v9 =	vadd.f32 v9, v10;
	v10 =	vld [tilespmem:s9+$0x10200];
	v25 =	vadd.f32 v37, v25;
	v24 =	vmul.f32 v60, v33;
	[tilespmem:s9+$0x4A30] =	vst v26  }
0x1df: {  	v11 =	vadd.f32 v11, v12;
	v26 =	vld [tilespmem:s9+$0x10610];
	[tilespmem:s9+$0x4670] =	vst v22;
	v22 =	vmul.f32 v29, v33;
	v23 =	vmul.f32 v30, v33  }
0x1e0: {  	v18 =	vmul.f32 v18, v31;
	v43 =	vmul.f32 v61, v33;
	[tilespmem:s9+$0x4A20] =	vst v25;
	v25 =	vld [tilespmem:s9+$0x10600];
	v21 =	vadd.f32 v24, v21  }
0x1e1: {  	[tilespmem:s9+$0x4250] =	vst v11;
	v61 =	vld [tilespmem:s9+$0x10270];
	v19 =	vadd.f32 v22, v19;
	v20 =	vadd.f32 v23, v20;
	v23 =	vmul.f32 v28, v33  }
0x1e2: {  	v17 =	vmul.f32 v17, v31;
	v24 =	vld [tilespmem:s9+$0x10260];
	[tilespmem:s9+$0x4660] =	vst v21;
	v22 =	vmul.f32 v27, v33  }
0x1e3: {  	v21 =	vld [tilespmem:s9+$0x11640];
	[tilespmem:s9+$0x4640] =	vst v19;
	v18 =	vadd.f32 v23, v18  }
0x1e4: {  	v16 =	vmul.f32 v16, v31;
	v19 =	vld [tilespmem:s9+$0x11660];
	v17 =	vadd.f32 v22, v17;
	[tilespmem:s9+$0x4650] =	vst v20;
	v23 =	vmul.f32 v26, v33  }
0x1e5: {  	v15 =	vmul.f32 v15, v31;
	v22 =	vld [tilespmem:s9+$0x11670];
	[tilespmem:s9+$0x4630] =	vst v18;
	v18 =	vmul.f32 v25, v33  }
0x1e6: {  	v14 =	vmul.f32 v14, v31;
	v20 =	vld [tilespmem:s9+$0x11650];
	[tilespmem:s9+$0x4620] =	vst v17;
	v17 =	vmul.f32 v61, v33;
	v16 =	vadd.f32 v23, v16  }
0x1e7: {  	v8 =	vmul.f32 v8, v31;
	v7 =	vmul.f32 v7, v33;
	[tilespmem:s9+$0x4240] =	vst v9;
	v15 =	vadd.f32 v18, v15;
	v18 =	vld [tilespmem:s9+$0x5640]  }
0x1e8: {  	v6 =	vmul.f32 v6, v31;
	v5 =	vmul.f32 v5, v33;
	v14 =	vadd.f32 v17, v14;
	[tilespmem:s9+$0x4610] =	vst v16;
	v16 =	vld [tilespmem:s9+$0x5650]  }
0x1e9: {  	v3 =	vmul.f32 v3, v31;
	v4 =	vmul.f32 v4, v33;
	v7 =	vadd.f32 v7, v8;
	[tilespmem:s9+$0x4600] =	vst v15;
	v15 =	vld [tilespmem:s9+$0x5660]  }
0x1ea: {  	v32 =	vmul.f32 v32, v31;
	v5 =	vadd.f32 v5, v6;
	[tilespmem:s9+$0x4270] =	vst v14;
	v14 =	vld [tilespmem:s9+$0x5670]  }
0x1eb: {  	v13 =	vmul.f32 v13, v31;
	v12 =	vld [tilespmem:s9+$0x4200];
	v3 =	vadd.f32 v4, v3;
	[tilespmem:s9+$0x4230] =	vst v7;
	v23 =	vmul.f32 v24, v33  }
0x1ec: {  	[tilespmem:s9+$0x4220] =	vst v5;
	v32 =	vadd.f32 v43, v32;
	v6 =	vmul.f32 v21, v33;
	v8 =	vmul.f32 v18, v31  }
0x1ed: {  	[tilespmem:s9+$0x4210] =	vst v3;
	v13 =	vadd.f32 v23, v13;
	v4 =	vmul.f32 v20, v33;
	v9 =	vmul.f32 v16, v31  }
0x1ee: {  	[tilespmem:s9+$0x4E00] =	vst v32;
	v7 =	vmul.f32 v15, v31;
	v5 =	vadd.f32 v6, v8;
	v6 =	vmul.f32 v19, v33  }
0x1ef: {  	[tilespmem:s9+$0x4260] =	vst v13;
	v8 =	vmul.f32 v14, v31;
	v3 =	vadd.f32 v4, v9;
	v4 =	vmul.f32 v22, v33  }
0x1f0: {  	v10 =	vmul.f32 v10, v33;
	v9 =	vmul.f32 v12, v31;
	[tilespmem:s9+$0x5640] =	vst v5;
	v5 =	vadd.f32 v6, v7  }
0x1f1: {  	[tilespmem:s9+$0x5650] =	vst v3;
	v3 =	vadd.f32 v4, v8  }
0x1f2: {  	v4 =	vadd.f32 v10, v9;
	[tilespmem:s9+$0x5660] =	vst v5  }
0x1f3: {  	[tilespmem:s9+$0x5670] =	vst v3  }
0x1f4: {  	s26 =	rddreg [dreg:$0x5];
	[tilespmem:s9+$0x4200] =	vst v4;
	s9 =	simm.s32 $0x0  }
0x1f5: {  	[hbm4b:s26+s9] =	stream.linear.scatter [tilespmem:s15], [sflag:$0x3], $0xC000, $0x38;
	[tilespmem:$0x1C200] =	vst v63  }
0x1f6: {  	_ =	swait.ge [sflag:s12], $0xC000  }
0x1f7: {  	[sflag:s12] =	ssyncset.done $0x0  }
0x1f8: {  	[sflag:s12] =	ssyncadd.s32 $0xFFFF4000  }
0x1f9: {  	v3 =	vld [tilespmem:$0x80];
	_ =	sdelay $0x4  }
0x1fa: {  	v4 =	vshrl.u32 v3, $0x3  }
0x1fb: {  	v4 =	vmul.u32 $0x30, v4  }
0x1fc: {  	v3 =	vand.u32 $0x7, v3  }
0x1fd: {  	v3 =	vor.u32 v3, v4  }
0x1fe: {  	v4 =	vperm.xlane v3, v0;
	_ =	sdelay $0x1  }
0x1ff: {  	v4 =	vadd.s32 v1, v4;
	_ =	sdelay $0x3  }
0x200: {  	v3 =	vperm.xlane v3, v2  }
0x201: {  	[tilespmem:s15], [sflag:$0x1] =	stream.indirect_vreg.gather [hbm4b:s3+s9], $0x80, v4, vm0, $0xb8;
	[tilespmem:$0x1C200] =	vst v63  }
0x202: {  	s29 =	simm.s32 $0x4A00;
	v3 =	vadd.s32 v1, v3  }
0x203: {  	[tilespmem:s29], [sflag:$0x1] =	stream.indirect_vreg.gather [hbm4b:s7+s9], $0x80, v4, vm0, $0xb8;
	[tilespmem:$0x1C200] =	vst v63  }
0x204: {  	s11 =	simm.s32 $0x5200  }
0x205: {  	[tilespmem:s11], [sflag:$0x1] =	stream.indirect_vreg.gather [hbm4b:s8+s9], $0x80, v4, vm0, $0xb8;
	[tilespmem:$0x1C200] =	vst v63  }
0x206: {  	s26 =	simm.s32 $0x5A00  }
0x207: {  	[tilespmem:s26], [sflag:$0x1] =	stream.indirect_vreg.gather [hbm4b:s3+s9], $0x80, v3, vm0, $0xb8;
	[tilespmem:$0x1C200] =	vst v63  }
0x208: {  	s29 =	simm.s32 $0x6200  }
0x209: {  	[tilespmem:s29], [sflag:$0x1] =	stream.indirect_vreg.gather [hbm4b:s7+s9], $0x80, v3, vm0, $0xb8;
	[tilespmem:$0x1C200] =	vst v63  }
0x20a: {  	s11 =	simm.s32 $0x6A00  }
0x20b: {  	[tilespmem:s11], [sflag:$0x1] =	stream.indirect_vreg.gather [hbm4b:s8+s9], $0x80, v3, vm0, $0xb8;
	[tilespmem:$0x1C200] =	vst v63  }
0x20c: {  	v3 =	vld [tilespmem:$0x90];
	_ =	sdelay $0x4  }
0x20d: {  	v4 =	vshrl.u32 v3, $0x3  }
0x20e: {  	v4 =	vmul.u32 $0x30, v4  }
0x20f: {  	v3 =	vand.u32 $0x7, v3  }
0x210: {  	v3 =	vor.u32 v3, v4  }
0x211: {  	v4 =	vperm.xlane v3, v0;
	_ =	sdelay $0x1  }
0x212: {  	v4 =	vadd.s32 v1, v4;
	_ =	sdelay $0x3  }
0x213: {  	s26 =	simm.s32 $0x7200;
	v3 =	vperm.xlane v3, v2  }
0x214: {  	[tilespmem:s26], [sflag:$0x1] =	stream.indirect_vreg.gather [hbm4b:s3+s9], $0x80, v4, vm0, $0xb8;
	[tilespmem:$0x1C200] =	vst v63  }
0x215: {  	s29 =	simm.s32 $0x7A00;
	v3 =	vadd.s32 v1, v3  }
0x216: {  	[tilespmem:s29], [sflag:$0x1] =	stream.indirect_vreg.gather [hbm4b:s7+s9], $0x80, v4, vm0, $0xb8;
	[tilespmem:$0x1C200] =	vst v63  }
0x217: {  	s11 =	simm.s32 $0x8200  }
0x218: {  	[tilespmem:s11], [sflag:$0x1] =	stream.indirect_vreg.gather [hbm4b:s8+s9], $0x80, v4, vm0, $0xb8;
	[tilespmem:$0x1C200] =	vst v63  }
0x219: {  	s26 =	simm.s32 $0x8A00  }
0x21a: {  	[tilespmem:s26], [sflag:$0x1] =	stream.indirect_vreg.gather [hbm4b:s3+s9], $0x80, v3, vm0, $0xb8;
	[tilespmem:$0x1C200] =	vst v63  }
0x21b: {  	s29 =	simm.s32 $0x9200  }
0x21c: {  	[tilespmem:s29], [sflag:$0x1] =	stream.indirect_vreg.gather [hbm4b:s7+s9], $0x80, v3, vm0, $0xb8;
	[tilespmem:$0x1C200] =	vst v63  }
0x21d: {  	s11 =	simm.s32 $0x9A00  }
0x21e: {  	[tilespmem:s11], [sflag:$0x1] =	stream.indirect_vreg.gather [hbm4b:s8+s9], $0x80, v3, vm0, $0xb8;
	[tilespmem:$0x1C200] =	vst v63  }
0x21f: {  	v3 =	vld [tilespmem:$0xA0];
	_ =	sdelay $0x4  }
0x220: {  	v4 =	vshrl.u32 v3, $0x3  }
0x221: {  	v4 =	vmul.u32 $0x30, v4  }
0x222: {  	v3 =	vand.u32 $0x7, v3  }
0x223: {  	v3 =	vor.u32 v3, v4  }
0x224: {  	v4 =	vperm.xlane v3, v0;
	_ =	sdelay $0x1  }
0x225: {  	v4 =	vadd.s32 v1, v4;
	_ =	sdelay $0x3  }
0x226: {  	s26 =	simm.s32 $0xA200;
	v3 =	vperm.xlane v3, v2  }
0x227: {  	[tilespmem:s26], [sflag:$0x1] =	stream.indirect_vreg.gather [hbm4b:s3+s9], $0x80, v4, vm0, $0xb8;
	[tilespmem:$0x1C200] =	vst v63  }
0x228: {  	s29 =	simm.s32 $0xAA00;
	v3 =	vadd.s32 v1, v3  }
0x229: {  	[tilespmem:s29], [sflag:$0x1] =	stream.indirect_vreg.gather [hbm4b:s7+s9], $0x80, v4, vm0, $0xb8;
	[tilespmem:$0x1C200] =	vst v63  }
0x22a: {  	s11 =	simm.s32 $0xB200  }
0x22b: {  	[tilespmem:s11], [sflag:$0x1] =	stream.indirect_vreg.gather [hbm4b:s8+s9], $0x80, v4, vm0, $0xb8;
	[tilespmem:$0x1C200] =	vst v63  }
0x22c: {  	s26 =	simm.s32 $0xBA00  }
0x22d: {  	[tilespmem:s26], [sflag:$0x1] =	stream.indirect_vreg.gather [hbm4b:s3+s9], $0x80, v3, vm0, $0xb8;
	[tilespmem:$0x1C200] =	vst v63  }
0x22e: {  	s29 =	simm.s32 $0xC200  }
0x22f: {  	[tilespmem:s29], [sflag:$0x1] =	stream.indirect_vreg.gather [hbm4b:s7+s9], $0x80, v3, vm0, $0xb8;
	[tilespmem:$0x1C200] =	vst v63  }
0x230: {  	s11 =	simm.s32 $0xCA00  }
0x231: {  	[tilespmem:s11], [sflag:$0x1] =	stream.indirect_vreg.gather [hbm4b:s8+s9], $0x80, v3, vm0, $0xb8;
	[tilespmem:$0x1C200] =	vst v63  }
0x232: {  	v3 =	vld [tilespmem:$0xB0];
	_ =	sdelay $0x4  }
0x233: {  	v4 =	vshrl.u32 v3, $0x3  }
0x234: {  	v4 =	vmul.u32 $0x30, v4  }
0x235: {  	v3 =	vand.u32 $0x7, v3  }
0x236: {  	v3 =	vor.u32 v3, v4  }
0x237: {  	v4 =	vperm.xlane v3, v0;
	_ =	sdelay $0x1  }
0x238: {  	v4 =	vadd.s32 v1, v4;
	_ =	sdelay $0x3  }
0x239: {  	s26 =	simm.s32 $0xD200;
	v3 =	vperm.xlane v3, v2  }
0x23a: {  	[tilespmem:s26], [sflag:$0x1] =	stream.indirect_vreg.gather [hbm4b:s3+s9], $0x80, v4, vm0, $0xb8;
	[tilespmem:$0x1C200] =	vst v63  }
0x23b: {  	s29 =	simm.s32 $0xDA00;
	v3 =	vadd.s32 v1, v3  }
0x23c: {  	[tilespmem:s29], [sflag:$0x1] =	stream.indirect_vreg.gather [hbm4b:s7+s9], $0x80, v4, vm0, $0xb8;
	[tilespmem:$0x1C200] =	vst v63  }
0x23d: {  	s11 =	simm.s32 $0xE200  }
0x23e: {  	[tilespmem:s11], [sflag:$0x1] =	stream.indirect_vreg.gather [hbm4b:s8+s9], $0x80, v4, vm0, $0xb8;
	[tilespmem:$0x1C200] =	vst v63  }
0x23f: {  	s26 =	simm.s32 $0xEA00  }
0x240: {  	[tilespmem:s26], [sflag:$0x1] =	stream.indirect_vreg.gather [hbm4b:s3+s9], $0x80, v3, vm0, $0xb8;
	[tilespmem:$0x1C200] =	vst v63  }
0x241: {  	s29 =	simm.s32 $0xF200  }
0x242: {  	[tilespmem:s29], [sflag:$0x1] =	stream.indirect_vreg.gather [hbm4b:s7+s9], $0x80, v3, vm0, $0xb8;
	[tilespmem:$0x1C200] =	vst v63  }
0x243: {  	s11 =	simm.s32 $0xFA00  }
0x244: {  	[tilespmem:s11], [sflag:$0x1] =	stream.indirect_vreg.gather [hbm4b:s8+s9], $0x80, v3, vm0, $0xb8;
	[tilespmem:$0x1C200] =	vst v63  }
0x245: {  	v3 =	vld [tilespmem:$0x180];
	_ =	sdelay $0x4  }
0x246: {  	v4 =	vshrl.u32 v3, $0x3  }
0x247: {  	v4 =	vmul.u32 $0x30, v4  }
0x248: {  	v3 =	vand.u32 $0x7, v3  }
0x249: {  	v3 =	vor.u32 v3, v4  }
0x24a: {  	v4 =	vperm.xlane v3, v0;
	_ =	sdelay $0x1  }
0x24b: {  	v4 =	vadd.s32 v1, v4;
	_ =	sdelay $0x3  }
0x24c: {  	s26 =	simm.s32 $0x10200;
	v3 =	vperm.xlane v3, v2  }
0x24d: {  	[tilespmem:s26], [sflag:$0x2] =	stream.indirect_vreg.gather [hbm4b:s3+s9], $0x80, v4, vm0, $0xb8;
	[tilespmem:$0x1C200] =	vst v63  }
0x24e: {  	s29 =	simm.s32 $0x10A00;
	v3 =	vadd.s32 v1, v3  }
0x24f: {  	[tilespmem:s29], [sflag:$0x2] =	stream.indirect_vreg.gather [hbm4b:s7+s9], $0x80, v4, vm0, $0xb8;
	[tilespmem:$0x1C200] =	vst v63  }
0x250: {  	s11 =	simm.s32 $0x11200  }
0x251: {  	[tilespmem:s11], [sflag:$0x2] =	stream.indirect_vreg.gather [hbm4b:s8+s9], $0x80, v4, vm0, $0xb8;
	[tilespmem:$0x1C200] =	vst v63  }
0x252: {  	s26 =	simm.s32 $0x11A00  }
0x253: {  	[tilespmem:s26], [sflag:$0x2] =	stream.indirect_vreg.gather [hbm4b:s3+s9], $0x80, v3, vm0, $0xb8;
	[tilespmem:$0x1C200] =	vst v63  }
0x254: {  	s29 =	simm.s32 $0x12200  }
0x255: {  	[tilespmem:s29], [sflag:$0x2] =	stream.indirect_vreg.gather [hbm4b:s7+s9], $0x80, v3, vm0, $0xb8;
	[tilespmem:$0x1C200] =	vst v63  }
0x256: {  	s11 =	simm.s32 $0x12A00  }
0x257: {  	[tilespmem:s11], [sflag:$0x2] =	stream.indirect_vreg.gather [hbm4b:s8+s9], $0x80, v3, vm0, $0xb8;
	[tilespmem:$0x1C200] =	vst v63  }
0x258: {  	v3 =	vld [tilespmem:$0x190];
	_ =	sdelay $0x4  }
0x259: {  	v4 =	vshrl.u32 v3, $0x3  }
0x25a: {  	v4 =	vmul.u32 $0x30, v4  }
0x25b: {  	v3 =	vand.u32 $0x7, v3  }
0x25c: {  	v3 =	vor.u32 v3, v4  }
0x25d: {  	v4 =	vperm.xlane v3, v0;
	_ =	sdelay $0x1  }
0x25e: {  	v4 =	vadd.s32 v1, v4;
	_ =	sdelay $0x3  }
0x25f: {  	s26 =	simm.s32 $0x13200;
	v3 =	vperm.xlane v3, v2  }
0x260: {  	[tilespmem:s26], [sflag:$0x2] =	stream.indirect_vreg.gather [hbm4b:s3+s9], $0x80, v4, vm0, $0xb8;
	[tilespmem:$0x1C200] =	vst v63  }
0x261: {  	s29 =	simm.s32 $0x13A00;
	v3 =	vadd.s32 v1, v3  }
0x262: {  	[tilespmem:s29], [sflag:$0x2] =	stream.indirect_vreg.gather [hbm4b:s7+s9], $0x80, v4, vm0, $0xb8;
	[tilespmem:$0x1C200] =	vst v63  }
0x263: {  	s11 =	simm.s32 $0x14200  }
0x264: {  	[tilespmem:s11], [sflag:$0x2] =	stream.indirect_vreg.gather [hbm4b:s8+s9], $0x80, v4, vm0, $0xb8;
	[tilespmem:$0x1C200] =	vst v63  }
0x265: {  	_ = 	snop  }
0x266: {  	[tilespmem:s30], [sflag:$0x2] =	stream.indirect_vreg.gather [hbm4b:s3+s9], $0x80, v3, vm0, $0xb8;
	[tilespmem:$0x1C200] =	vst v63  }
0x267: {  	_ = 	snop  }
0x268: {  	[tilespmem:s31], [sflag:$0x2] =	stream.indirect_vreg.gather [hbm4b:s7+s9], $0x80, v3, vm0, $0xb8;
	[tilespmem:$0x1C200] =	vst v63  }
0x269: {  	_ = 	snop  }
0x26a: {  	[tilespmem:s0], [sflag:$0x2] =	stream.indirect_vreg.gather [hbm4b:s8+s9], $0x80, v3, vm0, $0xb8;
	[tilespmem:$0x1C200] =	vst v63  }
0x26b: {  	v3 =	vld [tilespmem:$0x1A0];
	_ =	sdelay $0x4  }
0x26c: {  	v4 =	vshrl.u32 v3, $0x3  }
0x26d: {  	v4 =	vmul.u32 $0x30, v4  }
0x26e: {  	v3 =	vand.u32 $0x7, v3  }
0x26f: {  	v3 =	vor.u32 v3, v4  }
0x270: {  	v4 =	vperm.xlane v3, v0;
	_ =	sdelay $0x1  }
0x271: {  	v4 =	vadd.s32 v1, v4;
	_ =	sdelay $0x3  }
0x272: {  	v3 =	vperm.xlane v3, v2  }
0x273: {  	[tilespmem:s1], [sflag:$0x2] =	stream.indirect_vreg.gather [hbm4b:s3+s9], $0x80, v4, vm0, $0xb8;
	[tilespmem:$0x1C200] =	vst v63  }
0x274: {  	v3 =	vadd.s32 v1, v3  }
0x275: {  	[tilespmem:s13], [sflag:$0x2] =	stream.indirect_vreg.gather [hbm4b:s7+s9], $0x80, v4, vm0, $0xb8;
	[tilespmem:$0x1C200] =	vst v63  }
0x276: {  	_ = 	snop  }
0x277: {  	[tilespmem:s14], [sflag:$0x2] =	stream.indirect_vreg.gather [hbm4b:s8+s9], $0x80, v4, vm0, $0xb8;
	[tilespmem:$0x1C200] =	vst v63  }
0x278: {  	_ = 	snop  }
0x279: {  	[tilespmem:s16], [sflag:$0x2] =	stream.indirect_vreg.gather [hbm4b:s3+s9], $0x80, v3, vm0, $0xb8;
	[tilespmem:$0x1C200] =	vst v63  }
0x27a: {  	_ = 	snop  }
0x27b: {  	[tilespmem:s17], [sflag:$0x2] =	stream.indirect_vreg.gather [hbm4b:s7+s9], $0x80, v3, vm0, $0xb8;
	[tilespmem:$0x1C200] =	vst v63  }
0x27c: {  	_ = 	snop  }
0x27d: {  	[tilespmem:s18], [sflag:$0x2] =	stream.indirect_vreg.gather [hbm4b:s8+s9], $0x80, v3, vm0, $0xb8;
	[tilespmem:$0x1C200] =	vst v63  }
0x27e: {  	v3 =	vld [tilespmem:$0x1B0];
	_ =	sdelay $0x4  }
0x27f: {  	v4 =	vshrl.u32 v3, $0x3  }
0x280: {  	v4 =	vmul.u32 $0x30, v4  }
0x281: {  	v3 =	vand.u32 $0x7, v3  }
0x282: {  	v3 =	vor.u32 v3, v4  }
0x283: {  	v4 =	vperm.xlane v3, v0;
	_ =	sdelay $0x1  }
0x284: {  	v4 =	vadd.s32 v1, v4;
	_ =	sdelay $0x3  }
0x285: {  	v3 =	vperm.xlane v3, v2  }
0x286: {  	[tilespmem:s5], [sflag:$0x2] =	stream.indirect_vreg.gather [hbm4b:s3+s9], $0x80, v4, vm0, $0xb8;
	[tilespmem:$0x1C200] =	vst v63  }
0x287: {  	v3 =	vadd.s32 v1, v3  }
0x288: {  	[tilespmem:s19], [sflag:$0x2] =	stream.indirect_vreg.gather [hbm4b:s7+s9], $0x80, v4, vm0, $0xb8;
	[tilespmem:$0x1C200] =	vst v63  }
0x289: {  	_ = 	snop  }
0x28a: {  	[tilespmem:s6], [sflag:$0x2] =	stream.indirect_vreg.gather [hbm4b:s8+s9], $0x80, v4, vm0, $0xb8;
	[tilespmem:$0x1C200] =	vst v63  }
0x28b: {  	_ = 	snop  }
0x28c: {  	[tilespmem:s20], [sflag:$0x2] =	stream.indirect_vreg.gather [hbm4b:s3+s9], $0x80, v3, vm0, $0xb8;
	[tilespmem:$0x1C200] =	vst v63  }
0x28d: {  	_ = 	snop  }
0x28e: {  	[tilespmem:s21], [sflag:$0x2] =	stream.indirect_vreg.gather [hbm4b:s7+s9], $0x80, v3, vm0, $0xb8;
	[tilespmem:$0x1C200] =	vst v63  }
0x28f: {  	_ = 	snop  }
0x290: {  	[tilespmem:s22], [sflag:$0x2] =	stream.indirect_vreg.gather [hbm4b:s8+s9], $0x80, v3, vm0, $0xb8;
	[tilespmem:$0x1C200] =	vst v63  }
0x291: {  	_ =	swait.ge [sflag:s23], $0xC000  }
0x292: {  	[sflag:s23] =	ssyncset.done $0x0  }
0x293: {  	s26 =	simm.s32 $0x0;
	[sflag:s23] =	ssyncadd.s32 $0xFFFF4000  }
0x294: {  	s10 =	smul.u32 $0x1800, s26;
	_ =	swait.ge [sflag:s24], $0xC000  }
0x295: {  	s9 =	sand.u32 $0x380, s9;
	[sflag:s24] =	ssyncset.done $0x0  }
0x296: {  	s28 =	sor.u32 s9, s10;
	[sflag:s24] =	ssyncadd.s32 $0xFFFF4000  }
0x297: {  	v4 =	vld [tilespmem:s28+$0x4210]  }
0x298: {  	v3 =	vld [tilespmem:s28+$0x10210]  }
0x299: {  	v6 =	vld [tilespmem:s28+$0x4220]  }
0x29a: {  	v5 =	vld [tilespmem:s28+$0x10220]  }
0x29b: {  	v10 =	vld [tilespmem:s28+$0x4230]  }
0x29c: {  	v7 =	vld [tilespmem:s28+$0x10230]  }
0x29d: {  	v12 =	vld [tilespmem:s28+$0x4240]  }
0x29e: {  	v11 =	vld [tilespmem:s28+$0x10240]  }
0x29f: {  	v13 =	vld [tilespmem:s28+$0x4260]  }
0x2a0: {  	v14 =	vld [tilespmem:s28+$0x4270]  }
0x2a1: {  	v15 =	vld [tilespmem:s28+$0x4600]  }
0x2a2: {  	v16 =	vld [tilespmem:s28+$0x4610]  }
0x2a3: {  	v17 =	vld [tilespmem:s28+$0x4620]  }
0x2a4: {  	v18 =	vld [tilespmem:s28+$0x4630]  }
0x2a5: {  	v19 =	vld [tilespmem:s28+$0x4640]  }
0x2a6: {  	v20 =	vld [tilespmem:s28+$0x4650]  }
0x2a7: {  	v21 =	vld [tilespmem:s28+$0x4660]  }
0x2a8: {  	v22 =	vld [tilespmem:s28+$0x4670]  }
0x2a9: {  	v23 =	vld [tilespmem:s28+$0x4A00]  }
0x2aa: {  	v24 =	vld [tilespmem:s28+$0x4A10]  }
0x2ab: {  	v25 =	vld [tilespmem:s28+$0x4A20]  }
0x2ac: {  	v26 =	vld [tilespmem:s28+$0x4A30]  }
0x2ad: {  	v27 =	vld [tilespmem:s28+$0x4A40]  }
0x2ae: {  	v28 =	vld [tilespmem:s28+$0x4A50]  }
0x2af: {  	v29 =	vld [tilespmem:s28+$0x4A60]  }
0x2b0: {  	v30 =	vld [tilespmem:s28+$0x4A70]  }
0x2b1: {  	v31 =	vld [tilespmem:s28+$0x4E00]  }
0x2b2: {  	v32 =	vld [tilespmem:s28+$0x4E10]  }
0x2b3: {  	v33 =	vld [tilespmem:s28+$0x4E20]  }
0x2b4: {  	v34 =	vld [tilespmem:s28+$0x4E30]  }
0x2b5: {  	v35 =	vld [tilespmem:s28+$0x4E40]  }
0x2b6: {  	v36 =	vld [tilespmem:s28+$0x4E50]  }
0x2b7: {  	v37 =	vld [tilespmem:s28+$0x4E60]  }
0x2b8: {  	v38 =	vld [tilespmem:s28+$0x4E70]  }
0x2b9: {  	v39 =	vld [tilespmem:s28+$0x5200]  }
0x2ba: {  	v40 =	vld [tilespmem:s28+$0x5210]  }
0x2bb: {  	v41 =	vld [tilespmem:s28+$0x5220]  }
0x2bc: {  	v42 =	vld [tilespmem:s28+$0x5230]  }
0x2bd: {  	v43 =	vld [tilespmem:s28+$0x5240]  }
0x2be: {  	v44 =	vld [tilespmem:s28+$0x5250]  }
0x2bf: {  	v45 =	vld [tilespmem:s28+$0x5260]  }
0x2c0: {  	v46 =	vld [tilespmem:s28+$0x5600]  }
0x2c1: {  	v47 =	vld [tilespmem:s28+$0x5610]  }
0x2c2: {  	v48 =	vld [tilespmem:s28+$0x11610]  }
0x2c3: {  	v49 =	vld [tilespmem:s28+$0x11630]  }
0x2c4: {  	v50 =	vld [tilespmem:s28+$0x5630]  }
0x2c5: {  	s26 =	simm.s32 $0x2210;
	v51 =	vld [tilespmem:s28+$0x5620]  }
0x2c6: {  	v8 =	vld [tilespmem:s26+$0xFFFFFFF0]  }
0x2c7: {  	v9 =	vld [tilespmem:s26+$0x0]  }
0x2c8: {  	v52 =	vld [tilespmem:s28+$0x11620]  }
0x2c9: {  	v62 =	vld [tilespmem:s28+$0x11600]  }
0x2ca: {  	v63 =	vld [tilespmem:s28+$0x5270]  }
0x2cb: {  	v60 =	vld [tilespmem:s28+$0x11270];
	v50 =	vmul.f32 v50, v8  }
0x2cc: {  	v61 =	vld [tilespmem:s28+$0x11260];
	v49 =	vmul.f32 v49, v9;
	v51 =	vmul.f32 v51, v8  }
0x2cd: {  	v57 =	vld [tilespmem:s28+$0x11250];
	v52 =	vmul.f32 v52, v9;
	v47 =	vmul.f32 v47, v8  }
0x2ce: {  	v58 =	vld [tilespmem:s28+$0x11240];
	v48 =	vmul.f32 v48, v9;
	v46 =	vmul.f32 v46, v8;
	v49 =	vadd.f32 v49, v50  }
0x2cf: {  	v53 =	vld [tilespmem:s28+$0x11230];
	v62 =	vmul.f32 v62, v9;
	v63 =	vmul.f32 v63, v8;
	v51 =	vadd.f32 v52, v51  }
0x2d0: {  	v56 =	vld [tilespmem:s28+$0x10E60];
	v59 =	vmul.f32 v60, v9;
	v45 =	vmul.f32 v45, v8;
	v47 =	vadd.f32 v48, v47;
	[tilespmem:s28+$0x5630] =	vst v49  }
0x2d1: {  	v55 =	vld [tilespmem:s28+$0x10A70];
	v60 =	vmul.f32 v61, v9;
	v44 =	vmul.f32 v44, v8;
	v46 =	vadd.f32 v62, v46;
	[tilespmem:s28+$0x5620] =	vst v51  }
0x2d2: {  	v61 =	vld [tilespmem:s28+$0x11200];
	v12 =	vmul.f32 v12, v8;
	v11 =	vmul.f32 v11, v9;
	v52 =	vadd.f32 v59, v63;
	[tilespmem:s28+$0x5610] =	vst v47  }
0x2d3: {  	v10 =	vmul.f32 v10, v8;
	v7 =	vmul.f32 v7, v9;
	v48 =	vld [tilespmem:s28+$0x11220];
	v45 =	vadd.f32 v60, v45;
	[tilespmem:s28+$0x5600] =	vst v46  }
0x2d4: {  	v62 =	vmul.f32 v57, v9;
	v63 =	vmul.f32 v58, v9;
	v58 =	vld [tilespmem:s28+$0x10E50];
	v11 =	vadd.f32 v11, v12;
	[tilespmem:s28+$0x5270] =	vst v52  }
0x2d5: {  	v43 =	vmul.f32 v43, v8;
	v59 =	vld [tilespmem:s28+$0x10E40];
	v7 =	vadd.f32 v7, v10;
	[tilespmem:s28+$0x5260] =	vst v45  }
0x2d6: {  	v42 =	vmul.f32 v42, v8;
	v57 =	vmul.f32 v53, v9;
	v60 =	vld [tilespmem:s28+$0x10E30];
	v44 =	vadd.f32 v62, v44;
	[tilespmem:s28+$0x4240] =	vst v11  }
0x2d7: {  	v37 =	vmul.f32 v37, v8;
	v53 =	vld [tilespmem:s28+$0x10E00];
	v43 =	vadd.f32 v63, v43;
	v46 =	vmul.f32 v56, v9;
	[tilespmem:s28+$0x4230] =	vst v7  }
0x2d8: {  	v39 =	vmul.f32 v39, v8;
	v49 =	vld [tilespmem:s28+$0x11210];
	v42 =	vadd.f32 v57, v42;
	v61 =	vmul.f32 v61, v9;
	[tilespmem:s28+$0x5250] =	vst v44  }
0x2d9: {  	v41 =	vmul.f32 v41, v8;
	v47 =	vld [tilespmem:s28+$0x10E70];
	[tilespmem:s28+$0x5240] =	vst v43;
	v37 =	vadd.f32 v46, v37;
	v48 =	vmul.f32 v48, v9  }
0x2da: {  	v36 =	vmul.f32 v36, v8;
	v62 =	vld [tilespmem:s28+$0x10E20];
	[tilespmem:s28+$0x5230] =	vst v42;
	v39 =	vadd.f32 v61, v39;
	v54 =	vmul.f32 v58, v9  }
0x2db: {  	v35 =	vmul.f32 v35, v8;
	v63 =	vld [tilespmem:s28+$0x10E10];
	v45 =	vmul.f32 v59, v9;
	[tilespmem:s28+$0x4E60] =	vst v37;
	v41 =	vadd.f32 v48, v41  }
0x2dc: {  	v34 =	vmul.f32 v34, v8;
	v56 =	vld [tilespmem:s28+$0x10A60];
	v44 =	vmul.f32 v60, v9;
	[tilespmem:s28+$0x5200] =	vst v39;
	v36 =	vadd.f32 v54, v36  }
0x2dd: {  	v40 =	vmul.f32 v40, v8;
	v12 =	vld [tilespmem:s28+$0x5660];
	v49 =	vmul.f32 v49, v9;
	v35 =	vadd.f32 v45, v35;
	[tilespmem:s28+$0x5220] =	vst v41  }
0x2de: {  	v38 =	vmul.f32 v38, v8;
	v58 =	vld [tilespmem:s28+$0x10A40];
	v47 =	vmul.f32 v47, v9;
	v34 =	vadd.f32 v44, v34;
	[tilespmem:s28+$0x4E50] =	vst v36  }
0x2df: {  	v33 =	vmul.f32 v33, v8;
	v59 =	vld [tilespmem:s28+$0x10A30];
	v43 =	vmul.f32 v62, v9;
	v40 =	vadd.f32 v49, v40;
	[tilespmem:s28+$0x4E40] =	vst v35  }
0x2e0: {  	v32 =	vmul.f32 v32, v8;
	v57 =	vld [tilespmem:s28+$0x10A50];
	v42 =	vmul.f32 v63, v9;
	v38 =	vadd.f32 v47, v38;
	[tilespmem:s28+$0x4E30] =	vst v34  }
0x2e1: {  	v29 =	vmul.f32 v29, v8;
	v60 =	vld [tilespmem:s28+$0x10A20];
	v39 =	vmul.f32 v56, v9;
	v33 =	vadd.f32 v43, v33;
	[tilespmem:s28+$0x5210] =	vst v40  }
0x2e2: {  	v31 =	vmul.f32 v31, v8;
	v61 =	vld [tilespmem:s28+$0x10A10];
	v41 =	vmul.f32 v53, v9;
	v32 =	vadd.f32 v42, v32;
	[tilespmem:s28+$0x4E70] =	vst v38  }
0x2e3: {  	v27 =	vmul.f32 v27, v8;
	v62 =	vld [tilespmem:s28+$0x10A00];
	v29 =	vadd.f32 v39, v29;
	v37 =	vmul.f32 v58, v9;
	[tilespmem:s28+$0x4E20] =	vst v33  }
0x2e4: {  	v26 =	vmul.f32 v26, v8;
	v63 =	vld [tilespmem:s28+$0x10670];
	v36 =	vmul.f32 v59, v9;
	v31 =	vadd.f32 v41, v31;
	[tilespmem:s28+$0x4E10] =	vst v32  }
0x2e5: {  	v30 =	vmul.f32 v30, v8;
	v40 =	vmul.f32 v55, v9;
	[tilespmem:s28+$0x4A60] =	vst v29;
	v29 =	vld [tilespmem:s28+$0x10640];
	v27 =	vadd.f32 v37, v27  }
0x2e6: {  	v25 =	vmul.f32 v25, v8;
	v35 =	vmul.f32 v60, v9;
	v26 =	vadd.f32 v36, v26;
	[tilespmem:s28+$0x4E00] =	vst v31;
	v31 =	vld [tilespmem:s28+$0x10660]  }
0x2e7: {  	v28 =	vmul.f32 v28, v8;
	v38 =	vmul.f32 v57, v9;
	v30 =	vadd.f32 v40, v30;
	[tilespmem:s28+$0x4A40] =	vst v27;
	v27 =	vld [tilespmem:s28+$0x10620]  }
0x2e8: {  	v23 =	vmul.f32 v23, v8;
	v33 =	vmul.f32 v62, v9;
	v25 =	vadd.f32 v35, v25;
	[tilespmem:s28+$0x4A30] =	vst v26;
	v26 =	vld [tilespmem:s28+$0x10610]  }
0x2e9: {  	v24 =	vmul.f32 v24, v8;
	v34 =	vmul.f32 v61, v9;
	v28 =	vadd.f32 v38, v28;
	[tilespmem:s28+$0x4A70] =	vst v30;
	v30 =	vld [tilespmem:s28+$0x10650]  }
0x2ea: {  	v22 =	vmul.f32 v22, v8;
	v32 =	vmul.f32 v63, v9;
	v23 =	vadd.f32 v33, v23;
	[tilespmem:s28+$0x4A20] =	vst v25;
	v25 =	vld [tilespmem:s28+$0x10600]  }
0x2eb: {  	v19 =	vmul.f32 v19, v8;
	v24 =	vadd.f32 v34, v24;
	[tilespmem:s28+$0x4A50] =	vst v28;
	v28 =	vld [tilespmem:s28+$0x10630];
	v29 =	vmul.f32 v29, v9  }
0x2ec: {  	v21 =	vmul.f32 v21, v8;
	v22 =	vadd.f32 v32, v22;
	[tilespmem:s28+$0x4A00] =	vst v23;
	v23 =	vld [tilespmem:s28+$0x10260];
	v31 =	vmul.f32 v31, v9  }
0x2ed: {  	v17 =	vmul.f32 v17, v8;
	[tilespmem:s28+$0x4A10] =	vst v24;
	v24 =	vld [tilespmem:s28+$0x10270];
	v19 =	vadd.f32 v29, v19;
	v27 =	vmul.f32 v27, v9  }
0x2ee: {  	v20 =	vmul.f32 v20, v8;
	[tilespmem:s28+$0x4670] =	vst v22;
	v22 =	vld [tilespmem:s28+$0x4250];
	v30 =	vmul.f32 v30, v9;
	v21 =	vadd.f32 v31, v21  }
0x2ef: {  	v15 =	vmul.f32 v15, v8;
	v25 =	vmul.f32 v25, v9;
	[tilespmem:s28+$0x4640] =	vst v19;
	v19 =	vld [tilespmem:s28+$0x11650];
	v17 =	vadd.f32 v27, v17  }
0x2f0: {  	v18 =	vmul.f32 v18, v8;
	v28 =	vmul.f32 v28, v9;
	v20 =	vadd.f32 v30, v20;
	[tilespmem:s28+$0x4660] =	vst v21;
	v21 =	vld [tilespmem:s28+$0x10250]  }
0x2f1: {  	v13 =	vmul.f32 v13, v8;
	v23 =	vmul.f32 v23, v9;
	v15 =	vadd.f32 v25, v15;
	[tilespmem:s28+$0x4620] =	vst v17;
	v17 =	vld [tilespmem:s28+$0x5640]  }
0x2f2: {  	v6 =	vmul.f32 v6, v8;
	v5 =	vmul.f32 v5, v9;
	v18 =	vadd.f32 v28, v18;
	[tilespmem:s28+$0x4650] =	vst v20;
	v20 =	vld [tilespmem:s28+$0x11640]  }
0x2f3: {  	v14 =	vmul.f32 v14, v8;
	v24 =	vmul.f32 v24, v9;
	v13 =	vadd.f32 v23, v13;
	[tilespmem:s28+$0x4600] =	vst v15;
	v15 =	vld [tilespmem:s28+$0x5650]  }
0x2f4: {  	v4 =	vmul.f32 v4, v8;
	v3 =	vmul.f32 v3, v9;
	v5 =	vadd.f32 v5, v6;
	[tilespmem:s28+$0x4630] =	vst v18;
	v18 =	vld [tilespmem:s28+$0x11660]  }
0x2f5: {  	v6 =	vld [tilespmem:s28+$0x4200];
	v14 =	vadd.f32 v24, v14;
	v10 =	vmul.f32 v22, v8;
	[tilespmem:s28+$0x4260] =	vst v13;
	v13 =	vmul.f32 v21, v9  }
0x2f6: {  	s29 =	simm.s32 $0x0;
	v16 =	vmul.f32 v16, v8;
	v3 =	vadd.f32 v3, v4;
	v7 =	vld [tilespmem:s28+$0x10200];
	[tilespmem:s28+$0x4220] =	vst v5;
	v26 =	vmul.f32 v26, v9  }
0x2f7: {  	s9 =	smul.u32 $0x1800, s29;
	s10 =	simm.s32 $0x80;
	[tilespmem:s28+$0x4270] =	vst v14;
	v14 =	vld [tilespmem:s28+$0x5670];
	v11 =	vmul.f32 v17, v8;
	v17 =	vmul.f32 v20, v9;
	v4 =	vadd.f32 v13, v10  }
0x2f8: {  	s11 =	sand.u32 $0x380, s10;
	[tilespmem:s28+$0x4210] =	vst v3;
	v16 =	vadd.f32 v26, v16;
	v5 =	vmul.f32 v15, v8;
	v10 =	vmul.f32 v19, v9  }
0x2f9: {  	s9 =	sor.u32 s11, s9;
	v11 =	vadd.f32 v17, v11;
	[tilespmem:s28+$0x4250] =	vst v4;
	v4 =	vmul.f32 v12, v8;
	v12 =	vmul.f32 v18, v9  }
0x2fa: {  	v3 =	vld [tilespmem:s9+$0x4210];
	[tilespmem:s28+$0x4610] =	vst v16;
	v5 =	vadd.f32 v10, v5  }
0x2fb: {  	v7 =	vmul.f32 v7, v9;
	v16 =	vld [tilespmem:s28+$0x11670];
	[tilespmem:s28+$0x5640] =	vst v11;
	v12 =	vadd.f32 v12, v4  }
0x2fc: {  	v10 =	vmul.f32 v14, v8;
	v8 =	vmul.f32 v6, v8;
	v4 =	vld [tilespmem:s9+$0x10210];
	[tilespmem:s28+$0x5650] =	vst v5  }
0x2fd: {  	v6 =	vld [tilespmem:s9+$0x4220];
	[tilespmem:s28+$0x5660] =	vst v12  }
0x2fe: {  	v7 =	vadd.f32 v7, v8;
	v5 =	vld [tilespmem:s9+$0x10220]  }
0x2ff: {  	v8 =	vld [tilespmem:s9+$0x4230]  }
0x300: {  	[tilespmem:s28+$0x4200] =	vst v7;
	v18 =	vld [tilespmem:s9+$0x4630]  }
0x301: {  	v11 =	vmul.f32 v16, v9;
	v26 =	vld [tilespmem:s9+$0x4A30]  }
0x302: {  	v36 =	vld [tilespmem:s9+$0x4E30]  }
0x303: {  	v9 =	vadd.f32 v11, v10;
	v44 =	vld [tilespmem:s9+$0x5230]  }
0x304: {  	v48 =	vld [tilespmem:s9+$0x5600]  }
0x305: {  	[tilespmem:s28+$0x5670] =	vst v9;
	v50 =	vld [tilespmem:s9+$0x5610]  }
0x306: {  	v7 =	vld [tilespmem:s9+$0x10230]  }
0x307: {  	v10 =	vld [tilespmem:s9+$0x4240]  }
0x308: {  	v9 =	vld [tilespmem:s9+$0x10240]  }
0x309: {  	v12 =	vld [tilespmem:s9+$0x4250]  }
0x30a: {  	v11 =	vld [tilespmem:s9+$0x10250]  }
0x30b: {  	v13 =	vld [tilespmem:s9+$0x4260]  }
0x30c: {  	v14 =	vld [tilespmem:s9+$0x4270]  }
0x30d: {  	v15 =	vld [tilespmem:s9+$0x4600]  }
0x30e: {  	v16 =	vld [tilespmem:s9+$0x4610]  }
0x30f: {  	v17 =	vld [tilespmem:s9+$0x4620]  }
0x310: {  	v19 =	vld [tilespmem:s9+$0x4640]  }
0x311: {  	v20 =	vld [tilespmem:s9+$0x4650]  }
0x312: {  	v21 =	vld [tilespmem:s9+$0x4660]  }
0x313: {  	v22 =	vld [tilespmem:s9+$0x4670]  }
0x314: {  	v23 =	vld [tilespmem:s9+$0x4A00]  }
0x315: {  	v24 =	vld [tilespmem:s9+$0x4A10]  }
0x316: {  	v25 =	vld [tilespmem:s9+$0x4A20]  }
0x317: {  	v27 =	vld [tilespmem:s9+$0x4A40]  }
0x318: {  	v28 =	vld [tilespmem:s9+$0x4A50]  }
0x319: {  	v29 =	vld [tilespmem:s9+$0x4A60]  }
0x31a: {  	v30 =	vld [tilespmem:s9+$0x4A70]  }
0x31b: {  	v32 =	vld [tilespmem:s9+$0x4E00]  }
0x31c: {  	v34 =	vld [tilespmem:s9+$0x4E10]  }
0x31d: {  	v35 =	vld [tilespmem:s9+$0x4E20]  }
0x31e: {  	v37 =	vld [tilespmem:s9+$0x4E40]  }
0x31f: {  	v38 =	vld [tilespmem:s9+$0x4E50]  }
0x320: {  	v39 =	vld [tilespmem:s9+$0x4E60]  }
0x321: {  	v40 =	vld [tilespmem:s9+$0x4E70]  }
0x322: {  	v41 =	vld [tilespmem:s9+$0x5200]  }
0x323: {  	v42 =	vld [tilespmem:s9+$0x5210]  }
0x324: {  	v43 =	vld [tilespmem:s9+$0x5220]  }
0x325: {  	v45 =	vld [tilespmem:s9+$0x5240]  }
0x326: {  	v46 =	vld [tilespmem:s9+$0x5250]  }
0x327: {  	v47 =	vld [tilespmem:s9+$0x5260]  }
0x328: {  	v49 =	vld [tilespmem:s9+$0x11610]  }
0x329: {  	s28 =	simm.s32 $0x2;
	v51 =	vld [tilespmem:s9+$0x11630]  }
.LBB2_4:
0x32a: {  	p0 =	sne.s32 s28, $0x3F;
	v52 =	vld [tilespmem:s9+$0x5630]  }
0x32b: {  	s26 =	sadd.s32 $0x80, s26;
	v53 =	vld [tilespmem:s9+$0x5620]  }
0x32c: {  	v33 =	vld [tilespmem:s26+$0xFFFFFFF0]  }
0x32d: {  	v31 =	vld [tilespmem:s26+$0x0]  }
0x32e: {  	v54 =	vld [tilespmem:s9+$0x11620]  }
0x32f: {  	v55 =	vld [tilespmem:s9+$0x11600]  }
0x330: {  	v56 =	vld [tilespmem:s9+$0x5270]  }
0x331: {  	v57 =	vld [tilespmem:s9+$0x11270];
	v50 =	vmul.f32 v50, v33;
	v53 =	vmul.f32 v53, v33  }
0x332: {  	v52 =	vmul.f32 v52, v33;
	v58 =	vld [tilespmem:s9+$0x11260];
	v51 =	vmul.f32 v51, v31  }
0x333: {  	v49 =	vmul.f32 v49, v31;
	v59 =	vld [tilespmem:s9+$0x11250];
	v54 =	vmul.f32 v54, v31  }
0x334: {  	v48 =	vmul.f32 v48, v33;
	v60 =	vld [tilespmem:s9+$0x11240];
	v55 =	vmul.f32 v55, v31;
	v51 =	vadd.f32 v51, v52  }
0x335: {  	v49 =	vadd.f32 v49, v50;
	v52 =	vld [tilespmem:s9+$0x11230];
	v56 =	vmul.f32 v56, v33;
	v50 =	vadd.f32 v54, v53  }
0x336: {  	v47 =	vmul.f32 v47, v33;
	v53 =	vld [tilespmem:s9+$0x11220];
	v54 =	vmul.f32 v57, v31;
	v48 =	vadd.f32 v55, v48;
	[tilespmem:s9+$0x5630] =	vst v51  }
0x337: {  	v46 =	vmul.f32 v46, v33;
	v51 =	vld [tilespmem:s9+$0x11210];
	v55 =	vmul.f32 v58, v31;
	[tilespmem:s9+$0x5620] =	vst v50  }
0x338: {  	v45 =	vmul.f32 v45, v33;
	v50 =	vld [tilespmem:s9+$0x11200];
	v57 =	vmul.f32 v59, v31;
	v54 =	vadd.f32 v54, v56;
	[tilespmem:s9+$0x5610] =	vst v49  }
0x339: {  	v44 =	vmul.f32 v44, v33;
	v49 =	vld [tilespmem:s9+$0x10E70];
	v56 =	vmul.f32 v60, v31;
	v47 =	vadd.f32 v55, v47;
	[tilespmem:s9+$0x5600] =	vst v48  }
0x33a: {  	v43 =	vmul.f32 v43, v33;
	v48 =	vld [tilespmem:s9+$0x10E60];
	v52 =	vmul.f32 v52, v31;
	v46 =	vadd.f32 v57, v46;
	[tilespmem:s9+$0x5270] =	vst v54  }
0x33b: {  	v42 =	vmul.f32 v42, v33;
	v54 =	vld [tilespmem:s9+$0x10E50];
	v53 =	vmul.f32 v53, v31;
	v45 =	vadd.f32 v56, v45;
	[tilespmem:s9+$0x5260] =	vst v47  }
0x33c: {  	v41 =	vmul.f32 v41, v33;
	v47 =	vld [tilespmem:s9+$0x10E40];
	v51 =	vmul.f32 v51, v31;
	v44 =	vadd.f32 v52, v44;
	[tilespmem:s9+$0x5250] =	vst v46  }
0x33d: {  	v40 =	vmul.f32 v40, v33;
	v46 =	vld [tilespmem:s9+$0x10E30];
	v50 =	vmul.f32 v50, v31;
	v43 =	vadd.f32 v53, v43;
	[tilespmem:s9+$0x5240] =	vst v45  }
0x33e: {  	v39 =	vmul.f32 v39, v33;
	v45 =	vld [tilespmem:s9+$0x10E20];
	v49 =	vmul.f32 v49, v31;
	v42 =	vadd.f32 v51, v42;
	[tilespmem:s9+$0x5230] =	vst v44  }
0x33f: {  	v38 =	vmul.f32 v38, v33;
	v44 =	vld [tilespmem:s9+$0x10E10];
	v48 =	vmul.f32 v48, v31;
	v41 =	vadd.f32 v50, v41;
	[tilespmem:s9+$0x5220] =	vst v43  }
0x340: {  	v37 =	vmul.f32 v37, v33;
	v43 =	vld [tilespmem:s9+$0x10E00];
	v50 =	vmul.f32 v54, v31;
	v40 =	vadd.f32 v49, v40;
	[tilespmem:s9+$0x5210] =	vst v42  }
0x341: {  	v36 =	vmul.f32 v36, v33;
	v42 =	vld [tilespmem:s9+$0x10A70];
	v47 =	vmul.f32 v47, v31;
	v39 =	vadd.f32 v48, v39;
	[tilespmem:s9+$0x5200] =	vst v41  }
0x342: {  	v35 =	vmul.f32 v35, v33;
	v41 =	vld [tilespmem:s9+$0x10A60];
	v46 =	vmul.f32 v46, v31;
	v38 =	vadd.f32 v50, v38;
	[tilespmem:s9+$0x4E70] =	vst v40  }
0x343: {  	v34 =	vmul.f32 v34, v33;
	v40 =	vld [tilespmem:s9+$0x10A50];
	v45 =	vmul.f32 v45, v31;
	v37 =	vadd.f32 v47, v37;
	[tilespmem:s9+$0x4E60] =	vst v39  }
0x344: {  	v32 =	vmul.f32 v32, v33;
	v39 =	vld [tilespmem:s9+$0x10A40];
	v44 =	vmul.f32 v44, v31;
	v36 =	vadd.f32 v46, v36;
	[tilespmem:s9+$0x4E50] =	vst v38  }
0x345: {  	v30 =	vmul.f32 v30, v33;
	v38 =	vld [tilespmem:s9+$0x10A30];
	v43 =	vmul.f32 v43, v31;
	v35 =	vadd.f32 v45, v35;
	[tilespmem:s9+$0x4E40] =	vst v37  }
0x346: {  	v29 =	vmul.f32 v29, v33;
	v37 =	vld [tilespmem:s9+$0x10A20];
	v42 =	vmul.f32 v42, v31;
	v34 =	vadd.f32 v44, v34;
	[tilespmem:s9+$0x4E30] =	vst v36  }
0x347: {  	v28 =	vmul.f32 v28, v33;
	v36 =	vld [tilespmem:s9+$0x10A10];
	v41 =	vmul.f32 v41, v31;
	v32 =	vadd.f32 v43, v32;
	[tilespmem:s9+$0x4E20] =	vst v35  }
0x348: {  	v27 =	vmul.f32 v27, v33;
	v35 =	vld [tilespmem:s9+$0x10A00];
	v40 =	vmul.f32 v40, v31;
	v30 =	vadd.f32 v42, v30;
	[tilespmem:s9+$0x4E10] =	vst v34  }
0x349: {  	v26 =	vmul.f32 v26, v33;
	v34 =	vld [tilespmem:s9+$0x10670];
	v39 =	vmul.f32 v39, v31;
	v29 =	vadd.f32 v41, v29;
	[tilespmem:s9+$0x4E00] =	vst v32  }
0x34a: {  	v25 =	vmul.f32 v25, v33;
	v32 =	vld [tilespmem:s9+$0x10660];
	v38 =	vmul.f32 v38, v31;
	v28 =	vadd.f32 v40, v28;
	[tilespmem:s9+$0x4A70] =	vst v30  }
0x34b: {  	v24 =	vmul.f32 v24, v33;
	v30 =	vld [tilespmem:s9+$0x10650];
	v37 =	vmul.f32 v37, v31;
	v27 =	vadd.f32 v39, v27;
	[tilespmem:s9+$0x4A60] =	vst v29  }
0x34c: {  	v23 =	vmul.f32 v23, v33;
	v29 =	vld [tilespmem:s9+$0x10640];
	v36 =	vmul.f32 v36, v31;
	v26 =	vadd.f32 v38, v26;
	[tilespmem:s9+$0x4A50] =	vst v28  }
0x34d: {  	v22 =	vmul.f32 v22, v33;
	v28 =	vld [tilespmem:s9+$0x10630];
	v35 =	vmul.f32 v35, v31;
	v25 =	vadd.f32 v37, v25;
	[tilespmem:s9+$0x4A40] =	vst v27  }
0x34e: {  	v21 =	vmul.f32 v21, v33;
	v27 =	vld [tilespmem:s9+$0x10620];
	v34 =	vmul.f32 v34, v31;
	v24 =	vadd.f32 v36, v24;
	[tilespmem:s9+$0x4A30] =	vst v26  }
0x34f: {  	v20 =	vmul.f32 v20, v33;
	v26 =	vld [tilespmem:s9+$0x10610];
	v32 =	vmul.f32 v32, v31;
	v23 =	vadd.f32 v35, v23;
	[tilespmem:s9+$0x4A20] =	vst v25  }
0x350: {  	v19 =	vmul.f32 v19, v33;
	v25 =	vld [tilespmem:s9+$0x10600];
	v30 =	vmul.f32 v30, v31;
	v22 =	vadd.f32 v34, v22;
	[tilespmem:s9+$0x4A10] =	vst v24  }
0x351: {  	v18 =	vmul.f32 v18, v33;
	v24 =	vld [tilespmem:s9+$0x10270];
	v29 =	vmul.f32 v29, v31;
	v21 =	vadd.f32 v32, v21;
	[tilespmem:s9+$0x4A00] =	vst v23  }
0x352: {  	v17 =	vmul.f32 v17, v33;
	v23 =	vld [tilespmem:s9+$0x10260];
	v28 =	vmul.f32 v28, v31;
	v20 =	vadd.f32 v30, v20;
	[tilespmem:s9+$0x4670] =	vst v22  }
0x353: {  	v16 =	vmul.f32 v16, v33;
	v22 =	vmul.f32 v27, v31;
	v19 =	vadd.f32 v29, v19;
	[tilespmem:s9+$0x4660] =	vst v21;
	v21 =	vld [tilespmem:s9+$0x11640]  }
0x354: {  	v15 =	vmul.f32 v15, v33;
	v26 =	vmul.f32 v26, v31;
	v18 =	vadd.f32 v28, v18;
	[tilespmem:s9+$0x4650] =	vst v20;
	v20 =	vld [tilespmem:s9+$0x11650]  }
0x355: {  	v14 =	vmul.f32 v14, v33;
	v25 =	vmul.f32 v25, v31;
	v17 =	vadd.f32 v22, v17;
	[tilespmem:s9+$0x4640] =	vst v19;
	v19 =	vld [tilespmem:s9+$0x11660]  }
0x356: {  	v13 =	vmul.f32 v13, v33;
	v22 =	vmul.f32 v24, v31;
	v16 =	vadd.f32 v26, v16;
	[tilespmem:s9+$0x4630] =	vst v18;
	v18 =	vld [tilespmem:s9+$0x11670]  }
0x357: {  	v12 =	vmul.f32 v12, v33;
	v23 =	vmul.f32 v23, v31;
	v15 =	vadd.f32 v25, v15;
	[tilespmem:s9+$0x4620] =	vst v17;
	v17 =	vld [tilespmem:s9+$0x5640]  }
0x358: {  	v10 =	vmul.f32 v10, v33;
	v11 =	vmul.f32 v11, v31;
	v14 =	vadd.f32 v22, v14;
	[tilespmem:s9+$0x4610] =	vst v16;
	v16 =	vld [tilespmem:s9+$0x5650]  }
0x359: {  	v8 =	vmul.f32 v8, v33;
	v9 =	vmul.f32 v9, v31;
	v13 =	vadd.f32 v23, v13;
	[tilespmem:s9+$0x4600] =	vst v15;
	v15 =	vld [tilespmem:s9+$0x5660]  }
0x35a: {  	v6 =	vmul.f32 v6, v33;
	v7 =	vmul.f32 v7, v31;
	v11 =	vadd.f32 v11, v12;
	[tilespmem:s9+$0x4270] =	vst v14;
	v12 =	vld [tilespmem:s9+$0x5670]  }
0x35b: {  	v3 =	vmul.f32 v3, v33;
	v5 =	vmul.f32 v5, v31;
	v9 =	vadd.f32 v9, v10;
	v14 =	vld [tilespmem:s9+$0x4200];
	[tilespmem:s9+$0x4260] =	vst v13  }
0x35c: {  	v4 =	vmul.f32 v4, v31;
	v7 =	vadd.f32 v7, v8;
	v10 =	vld [tilespmem:s9+$0x10200];
	[tilespmem:s9+$0x4250] =	vst v11;
	v8 =	vmul.f32 v17, v33  }
0x35d: {  	s11 =	sshrl.u32 s28, $0x3;
	v5 =	vadd.f32 v5, v6;
	v6 =	vmul.f32 v21, v31;
	[tilespmem:s9+$0x4240] =	vst v9;
	v9 =	vmul.f32 v16, v33  }
0x35e: {  	s10 =	sadd.s32 $0x80, s10;
	s11 =	smul.u32 $0x1800, s11;
	v3 =	vadd.f32 v4, v3;
	v4 =	vmul.f32 v20, v31;
	[tilespmem:s9+$0x4230] =	vst v7;
	v7 =	vmul.f32 v15, v33  }
0x35f: {  	s29 =	sand.u32 $0x380, s10;
	[tilespmem:s9+$0x4220] =	vst v5;
	v5 =	vadd.f32 v6, v8;
	v6 =	vmul.f32 v19, v31;
	v8 =	vmul.f32 v12, v33  }
0x360: {  	s11 =	sor.u32 s29, s11;
	v9 =	vadd.f32 v4, v9;
	v12 =	vmul.f32 v18, v31;
	v11 =	vmul.f32 v14, v33;
	[tilespmem:s9+$0x4210] =	vst v3  }
0x361: {  	v3 =	vld [tilespmem:s11+$0x4210];
	v10 =	vmul.f32 v10, v31;
	[tilespmem:s9+$0x5640] =	vst v5;
	v5 =	vadd.f32 v6, v7  }
0x362: {  	v7 =	vadd.f32 v12, v8;
	v4 =	vld [tilespmem:s11+$0x10210];
	[tilespmem:s9+$0x5650] =	vst v9  }
0x363: {  	v6 =	vld [tilespmem:s11+$0x4220];
	v9 =	vadd.f32 v10, v11;
	[tilespmem:s9+$0x5660] =	vst v5  }
0x364: {  	v5 =	vld [tilespmem:s11+$0x10220];
	[tilespmem:s9+$0x5670] =	vst v7  }
0x365: {  	v8 =	vld [tilespmem:s11+$0x4230];
	[tilespmem:s9+$0x4200] =	vst v9;
	s9 =	smov.u32 s11  }
0x366: {  	v7 =	vld [tilespmem:s9+$0x10230]  }
0x367: {  	v10 =	vld [tilespmem:s9+$0x4240]  }
0x368: {  	v9 =	vld [tilespmem:s9+$0x10240]  }
0x369: {  	v12 =	vld [tilespmem:s9+$0x4250]  }
0x36a: {  	v11 =	vld [tilespmem:s9+$0x10250]  }
0x36b: {  	v13 =	vld [tilespmem:s9+$0x4260]  }
0x36c: {  	v14 =	vld [tilespmem:s9+$0x4270]  }
0x36d: {  	v15 =	vld [tilespmem:s9+$0x4600]  }
0x36e: {  	v16 =	vld [tilespmem:s9+$0x4610]  }
0x36f: {  	v17 =	vld [tilespmem:s9+$0x4620]  }
0x370: {  	v18 =	vld [tilespmem:s9+$0x4630]  }
0x371: {  	v19 =	vld [tilespmem:s9+$0x4640]  }
0x372: {  	v20 =	vld [tilespmem:s9+$0x4650]  }
0x373: {  	v21 =	vld [tilespmem:s9+$0x4660]  }
0x374: {  	v22 =	vld [tilespmem:s9+$0x4670]  }
0x375: {  	v23 =	vld [tilespmem:s9+$0x4A00]  }
0x376: {  	v24 =	vld [tilespmem:s9+$0x4A10]  }
0x377: {  	v25 =	vld [tilespmem:s9+$0x4A20]  }
0x378: {  	v26 =	vld [tilespmem:s9+$0x4A30]  }
0x379: {  	v27 =	vld [tilespmem:s9+$0x4A40]  }
0x37a: {  	v28 =	vld [tilespmem:s9+$0x4A50]  }
0x37b: {  	v29 =	vld [tilespmem:s9+$0x4A60]  }
0x37c: {  	v30 =	vld [tilespmem:s9+$0x4A70]  }
0x37d: {  	v32 =	vld [tilespmem:s9+$0x4E00]  }
0x37e: {  	v34 =	vld [tilespmem:s9+$0x4E10]  }
0x37f: {  	v35 =	vld [tilespmem:s9+$0x4E20]  }
0x380: {  	v36 =	vld [tilespmem:s9+$0x4E30]  }
0x381: {  	v37 =	vld [tilespmem:s9+$0x4E40]  }
0x382: {  	v38 =	vld [tilespmem:s9+$0x4E50]  }
0x383: {  	v39 =	vld [tilespmem:s9+$0x4E60]  }
0x384: {  	v40 =	vld [tilespmem:s9+$0x4E70]  }
0x385: {  	v41 =	vld [tilespmem:s9+$0x5200]  }
0x386: {  	v42 =	vld [tilespmem:s9+$0x5210]  }
0x387: {  	v43 =	vld [tilespmem:s9+$0x5220]  }
0x388: {  	v44 =	vld [tilespmem:s9+$0x5230]  }
0x389: {  	v45 =	vld [tilespmem:s9+$0x5240]  }
0x38a: {  	v46 =	vld [tilespmem:s9+$0x5250]  }
.Ltmp1:
0x38b: {  	v47 =	vld [tilespmem:s9+$0x5260];
	(pc) =	sbr.rel @p0 .LBB2_4-.Ltmp1, $4  }
0x38c: {  	v48 =	vld [tilespmem:s9+$0x5600]  }
0x38d: {  	v50 =	vld [tilespmem:s9+$0x5610]  }
0x38e: {  	v49 =	vld [tilespmem:s9+$0x11610]  }
0x38f: {  	s28 =	sadd.s32 $0x1, s28;
	v51 =	vld [tilespmem:s9+$0x11630]  }
0x390: {  	v52 =	vld [tilespmem:s9+$0x5630]  }
0x391: {  	v53 =	vld [tilespmem:s9+$0x5620];
	s10 =	sadd.s32 $0x80, s26  }
0x392: {  	v31 =	vld [tilespmem:s10+$0xFFFFFFF0]  }
0x393: {  	v33 =	vld [tilespmem:s10+$0x0]  }
0x394: {  	v54 =	vld [tilespmem:s9+$0x11620];
	_ =	sdelay $0x1  }
0x395: {  	v55 =	vld [tilespmem:s9+$0x11600]  }
0x396: {  	v56 =	vld [tilespmem:s9+$0x5270]  }
0x397: {  	v58 =	vld [tilespmem:s9+$0x11260];
	v52 =	vmul.f32 v52, v31;
	v51 =	vmul.f32 v51, v33  }
0x398: {  	v57 =	vld [tilespmem:s9+$0x11270];
	v53 =	vmul.f32 v53, v31;
	v54 =	vmul.f32 v54, v33  }
0x399: {  	v59 =	vld [tilespmem:s9+$0x11250];
	v50 =	vmul.f32 v50, v31;
	v49 =	vmul.f32 v49, v33  }
0x39a: {  	v60 =	vld [tilespmem:s9+$0x11240];
	v48 =	vmul.f32 v48, v31;
	v62 =	vmul.f32 v55, v33;
	v51 =	vadd.f32 v51, v52  }
0x39b: {  	v61 =	vld [tilespmem:s9+$0x11220];
	v63 =	vmul.f32 v56, v31;
	v47 =	vmul.f32 v47, v31;
	v53 =	vadd.f32 v54, v53  }
0x39c: {  	v58 =	vmul.f32 v58, v33;
	v55 =	vld [tilespmem:s9+$0x10660];
	v12 =	vmul.f32 v12, v31;
	v49 =	vadd.f32 v49, v50;
	[tilespmem:s9+$0x5630] =	vst v51  }
0x39d: {  	v56 =	vld [tilespmem:s9+$0x10650];
	v11 =	vmul.f32 v11, v33;
	v10 =	vmul.f32 v10, v31;
	v48 =	vadd.f32 v62, v48;
	[tilespmem:s9+$0x5620] =	vst v53  }
0x39e: {  	v9 =	vmul.f32 v9, v33;
	v8 =	vmul.f32 v8, v31;
	v52 =	vld [tilespmem:s9+$0x11230];
	v47 =	vadd.f32 v58, v47;
	[tilespmem:s9+$0x5610] =	vst v49  }
0x39f: {  	v7 =	vmul.f32 v7, v33;
	v6 =	vmul.f32 v6, v31;
	v50 =	vld [tilespmem:s9+$0x11200];
	v11 =	vadd.f32 v11, v12;
	[tilespmem:s9+$0x5600] =	vst v48  }
0x3a0: {  	v5 =	vmul.f32 v5, v33;
	v3 =	vmul.f32 v3, v31;
	v58 =	vld [tilespmem:s9+$0x10E20];
	v9 =	vadd.f32 v9, v10;
	[tilespmem:s9+$0x5260] =	vst v47  }
0x3a1: {  	v4 =	vmul.f32 v4, v33;
	v62 =	vmul.f32 v59, v33;
	v59 =	vld [tilespmem:s9+$0x10E10];
	v7 =	vadd.f32 v7, v8;
	[tilespmem:s9+$0x4250] =	vst v11  }
0x3a2: {  	v57 =	vmul.f32 v57, v33;
	v54 =	vld [tilespmem:s9+$0x10670];
	v5 =	vadd.f32 v5, v6;
	[tilespmem:s9+$0x4240] =	vst v9  }
0x3a3: {  	v46 =	vmul.f32 v46, v31;
	v3 =	vadd.f32 v4, v3;
	v51 =	vld [tilespmem:s9+$0x11210];
	[tilespmem:s9+$0x4230] =	vst v7  }
0x3a4: {  	v45 =	vmul.f32 v45, v31;
	v49 =	vld [tilespmem:s9+$0x10E70];
	v53 =	vadd.f32 v57, v63;
	v63 =	vmul.f32 v60, v33;
	[tilespmem:s9+$0x4220] =	vst v5  }
0x3a5: {  	v43 =	vmul.f32 v43, v31;
	v48 =	vld [tilespmem:s9+$0x10E60];
	v46 =	vadd.f32 v62, v46;
	v57 =	vmul.f32 v61, v33;
	[tilespmem:s9+$0x4210] =	vst v3  }
0x3a6: {  	v44 =	vmul.f32 v44, v31;
	v47 =	vld [tilespmem:s9+$0x10E40];
	[tilespmem:s9+$0x5270] =	vst v53;
	v45 =	vadd.f32 v63, v45;
	v52 =	vmul.f32 v52, v33  }
0x3a7: {  	v41 =	vmul.f32 v41, v31;
	v60 =	vld [tilespmem:s9+$0x10E00];
	[tilespmem:s9+$0x5250] =	vst v46;
	v43 =	vadd.f32 v57, v43;
	v50 =	vmul.f32 v50, v33  }
0x3a8: {  	v35 =	vmul.f32 v35, v31;
	v61 =	vld [tilespmem:s9+$0x10A70];
	[tilespmem:s9+$0x5240] =	vst v45;
	v45 =	vmul.f32 v58, v33;
	v44 =	vadd.f32 v52, v44  }
0x3a9: {  	v42 =	vmul.f32 v42, v31;
	v53 =	vld [tilespmem:s9+$0x10E50];
	[tilespmem:s9+$0x5220] =	vst v43;
	v51 =	vmul.f32 v51, v33;
	v41 =	vadd.f32 v50, v41  }
0x3aa: {  	v40 =	vmul.f32 v40, v31;
	v46 =	vld [tilespmem:s9+$0x10E30];
	v49 =	vmul.f32 v49, v33;
	v35 =	vadd.f32 v45, v35;
	[tilespmem:s9+$0x5230] =	vst v44  }
0x3ab: {  	v39 =	vmul.f32 v39, v31;
	v62 =	vld [tilespmem:s9+$0x10A60];
	v48 =	vmul.f32 v48, v33;
	v42 =	vadd.f32 v51, v42;
	[tilespmem:s9+$0x5200] =	vst v41  }
0x3ac: {  	v37 =	vmul.f32 v37, v31;
	v57 =	vld [tilespmem:s9+$0x10640];
	v47 =	vmul.f32 v47, v33;
	v40 =	vadd.f32 v49, v40;
	[tilespmem:s9+$0x4E20] =	vst v35  }
0x3ad: {  	v32 =	vmul.f32 v32, v31;
	v58 =	vld [tilespmem:s9+$0x10630];
	v43 =	vmul.f32 v60, v33;
	v39 =	vadd.f32 v48, v39;
	[tilespmem:s9+$0x5210] =	vst v42  }
0x3ae: {  	v38 =	vmul.f32 v38, v31;
	v50 =	vld [tilespmem:s9+$0x10A30];
	v63 =	vmul.f32 v53, v33;
	v37 =	vadd.f32 v47, v37;
	[tilespmem:s9+$0x4E70] =	vst v40  }
0x3af: {  	v36 =	vmul.f32 v36, v31;
	v60 =	vld [tilespmem:s9+$0x10610];
	v46 =	vmul.f32 v46, v33;
	v32 =	vadd.f32 v43, v32;
	[tilespmem:s9+$0x4E60] =	vst v39  }
0x3b0: {  	v34 =	vmul.f32 v34, v31;
	v52 =	vld [tilespmem:s9+$0x10A10];
	v44 =	vmul.f32 v59, v33;
	v38 =	vadd.f32 v63, v38;
	[tilespmem:s9+$0x4E40] =	vst v37  }
0x3b1: {  	v29 =	vmul.f32 v29, v31;
	v45 =	vld [tilespmem:s9+$0x5640];
	v41 =	vmul.f32 v62, v33;
	v36 =	vadd.f32 v46, v36;
	[tilespmem:s9+$0x4E00] =	vst v32  }
0x3b2: {  	v21 =	vmul.f32 v21, v31;
	v48 =	vld [tilespmem:s9+$0x10A50];
	v62 =	vmul.f32 v55, v33;
	v34 =	vadd.f32 v44, v34;
	[tilespmem:s9+$0x4E50] =	vst v38  }
0x3b3: {  	v30 =	vmul.f32 v30, v31;
	v49 =	vld [tilespmem:s9+$0x10A40];
	v42 =	vmul.f32 v61, v33;
	v29 =	vadd.f32 v41, v29;
	[tilespmem:s9+$0x4E30] =	vst v36  }
0x3b4: {  	v16 =	vmul.f32 v16, v31;
	v51 =	vld [tilespmem:s9+$0x10A20];
	v21 =	vadd.f32 v62, v21;
	v41 =	vmul.f32 v60, v33;
	[tilespmem:s9+$0x4E10] =	vst v34  }
0x3b5: {  	v26 =	vmul.f32 v26, v31;
	v53 =	vld [tilespmem:s9+$0x10A00];
	v30 =	vadd.f32 v42, v30;
	[tilespmem:s9+$0x4A60] =	vst v29;
	v38 =	vmul.f32 v50, v33  }
0x3b6: {  	v24 =	vmul.f32 v24, v31;
	v59 =	vld [tilespmem:s9+$0x10620];
	v36 =	vmul.f32 v52, v33;
	[tilespmem:s9+$0x4660] =	vst v21;
	v16 =	vadd.f32 v41, v16  }
0x3b7: {  	v22 =	vmul.f32 v22, v31;
	v43 =	vld [tilespmem:s9+$0x11670];
	v34 =	vmul.f32 v54, v33;
	[tilespmem:s9+$0x4A70] =	vst v30;
	v26 =	vadd.f32 v38, v26  }
0x3b8: {  	v28 =	vmul.f32 v28, v31;
	v61 =	vld [tilespmem:s9+$0x10600];
	v40 =	vmul.f32 v48, v33;
	v24 =	vadd.f32 v36, v24;
	[tilespmem:s9+$0x4610] =	vst v16  }
0x3b9: {  	v27 =	vmul.f32 v27, v31;
	v63 =	vld [tilespmem:s9+$0x10270];
	v39 =	vmul.f32 v49, v33;
	v22 =	vadd.f32 v34, v22;
	[tilespmem:s9+$0x4A30] =	vst v26  }
0x3ba: {  	v25 =	vmul.f32 v25, v31;
	v46 =	vld [tilespmem:s9+$0x5650];
	v37 =	vmul.f32 v51, v33;
	v28 =	vadd.f32 v40, v28;
	[tilespmem:s9+$0x4A10] =	vst v24  }
0x3bb: {  	v23 =	vmul.f32 v23, v31;
	v50 =	vld [tilespmem:s9+$0x10200];
	v35 =	vmul.f32 v53, v33;
	v27 =	vadd.f32 v39, v27;
	[tilespmem:s9+$0x4670] =	vst v22  }
0x3bc: {  	v20 =	vmul.f32 v20, v31;
	v48 =	vld [tilespmem:s9+$0x5660];
	v30 =	vmul.f32 v56, v33;
	v25 =	vadd.f32 v37, v25;
	[tilespmem:s9+$0x4A50] =	vst v28  }
0x3bd: {  	v19 =	vmul.f32 v19, v31;
	v51 =	vld [tilespmem:s9+$0x4200];
	v23 =	vadd.f32 v35, v23;
	v35 =	vmul.f32 v57, v33;
	[tilespmem:s9+$0x4A40] =	vst v27  }
0x3be: {  	v18 =	vmul.f32 v18, v31;
	v34 =	vld [tilespmem:s9+$0x10260];
	v37 =	vmul.f32 v58, v33;
	v20 =	vadd.f32 v30, v20;
	[tilespmem:s9+$0x4A20] =	vst v25  }
0x3bf: {  	v17 =	vmul.f32 v17, v31;
	v36 =	vld [tilespmem:s9+$0x11640];
	v39 =	vmul.f32 v59, v33;
	[tilespmem:s9+$0x4A00] =	vst v23;
	v19 =	vadd.f32 v35, v19  }
0x3c0: {  	v15 =	vmul.f32 v15, v31;
	v38 =	vld [tilespmem:s9+$0x11650];
	v42 =	vmul.f32 v61, v33;
	v18 =	vadd.f32 v37, v18;
	[tilespmem:s9+$0x4650] =	vst v20  }
0x3c1: {  	v14 =	vmul.f32 v14, v31;
	v40 =	vld [tilespmem:s9+$0x11660];
	v44 =	vmul.f32 v63, v33;
	v17 =	vadd.f32 v39, v17;
	[tilespmem:s9+$0x4640] =	vst v19  }
0x3c2: {  	v49 =	vld [tilespmem:s9+$0x5670];
	v15 =	vadd.f32 v42, v15;
	v10 =	vmul.f32 v50, v33;
	v61 =	vmul.f32 v51, v31;
	[tilespmem:s9+$0x4630] =	vst v18  }
0x3c3: {  	v13 =	vmul.f32 v13, v31;
	v14 =	vadd.f32 v44, v14;
	[tilespmem:s9+$0x4620] =	vst v17;
	v47 =	vmul.f32 v34, v33  }
0x3c4: {  	v52 =	vmul.f32 v45, v31;
	[tilespmem:s9+$0x4600] =	vst v15;
	v53 =	vmul.f32 v36, v33;
	v63 =	vadd.f32 v10, v61  }
0x3c5: {  	v54 =	vmul.f32 v46, v31;
	[tilespmem:s9+$0x4270] =	vst v14;
	v55 =	vmul.f32 v38, v33;
	v13 =	vadd.f32 v47, v13  }
0x3c6: {  	v56 =	vmul.f32 v48, v31;
	v58 =	vmul.f32 v40, v33;
	v57 =	vadd.f32 v53, v52;
	[tilespmem:s9+$0x4200] =	vst v63  }
0x3c7: {  	v60 =	vmul.f32 v43, v33;
	v59 =	vmul.f32 v49, v31;
	v3 =	vadd.f32 v55, v54;
	[tilespmem:s9+$0x4260] =	vst v13  }
0x3c8: {  	v62 =	vadd.f32 v58, v56;
	[tilespmem:s9+$0x5640] =	vst v57  }
0x3c9: {  	[tilespmem:s9+$0x5650] =	vst v3;
	v3 =	vadd.f32 v60, v59  }
0x3ca: {  	[tilespmem:s9+$0x5660] =	vst v62  }
0x3cb: {  	s28 =	rddreg [dreg:$0x6];
	[tilespmem:s9+$0x5670] =	vst v3  }
0x3cc: {  	[hbm4b:s28+s2] =	stream.linear.scatter [tilespmem:s15], [sflag:$0x3], $0xC000, $0x38;
	[tilespmem:$0x1C200] =	vst v63  }
0x3cd: {  	_ =	swait.ge [sflag:s12], $0xC000  }
0x3ce: {  	s25 =	sadd.s32 $0x1, s25;
	s29 =	rddreg [dreg:$0x7]  }
0x3cf: {  	p0 =	sne.s32 s25, s29  }
.Ltmp2:
0x3d0: {  	_ = 	snop;
	(pc) =	sbr.rel @p0 .LBB2_1-.Ltmp2, $3  }
0x3d1: {  	_ =	sdelay $0x1  }
0x3d2: {  	[sflag:s12] =	ssyncset.done $0x0  }
0x3d3: {  	[sflag:s12] =	ssyncadd.s32 $0xFFFF4000  }
0x3d4: {  	_ =	sfence.sel $0x180000  }
0x3d5: {  	[bflag:$0x0] =	sbarrier.arrive $0xFFFF  }
0x3d6: {  	_ =	strace $0x9000004A  }
0x3d7: {  	s0 =	stileid.u32;
	[bflag:$0x2] =	sbarrier.arrive $0xFFFF  }
0x3d8: {  	p0 =	sne.s32 s0, $0x0;
	s0 =	rddreg [dreg:$0x2]  }
0x3d9: {  	s0 =	sadd.s32 @!p0 $0x100000, s0  }
0x3da: {  	[sflag:s0] =	ssyncadd.tile.s32 @!p0 $0x1;
	_ =	shalt  }
.Lfunc_end2:
_tile_overlayer_lowered:
.L_overlay_start_2:
0x3db: {  	(tag) =	ssettag $0x2  }
0x3dc: {  	s0 =	rddreg [dreg:$0x0];
	s2 =	stileid.u32  }
0x3dd: {  	s1 =	rddreg [dreg:$0x1];
	p0 =	sne.s32 s2, $0x0  }
0x3de: {  	s3 =	rddreg [dreg:$0x2];
	[bflag:$0x3] =	sbarrier.arrive $0xFFFF;
	s2 =	simm.s32 @!p0 $0x1C03  }
0x3df: {  	[timem:s3], [sflag:s2] =	dma.local @!p0 [hbm:s0], s1  }
0x3e0: {  	s0 =	simm.s32 @!p0 $0x3  }
0x3e1: {  	_ =	swait.ge @!p0 [sflag:s0], s1  }
0x3e2: {  	s1 =	ssub.s32 @!p0 $0x0, s1;
	[sflag:s0] =	ssyncset.done @!p0 $0x0  }
0x3e3: {  	[sflag:s0] =	ssyncadd.s32 @!p0 s1  }
0x3e4: {  	[bflag:$0x3] =	sbarrier.arrive $0xFFFF  }
0x3e5: {  	_ =	shalt  }

</sc_bundles>
